<compile_context>
chip_gen: v7x
topology: tpu7x:2x2x1
jax: 0.10.2.dev20260603
libtpu: 0.0.44.dev20260713+nightly
codegen_flags: <defaults>
</compile_context>

<pallas_src>
import functools

import jax
import jax.numpy as jnp
from jax import lax
from jax.experimental import pallas as pl
from jax.experimental.pallas import tpu as pltpu
from jax.experimental.pallas import tpu_sc as plsc

N = 10000
E = 320000
D = 128
H = 16
C = 2

NW = 32
CH = 128
CPW = 80
EP = NW * CPW * CH
PAD = EP - E
ROWS2D = EP // CH
K_JUNK = 16
NP = N + K_JUNK

BLK = 2000
GRID = N // BLK
NBUF = 8

def _sc_deg_body(dst_hbm, zf_hbm, out_hbm, dst_v, ones_v, stage, acc, *sems):
    c = lax.axis_index("c")
    s = lax.axis_index("s")
    w = s * 2 + c

    @pl.when(s < 10)
    def _():
        pltpu.sync_copy(zf_hbm, stage)
        pltpu.sync_copy(stage, acc.at[pl.ds(s * 1000, 1000)])

    @pl.when(s == 10)
    def _():
        pltpu.sync_copy(zf_hbm, stage)
        pltpu.sync_copy(stage.at[pl.ds(0, K_JUNK)], acc.at[pl.ds(N, K_JUNK)])

    pltpu.sync_copy(dst_hbm.at[pl.ds(w * CPW, CPW)], dst_v)
    for i in range(CH // 16):
        ones_v[pl.ds(i * 16, 16)] = jnp.ones((16,), jnp.float32)
    plsc.subcore_barrier()

    def body(jj, carry):
        j0 = NBUF * jj
        cps = [pltpu.async_copy(ones_v, acc.at[dst_v.at[j0 + b]], sems[b],
                                add=True)
               for b in range(NBUF)]
        for cp in cps:
            cp.wait()
        return carry

    lax.fori_loop(0, CPW // NBUF, body, 0)
    plsc.subcore_barrier()

    @pl.when(s < 10)
    def _():
        pltpu.sync_copy(acc.at[pl.ds(s * 1000, 1000)], stage)
        pltpu.sync_copy(stage, out_hbm.at[c].at[s])


def _rsqrt16(d):
    i = plsc.bitcast(d, jnp.int32)
    i = jnp.int32(0x5F3759DF) - (i >> 1)
    y = plsc.bitcast(i, jnp.float32)
    for _ in range(4):
        y = y * (1.5 - 0.5 * d * y * y)
    return y


def _sc_agg_body(src_hbm, dst_hbm, degp_hbm, feat_hbm, z_hbm,
                 out_hbm, gtab_hbm, src_v, dst_v, stage, acc,
                 degA_v, degB_v, dinv_v, feat_v, g_v, *bufs_sems):
    bufs = bufs_sems[:NBUF]
    gsems = bufs_sems[NBUF:2 * NBUF]
    ssems = bufs_sems[2 * NBUF:]
    c = lax.axis_index("c")
    s = lax.axis_index("s")
    w = s * 2 + c
    iota = lax.iota(jnp.int32, 16)

    @pl.when(s < 10)
    def _():
        pltpu.sync_copy(z_hbm, stage)
        pltpu.sync_copy(stage, acc.at[pl.ds(s * 1000, 1000)])

    @pl.when(s == 10)
    def _():
        pltpu.sync_copy(z_hbm, stage)
        pltpu.sync_copy(stage.at[pl.ds(0, K_JUNK)], acc.at[pl.ds(N, K_JUNK)])

    pltpu.sync_copy(src_hbm.at[pl.ds(w * CPW, CPW)], src_v)
    pltpu.sync_copy(dst_hbm.at[pl.ds(w * CPW, CPW)], dst_v)

    @pl.when(s < 10)
    def _():
        pltpu.sync_copy(degp_hbm.at[0].at[s], degA_v.at[pl.ds(0, 1000)])
        pltpu.sync_copy(degp_hbm.at[1].at[s], degB_v.at[pl.ds(0, 1000)])
        pltpu.sync_copy(feat_hbm.at[pl.ds(s * 1000, 1000)], feat_v)

        def rbody(k, carry):
            idx = k * 16 + iota
            d = (plsc.load_gather(degA_v, [idx])
                 + plsc.load_gather(degB_v, [idx]) + 1.0)
            plsc.store_scatter(dinv_v, [idx], _rsqrt16(d))
            return carry

        lax.fori_loop(0, 63, rbody, 0)

        def gbody(i, carry):
            fi = jnp.full((16,), i, jnp.int32)
            dv = plsc.load_gather(dinv_v, [fi])
            row = plsc.load_gather(feat_v, [fi, iota])
            plsc.store_scatter(g_v, [fi, iota], row * dv)
            return carry

        lax.fori_loop(0, 1000, gbody, 0)
        pltpu.sync_copy(g_v, gtab_hbm.at[pl.ds(s * 1000, 1000)])

    plsc.subcore_barrier()

    def body(jj, carry):
        j0 = NBUF * jj
        gcps = [pltpu.async_copy(gtab_hbm.at[src_v.at[j0 + b]], bufs[b],
                                 gsems[b])
                for b in range(NBUF)]
        scps = []
        for b in range(NBUF):
            gcps[b].wait()
            scps.append(pltpu.async_copy(bufs[b], acc.at[dst_v.at[j0 + b]],
                                         ssems[b], add=True))
        for cp in scps:
            cp.wait()
        return carry

    lax.fori_loop(0, CPW // NBUF, body, 0)
    plsc.subcore_barrier()

    @pl.when(s < 10)
    def _():
        pltpu.sync_copy(acc.at[pl.ds(s * 1000, 1000)], stage)
        cf = jnp.full((16,), (c == 0).astype(jnp.float32))

        def ebody(i, carry):
            fi = jnp.full((16,), i, jnp.int32)
            dv = plsc.load_gather(dinv_v, [fi])
            srow = plsc.load_gather(stage, [fi, iota])
            grow = plsc.load_gather(g_v, [fi, iota])
            plsc.store_scatter(stage, [fi, iota], (srow + grow * cf) * dv)
            return carry

        lax.fori_loop(0, 1000, ebody, 0)
        pltpu.sync_copy(stage, out_hbm.at[c].at[pl.ds(s * 1000, 1000)])


@functools.cache
def _sc_kernels():
    mesh = plsc.VectorSubcoreMesh(core_axis_name="c", subcore_axis_name="s",
                                  num_cores=2, num_subcores=16)
    params = pltpu.CompilerParams(use_tc_tiling_on_sc=False,
                                  needs_layout_passes=False)
    sc_deg = pl.kernel(
        _sc_deg_body,
        compiler_params=params,
        out_type=jax.ShapeDtypeStruct((2, 10, 1000), jnp.float32),
        mesh=mesh,
        scratch_types=[
            pltpu.VMEM((CPW, CH), jnp.int32),
            pltpu.VMEM((CH,), jnp.float32),
            pltpu.VMEM((1000,), jnp.float32),
            pltpu.VMEM_SHARED((NP,), jnp.float32),
        ] + [pltpu.SemaphoreType.DMA] * NBUF,
    )
    sc_agg = pl.kernel(
        _sc_agg_body,
        compiler_params=params,
        out_type=(jax.ShapeDtypeStruct((2, N, H), jnp.float32),
                  jax.ShapeDtypeStruct((N, H), jnp.float32)),
        mesh=mesh,
        scratch_types=[
            pltpu.VMEM((CPW, CH), jnp.int32),
            pltpu.VMEM((CPW, CH), jnp.int32),
            pltpu.VMEM((1000, H), jnp.float32),
            pltpu.VMEM_SHARED((NP, H), jnp.float32),
            pltpu.VMEM((1008,), jnp.float32),
            pltpu.VMEM((1008,), jnp.float32),
            pltpu.VMEM((1008,), jnp.float32),
            pltpu.VMEM((1000, H), jnp.float32),
            pltpu.VMEM((1000, H), jnp.float32),
        ] + [pltpu.VMEM((CH, H), jnp.float32)] * NBUF
          + [pltpu.SemaphoreType.DMA] * (2 * NBUF),
    )
    return sc_deg, sc_agg


def _tc1_body(x_ref, w1_ref, h1_ref):
    h1_ref[...] = jnp.dot(x_ref[...], w1_ref[...],
                          preferred_element_type=jnp.float32)


def _tc23_body(u_ref, b1_ref, gamma_ref, beta_ref, z_ref):
    o = u_ref[0] + u_ref[1] + b1_ref[...]
    mean = jnp.mean(o, axis=0, keepdims=True)
    var = jnp.mean(o * o, axis=0, keepdims=True) - mean * mean
    z = (o - mean) * lax.rsqrt(var + 1e-5) * gamma_ref[...] + beta_ref[...]
    z_ref[...] = jnp.maximum(z, 0.0)


def _tc4_body(u_ref, w2_ref, b2_ref, out_ref):
    o = jnp.dot(u_ref[0] + u_ref[1], w2_ref[...],
                preferred_element_type=jnp.float32) + b2_ref[...]
    o0 = o[:, 0:1]
    o1 = o[:, 1:2]
    m = jnp.maximum(o0, o1)
    lse = m + jnp.log(jnp.exp(o0 - m) + jnp.exp(o1 - m))
    out_ref[...] = jnp.concatenate([o0, o1], axis=1) - lse


def _row_spec(width):
    return pl.BlockSpec((BLK, width), lambda i: (i, 0))


def _full_spec(shape):
    return pl.BlockSpec(shape, lambda i: (0,) * len(shape))


def kernel(x, edge_index, W1, b1, gamma, beta, W2, b2):
    src = edge_index[0].astype(jnp.int32)
    dst = edge_index[1].astype(jnp.int32)
    ar = jnp.arange(PAD, dtype=jnp.int32)
    src_p = jnp.concatenate([src, (ar * 131) % N])
    dst_p = jnp.concatenate([dst, N + (ar % K_JUNK)])
    src2d = src_p.reshape(ROWS2D, CH)
    dst2d = dst_p.reshape(ROWS2D, CH)

    zf = jnp.zeros((1000,), jnp.float32)
    z16 = jnp.zeros((1000, H), jnp.float32)

    sc_deg, sc_agg = _sc_kernels()

    h1 = pl.pallas_call(
        _tc1_body,
        grid=(GRID,),
        in_specs=[_row_spec(D), _full_spec((D, H))],
        out_specs=_row_spec(H),
        out_shape=jax.ShapeDtypeStruct((N, H), jnp.float32),
    )(x, W1)

    degp = sc_deg(dst2d, zf)

    u1, _g1 = sc_agg(src2d, dst2d, degp, h1, z16)

    z = pl.pallas_call(
        _tc23_body,
        grid=(1,),
        in_specs=[_full_spec((2, N, H)), _full_spec((1, H)),
                  _full_spec((1, H)), _full_spec((1, H))],
        out_specs=_full_spec((N, H)),
        out_shape=jax.ShapeDtypeStruct((N, H), jnp.float32),
    )(u1, b1.reshape(1, H), gamma.reshape(1, H), beta.reshape(1, H))

    u2, _g2 = sc_agg(src2d, dst2d, degp, z, z16)

    W2p = jnp.pad(W2, ((0, 0), (0, H - C)))
    b2p = jnp.pad(b2, (0, H - C)).reshape(1, H)
    out = pl.pallas_call(
        _tc4_body,
        grid=(1,),
        in_specs=[_full_spec((2, N, H)), _full_spec((H, H)),
                  _full_spec((1, H))],
        out_specs=_full_spec((N, C)),
        out_shape=jax.ShapeDtypeStruct((N, C), jnp.float32),
    )(u2, W2p, b2p)
    return out

# --- scband reference (transcript-rebuilt; emitter-appended) ---
"""Pipeline reference for scband-gcn-27968827031806 (READ-ONLY COPY).

The authoritative reference and input builder live on the scoring server;
editing this copy changes nothing except your own understanding.
"""

import jax, jax.numpy as jnp
import numpy as np

N = 10000
E = 320000
D = 128
H = 16
C = 2

def setup_inputs(seed: int = 0) -> dict:
    key = jax.random.key(seed)
    ks = jax.random.split(key, 8)
    x = jax.random.normal(ks[0], (N, D), dtype=jnp.float32)
    edge_index = jax.random.randint(ks[1], (2, E), 0, N)
    W1 = jax.random.normal(ks[2], (D, H), dtype=jnp.float32) * (1.0 / np.sqrt(D))
    b1 = jnp.zeros((H,), dtype=jnp.float32)
    gamma = jnp.ones((H,), dtype=jnp.float32)
    beta = jnp.zeros((H,), dtype=jnp.float32)
    W2 = jax.random.normal(ks[3], (H, C), dtype=jnp.float32) * (1.0 / np.sqrt(H))
    b2 = jnp.zeros((C,), dtype=jnp.float32)
    return {"x": x, "edge_index": edge_index, "W1": W1, "b1": b1, "gamma": gamma, "beta": beta, "W2": W2, "b2": b2}

def _gcn_conv(x, edge_index, W, b):
    # PyG GCNConv (normalize=True, add_self_loops=True, edge_weight=None)
    h = x @ W
    src = edge_index[0]
    dst = edge_index[1]
    loop = jnp.arange(N, dtype=src.dtype)
    src = jnp.concatenate([src, loop])
    dst = jnp.concatenate([dst, loop])
    ew = jnp.ones(src.shape[0], dtype=x.dtype)
    deg = jnp.zeros((N,), dtype=x.dtype).at[dst].add(ew)
    dinv = jnp.where(deg > 0, 1.0 / jnp.sqrt(deg), 0.0)
    norm = dinv[src] * ew * dinv[dst]
    msg = h[src] * norm[:, None]
    out = jnp.zeros((N, W.shape[1]), dtype=x.dtype).at[dst].add(msg)
    return out + b

def reference(x, edge_index, W1, b1, gamma, beta, W2, b2):
    h = _gcn_conv(x, edge_index, W1, b1)
    # BatchNorm1d in training mode: batch statistics, biased variance
    mean = jnp.mean(h, axis=0)
    var = jnp.mean((h - mean) ** 2, axis=0)
    h = (h - mean) / jnp.sqrt(var + 1e-5) * gamma + beta
    h = jax.nn.relu(h)
    o = _gcn_conv(h, edge_index, W2, b2)
    return jax.nn.log_softmax(o, axis=1)

if __name__ == "__main__":
    import jax
    _d = setup_inputs()
    print(jax.jit(kernel)(*tuple(_d.values())))

</pallas_src>

<mosaic_0001>
#map = affine_map<(d0, d1) -> (0, 0)>
#map1 = affine_map<(d0, d1) -> (0, 0, 0)>
module attributes {stable_mosaic.version = 14 : i64} {
  func.func @_sc_agg_body(%arg0: i32, %arg1: i32, %arg2: memref<2560x128xi32, #tpu.memory_space<hbm>>, %arg3: memref<2560x128xi32, #tpu.memory_space<hbm>>, %arg4: memref<2x10x1000xf32, #tpu.memory_space<hbm>>, %arg5: memref<10000x16xf32, #tpu.memory_space<hbm>>, %arg6: memref<1000x16xf32, #tpu.memory_space<hbm>>, %arg7: memref<2x10000x16xf32, #tpu.memory_space<hbm>>, %arg8: memref<10000x16xf32, #tpu.memory_space<hbm>>, %arg9: memref<80x128xi32, #tpu.memory_space<vmem>>, %arg10: memref<80x128xi32, #tpu.memory_space<vmem>>, %arg11: memref<1000x16xf32, #tpu.memory_space<vmem>>, %arg12: memref<10016x16xf32, #tpu.memory_space<vmem_shared>>, %arg13: memref<1008xf32, #tpu.memory_space<vmem>>, %arg14: memref<1008xf32, #tpu.memory_space<vmem>>, %arg15: memref<1008xf32, #tpu.memory_space<vmem>>, %arg16: memref<1000x16xf32, #tpu.memory_space<vmem>>, %arg17: memref<1000x16xf32, #tpu.memory_space<vmem>>, %arg18: memref<128x16xf32, #tpu.memory_space<vmem>>, %arg19: memref<128x16xf32, #tpu.memory_space<vmem>>, %arg20: memref<128x16xf32, #tpu.memory_space<vmem>>, %arg21: memref<128x16xf32, #tpu.memory_space<vmem>>, %arg22: memref<128x16xf32, #tpu.memory_space<vmem>>, %arg23: memref<128x16xf32, #tpu.memory_space<vmem>>, %arg24: memref<128x16xf32, #tpu.memory_space<vmem>>, %arg25: memref<128x16xf32, #tpu.memory_space<vmem>>, %arg26: memref<!tpu.dma_semaphore, #tpu.memory_space<semaphore_mem>>, %arg27: memref<!tpu.dma_semaphore, #tpu.memory_space<semaphore_mem>>, %arg28: memref<!tpu.dma_semaphore, #tpu.memory_space<semaphore_mem>>, %arg29: memref<!tpu.dma_semaphore, #tpu.memory_space<semaphore_mem>>, %arg30: memref<!tpu.dma_semaphore, #tpu.memory_space<semaphore_mem>>, %arg31: memref<!tpu.dma_semaphore, #tpu.memory_space<semaphore_mem>>, %arg32: memref<!tpu.dma_semaphore, #tpu.memory_space<semaphore_mem>>, %arg33: memref<!tpu.dma_semaphore, #tpu.memory_space<semaphore_mem>>, %arg34: memref<!tpu.dma_semaphore, #tpu.memory_space<semaphore_mem>>, %arg35: memref<!tpu.dma_semaphore, #tpu.memory_space<semaphore_mem>>, %arg36: memref<!tpu.dma_semaphore, #tpu.memory_space<semaphore_mem>>, %arg37: memref<!tpu.dma_semaphore, #tpu.memory_space<semaphore_mem>>, %arg38: memref<!tpu.dma_semaphore, #tpu.memory_space<semaphore_mem>>, %arg39: memref<!tpu.dma_semaphore, #tpu.memory_space<semaphore_mem>>, %arg40: memref<!tpu.dma_semaphore, #tpu.memory_space<semaphore_mem>>, %arg41: memref<!tpu.dma_semaphore, #tpu.memory_space<semaphore_mem>>) attributes {dimension_semantics = [#tpu.dimension_semantics<core_parallel>, #tpu.dimension_semantics<subcore_parallel>], iteration_bounds = array<i64: 2, 16>, scalar_prefetch = 0 : i64, scratch_operands = 33 : i64, tpu.core_type = #tpu.core_type<sc_vector_subcore>, window_params = [{transform_indices = #map}, {transform_indices = #map}, {transform_indices = #map1}, {transform_indices = #map}, {transform_indices = #map}, {transform_indices = #map1}, {transform_indices = #map}]} {
    %mul3A = arith.constant 2 : i32
    %mul3A_0 = arith.muli %arg1, %mul3A : i32
    %add3A = arith.addi %mul3A_0, %arg0 : i32
    %iota3A = tpu.iota {dimensions = array<i32: 0>} : vector<16xi32>
    %lt3A = arith.constant 10 : i32
    %lt3A_1 = arith.cmpi slt, %arg1, %lt3A : i32
    %convert_element_type3A = arith.extui %lt3A_1 : i1 to i32
    %cond3A = arith.constant 0 : i32
    %cond3A_2 = arith.cmpi ne, %convert_element_type3A, %cond3A : i32
    scf.if %cond3A_2 {
      "tpu.region"() ({
        %run_scoped3A = tpu.sem_alloc : memref<!tpu.dma_semaphore, #tpu.memory_space<semaphore_mem>>
        tpu.enqueue_dma source(%arg6 : memref<1000x16xf32, #tpu.memory_space<hbm>>) target(%arg11 : memref<1000x16xf32, #tpu.memory_space<vmem>>) target_semaphore(%run_scoped3A : memref<!tpu.dma_semaphore, #tpu.memory_space<semaphore_mem>>)
        tpu.wait_dma2 semaphore(%run_scoped3A : memref<!tpu.dma_semaphore, #tpu.memory_space<semaphore_mem>>) src(%arg6 : memref<1000x16xf32, #tpu.memory_space<hbm>>) dst(%arg11 : memref<1000x16xf32, #tpu.memory_space<vmem>>)
        tpu.yield
      }) : () -> ()
      %mul3A_27 = arith.constant 1000 : i32
      %mul3A_28 = arith.muli %arg1, %mul3A_27 : i32
      "tpu.region"() ({
        %run_scoped3A = tpu.sem_alloc : memref<!tpu.dma_semaphore, #tpu.memory_space<semaphore_mem>>
        %dma_start3A = arith.constant 0 : i32
        %dma_start3A_29 = tpu.memref_slice %arg12[%mul3A_28, %dma_start3A] : memref<10016x16xf32, #tpu.memory_space<vmem_shared>> -> memref<1000x16xf32, #tpu.memory_space<vmem_shared>>
        %dma_start3A_30 = arith.constant 0 : i32
        %dma_start3A_31 = tpu.memref_slice %arg12[%mul3A_28, %dma_start3A_30] : memref<10016x16xf32, #tpu.memory_space<vmem_shared>> -> memref<1000x16xf32, #tpu.memory_space<vmem_shared>>
        tpu.enqueue_dma source(%arg11 : memref<1000x16xf32, #tpu.memory_space<vmem>>) target(%dma_start3A_31 : memref<1000x16xf32, #tpu.memory_space<vmem_shared>>) target_semaphore(%run_scoped3A : memref<!tpu.dma_semaphore, #tpu.memory_space<semaphore_mem>>)
        %dma_wait3A = arith.constant 0 : i32
        %dma_wait3A_32 = tpu.memref_slice %arg12[%mul3A_28, %dma_wait3A] : memref<10016x16xf32, #tpu.memory_space<vmem_shared>> -> memref<1000x16xf32, #tpu.memory_space<vmem_shared>>
        %dma_wait3A_33 = arith.constant 0 : i32
        %dma_wait3A_34 = tpu.memref_slice %arg12[%mul3A_28, %dma_wait3A_33] : memref<10016x16xf32, #tpu.memory_space<vmem_shared>> -> memref<1000x16xf32, #tpu.memory_space<vmem_shared>>
        tpu.wait_dma2 semaphore(%run_scoped3A : memref<!tpu.dma_semaphore, #tpu.memory_space<semaphore_mem>>) src(%arg11 : memref<1000x16xf32, #tpu.memory_space<vmem>>) dst(%dma_wait3A_34 : memref<1000x16xf32, #tpu.memory_space<vmem_shared>>)
        tpu.yield
      }) : () -> ()
    } else {
    }
    %eq3A = arith.constant 10 : i32
    %eq3A_3 = arith.cmpi eq, %arg1, %eq3A : i32
    %convert_element_type3A_4 = arith.extui %eq3A_3 : i1 to i32
    %cond3A_5 = arith.constant 0 : i32
    %cond3A_6 = arith.cmpi ne, %convert_element_type3A_4, %cond3A_5 : i32
    scf.if %cond3A_6 {
      "tpu.region"() ({
        %run_scoped3A = tpu.sem_alloc : memref<!tpu.dma_semaphore, #tpu.memory_space<semaphore_mem>>
        tpu.enqueue_dma source(%arg6 : memref<1000x16xf32, #tpu.memory_space<hbm>>) target(%arg11 : memref<1000x16xf32, #tpu.memory_space<vmem>>) target_semaphore(%run_scoped3A : memref<!tpu.dma_semaphore, #tpu.memory_space<semaphore_mem>>)
        tpu.wait_dma2 semaphore(%run_scoped3A : memref<!tpu.dma_semaphore, #tpu.memory_space<semaphore_mem>>) src(%arg6 : memref<1000x16xf32, #tpu.memory_space<hbm>>) dst(%arg11 : memref<1000x16xf32, #tpu.memory_space<vmem>>)
        tpu.yield
      }) : () -> ()
      "tpu.region"() ({
        %run_scoped3A = tpu.sem_alloc : memref<!tpu.dma_semaphore, #tpu.memory_space<semaphore_mem>>
        %dma_start3A = arith.constant 0 : i32
        %dma_start3A_27 = arith.constant 0 : i32
        %dma_start3A_28 = tpu.memref_slice %arg11[%dma_start3A, %dma_start3A_27] : memref<1000x16xf32, #tpu.memory_space<vmem>> -> memref<16x16xf32, #tpu.memory_space<vmem>>
        %dma_start3A_29 = arith.constant 10000 : i32
        %dma_start3A_30 = arith.constant 0 : i32
        %dma_start3A_31 = tpu.memref_slice %arg12[%dma_start3A_29, %dma_start3A_30] : memref<10016x16xf32, #tpu.memory_space<vmem_shared>> -> memref<16x16xf32, #tpu.memory_space<vmem_shared>>
        %dma_start3A_32 = arith.constant 10000 : i32
        %dma_start3A_33 = arith.constant 0 : i32
        %dma_start3A_34 = tpu.memref_slice %arg12[%dma_start3A_32, %dma_start3A_33] : memref<10016x16xf32, #tpu.memory_space<vmem_shared>> -> memref<16x16xf32, #tpu.memory_space<vmem_shared>>
        %dma_start3A_35 = arith.constant 0 : i32
        %dma_start3A_36 = arith.constant 0 : i32
        %dma_start3A_37 = tpu.memref_slice %arg11[%dma_start3A_35, %dma_start3A_36] : memref<1000x16xf32, #tpu.memory_space<vmem>> -> memref<16x16xf32, #tpu.memory_space<vmem>>
        tpu.enqueue_dma source(%dma_start3A_37 : memref<16x16xf32, #tpu.memory_space<vmem>>) target(%dma_start3A_34 : memref<16x16xf32, #tpu.memory_space<vmem_shared>>) target_semaphore(%run_scoped3A : memref<!tpu.dma_semaphore, #tpu.memory_space<semaphore_mem>>)
        %dma_wait3A = arith.constant 0 : i32
        %dma_wait3A_38 = arith.constant 0 : i32
        %dma_wait3A_39 = tpu.memref_slice %arg11[%dma_wait3A, %dma_wait3A_38] : memref<1000x16xf32, #tpu.memory_space<vmem>> -> memref<16x16xf32, #tpu.memory_space<vmem>>
        %dma_wait3A_40 = arith.constant 10000 : i32
        %dma_wait3A_41 = arith.constant 0 : i32
        %dma_wait3A_42 = tpu.memref_slice %arg12[%dma_wait3A_40, %dma_wait3A_41] : memref<10016x16xf32, #tpu.memory_space<vmem_shared>> -> memref<16x16xf32, #tpu.memory_space<vmem_shared>>
        %dma_wait3A_43 = arith.constant 10000 : i32
        %dma_wait3A_44 = arith.constant 0 : i32
        %dma_wait3A_45 = tpu.memref_slice %arg12[%dma_wait3A_43, %dma_wait3A_44] : memref<10016x16xf32, #tpu.memory_space<vmem_shared>> -> memref<16x16xf32, #tpu.memory_space<vmem_shared>>
        %dma_wait3A_46 = arith.constant 0 : i32
        %dma_wait3A_47 = arith.constant 0 : i32
        %dma_wait3A_48 = tpu.memref_slice %arg11[%dma_wait3A_46, %dma_wait3A_47] : memref<1000x16xf32, #tpu.memory_space<vmem>> -> memref<16x16xf32, #tpu.memory_space<vmem>>
        tpu.wait_dma2 semaphore(%run_scoped3A : memref<!tpu.dma_semaphore, #tpu.memory_space<semaphore_mem>>) src(%dma_wait3A_48 : memref<16x16xf32, #tpu.memory_space<vmem>>) dst(%dma_wait3A_45 : memref<16x16xf32, #tpu.memory_space<vmem_shared>>)
        tpu.yield
      }) : () -> ()
    } else {
    }
    %mul3A_7 = arith.constant 80 : i32
    %mul3A_8 = arith.muli %add3A, %mul3A_7 : i32
    "tpu.region"() ({
      %run_scoped3A = tpu.sem_alloc : memref<!tpu.dma_semaphore, #tpu.memory_space<semaphore_mem>>
      %dma_start3A = arith.constant 0 : i32
      %dma_start3A_27 = tpu.memref_slice %arg2[%mul3A_8, %dma_start3A] : memref<2560x128xi32, #tpu.memory_space<hbm>> -> memref<80x128xi32, #tpu.memory_space<hbm>>
      %dma_start3A_28 = arith.constant 0 : i32
      %dma_start3A_29 = tpu.memref_slice %arg2[%mul3A_8, %dma_start3A_28] : memref<2560x128xi32, #tpu.memory_space<hbm>> -> memref<80x128xi32, #tpu.memory_space<hbm>>
      tpu.enqueue_dma source(%dma_start3A_29 : memref<80x128xi32, #tpu.memory_space<hbm>>) target(%arg9 : memref<80x128xi32, #tpu.memory_space<vmem>>) target_semaphore(%run_scoped3A : memref<!tpu.dma_semaphore, #tpu.memory_space<semaphore_mem>>)
      %dma_wait3A = arith.constant 0 : i32
      %dma_wait3A_30 = tpu.memref_slice %arg2[%mul3A_8, %dma_wait3A] : memref<2560x128xi32, #tpu.memory_space<hbm>> -> memref<80x128xi32, #tpu.memory_space<hbm>>
      %dma_wait3A_31 = arith.constant 0 : i32
      %dma_wait3A_32 = tpu.memref_slice %arg2[%mul3A_8, %dma_wait3A_31] : memref<2560x128xi32, #tpu.memory_space<hbm>> -> memref<80x128xi32, #tpu.memory_space<hbm>>
      tpu.wait_dma2 semaphore(%run_scoped3A : memref<!tpu.dma_semaphore, #tpu.memory_space<semaphore_mem>>) src(%dma_wait3A_32 : memref<80x128xi32, #tpu.memory_space<hbm>>) dst(%arg9 : memref<80x128xi32, #tpu.memory_space<vmem>>)
      tpu.yield
    }) : () -> ()
    %mul3A_9 = arith.constant 80 : i32
    %mul3A_10 = arith.muli %add3A, %mul3A_9 : i32
    "tpu.region"() ({
      %run_scoped3A = tpu.sem_alloc : memref<!tpu.dma_semaphore, #tpu.memory_space<semaphore_mem>>
      %dma_start3A = arith.constant 0 : i32
      %dma_start3A_27 = tpu.memref_slice %arg3[%mul3A_10, %dma_start3A] : memref<2560x128xi32, #tpu.memory_space<hbm>> -> memref<80x128xi32, #tpu.memory_space<hbm>>
      %dma_start3A_28 = arith.constant 0 : i32
      %dma_start3A_29 = tpu.memref_slice %arg3[%mul3A_10, %dma_start3A_28] : memref<2560x128xi32, #tpu.memory_space<hbm>> -> memref<80x128xi32, #tpu.memory_space<hbm>>
      tpu.enqueue_dma source(%dma_start3A_29 : memref<80x128xi32, #tpu.memory_space<hbm>>) target(%arg10 : memref<80x128xi32, #tpu.memory_space<vmem>>) target_semaphore(%run_scoped3A : memref<!tpu.dma_semaphore, #tpu.memory_space<semaphore_mem>>)
      %dma_wait3A = arith.constant 0 : i32
      %dma_wait3A_30 = tpu.memref_slice %arg3[%mul3A_10, %dma_wait3A] : memref<2560x128xi32, #tpu.memory_space<hbm>> -> memref<80x128xi32, #tpu.memory_space<hbm>>
      %dma_wait3A_31 = arith.constant 0 : i32
      %dma_wait3A_32 = tpu.memref_slice %arg3[%mul3A_10, %dma_wait3A_31] : memref<2560x128xi32, #tpu.memory_space<hbm>> -> memref<80x128xi32, #tpu.memory_space<hbm>>
      tpu.wait_dma2 semaphore(%run_scoped3A : memref<!tpu.dma_semaphore, #tpu.memory_space<semaphore_mem>>) src(%dma_wait3A_32 : memref<80x128xi32, #tpu.memory_space<hbm>>) dst(%arg10 : memref<80x128xi32, #tpu.memory_space<vmem>>)
      tpu.yield
    }) : () -> ()
    %lt3A_11 = arith.constant 10 : i32
    %lt3A_12 = arith.cmpi slt, %arg1, %lt3A_11 : i32
    %convert_element_type3A_13 = arith.extui %lt3A_12 : i1 to i32
    %cond3A_14 = arith.constant 0 : i32
    %cond3A_15 = arith.cmpi ne, %convert_element_type3A_13, %cond3A_14 : i32
    scf.if %cond3A_15 {
      %run_scoped3A = arith.constant 0 : i32
      "tpu.region"() ({
        %run_scoped3A_44 = tpu.sem_alloc : memref<!tpu.dma_semaphore, #tpu.memory_space<semaphore_mem>>
        %dma_start3A = arith.constant 0 : i32
        %dma_start3A_45 = tpu.memref_slice %arg13[%dma_start3A] : memref<1008xf32, #tpu.memory_space<vmem>> -> memref<1000xf32, #tpu.memory_space<vmem>>
        %dma_start3A_46 = arith.constant 0 : i32
        %dma_start3A_47 = arith.constant 0 : i32
        %dma_start3A_48 = tpu.memref_slice %arg4[%run_scoped3A, %dma_start3A_46, %dma_start3A_47] : memref<2x10x1000xf32, #tpu.memory_space<hbm>> -> memref<1x10x1000xf32, #tpu.memory_space<hbm>>
        %dma_start3A_49 = tpu.memref_squeeze %dma_start3A_48 : memref<1x10x1000xf32, #tpu.memory_space<hbm>> -> memref<10x1000xf32, #tpu.memory_space<hbm>>
        %dma_start3A_50 = arith.constant 0 : i32
        %dma_start3A_51 = tpu.memref_slice %dma_start3A_49[%arg1, %dma_start3A_50] : memref<10x1000xf32, #tpu.memory_space<hbm>> -> memref<1x1000xf32, #tpu.memory_space<hbm>>
        %dma_start3A_52 = tpu.memref_squeeze %dma_start3A_51 : memref<1x1000xf32, #tpu.memory_space<hbm>> -> memref<1000xf32, #tpu.memory_space<hbm>>
        %dma_start3A_53 = arith.constant 0 : i32
        %dma_start3A_54 = tpu.memref_slice %arg13[%dma_start3A_53] : memref<1008xf32, #tpu.memory_space<vmem>> -> memref<1000xf32, #tpu.memory_space<vmem>>
        %dma_start3A_55 = arith.constant 0 : i32
        %dma_start3A_56 = arith.constant 0 : i32
        %dma_start3A_57 = tpu.memref_slice %arg4[%run_scoped3A, %dma_start3A_55, %dma_start3A_56] : memref<2x10x1000xf32, #tpu.memory_space<hbm>> -> memref<1x10x1000xf32, #tpu.memory_space<hbm>>
        %dma_start3A_58 = tpu.memref_squeeze %dma_start3A_57 : memref<1x10x1000xf32, #tpu.memory_space<hbm>> -> memref<10x1000xf32, #tpu.memory_space<hbm>>
        %dma_start3A_59 = arith.constant 0 : i32
        %dma_start3A_60 = tpu.memref_slice %dma_start3A_58[%arg1, %dma_start3A_59] : memref<10x1000xf32, #tpu.memory_space<hbm>> -> memref<1x1000xf32, #tpu.memory_space<hbm>>
        %dma_start3A_61 = tpu.memref_squeeze %dma_start3A_60 : memref<1x1000xf32, #tpu.memory_space<hbm>> -> memref<1000xf32, #tpu.memory_space<hbm>>
        tpu.enqueue_dma source(%dma_start3A_61 : memref<1000xf32, #tpu.memory_space<hbm>>) target(%dma_start3A_54 : memref<1000xf32, #tpu.memory_space<vmem>>) target_semaphore(%run_scoped3A_44 : memref<!tpu.dma_semaphore, #tpu.memory_space<semaphore_mem>>)
        %dma_wait3A = arith.constant 0 : i32
        %dma_wait3A_62 = tpu.memref_slice %arg13[%dma_wait3A] : memref<1008xf32, #tpu.memory_space<vmem>> -> memref<1000xf32, #tpu.memory_space<vmem>>
        %dma_wait3A_63 = arith.constant 0 : i32
        %dma_wait3A_64 = arith.constant 0 : i32
        %dma_wait3A_65 = tpu.memref_slice %arg4[%run_scoped3A, %dma_wait3A_63, %dma_wait3A_64] : memref<2x10x1000xf32, #tpu.memory_space<hbm>> -> memref<1x10x1000xf32, #tpu.memory_space<hbm>>
        %dma_wait3A_66 = tpu.memref_squeeze %dma_wait3A_65 : memref<1x10x1000xf32, #tpu.memory_space<hbm>> -> memref<10x1000xf32, #tpu.memory_space<hbm>>
        %dma_wait3A_67 = arith.constant 0 : i32
        %dma_wait3A_68 = tpu.memref_slice %dma_wait3A_66[%arg1, %dma_wait3A_67] : memref<10x1000xf32, #tpu.memory_space<hbm>> -> memref<1x1000xf32, #tpu.memory_space<hbm>>
        %dma_wait3A_69 = tpu.memref_squeeze %dma_wait3A_68 : memref<1x1000xf32, #tpu.memory_space<hbm>> -> memref<1000xf32, #tpu.memory_space<hbm>>
        %dma_wait3A_70 = arith.constant 0 : i32
        %dma_wait3A_71 = tpu.memref_slice %arg13[%dma_wait3A_70] : memref<1008xf32, #tpu.memory_space<vmem>> -> memref<1000xf32, #tpu.memory_space<vmem>>
        %dma_wait3A_72 = arith.constant 0 : i32
        %dma_wait3A_73 = arith.constant 0 : i32
        %dma_wait3A_74 = tpu.memref_slice %arg4[%run_scoped3A, %dma_wait3A_72, %dma_wait3A_73] : memref<2x10x1000xf32, #tpu.memory_space<hbm>> -> memref<1x10x1000xf32, #tpu.memory_space<hbm>>
        %dma_wait3A_75 = tpu.memref_squeeze %dma_wait3A_74 : memref<1x10x1000xf32, #tpu.memory_space<hbm>> -> memref<10x1000xf32, #tpu.memory_space<hbm>>
        %dma_wait3A_76 = arith.constant 0 : i32
        %dma_wait3A_77 = tpu.memref_slice %dma_wait3A_75[%arg1, %dma_wait3A_76] : memref<10x1000xf32, #tpu.memory_space<hbm>> -> memref<1x1000xf32, #tpu.memory_space<hbm>>
        %dma_wait3A_78 = tpu.memref_squeeze %dma_wait3A_77 : memref<1x1000xf32, #tpu.memory_space<hbm>> -> memref<1000xf32, #tpu.memory_space<hbm>>
        tpu.wait_dma2 semaphore(%run_scoped3A_44 : memref<!tpu.dma_semaphore, #tpu.memory_space<semaphore_mem>>) src(%dma_wait3A_78 : memref<1000xf32, #tpu.memory_space<hbm>>) dst(%dma_wait3A_71 : memref<1000xf32, #tpu.memory_space<vmem>>)
        tpu.yield
      }) : () -> ()
      %run_scoped3A_27 = arith.constant 1 : i32
      "tpu.region"() ({
        %run_scoped3A_44 = tpu.sem_alloc : memref<!tpu.dma_semaphore, #tpu.memory_space<semaphore_mem>>
        %dma_start3A = arith.constant 0 : i32
        %dma_start3A_45 = tpu.memref_slice %arg14[%dma_start3A] : memref<1008xf32, #tpu.memory_space<vmem>> -> memref<1000xf32, #tpu.memory_space<vmem>>
        %dma_start3A_46 = arith.constant 0 : i32
        %dma_start3A_47 = arith.constant 0 : i32
        %dma_start3A_48 = tpu.memref_slice %arg4[%run_scoped3A_27, %dma_start3A_46, %dma_start3A_47] : memref<2x10x1000xf32, #tpu.memory_space<hbm>> -> memref<1x10x1000xf32, #tpu.memory_space<hbm>>
        %dma_start3A_49 = tpu.memref_squeeze %dma_start3A_48 : memref<1x10x1000xf32, #tpu.memory_space<hbm>> -> memref<10x1000xf32, #tpu.memory_space<hbm>>
        %dma_start3A_50 = arith.constant 0 : i32
        %dma_start3A_51 = tpu.memref_slice %dma_start3A_49[%arg1, %dma_start3A_50] : memref<10x1000xf32, #tpu.memory_space<hbm>> -> memref<1x1000xf32, #tpu.memory_space<hbm>>
        %dma_start3A_52 = tpu.memref_squeeze %dma_start3A_51 : memref<1x1000xf32, #tpu.memory_space<hbm>> -> memref<1000xf32, #tpu.memory_space<hbm>>
        %dma_start3A_53 = arith.constant 0 : i32
        %dma_start3A_54 = tpu.memref_slice %arg14[%dma_start3A_53] : memref<1008xf32, #tpu.memory_space<vmem>> -> memref<1000xf32, #tpu.memory_space<vmem>>
        %dma_start3A_55 = arith.constant 0 : i32
        %dma_start3A_56 = arith.constant 0 : i32
        %dma_start3A_57 = tpu.memref_slice %arg4[%run_scoped3A_27, %dma_start3A_55, %dma_start3A_56] : memref<2x10x1000xf32, #tpu.memory_space<hbm>> -> memref<1x10x1000xf32, #tpu.memory_space<hbm>>
        %dma_start3A_58 = tpu.memref_squeeze %dma_start3A_57 : memref<1x10x1000xf32, #tpu.memory_space<hbm>> -> memref<10x1000xf32, #tpu.memory_space<hbm>>
        %dma_start3A_59 = arith.constant 0 : i32
        %dma_start3A_60 = tpu.memref_slice %dma_start3A_58[%arg1, %dma_start3A_59] : memref<10x1000xf32, #tpu.memory_space<hbm>> -> memref<1x1000xf32, #tpu.memory_space<hbm>>
        %dma_start3A_61 = tpu.memref_squeeze %dma_start3A_60 : memref<1x1000xf32, #tpu.memory_space<hbm>> -> memref<1000xf32, #tpu.memory_space<hbm>>
        tpu.enqueue_dma source(%dma_start3A_61 : memref<1000xf32, #tpu.memory_space<hbm>>) target(%dma_start3A_54 : memref<1000xf32, #tpu.memory_space<vmem>>) target_semaphore(%run_scoped3A_44 : memref<!tpu.dma_semaphore, #tpu.memory_space<semaphore_mem>>)
        %dma_wait3A = arith.constant 0 : i32
        %dma_wait3A_62 = tpu.memref_slice %arg14[%dma_wait3A] : memref<1008xf32, #tpu.memory_space<vmem>> -> memref<1000xf32, #tpu.memory_space<vmem>>
        %dma_wait3A_63 = arith.constant 0 : i32
        %dma_wait3A_64 = arith.constant 0 : i32
        %dma_wait3A_65 = tpu.memref_slice %arg4[%run_scoped3A_27, %dma_wait3A_63, %dma_wait3A_64] : memref<2x10x1000xf32, #tpu.memory_space<hbm>> -> memref<1x10x1000xf32, #tpu.memory_space<hbm>>
        %dma_wait3A_66 = tpu.memref_squeeze %dma_wait3A_65 : memref<1x10x1000xf32, #tpu.memory_space<hbm>> -> memref<10x1000xf32, #tpu.memory_space<hbm>>
        %dma_wait3A_67 = arith.constant 0 : i32
        %dma_wait3A_68 = tpu.memref_slice %dma_wait3A_66[%arg1, %dma_wait3A_67] : memref<10x1000xf32, #tpu.memory_space<hbm>> -> memref<1x1000xf32, #tpu.memory_space<hbm>>
        %dma_wait3A_69 = tpu.memref_squeeze %dma_wait3A_68 : memref<1x1000xf32, #tpu.memory_space<hbm>> -> memref<1000xf32, #tpu.memory_space<hbm>>
        %dma_wait3A_70 = arith.constant 0 : i32
        %dma_wait3A_71 = tpu.memref_slice %arg14[%dma_wait3A_70] : memref<1008xf32, #tpu.memory_space<vmem>> -> memref<1000xf32, #tpu.memory_space<vmem>>
        %dma_wait3A_72 = arith.constant 0 : i32
        %dma_wait3A_73 = arith.constant 0 : i32
        %dma_wait3A_74 = tpu.memref_slice %arg4[%run_scoped3A_27, %dma_wait3A_72, %dma_wait3A_73] : memref<2x10x1000xf32, #tpu.memory_space<hbm>> -> memref<1x10x1000xf32, #tpu.memory_space<hbm>>
        %dma_wait3A_75 = tpu.memref_squeeze %dma_wait3A_74 : memref<1x10x1000xf32, #tpu.memory_space<hbm>> -> memref<10x1000xf32, #tpu.memory_space<hbm>>
        %dma_wait3A_76 = arith.constant 0 : i32
        %dma_wait3A_77 = tpu.memref_slice %dma_wait3A_75[%arg1, %dma_wait3A_76] : memref<10x1000xf32, #tpu.memory_space<hbm>> -> memref<1x1000xf32, #tpu.memory_space<hbm>>
        %dma_wait3A_78 = tpu.memref_squeeze %dma_wait3A_77 : memref<1x1000xf32, #tpu.memory_space<hbm>> -> memref<1000xf32, #tpu.memory_space<hbm>>
        tpu.wait_dma2 semaphore(%run_scoped3A_44 : memref<!tpu.dma_semaphore, #tpu.memory_space<semaphore_mem>>) src(%dma_wait3A_78 : memref<1000xf32, #tpu.memory_space<hbm>>) dst(%dma_wait3A_71 : memref<1000xf32, #tpu.memory_space<vmem>>)
        tpu.yield
      }) : () -> ()
      %mul3A_28 = arith.constant 1000 : i32
      %mul3A_29 = arith.muli %arg1, %mul3A_28 : i32
      "tpu.region"() ({
        %run_scoped3A_44 = tpu.sem_alloc : memref<!tpu.dma_semaphore, #tpu.memory_space<semaphore_mem>>
        %dma_start3A = arith.constant 0 : i32
        %dma_start3A_45 = tpu.memref_slice %arg5[%mul3A_29, %dma_start3A] : memref<10000x16xf32, #tpu.memory_space<hbm>> -> memref<1000x16xf32, #tpu.memory_space<hbm>>
        %dma_start3A_46 = arith.constant 0 : i32
        %dma_start3A_47 = tpu.memref_slice %arg5[%mul3A_29, %dma_start3A_46] : memref<10000x16xf32, #tpu.memory_space<hbm>> -> memref<1000x16xf32, #tpu.memory_space<hbm>>
        tpu.enqueue_dma source(%dma_start3A_47 : memref<1000x16xf32, #tpu.memory_space<hbm>>) target(%arg16 : memref<1000x16xf32, #tpu.memory_space<vmem>>) target_semaphore(%run_scoped3A_44 : memref<!tpu.dma_semaphore, #tpu.memory_space<semaphore_mem>>)
        %dma_wait3A = arith.constant 0 : i32
        %dma_wait3A_48 = tpu.memref_slice %arg5[%mul3A_29, %dma_wait3A] : memref<10000x16xf32, #tpu.memory_space<hbm>> -> memref<1000x16xf32, #tpu.memory_space<hbm>>
        %dma_wait3A_49 = arith.constant 0 : i32
        %dma_wait3A_50 = tpu.memref_slice %arg5[%mul3A_29, %dma_wait3A_49] : memref<10000x16xf32, #tpu.memory_space<hbm>> -> memref<1000x16xf32, #tpu.memory_space<hbm>>
        tpu.wait_dma2 semaphore(%run_scoped3A_44 : memref<!tpu.dma_semaphore, #tpu.memory_space<semaphore_mem>>) src(%dma_wait3A_50 : memref<1000x16xf32, #tpu.memory_space<hbm>>) dst(%arg16 : memref<1000x16xf32, #tpu.memory_space<vmem>>)
        tpu.yield
      }) : () -> ()
      %scan3A_30 = arith.constant 0 : i32
      %scan3A_31 = arith.constant 0 : i32
      %scan3A_32 = arith.constant 63 : i32
      %scan3A_33 = arith.addi %scan3A_31, %scan3A_32 : i32
      %scan3A_34 = arith.constant 1 : i32
      scf.for %scan3A_44 = %scan3A_31 to %scan3A_33 step %scan3A_34  : i32 {
        %mul3A_45 = arith.constant 16 : i32
        %mul3A_46 = arith.muli %scan3A_44, %mul3A_45 : i32
        %add3A_47 = vector.broadcast %mul3A_46 : i32 to vector<16xi32>
        %add3A_48 = arith.addi %add3A_47, %iota3A : vector<16xi32>
        %gather3A = tpu.vector_load_idx %arg13[%add3A_48] : memref<1008xf32, #tpu.memory_space<vmem>>[vector<16xi32>], vector<16xf32>,
        %gather3A_49 = tpu.vector_load_idx %arg14[%add3A_48] : memref<1008xf32, #tpu.memory_space<vmem>>[vector<16xi32>], vector<16xf32>,
        %add3A_50 = arith.addf %gather3A, %gather3A_49 : vector<16xf32>
        %add3A_51 = arith.constant 1.000000e+00 : f32
        %add3A_52 = vector.broadcast %add3A_51 : f32 to vector<16xf32>
        %add3A_53 = arith.addf %add3A_50, %add3A_52 : vector<16xf32>
        %bitcast3A = vector.bitcast %add3A_53 : vector<16xf32> to vector<16xi32>
        %shift_right_arithmetic3A = arith.constant 1 : i32
        %shift_right_arithmetic3A_54 = vector.broadcast %shift_right_arithmetic3A : i32 to vector<16xi32>
        %shift_right_arithmetic3A_55 = arith.shrsi %bitcast3A, %shift_right_arithmetic3A_54 : vector<16xi32>
        %sub3A = arith.constant 1597463007 : i32
        %sub3A_56 = vector.broadcast %sub3A : i32 to vector<16xi32>
        %sub3A_57 = arith.subi %sub3A_56, %shift_right_arithmetic3A_55 : vector<16xi32>
        %bitcast3A_58 = vector.bitcast %sub3A_57 : vector<16xi32> to vector<16xf32>
        %mul3A_59 = arith.constant 5.000000e-01 : f32
        %mul3A_60 = vector.broadcast %mul3A_59 : f32 to vector<16xf32>
        %mul3A_61 = arith.mulf %mul3A_60, %add3A_53 : vector<16xf32>
        %mul3A_62 = arith.mulf %mul3A_61, %bitcast3A_58 : vector<16xf32>
        %mul3A_63 = arith.mulf %mul3A_62, %bitcast3A_58 : vector<16xf32>
        %sub3A_64 = arith.constant 1.500000e+00 : f32
        %sub3A_65 = vector.broadcast %sub3A_64 : f32 to vector<16xf32>
        %sub3A_66 = arith.subf %sub3A_65, %mul3A_63 : vector<16xf32>
        %mul3A_67 = arith.mulf %bitcast3A_58, %sub3A_66 : vector<16xf32>
        %mul3A_68 = arith.constant 5.000000e-01 : f32
        %mul3A_69 = vector.broadcast %mul3A_68 : f32 to vector<16xf32>
        %mul3A_70 = arith.mulf %mul3A_69, %add3A_53 : vector<16xf32>
        %mul3A_71 = arith.mulf %mul3A_70, %mul3A_67 : vector<16xf32>
        %mul3A_72 = arith.mulf %mul3A_71, %mul3A_67 : vector<16xf32>
        %sub3A_73 = arith.constant 1.500000e+00 : f32
        %sub3A_74 = vector.broadcast %sub3A_73 : f32 to vector<16xf32>
        %sub3A_75 = arith.subf %sub3A_74, %mul3A_72 : vector<16xf32>
        %mul3A_76 = arith.mulf %mul3A_67, %sub3A_75 : vector<16xf32>
        %mul3A_77 = arith.constant 5.000000e-01 : f32
        %mul3A_78 = vector.broadcast %mul3A_77 : f32 to vector<16xf32>
        %mul3A_79 = arith.mulf %mul3A_78, %add3A_53 : vector<16xf32>
        %mul3A_80 = arith.mulf %mul3A_79, %mul3A_76 : vector<16xf32>
        %mul3A_81 = arith.mulf %mul3A_80, %mul3A_76 : vector<16xf32>
        %sub3A_82 = arith.constant 1.500000e+00 : f32
        %sub3A_83 = vector.broadcast %sub3A_82 : f32 to vector<16xf32>
        %sub3A_84 = arith.subf %sub3A_83, %mul3A_81 : vector<16xf32>
        %mul3A_85 = arith.mulf %mul3A_76, %sub3A_84 : vector<16xf32>
        %mul3A_86 = arith.constant 5.000000e-01 : f32
        %mul3A_87 = vector.broadcast %mul3A_86 : f32 to vector<16xf32>
        %mul3A_88 = arith.mulf %mul3A_87, %add3A_53 : vector<16xf32>
        %mul3A_89 = arith.mulf %mul3A_88, %mul3A_85 : vector<16xf32>
        %mul3A_90 = arith.mulf %mul3A_89, %mul3A_85 : vector<16xf32>
        %sub3A_91 = arith.constant 1.500000e+00 : f32
        %sub3A_92 = vector.broadcast %sub3A_91 : f32 to vector<16xf32>
        %sub3A_93 = arith.subf %sub3A_92, %mul3A_90 : vector<16xf32>
        %mul3A_94 = arith.mulf %mul3A_85, %sub3A_93 : vector<16xf32>
        tpu.vector_store_idx %arg15[%add3A_48], %mul3A_94 : memref<1008xf32, #tpu.memory_space<vmem>>[vector<16xi32>], vector<16xf32>,
      }
      %scan3A_35 = arith.constant 63 : i32
      %scan3A_36 = arith.constant 0 : i32
      %scan3A_37 = arith.constant 0 : i32
      %scan3A_38 = arith.constant 1000 : i32
      %scan3A_39 = arith.addi %scan3A_37, %scan3A_38 : i32
      %scan3A_40 = arith.constant 1 : i32
      scf.for %scan3A_44 = %scan3A_37 to %scan3A_39 step %scan3A_40  : i32 {
        %broadcast_in_dim3A = vector.broadcast %scan3A_44 : i32 to vector<16xi32>
        %gather3A = tpu.vector_load_idx %arg15[%broadcast_in_dim3A] : memref<1008xf32, #tpu.memory_space<vmem>>[vector<16xi32>], vector<16xf32>,
        %gather3A_45 = tpu.vector_load_idx %arg16[%broadcast_in_dim3A, %iota3A] : memref<1000x16xf32, #tpu.memory_space<vmem>>[vector<16xi32>, vector<16xi32>], vector<16xf32>,
        %mul3A_46 = arith.mulf %gather3A_45, %gather3A : vector<16xf32>
        tpu.vector_store_idx %arg17[%broadcast_in_dim3A, %iota3A], %mul3A_46 : memref<1000x16xf32, #tpu.memory_space<vmem>>[vector<16xi32>, vector<16xi32>], vector<16xf32>,
      }
      %scan3A_41 = arith.constant 1000 : i32
      %mul3A_42 = arith.constant 1000 : i32
      %mul3A_43 = arith.muli %arg1, %mul3A_42 : i32
      "tpu.region"() ({
        %run_scoped3A_44 = tpu.sem_alloc : memref<!tpu.dma_semaphore, #tpu.memory_space<semaphore_mem>>
        %dma_start3A = arith.constant 0 : i32
        %dma_start3A_45 = tpu.memref_slice %arg8[%mul3A_43, %dma_start3A] : memref<10000x16xf32, #tpu.memory_space<hbm>> -> memref<1000x16xf32, #tpu.memory_space<hbm>>
        %dma_start3A_46 = arith.constant 0 : i32
        %dma_start3A_47 = tpu.memref_slice %arg8[%mul3A_43, %dma_start3A_46] : memref<10000x16xf32, #tpu.memory_space<hbm>> -> memref<1000x16xf32, #tpu.memory_space<hbm>>
        tpu.enqueue_dma source(%arg17 : memref<1000x16xf32, #tpu.memory_space<vmem>>) target(%dma_start3A_47 : memref<1000x16xf32, #tpu.memory_space<hbm>>) target_semaphore(%run_scoped3A_44 : memref<!tpu.dma_semaphore, #tpu.memory_space<semaphore_mem>>)
        %dma_wait3A = arith.constant 0 : i32
        %dma_wait3A_48 = tpu.memref_slice %arg8[%mul3A_43, %dma_wait3A] : memref<10000x16xf32, #tpu.memory_space<hbm>> -> memref<1000x16xf32, #tpu.memory_space<hbm>>
        %dma_wait3A_49 = arith.constant 0 : i32
        %dma_wait3A_50 = tpu.memref_slice %arg8[%mul3A_43, %dma_wait3A_49] : memref<10000x16xf32, #tpu.memory_space<hbm>> -> memref<1000x16xf32, #tpu.memory_space<hbm>>
        tpu.wait_dma2 semaphore(%run_scoped3A_44 : memref<!tpu.dma_semaphore, #tpu.memory_space<semaphore_mem>>) src(%arg17 : memref<1000x16xf32, #tpu.memory_space<vmem>>) dst(%dma_wait3A_50 : memref<1000x16xf32, #tpu.memory_space<hbm>>)
        tpu.yield
      }) : () -> ()
    } else {
    }
    %barrier3A = arith.constant 0 : index
    tpu.barrier barrier_id(%barrier3A)
    %scan3A = arith.constant 0 : i32
    %scan3A_16 = arith.constant 0 : i32
    %scan3A_17 = arith.constant 10 : i32
    %scan3A_18 = arith.addi %scan3A_16, %scan3A_17 : i32
    %scan3A_19 = arith.constant 1 : i32
    scf.for %scan3A_27 = %scan3A_16 to %scan3A_18 step %scan3A_19  : i32 {
      %mul3A_28 = arith.constant 8 : i32
      %mul3A_29 = arith.muli %mul3A_28, %scan3A_27 : i32
      %add3A_30 = arith.constant 0 : i32
      %add3A_31 = arith.addi %mul3A_29, %add3A_30 : i32
      %dma_start3A = arith.constant 0 : i32
      %dma_start3A_32 = tpu.memref_slice %arg9[%add3A_31, %dma_start3A] : memref<80x128xi32, #tpu.memory_space<vmem>> -> memref<1x128xi32, #tpu.memory_space<vmem>>
      %dma_start3A_33 = tpu.memref_squeeze %dma_start3A_32 : memref<1x128xi32, #tpu.memory_space<vmem>> -> memref<128xi32, #tpu.memory_space<vmem>>
      %dma_start3A_34 = arith.constant 0 : i32
      %dma_start3A_35 = arith.constant 0 : i32
      %dma_start3A_36 = tpu.memref_slice %arg8[%dma_start3A_34, %dma_start3A_35] : memref<10000x16xf32, #tpu.memory_space<hbm>> -> memref<10000x16xf32, #tpu.memory_space<hbm>>
      tpu.enqueue_indirect_dma source(%dma_start3A_36 : memref<10000x16xf32, #tpu.memory_space<hbm>>) target(%arg18 : memref<128x16xf32, #tpu.memory_space<vmem>>) offsets(%dma_start3A_33 : memref<128xi32, #tpu.memory_space<vmem>>) semaphore(%arg26 : memref<!tpu.dma_semaphore, #tpu.memory_space<semaphore_mem>>)
      %add3A_37 = arith.constant 1 : i32
      %add3A_38 = arith.addi %mul3A_29, %add3A_37 : i32
      %dma_start3A_39 = arith.constant 0 : i32
      %dma_start3A_40 = tpu.memref_slice %arg9[%add3A_38, %dma_start3A_39] : memref<80x128xi32, #tpu.memory_space<vmem>> -> memref<1x128xi32, #tpu.memory_space<vmem>>
      %dma_start3A_41 = tpu.memref_squeeze %dma_start3A_40 : memref<1x128xi32, #tpu.memory_space<vmem>> -> memref<128xi32, #tpu.memory_space<vmem>>
      %dma_start3A_42 = arith.constant 0 : i32
      %dma_start3A_43 = arith.constant 0 : i32
      %dma_start3A_44 = tpu.memref_slice %arg8[%dma_start3A_42, %dma_start3A_43] : memref<10000x16xf32, #tpu.memory_space<hbm>> -> memref<10000x16xf32, #tpu.memory_space<hbm>>
      tpu.enqueue_indirect_dma source(%dma_start3A_44 : memref<10000x16xf32, #tpu.memory_space<hbm>>) target(%arg19 : memref<128x16xf32, #tpu.memory_space<vmem>>) offsets(%dma_start3A_41 : memref<128xi32, #tpu.memory_space<vmem>>) semaphore(%arg27 : memref<!tpu.dma_semaphore, #tpu.memory_space<semaphore_mem>>)
      %add3A_45 = arith.constant 2 : i32
      %add3A_46 = arith.addi %mul3A_29, %add3A_45 : i32
      %dma_start3A_47 = arith.constant 0 : i32
      %dma_start3A_48 = tpu.memref_slice %arg9[%add3A_46, %dma_start3A_47] : memref<80x128xi32, #tpu.memory_space<vmem>> -> memref<1x128xi32, #tpu.memory_space<vmem>>
      %dma_start3A_49 = tpu.memref_squeeze %dma_start3A_48 : memref<1x128xi32, #tpu.memory_space<vmem>> -> memref<128xi32, #tpu.memory_space<vmem>>
      %dma_start3A_50 = arith.constant 0 : i32
      %dma_start3A_51 = arith.constant 0 : i32
      %dma_start3A_52 = tpu.memref_slice %arg8[%dma_start3A_50, %dma_start3A_51] : memref<10000x16xf32, #tpu.memory_space<hbm>> -> memref<10000x16xf32, #tpu.memory_space<hbm>>
      tpu.enqueue_indirect_dma source(%dma_start3A_52 : memref<10000x16xf32, #tpu.memory_space<hbm>>) target(%arg20 : memref<128x16xf32, #tpu.memory_space<vmem>>) offsets(%dma_start3A_49 : memref<128xi32, #tpu.memory_space<vmem>>) semaphore(%arg28 : memref<!tpu.dma_semaphore, #tpu.memory_space<semaphore_mem>>)
      %add3A_53 = arith.constant 3 : i32
      %add3A_54 = arith.addi %mul3A_29, %add3A_53 : i32
      %dma_start3A_55 = arith.constant 0 : i32
      %dma_start3A_56 = tpu.memref_slice %arg9[%add3A_54, %dma_start3A_55] : memref<80x128xi32, #tpu.memory_space<vmem>> -> memref<1x128xi32, #tpu.memory_space<vmem>>
      %dma_start3A_57 = tpu.memref_squeeze %dma_start3A_56 : memref<1x128xi32, #tpu.memory_space<vmem>> -> memref<128xi32, #tpu.memory_space<vmem>>
      %dma_start3A_58 = arith.constant 0 : i32
      %dma_start3A_59 = arith.constant 0 : i32
      %dma_start3A_60 = tpu.memref_slice %arg8[%dma_start3A_58, %dma_start3A_59] : memref<10000x16xf32, #tpu.memory_space<hbm>> -> memref<10000x16xf32, #tpu.memory_space<hbm>>
      tpu.enqueue_indirect_dma source(%dma_start3A_60 : memref<10000x16xf32, #tpu.memory_space<hbm>>) target(%arg21 : memref<128x16xf32, #tpu.memory_space<vmem>>) offsets(%dma_start3A_57 : memref<128xi32, #tpu.memory_space<vmem>>) semaphore(%arg29 : memref<!tpu.dma_semaphore, #tpu.memory_space<semaphore_mem>>)
      %add3A_61 = arith.constant 4 : i32
      %add3A_62 = arith.addi %mul3A_29, %add3A_61 : i32
      %dma_start3A_63 = arith.constant 0 : i32
      %dma_start3A_64 = tpu.memref_slice %arg9[%add3A_62, %dma_start3A_63] : memref<80x128xi32, #tpu.memory_space<vmem>> -> memref<1x128xi32, #tpu.memory_space<vmem>>
      %dma_start3A_65 = tpu.memref_squeeze %dma_start3A_64 : memref<1x128xi32, #tpu.memory_space<vmem>> -> memref<128xi32, #tpu.memory_space<vmem>>
      %dma_start3A_66 = arith.constant 0 : i32
      %dma_start3A_67 = arith.constant 0 : i32
      %dma_start3A_68 = tpu.memref_slice %arg8[%dma_start3A_66, %dma_start3A_67] : memref<10000x16xf32, #tpu.memory_space<hbm>> -> memref<10000x16xf32, #tpu.memory_space<hbm>>
      tpu.enqueue_indirect_dma source(%dma_start3A_68 : memref<10000x16xf32, #tpu.memory_space<hbm>>) target(%arg22 : memref<128x16xf32, #tpu.memory_space<vmem>>) offsets(%dma_start3A_65 : memref<128xi32, #tpu.memory_space<vmem>>) semaphore(%arg30 : memref<!tpu.dma_semaphore, #tpu.memory_space<semaphore_mem>>)
      %add3A_69 = arith.constant 5 : i32
      %add3A_70 = arith.addi %mul3A_29, %add3A_69 : i32
      %dma_start3A_71 = arith.constant 0 : i32
      %dma_start3A_72 = tpu.memref_slice %arg9[%add3A_70, %dma_start3A_71] : memref<80x128xi32, #tpu.memory_space<vmem>> -> memref<1x128xi32, #tpu.memory_space<vmem>>
      %dma_start3A_73 = tpu.memref_squeeze %dma_start3A_72 : memref<1x128xi32, #tpu.memory_space<vmem>> -> memref<128xi32, #tpu.memory_space<vmem>>
      %dma_start3A_74 = arith.constant 0 : i32
      %dma_start3A_75 = arith.constant 0 : i32
      %dma_start3A_76 = tpu.memref_slice %arg8[%dma_start3A_74, %dma_start3A_75] : memref<10000x16xf32, #tpu.memory_space<hbm>> -> memref<10000x16xf32, #tpu.memory_space<hbm>>
      tpu.enqueue_indirect_dma source(%dma_start3A_76 : memref<10000x16xf32, #tpu.memory_space<hbm>>) target(%arg23 : memref<128x16xf32, #tpu.memory_space<vmem>>) offsets(%dma_start3A_73 : memref<128xi32, #tpu.memory_space<vmem>>) semaphore(%arg31 : memref<!tpu.dma_semaphore, #tpu.memory_space<semaphore_mem>>)
      %add3A_77 = arith.constant 6 : i32
      %add3A_78 = arith.addi %mul3A_29, %add3A_77 : i32
      %dma_start3A_79 = arith.constant 0 : i32
      %dma_start3A_80 = tpu.memref_slice %arg9[%add3A_78, %dma_start3A_79] : memref<80x128xi32, #tpu.memory_space<vmem>> -> memref<1x128xi32, #tpu.memory_space<vmem>>
      %dma_start3A_81 = tpu.memref_squeeze %dma_start3A_80 : memref<1x128xi32, #tpu.memory_space<vmem>> -> memref<128xi32, #tpu.memory_space<vmem>>
      %dma_start3A_82 = arith.constant 0 : i32
      %dma_start3A_83 = arith.constant 0 : i32
      %dma_start3A_84 = tpu.memref_slice %arg8[%dma_start3A_82, %dma_start3A_83] : memref<10000x16xf32, #tpu.memory_space<hbm>> -> memref<10000x16xf32, #tpu.memory_space<hbm>>
      tpu.enqueue_indirect_dma source(%dma_start3A_84 : memref<10000x16xf32, #tpu.memory_space<hbm>>) target(%arg24 : memref<128x16xf32, #tpu.memory_space<vmem>>) offsets(%dma_start3A_81 : memref<128xi32, #tpu.memory_space<vmem>>) semaphore(%arg32 : memref<!tpu.dma_semaphore, #tpu.memory_space<semaphore_mem>>)
      %add3A_85 = arith.constant 7 : i32
      %add3A_86 = arith.addi %mul3A_29, %add3A_85 : i32
      %dma_start3A_87 = arith.constant 0 : i32
      %dma_start3A_88 = tpu.memref_slice %arg9[%add3A_86, %dma_start3A_87] : memref<80x128xi32, #tpu.memory_space<vmem>> -> memref<1x128xi32, #tpu.memory_space<vmem>>
      %dma_start3A_89 = tpu.memref_squeeze %dma_start3A_88 : memref<1x128xi32, #tpu.memory_space<vmem>> -> memref<128xi32, #tpu.memory_space<vmem>>
      %dma_start3A_90 = arith.constant 0 : i32
      %dma_start3A_91 = arith.constant 0 : i32
      %dma_start3A_92 = tpu.memref_slice %arg8[%dma_start3A_90, %dma_start3A_91] : memref<10000x16xf32, #tpu.memory_space<hbm>> -> memref<10000x16xf32, #tpu.memory_space<hbm>>
      tpu.enqueue_indirect_dma source(%dma_start3A_92 : memref<10000x16xf32, #tpu.memory_space<hbm>>) target(%arg25 : memref<128x16xf32, #tpu.memory_space<vmem>>) offsets(%dma_start3A_89 : memref<128xi32, #tpu.memory_space<vmem>>) semaphore(%arg33 : memref<!tpu.dma_semaphore, #tpu.memory_space<semaphore_mem>>)
      %dma_wait3A = arith.constant 0 : i32
      %dma_wait3A_93 = tpu.memref_slice %arg9[%add3A_31, %dma_wait3A] : memref<80x128xi32, #tpu.memory_space<vmem>> -> memref<1x128xi32, #tpu.memory_space<vmem>>
      %dma_wait3A_94 = tpu.memref_squeeze %dma_wait3A_93 : memref<1x128xi32, #tpu.memory_space<vmem>> -> memref<128xi32, #tpu.memory_space<vmem>>
      %dma_wait3A_95 = arith.constant 0 : i32
      %dma_wait3A_96 = arith.constant 0 : i32
      %dma_wait3A_97 = tpu.memref_slice %arg8[%dma_wait3A_95, %dma_wait3A_96] : memref<10000x16xf32, #tpu.memory_space<hbm>> -> memref<10000x16xf32, #tpu.memory_space<hbm>>
      tpu.wait_indirect_dma semaphore(%arg26 : memref<!tpu.dma_semaphore, #tpu.memory_space<semaphore_mem>>) src(%dma_wait3A_97 : memref<10000x16xf32, #tpu.memory_space<hbm>>) dst(%arg18 : memref<128x16xf32, #tpu.memory_space<vmem>>)
      %add3A_98 = arith.constant 0 : i32
      %add3A_99 = arith.addi %mul3A_29, %add3A_98 : i32
      %dma_start3A_100 = arith.constant 0 : i32
      %dma_start3A_101 = tpu.memref_slice %arg10[%add3A_99, %dma_start3A_100] : memref<80x128xi32, #tpu.memory_space<vmem>> -> memref<1x128xi32, #tpu.memory_space<vmem>>
      %dma_start3A_102 = tpu.memref_squeeze %dma_start3A_101 : memref<1x128xi32, #tpu.memory_space<vmem>> -> memref<128xi32, #tpu.memory_space<vmem>>
      %dma_start3A_103 = arith.constant 0 : i32
      %dma_start3A_104 = arith.constant 0 : i32
      %dma_start3A_105 = tpu.memref_slice %arg12[%dma_start3A_103, %dma_start3A_104] : memref<10016x16xf32, #tpu.memory_space<vmem_shared>> -> memref<10016x16xf32, #tpu.memory_space<vmem_shared>>
      tpu.enqueue_indirect_dma source(%arg18 : memref<128x16xf32, #tpu.memory_space<vmem>>) target(%dma_start3A_105 : memref<10016x16xf32, #tpu.memory_space<vmem_shared>>) offsets(%dma_start3A_102 : memref<128xi32, #tpu.memory_space<vmem>>) semaphore(%arg34 : memref<!tpu.dma_semaphore, #tpu.memory_space<semaphore_mem>>) {add = true}
      %dma_wait3A_106 = arith.constant 0 : i32
      %dma_wait3A_107 = tpu.memref_slice %arg9[%add3A_38, %dma_wait3A_106] : memref<80x128xi32, #tpu.memory_space<vmem>> -> memref<1x128xi32, #tpu.memory_space<vmem>>
      %dma_wait3A_108 = tpu.memref_squeeze %dma_wait3A_107 : memref<1x128xi32, #tpu.memory_space<vmem>> -> memref<128xi32, #tpu.memory_space<vmem>>
      %dma_wait3A_109 = arith.constant 0 : i32
      %dma_wait3A_110 = arith.constant 0 : i32
      %dma_wait3A_111 = tpu.memref_slice %arg8[%dma_wait3A_109, %dma_wait3A_110] : memref<10000x16xf32, #tpu.memory_space<hbm>> -> memref<10000x16xf32, #tpu.memory_space<hbm>>
      tpu.wait_indirect_dma semaphore(%arg27 : memref<!tpu.dma_semaphore, #tpu.memory_space<semaphore_mem>>) src(%dma_wait3A_111 : memref<10000x16xf32, #tpu.memory_space<hbm>>) dst(%arg19 : memref<128x16xf32, #tpu.memory_space<vmem>>)
      %add3A_112 = arith.constant 1 : i32
      %add3A_113 = arith.addi %mul3A_29, %add3A_112 : i32
      %dma_start3A_114 = arith.constant 0 : i32
      %dma_start3A_115 = tpu.memref_slice %arg10[%add3A_113, %dma_start3A_114] : memref<80x128xi32, #tpu.memory_space<vmem>> -> memref<1x128xi32, #tpu.memory_space<vmem>>
      %dma_start3A_116 = tpu.memref_squeeze %dma_start3A_115 : memref<1x128xi32, #tpu.memory_space<vmem>> -> memref<128xi32, #tpu.memory_space<vmem>>
      %dma_start3A_117 = arith.constant 0 : i32
      %dma_start3A_118 = arith.constant 0 : i32
      %dma_start3A_119 = tpu.memref_slice %arg12[%dma_start3A_117, %dma_start3A_118] : memref<10016x16xf32, #tpu.memory_space<vmem_shared>> -> memref<10016x16xf32, #tpu.memory_space<vmem_shared>>
      tpu.enqueue_indirect_dma source(%arg19 : memref<128x16xf32, #tpu.memory_space<vmem>>) target(%dma_start3A_119 : memref<10016x16xf32, #tpu.memory_space<vmem_shared>>) offsets(%dma_start3A_116 : memref<128xi32, #tpu.memory_space<vmem>>) semaphore(%arg35 : memref<!tpu.dma_semaphore, #tpu.memory_space<semaphore_mem>>) {add = true}
      %dma_wait3A_120 = arith.constant 0 : i32
      %dma_wait3A_121 = tpu.memref_slice %arg9[%add3A_46, %dma_wait3A_120] : memref<80x128xi32, #tpu.memory_space<vmem>> -> memref<1x128xi32, #tpu.memory_space<vmem>>
      %dma_wait3A_122 = tpu.memref_squeeze %dma_wait3A_121 : memref<1x128xi32, #tpu.memory_space<vmem>> -> memref<128xi32, #tpu.memory_space<vmem>>
      %dma_wait3A_123 = arith.constant 0 : i32
      %dma_wait3A_124 = arith.constant 0 : i32
      %dma_wait3A_125 = tpu.memref_slice %arg8[%dma_wait3A_123, %dma_wait3A_124] : memref<10000x16xf32, #tpu.memory_space<hbm>> -> memref<10000x16xf32, #tpu.memory_space<hbm>>
      tpu.wait_indirect_dma semaphore(%arg28 : memref<!tpu.dma_semaphore, #tpu.memory_space<semaphore_mem>>) src(%dma_wait3A_125 : memref<10000x16xf32, #tpu.memory_space<hbm>>) dst(%arg20 : memref<128x16xf32, #tpu.memory_space<vmem>>)
      %add3A_126 = arith.constant 2 : i32
      %add3A_127 = arith.addi %mul3A_29, %add3A_126 : i32
      %dma_start3A_128 = arith.constant 0 : i32
      %dma_start3A_129 = tpu.memref_slice %arg10[%add3A_127, %dma_start3A_128] : memref<80x128xi32, #tpu.memory_space<vmem>> -> memref<1x128xi32, #tpu.memory_space<vmem>>
      %dma_start3A_130 = tpu.memref_squeeze %dma_start3A_129 : memref<1x128xi32, #tpu.memory_space<vmem>> -> memref<128xi32, #tpu.memory_space<vmem>>
      %dma_start3A_131 = arith.constant 0 : i32
      %dma_start3A_132 = arith.constant 0 : i32
      %dma_start3A_133 = tpu.memref_slice %arg12[%dma_start3A_131, %dma_start3A_132] : memref<10016x16xf32, #tpu.memory_space<vmem_shared>> -> memref<10016x16xf32, #tpu.memory_space<vmem_shared>>
      tpu.enqueue_indirect_dma source(%arg20 : memref<128x16xf32, #tpu.memory_space<vmem>>) target(%dma_start3A_133 : memref<10016x16xf32, #tpu.memory_space<vmem_shared>>) offsets(%dma_start3A_130 : memref<128xi32, #tpu.memory_space<vmem>>) semaphore(%arg36 : memref<!tpu.dma_semaphore, #tpu.memory_space<semaphore_mem>>) {add = true}
      %dma_wait3A_134 = arith.constant 0 : i32
      %dma_wait3A_135 = tpu.memref_slice %arg9[%add3A_54, %dma_wait3A_134] : memref<80x128xi32, #tpu.memory_space<vmem>> -> memref<1x128xi32, #tpu.memory_space<vmem>>
      %dma_wait3A_136 = tpu.memref_squeeze %dma_wait3A_135 : memref<1x128xi32, #tpu.memory_space<vmem>> -> memref<128xi32, #tpu.memory_space<vmem>>
      %dma_wait3A_137 = arith.constant 0 : i32
      %dma_wait3A_138 = arith.constant 0 : i32
      %dma_wait3A_139 = tpu.memref_slice %arg8[%dma_wait3A_137, %dma_wait3A_138] : memref<10000x16xf32, #tpu.memory_space<hbm>> -> memref<10000x16xf32, #tpu.memory_space<hbm>>
      tpu.wait_indirect_dma semaphore(%arg29 : memref<!tpu.dma_semaphore, #tpu.memory_space<semaphore_mem>>) src(%dma_wait3A_139 : memref<10000x16xf32, #tpu.memory_space<hbm>>) dst(%arg21 : memref<128x16xf32, #tpu.memory_space<vmem>>)
      %add3A_140 = arith.constant 3 : i32
      %add3A_141 = arith.addi %mul3A_29, %add3A_140 : i32
      %dma_start3A_142 = arith.constant 0 : i32
      %dma_start3A_143 = tpu.memref_slice %arg10[%add3A_141, %dma_start3A_142] : memref<80x128xi32, #tpu.memory_space<vmem>> -> memref<1x128xi32, #tpu.memory_space<vmem>>
      %dma_start3A_144 = tpu.memref_squeeze %dma_start3A_143 : memref<1x128xi32, #tpu.memory_space<vmem>> -> memref<128xi32, #tpu.memory_space<vmem>>
      %dma_start3A_145 = arith.constant 0 : i32
      %dma_start3A_146 = arith.constant 0 : i32
      %dma_start3A_147 = tpu.memref_slice %arg12[%dma_start3A_145, %dma_start3A_146] : memref<10016x16xf32, #tpu.memory_space<vmem_shared>> -> memref<10016x16xf32, #tpu.memory_space<vmem_shared>>
      tpu.enqueue_indirect_dma source(%arg21 : memref<128x16xf32, #tpu.memory_space<vmem>>) target(%dma_start3A_147 : memref<10016x16xf32, #tpu.memory_space<vmem_shared>>) offsets(%dma_start3A_144 : memref<128xi32, #tpu.memory_space<vmem>>) semaphore(%arg37 : memref<!tpu.dma_semaphore, #tpu.memory_space<semaphore_mem>>) {add = true}
      %dma_wait3A_148 = arith.constant 0 : i32
      %dma_wait3A_149 = tpu.memref_slice %arg9[%add3A_62, %dma_wait3A_148] : memref<80x128xi32, #tpu.memory_space<vmem>> -> memref<1x128xi32, #tpu.memory_space<vmem>>
      %dma_wait3A_150 = tpu.memref_squeeze %dma_wait3A_149 : memref<1x128xi32, #tpu.memory_space<vmem>> -> memref<128xi32, #tpu.memory_space<vmem>>
      %dma_wait3A_151 = arith.constant 0 : i32
      %dma_wait3A_152 = arith.constant 0 : i32
      %dma_wait3A_153 = tpu.memref_slice %arg8[%dma_wait3A_151, %dma_wait3A_152] : memref<10000x16xf32, #tpu.memory_space<hbm>> -> memref<10000x16xf32, #tpu.memory_space<hbm>>
      tpu.wait_indirect_dma semaphore(%arg30 : memref<!tpu.dma_semaphore, #tpu.memory_space<semaphore_mem>>) src(%dma_wait3A_153 : memref<10000x16xf32, #tpu.memory_space<hbm>>) dst(%arg22 : memref<128x16xf32, #tpu.memory_space<vmem>>)
      %add3A_154 = arith.constant 4 : i32
      %add3A_155 = arith.addi %mul3A_29, %add3A_154 : i32
      %dma_start3A_156 = arith.constant 0 : i32
      %dma_start3A_157 = tpu.memref_slice %arg10[%add3A_155, %dma_start3A_156] : memref<80x128xi32, #tpu.memory_space<vmem>> -> memref<1x128xi32, #tpu.memory_space<vmem>>
      %dma_start3A_158 = tpu.memref_squeeze %dma_start3A_157 : memref<1x128xi32, #tpu.memory_space<vmem>> -> memref<128xi32, #tpu.memory_space<vmem>>
      %dma_start3A_159 = arith.constant 0 : i32
      %dma_start3A_160 = arith.constant 0 : i32
      %dma_start3A_161 = tpu.memref_slice %arg12[%dma_start3A_159, %dma_start3A_160] : memref<10016x16xf32, #tpu.memory_space<vmem_shared>> -> memref<10016x16xf32, #tpu.memory_space<vmem_shared>>
      tpu.enqueue_indirect_dma source(%arg22 : memref<128x16xf32, #tpu.memory_space<vmem>>) target(%dma_start3A_161 : memref<10016x16xf32, #tpu.memory_space<vmem_shared>>) offsets(%dma_start3A_158 : memref<128xi32, #tpu.memory_space<vmem>>) semaphore(%arg38 : memref<!tpu.dma_semaphore, #tpu.memory_space<semaphore_mem>>) {add = true}
      %dma_wait3A_162 = arith.constant 0 : i32
      %dma_wait3A_163 = tpu.memref_slice %arg9[%add3A_70, %dma_wait3A_162] : memref<80x128xi32, #tpu.memory_space<vmem>> -> memref<1x128xi32, #tpu.memory_space<vmem>>
      %dma_wait3A_164 = tpu.memref_squeeze %dma_wait3A_163 : memref<1x128xi32, #tpu.memory_space<vmem>> -> memref<128xi32, #tpu.memory_space<vmem>>
      %dma_wait3A_165 = arith.constant 0 : i32
      %dma_wait3A_166 = arith.constant 0 : i32
      %dma_wait3A_167 = tpu.memref_slice %arg8[%dma_wait3A_165, %dma_wait3A_166] : memref<10000x16xf32, #tpu.memory_space<hbm>> -> memref<10000x16xf32, #tpu.memory_space<hbm>>
      tpu.wait_indirect_dma semaphore(%arg31 : memref<!tpu.dma_semaphore, #tpu.memory_space<semaphore_mem>>) src(%dma_wait3A_167 : memref<10000x16xf32, #tpu.memory_space<hbm>>) dst(%arg23 : memref<128x16xf32, #tpu.memory_space<vmem>>)
      %add3A_168 = arith.constant 5 : i32
      %add3A_169 = arith.addi %mul3A_29, %add3A_168 : i32
      %dma_start3A_170 = arith.constant 0 : i32
      %dma_start3A_171 = tpu.memref_slice %arg10[%add3A_169, %dma_start3A_170] : memref<80x128xi32, #tpu.memory_space<vmem>> -> memref<1x128xi32, #tpu.memory_space<vmem>>
      %dma_start3A_172 = tpu.memref_squeeze %dma_start3A_171 : memref<1x128xi32, #tpu.memory_space<vmem>> -> memref<128xi32, #tpu.memory_space<vmem>>
      %dma_start3A_173 = arith.constant 0 : i32
      %dma_start3A_174 = arith.constant 0 : i32
      %dma_start3A_175 = tpu.memref_slice %arg12[%dma_start3A_173, %dma_start3A_174] : memref<10016x16xf32, #tpu.memory_space<vmem_shared>> -> memref<10016x16xf32, #tpu.memory_space<vmem_shared>>
      tpu.enqueue_indirect_dma source(%arg23 : memref<128x16xf32, #tpu.memory_space<vmem>>) target(%dma_start3A_175 : memref<10016x16xf32, #tpu.memory_space<vmem_shared>>) offsets(%dma_start3A_172 : memref<128xi32, #tpu.memory_space<vmem>>) semaphore(%arg39 : memref<!tpu.dma_semaphore, #tpu.memory_space<semaphore_mem>>) {add = true}
      %dma_wait3A_176 = arith.constant 0 : i32
      %dma_wait3A_177 = tpu.memref_slice %arg9[%add3A_78, %dma_wait3A_176] : memref<80x128xi32, #tpu.memory_space<vmem>> -> memref<1x128xi32, #tpu.memory_space<vmem>>
      %dma_wait3A_178 = tpu.memref_squeeze %dma_wait3A_177 : memref<1x128xi32, #tpu.memory_space<vmem>> -> memref<128xi32, #tpu.memory_space<vmem>>
      %dma_wait3A_179 = arith.constant 0 : i32
      %dma_wait3A_180 = arith.constant 0 : i32
      %dma_wait3A_181 = tpu.memref_slice %arg8[%dma_wait3A_179, %dma_wait3A_180] : memref<10000x16xf32, #tpu.memory_space<hbm>> -> memref<10000x16xf32, #tpu.memory_space<hbm>>
      tpu.wait_indirect_dma semaphore(%arg32 : memref<!tpu.dma_semaphore, #tpu.memory_space<semaphore_mem>>) src(%dma_wait3A_181 : memref<10000x16xf32, #tpu.memory_space<hbm>>) dst(%arg24 : memref<128x16xf32, #tpu.memory_space<vmem>>)
      %add3A_182 = arith.constant 6 : i32
      %add3A_183 = arith.addi %mul3A_29, %add3A_182 : i32
      %dma_start3A_184 = arith.constant 0 : i32
      %dma_start3A_185 = tpu.memref_slice %arg10[%add3A_183, %dma_start3A_184] : memref<80x128xi32, #tpu.memory_space<vmem>> -> memref<1x128xi32, #tpu.memory_space<vmem>>
      %dma_start3A_186 = tpu.memref_squeeze %dma_start3A_185 : memref<1x128xi32, #tpu.memory_space<vmem>> -> memref<128xi32, #tpu.memory_space<vmem>>
      %dma_start3A_187 = arith.constant 0 : i32
      %dma_start3A_188 = arith.constant 0 : i32
      %dma_start3A_189 = tpu.memref_slice %arg12[%dma_start3A_187, %dma_start3A_188] : memref<10016x16xf32, #tpu.memory_space<vmem_shared>> -> memref<10016x16xf32, #tpu.memory_space<vmem_shared>>
      tpu.enqueue_indirect_dma source(%arg24 : memref<128x16xf32, #tpu.memory_space<vmem>>) target(%dma_start3A_189 : memref<10016x16xf32, #tpu.memory_space<vmem_shared>>) offsets(%dma_start3A_186 : memref<128xi32, #tpu.memory_space<vmem>>) semaphore(%arg40 : memref<!tpu.dma_semaphore, #tpu.memory_space<semaphore_mem>>) {add = true}
      %dma_wait3A_190 = arith.constant 0 : i32
      %dma_wait3A_191 = tpu.memref_slice %arg9[%add3A_86, %dma_wait3A_190] : memref<80x128xi32, #tpu.memory_space<vmem>> -> memref<1x128xi32, #tpu.memory_space<vmem>>
      %dma_wait3A_192 = tpu.memref_squeeze %dma_wait3A_191 : memref<1x128xi32, #tpu.memory_space<vmem>> -> memref<128xi32, #tpu.memory_space<vmem>>
      %dma_wait3A_193 = arith.constant 0 : i32
      %dma_wait3A_194 = arith.constant 0 : i32
      %dma_wait3A_195 = tpu.memref_slice %arg8[%dma_wait3A_193, %dma_wait3A_194] : memref<10000x16xf32, #tpu.memory_space<hbm>> -> memref<10000x16xf32, #tpu.memory_space<hbm>>
      tpu.wait_indirect_dma semaphore(%arg33 : memref<!tpu.dma_semaphore, #tpu.memory_space<semaphore_mem>>) src(%dma_wait3A_195 : memref<10000x16xf32, #tpu.memory_space<hbm>>) dst(%arg25 : memref<128x16xf32, #tpu.memory_space<vmem>>)
      %add3A_196 = arith.constant 7 : i32
      %add3A_197 = arith.addi %mul3A_29, %add3A_196 : i32
      %dma_start3A_198 = arith.constant 0 : i32
      %dma_start3A_199 = tpu.memref_slice %arg10[%add3A_197, %dma_start3A_198] : memref<80x128xi32, #tpu.memory_space<vmem>> -> memref<1x128xi32, #tpu.memory_space<vmem>>
      %dma_start3A_200 = tpu.memref_squeeze %dma_start3A_199 : memref<1x128xi32, #tpu.memory_space<vmem>> -> memref<128xi32, #tpu.memory_space<vmem>>
      %dma_start3A_201 = arith.constant 0 : i32
      %dma_start3A_202 = arith.constant 0 : i32
      %dma_start3A_203 = tpu.memref_slice %arg12[%dma_start3A_201, %dma_start3A_202] : memref<10016x16xf32, #tpu.memory_space<vmem_shared>> -> memref<10016x16xf32, #tpu.memory_space<vmem_shared>>
      tpu.enqueue_indirect_dma source(%arg25 : memref<128x16xf32, #tpu.memory_space<vmem>>) target(%dma_start3A_203 : memref<10016x16xf32, #tpu.memory_space<vmem_shared>>) offsets(%dma_start3A_200 : memref<128xi32, #tpu.memory_space<vmem>>) semaphore(%arg41 : memref<!tpu.dma_semaphore, #tpu.memory_space<semaphore_mem>>) {add = true}
      %dma_wait3A_204 = arith.constant 0 : i32
      %dma_wait3A_205 = tpu.memref_slice %arg10[%add3A_99, %dma_wait3A_204] : memref<80x128xi32, #tpu.memory_space<vmem>> -> memref<1x128xi32, #tpu.memory_space<vmem>>
      %dma_wait3A_206 = tpu.memref_squeeze %dma_wait3A_205 : memref<1x128xi32, #tpu.memory_space<vmem>> -> memref<128xi32, #tpu.memory_space<vmem>>
      %dma_wait3A_207 = arith.constant 0 : i32
      %dma_wait3A_208 = arith.constant 0 : i32
      %dma_wait3A_209 = tpu.memref_slice %arg12[%dma_wait3A_207, %dma_wait3A_208] : memref<10016x16xf32, #tpu.memory_space<vmem_shared>> -> memref<10016x16xf32, #tpu.memory_space<vmem_shared>>
      tpu.wait_indirect_dma semaphore(%arg34 : memref<!tpu.dma_semaphore, #tpu.memory_space<semaphore_mem>>) src(%arg18 : memref<128x16xf32, #tpu.memory_space<vmem>>) dst(%dma_wait3A_209 : memref<10016x16xf32, #tpu.memory_space<vmem_shared>>)
      %dma_wait3A_210 = arith.constant 0 : i32
      %dma_wait3A_211 = tpu.memref_slice %arg10[%add3A_113, %dma_wait3A_210] : memref<80x128xi32, #tpu.memory_space<vmem>> -> memref<1x128xi32, #tpu.memory_space<vmem>>
      %dma_wait3A_212 = tpu.memref_squeeze %dma_wait3A_211 : memref<1x128xi32, #tpu.memory_space<vmem>> -> memref<128xi32, #tpu.memory_space<vmem>>
      %dma_wait3A_213 = arith.constant 0 : i32
      %dma_wait3A_214 = arith.constant 0 : i32
      %dma_wait3A_215 = tpu.memref_slice %arg12[%dma_wait3A_213, %dma_wait3A_214] : memref<10016x16xf32, #tpu.memory_space<vmem_shared>> -> memref<10016x16xf32, #tpu.memory_space<vmem_shared>>
      tpu.wait_indirect_dma semaphore(%arg35 : memref<!tpu.dma_semaphore, #tpu.memory_space<semaphore_mem>>) src(%arg19 : memref<128x16xf32, #tpu.memory_space<vmem>>) dst(%dma_wait3A_215 : memref<10016x16xf32, #tpu.memory_space<vmem_shared>>)
      %dma_wait3A_216 = arith.constant 0 : i32
      %dma_wait3A_217 = tpu.memref_slice %arg10[%add3A_127, %dma_wait3A_216] : memref<80x128xi32, #tpu.memory_space<vmem>> -> memref<1x128xi32, #tpu.memory_space<vmem>>
      %dma_wait3A_218 = tpu.memref_squeeze %dma_wait3A_217 : memref<1x128xi32, #tpu.memory_space<vmem>> -> memref<128xi32, #tpu.memory_space<vmem>>
      %dma_wait3A_219 = arith.constant 0 : i32
      %dma_wait3A_220 = arith.constant 0 : i32
      %dma_wait3A_221 = tpu.memref_slice %arg12[%dma_wait3A_219, %dma_wait3A_220] : memref<10016x16xf32, #tpu.memory_space<vmem_shared>> -> memref<10016x16xf32, #tpu.memory_space<vmem_shared>>
      tpu.wait_indirect_dma semaphore(%arg36 : memref<!tpu.dma_semaphore, #tpu.memory_space<semaphore_mem>>) src(%arg20 : memref<128x16xf32, #tpu.memory_space<vmem>>) dst(%dma_wait3A_221 : memref<10016x16xf32, #tpu.memory_space<vmem_shared>>)
      %dma_wait3A_222 = arith.constant 0 : i32
      %dma_wait3A_223 = tpu.memref_slice %arg10[%add3A_141, %dma_wait3A_222] : memref<80x128xi32, #tpu.memory_space<vmem>> -> memref<1x128xi32, #tpu.memory_space<vmem>>
      %dma_wait3A_224 = tpu.memref_squeeze %dma_wait3A_223 : memref<1x128xi32, #tpu.memory_space<vmem>> -> memref<128xi32, #tpu.memory_space<vmem>>
      %dma_wait3A_225 = arith.constant 0 : i32
      %dma_wait3A_226 = arith.constant 0 : i32
      %dma_wait3A_227 = tpu.memref_slice %arg12[%dma_wait3A_225, %dma_wait3A_226] : memref<10016x16xf32, #tpu.memory_space<vmem_shared>> -> memref<10016x16xf32, #tpu.memory_space<vmem_shared>>
      tpu.wait_indirect_dma semaphore(%arg37 : memref<!tpu.dma_semaphore, #tpu.memory_space<semaphore_mem>>) src(%arg21 : memref<128x16xf32, #tpu.memory_space<vmem>>) dst(%dma_wait3A_227 : memref<10016x16xf32, #tpu.memory_space<vmem_shared>>)
      %dma_wait3A_228 = arith.constant 0 : i32
      %dma_wait3A_229 = tpu.memref_slice %arg10[%add3A_155, %dma_wait3A_228] : memref<80x128xi32, #tpu.memory_space<vmem>> -> memref<1x128xi32, #tpu.memory_space<vmem>>
      %dma_wait3A_230 = tpu.memref_squeeze %dma_wait3A_229 : memref<1x128xi32, #tpu.memory_space<vmem>> -> memref<128xi32, #tpu.memory_space<vmem>>
      %dma_wait3A_231 = arith.constant 0 : i32
      %dma_wait3A_232 = arith.constant 0 : i32
      %dma_wait3A_233 = tpu.memref_slice %arg12[%dma_wait3A_231, %dma_wait3A_232] : memref<10016x16xf32, #tpu.memory_space<vmem_shared>> -> memref<10016x16xf32, #tpu.memory_space<vmem_shared>>
      tpu.wait_indirect_dma semaphore(%arg38 : memref<!tpu.dma_semaphore, #tpu.memory_space<semaphore_mem>>) src(%arg22 : memref<128x16xf32, #tpu.memory_space<vmem>>) dst(%dma_wait3A_233 : memref<10016x16xf32, #tpu.memory_space<vmem_shared>>)
      %dma_wait3A_234 = arith.constant 0 : i32
      %dma_wait3A_235 = tpu.memref_slice %arg10[%add3A_169, %dma_wait3A_234] : memref<80x128xi32, #tpu.memory_space<vmem>> -> memref<1x128xi32, #tpu.memory_space<vmem>>
      %dma_wait3A_236 = tpu.memref_squeeze %dma_wait3A_235 : memref<1x128xi32, #tpu.memory_space<vmem>> -> memref<128xi32, #tpu.memory_space<vmem>>
      %dma_wait3A_237 = arith.constant 0 : i32
      %dma_wait3A_238 = arith.constant 0 : i32
      %dma_wait3A_239 = tpu.memref_slice %arg12[%dma_wait3A_237, %dma_wait3A_238] : memref<10016x16xf32, #tpu.memory_space<vmem_shared>> -> memref<10016x16xf32, #tpu.memory_space<vmem_shared>>
      tpu.wait_indirect_dma semaphore(%arg39 : memref<!tpu.dma_semaphore, #tpu.memory_space<semaphore_mem>>) src(%arg23 : memref<128x16xf32, #tpu.memory_space<vmem>>) dst(%dma_wait3A_239 : memref<10016x16xf32, #tpu.memory_space<vmem_shared>>)
      %dma_wait3A_240 = arith.constant 0 : i32
      %dma_wait3A_241 = tpu.memref_slice %arg10[%add3A_183, %dma_wait3A_240] : memref<80x128xi32, #tpu.memory_space<vmem>> -> memref<1x128xi32, #tpu.memory_space<vmem>>
      %dma_wait3A_242 = tpu.memref_squeeze %dma_wait3A_241 : memref<1x128xi32, #tpu.memory_space<vmem>> -> memref<128xi32, #tpu.memory_space<vmem>>
      %dma_wait3A_243 = arith.constant 0 : i32
      %dma_wait3A_244 = arith.constant 0 : i32
      %dma_wait3A_245 = tpu.memref_slice %arg12[%dma_wait3A_243, %dma_wait3A_244] : memref<10016x16xf32, #tpu.memory_space<vmem_shared>> -> memref<10016x16xf32, #tpu.memory_space<vmem_shared>>
      tpu.wait_indirect_dma semaphore(%arg40 : memref<!tpu.dma_semaphore, #tpu.memory_space<semaphore_mem>>) src(%arg24 : memref<128x16xf32, #tpu.memory_space<vmem>>) dst(%dma_wait3A_245 : memref<10016x16xf32, #tpu.memory_space<vmem_shared>>)
      %dma_wait3A_246 = arith.constant 0 : i32
      %dma_wait3A_247 = tpu.memref_slice %arg10[%add3A_197, %dma_wait3A_246] : memref<80x128xi32, #tpu.memory_space<vmem>> -> memref<1x128xi32, #tpu.memory_space<vmem>>
      %dma_wait3A_248 = tpu.memref_squeeze %dma_wait3A_247 : memref<1x128xi32, #tpu.memory_space<vmem>> -> memref<128xi32, #tpu.memory_space<vmem>>
      %dma_wait3A_249 = arith.constant 0 : i32
      %dma_wait3A_250 = arith.constant 0 : i32
      %dma_wait3A_251 = tpu.memref_slice %arg12[%dma_wait3A_249, %dma_wait3A_250] : memref<10016x16xf32, #tpu.memory_space<vmem_shared>> -> memref<10016x16xf32, #tpu.memory_space<vmem_shared>>
      tpu.wait_indirect_dma semaphore(%arg41 : memref<!tpu.dma_semaphore, #tpu.memory_space<semaphore_mem>>) src(%arg25 : memref<128x16xf32, #tpu.memory_space<vmem>>) dst(%dma_wait3A_251 : memref<10016x16xf32, #tpu.memory_space<vmem_shared>>)
    }
    %scan3A_20 = arith.constant 10 : i32
    %barrier3A_21 = arith.constant 0 : index
    tpu.barrier barrier_id(%barrier3A_21)
    %lt3A_22 = arith.constant 10 : i32
    %lt3A_23 = arith.cmpi slt, %arg1, %lt3A_22 : i32
    %convert_element_type3A_24 = arith.extui %lt3A_23 : i1 to i32
    %cond3A_25 = arith.constant 0 : i32
    %cond3A_26 = arith.cmpi ne, %convert_element_type3A_24, %cond3A_25 : i32
    scf.if %cond3A_26 {
      %mul3A_27 = arith.constant 1000 : i32
      %mul3A_28 = arith.muli %arg1, %mul3A_27 : i32
      "tpu.region"() ({
        %run_scoped3A = tpu.sem_alloc : memref<!tpu.dma_semaphore, #tpu.memory_space<semaphore_mem>>
        %dma_start3A = arith.constant 0 : i32
        %dma_start3A_41 = tpu.memref_slice %arg12[%mul3A_28, %dma_start3A] : memref<10016x16xf32, #tpu.memory_space<vmem_shared>> -> memref<1000x16xf32, #tpu.memory_space<vmem_shared>>
        %dma_start3A_42 = arith.constant 0 : i32
        %dma_start3A_43 = tpu.memref_slice %arg12[%mul3A_28, %dma_start3A_42] : memref<10016x16xf32, #tpu.memory_space<vmem_shared>> -> memref<1000x16xf32, #tpu.memory_space<vmem_shared>>
        tpu.enqueue_dma source(%dma_start3A_43 : memref<1000x16xf32, #tpu.memory_space<vmem_shared>>) target(%arg11 : memref<1000x16xf32, #tpu.memory_space<vmem>>) target_semaphore(%run_scoped3A : memref<!tpu.dma_semaphore, #tpu.memory_space<semaphore_mem>>)
        %dma_wait3A = arith.constant 0 : i32
        %dma_wait3A_44 = tpu.memref_slice %arg12[%mul3A_28, %dma_wait3A] : memref<10016x16xf32, #tpu.memory_space<vmem_shared>> -> memref<1000x16xf32, #tpu.memory_space<vmem_shared>>
        %dma_wait3A_45 = arith.constant 0 : i32
        %dma_wait3A_46 = tpu.memref_slice %arg12[%mul3A_28, %dma_wait3A_45] : memref<10016x16xf32, #tpu.memory_space<vmem_shared>> -> memref<1000x16xf32, #tpu.memory_space<vmem_shared>>
        tpu.wait_dma2 semaphore(%run_scoped3A : memref<!tpu.dma_semaphore, #tpu.memory_space<semaphore_mem>>) src(%dma_wait3A_46 : memref<1000x16xf32, #tpu.memory_space<vmem_shared>>) dst(%arg11 : memref<1000x16xf32, #tpu.memory_space<vmem>>)
        tpu.yield
      }) : () -> ()
      %eq3A_29 = arith.constant 0 : i32
      %eq3A_30 = arith.cmpi eq, %arg0, %eq3A_29 : i32
      %convert_element_type3A_31 = arith.extui %eq3A_30 : i1 to i32
      %convert_element_type3A_32 = arith.sitofp %convert_element_type3A_31 : i32 to f32
      %broadcast_in_dim3A = vector.broadcast %convert_element_type3A_32 : f32 to vector<16xf32>
      %scan3A_33 = arith.constant 0 : i32
      %scan3A_34 = arith.constant 0 : i32
      %scan3A_35 = arith.constant 1000 : i32
      %scan3A_36 = arith.addi %scan3A_34, %scan3A_35 : i32
      %scan3A_37 = arith.constant 1 : i32
      scf.for %scan3A_41 = %scan3A_34 to %scan3A_36 step %scan3A_37  : i32 {
        %broadcast_in_dim3A_42 = vector.broadcast %scan3A_41 : i32 to vector<16xi32>
        %gather3A = tpu.vector_load_idx %arg15[%broadcast_in_dim3A_42] : memref<1008xf32, #tpu.memory_space<vmem>>[vector<16xi32>], vector<16xf32>,
        %gather3A_43 = tpu.vector_load_idx %arg11[%broadcast_in_dim3A_42, %iota3A] : memref<1000x16xf32, #tpu.memory_space<vmem>>[vector<16xi32>, vector<16xi32>], vector<16xf32>,
        %gather3A_44 = tpu.vector_load_idx %arg17[%broadcast_in_dim3A_42, %iota3A] : memref<1000x16xf32, #tpu.memory_space<vmem>>[vector<16xi32>, vector<16xi32>], vector<16xf32>,
        %mul3A_45 = arith.mulf %gather3A_44, %broadcast_in_dim3A : vector<16xf32>
        %add3A_46 = arith.addf %gather3A_43, %mul3A_45 : vector<16xf32>
        %mul3A_47 = arith.mulf %add3A_46, %gather3A : vector<16xf32>
        tpu.vector_store_idx %arg11[%broadcast_in_dim3A_42, %iota3A], %mul3A_47 : memref<1000x16xf32, #tpu.memory_space<vmem>>[vector<16xi32>, vector<16xi32>], vector<16xf32>,
      }
      %scan3A_38 = arith.constant 1000 : i32
      %mul3A_39 = arith.constant 1000 : i32
      %mul3A_40 = arith.muli %arg1, %mul3A_39 : i32
      "tpu.region"() ({
        %run_scoped3A = tpu.sem_alloc : memref<!tpu.dma_semaphore, #tpu.memory_space<semaphore_mem>>
        %dma_start3A = arith.constant 0 : i32
        %dma_start3A_41 = arith.constant 0 : i32
        %dma_start3A_42 = tpu.memref_slice %arg7[%arg0, %dma_start3A, %dma_start3A_41] : memref<2x10000x16xf32, #tpu.memory_space<hbm>> -> memref<1x10000x16xf32, #tpu.memory_space<hbm>>
        %dma_start3A_43 = tpu.memref_squeeze %dma_start3A_42 : memref<1x10000x16xf32, #tpu.memory_space<hbm>> -> memref<10000x16xf32, #tpu.memory_space<hbm>>
        %dma_start3A_44 = arith.constant 0 : i32
        %dma_start3A_45 = tpu.memref_slice %dma_start3A_43[%mul3A_40, %dma_start3A_44] : memref<10000x16xf32, #tpu.memory_space<hbm>> -> memref<1000x16xf32, #tpu.memory_space<hbm>>
        %dma_start3A_46 = arith.constant 0 : i32
        %dma_start3A_47 = arith.constant 0 : i32
        %dma_start3A_48 = tpu.memref_slice %arg7[%arg0, %dma_start3A_46, %dma_start3A_47] : memref<2x10000x16xf32, #tpu.memory_space<hbm>> -> memref<1x10000x16xf32, #tpu.memory_space<hbm>>
        %dma_start3A_49 = tpu.memref_squeeze %dma_start3A_48 : memref<1x10000x16xf32, #tpu.memory_space<hbm>> -> memref<10000x16xf32, #tpu.memory_space<hbm>>
        %dma_start3A_50 = arith.constant 0 : i32
        %dma_start3A_51 = tpu.memref_slice %dma_start3A_49[%mul3A_40, %dma_start3A_50] : memref<10000x16xf32, #tpu.memory_space<hbm>> -> memref<1000x16xf32, #tpu.memory_space<hbm>>
        tpu.enqueue_dma source(%arg11 : memref<1000x16xf32, #tpu.memory_space<vmem>>) target(%dma_start3A_51 : memref<1000x16xf32, #tpu.memory_space<hbm>>) target_semaphore(%run_scoped3A : memref<!tpu.dma_semaphore, #tpu.memory_space<semaphore_mem>>)
        %dma_wait3A = arith.constant 0 : i32
        %dma_wait3A_52 = arith.constant 0 : i32
        %dma_wait3A_53 = tpu.memref_slice %arg7[%arg0, %dma_wait3A, %dma_wait3A_52] : memref<2x10000x16xf32, #tpu.memory_space<hbm>> -> memref<1x10000x16xf32, #tpu.memory_space<hbm>>
        %dma_wait3A_54 = tpu.memref_squeeze %dma_wait3A_53 : memref<1x10000x16xf32, #tpu.memory_space<hbm>> -> memref<10000x16xf32, #tpu.memory_space<hbm>>
        %dma_wait3A_55 = arith.constant 0 : i32
        %dma_wait3A_56 = tpu.memref_slice %dma_wait3A_54[%mul3A_40, %dma_wait3A_55] : memref<10000x16xf32, #tpu.memory_space<hbm>> -> memref<1000x16xf32, #tpu.memory_space<hbm>>
        %dma_wait3A_57 = arith.constant 0 : i32
        %dma_wait3A_58 = arith.constant 0 : i32
        %dma_wait3A_59 = tpu.memref_slice %arg7[%arg0, %dma_wait3A_57, %dma_wait3A_58] : memref<2x10000x16xf32, #tpu.memory_space<hbm>> -> memref<1x10000x16xf32, #tpu.memory_space<hbm>>
        %dma_wait3A_60 = tpu.memref_squeeze %dma_wait3A_59 : memref<1x10000x16xf32, #tpu.memory_space<hbm>> -> memref<10000x16xf32, #tpu.memory_space<hbm>>
        %dma_wait3A_61 = arith.constant 0 : i32
        %dma_wait3A_62 = tpu.memref_slice %dma_wait3A_60[%mul3A_40, %dma_wait3A_61] : memref<10000x16xf32, #tpu.memory_space<hbm>> -> memref<1000x16xf32, #tpu.memory_space<hbm>>
        tpu.wait_dma2 semaphore(%run_scoped3A : memref<!tpu.dma_semaphore, #tpu.memory_space<semaphore_mem>>) src(%arg11 : memref<1000x16xf32, #tpu.memory_space<vmem>>) dst(%dma_wait3A_62 : memref<1000x16xf32, #tpu.memory_space<hbm>>)
        tpu.yield
      }) : () -> ()
    } else {
    }
    return
  }
}

#map = affine_map<(d0, d1) -> (0, 0)>
#map1 = affine_map<(d0, d1) -> (0)>
#map2 = affine_map<(d0, d1) -> (0, 0, 0)>
module attributes {stable_mosaic.version = 14 : i64} {
  func.func @_sc_deg_body(%arg0: i32, %arg1: i32, %arg2: memref<2560x128xi32, #tpu.memory_space<hbm>>, %arg3: memref<1000xf32, #tpu.memory_space<hbm>>, %arg4: memref<2x10x1000xf32, #tpu.memory_space<hbm>>, %arg5: memref<80x128xi32, #tpu.memory_space<vmem>>, %arg6: memref<128xf32, #tpu.memory_space<vmem>>, %arg7: memref<1000xf32, #tpu.memory_space<vmem>>, %arg8: memref<10016xf32, #tpu.memory_space<vmem_shared>>, %arg9: memref<!tpu.dma_semaphore, #tpu.memory_space<semaphore_mem>>, %arg10: memref<!tpu.dma_semaphore, #tpu.memory_space<semaphore_mem>>, %arg11: memref<!tpu.dma_semaphore, #tpu.memory_space<semaphore_mem>>, %arg12: memref<!tpu.dma_semaphore, #tpu.memory_space<semaphore_mem>>, %arg13: memref<!tpu.dma_semaphore, #tpu.memory_space<semaphore_mem>>, %arg14: memref<!tpu.dma_semaphore, #tpu.memory_space<semaphore_mem>>, %arg15: memref<!tpu.dma_semaphore, #tpu.memory_space<semaphore_mem>>, %arg16: memref<!tpu.dma_semaphore, #tpu.memory_space<semaphore_mem>>) attributes {dimension_semantics = [#tpu.dimension_semantics<core_parallel>, #tpu.dimension_semantics<subcore_parallel>], iteration_bounds = array<i64: 2, 16>, scalar_prefetch = 0 : i64, scratch_operands = 12 : i64, tpu.core_type = #tpu.core_type<sc_vector_subcore>, window_params = [{transform_indices = #map}, {transform_indices = #map1}, {transform_indices = #map2}]} {
    %mul3A = arith.constant 2 : i32
    %mul3A_0 = arith.muli %arg1, %mul3A : i32
    %add3A = arith.addi %mul3A_0, %arg0 : i32
    %lt3A = arith.constant 10 : i32
    %lt3A_1 = arith.cmpi slt, %arg1, %lt3A : i32
    %convert_element_type3A = arith.extui %lt3A_1 : i1 to i32
    %cond3A = arith.constant 0 : i32
    %cond3A_2 = arith.cmpi ne, %convert_element_type3A, %cond3A : i32
    scf.if %cond3A_2 {
      "tpu.region"() ({
        %run_scoped3A = tpu.sem_alloc : memref<!tpu.dma_semaphore, #tpu.memory_space<semaphore_mem>>
        tpu.enqueue_dma source(%arg3 : memref<1000xf32, #tpu.memory_space<hbm>>) target(%arg7 : memref<1000xf32, #tpu.memory_space<vmem>>) target_semaphore(%run_scoped3A : memref<!tpu.dma_semaphore, #tpu.memory_space<semaphore_mem>>)
        tpu.wait_dma2 semaphore(%run_scoped3A : memref<!tpu.dma_semaphore, #tpu.memory_space<semaphore_mem>>) src(%arg3 : memref<1000xf32, #tpu.memory_space<hbm>>) dst(%arg7 : memref<1000xf32, #tpu.memory_space<vmem>>)
        tpu.yield
      }) : () -> ()
      %mul3A_50 = arith.constant 1000 : i32
      %mul3A_51 = arith.muli %arg1, %mul3A_50 : i32
      "tpu.region"() ({
        %run_scoped3A = tpu.sem_alloc : memref<!tpu.dma_semaphore, #tpu.memory_space<semaphore_mem>>
        %dma_start3A = tpu.memref_slice %arg8[%mul3A_51] : memref<10016xf32, #tpu.memory_space<vmem_shared>> -> memref<1000xf32, #tpu.memory_space<vmem_shared>>
        %dma_start3A_52 = tpu.memref_slice %arg8[%mul3A_51] : memref<10016xf32, #tpu.memory_space<vmem_shared>> -> memref<1000xf32, #tpu.memory_space<vmem_shared>>
        tpu.enqueue_dma source(%arg7 : memref<1000xf32, #tpu.memory_space<vmem>>) target(%dma_start3A_52 : memref<1000xf32, #tpu.memory_space<vmem_shared>>) target_semaphore(%run_scoped3A : memref<!tpu.dma_semaphore, #tpu.memory_space<semaphore_mem>>)
        %dma_wait3A = tpu.memref_slice %arg8[%mul3A_51] : memref<10016xf32, #tpu.memory_space<vmem_shared>> -> memref<1000xf32, #tpu.memory_space<vmem_shared>>
        %dma_wait3A_53 = tpu.memref_slice %arg8[%mul3A_51] : memref<10016xf32, #tpu.memory_space<vmem_shared>> -> memref<1000xf32, #tpu.memory_space<vmem_shared>>
        tpu.wait_dma2 semaphore(%run_scoped3A : memref<!tpu.dma_semaphore, #tpu.memory_space<semaphore_mem>>) src(%arg7 : memref<1000xf32, #tpu.memory_space<vmem>>) dst(%dma_wait3A_53 : memref<1000xf32, #tpu.memory_space<vmem_shared>>)
        tpu.yield
      }) : () -> ()
    } else {
    }
    %eq3A = arith.constant 10 : i32
    %eq3A_3 = arith.cmpi eq, %arg1, %eq3A : i32
    %convert_element_type3A_4 = arith.extui %eq3A_3 : i1 to i32
    %cond3A_5 = arith.constant 0 : i32
    %cond3A_6 = arith.cmpi ne, %convert_element_type3A_4, %cond3A_5 : i32
    scf.if %cond3A_6 {
      "tpu.region"() ({
        %run_scoped3A = tpu.sem_alloc : memref<!tpu.dma_semaphore, #tpu.memory_space<semaphore_mem>>
        tpu.enqueue_dma source(%arg3 : memref<1000xf32, #tpu.memory_space<hbm>>) target(%arg7 : memref<1000xf32, #tpu.memory_space<vmem>>) target_semaphore(%run_scoped3A : memref<!tpu.dma_semaphore, #tpu.memory_space<semaphore_mem>>)
        tpu.wait_dma2 semaphore(%run_scoped3A : memref<!tpu.dma_semaphore, #tpu.memory_space<semaphore_mem>>) src(%arg3 : memref<1000xf32, #tpu.memory_space<hbm>>) dst(%arg7 : memref<1000xf32, #tpu.memory_space<vmem>>)
        tpu.yield
      }) : () -> ()
      "tpu.region"() ({
        %run_scoped3A = tpu.sem_alloc : memref<!tpu.dma_semaphore, #tpu.memory_space<semaphore_mem>>
        %dma_start3A = arith.constant 0 : i32
        %dma_start3A_50 = tpu.memref_slice %arg7[%dma_start3A] : memref<1000xf32, #tpu.memory_space<vmem>> -> memref<16xf32, #tpu.memory_space<vmem>>
        %dma_start3A_51 = arith.constant 10000 : i32
        %dma_start3A_52 = tpu.memref_slice %arg8[%dma_start3A_51] : memref<10016xf32, #tpu.memory_space<vmem_shared>> -> memref<16xf32, #tpu.memory_space<vmem_shared>>
        %dma_start3A_53 = arith.constant 10000 : i32
        %dma_start3A_54 = tpu.memref_slice %arg8[%dma_start3A_53] : memref<10016xf32, #tpu.memory_space<vmem_shared>> -> memref<16xf32, #tpu.memory_space<vmem_shared>>
        %dma_start3A_55 = arith.constant 0 : i32
        %dma_start3A_56 = tpu.memref_slice %arg7[%dma_start3A_55] : memref<1000xf32, #tpu.memory_space<vmem>> -> memref<16xf32, #tpu.memory_space<vmem>>
        tpu.enqueue_dma source(%dma_start3A_56 : memref<16xf32, #tpu.memory_space<vmem>>) target(%dma_start3A_54 : memref<16xf32, #tpu.memory_space<vmem_shared>>) target_semaphore(%run_scoped3A : memref<!tpu.dma_semaphore, #tpu.memory_space<semaphore_mem>>)
        %dma_wait3A = arith.constant 0 : i32
        %dma_wait3A_57 = tpu.memref_slice %arg7[%dma_wait3A] : memref<1000xf32, #tpu.memory_space<vmem>> -> memref<16xf32, #tpu.memory_space<vmem>>
        %dma_wait3A_58 = arith.constant 10000 : i32
        %dma_wait3A_59 = tpu.memref_slice %arg8[%dma_wait3A_58] : memref<10016xf32, #tpu.memory_space<vmem_shared>> -> memref<16xf32, #tpu.memory_space<vmem_shared>>
        %dma_wait3A_60 = arith.constant 10000 : i32
        %dma_wait3A_61 = tpu.memref_slice %arg8[%dma_wait3A_60] : memref<10016xf32, #tpu.memory_space<vmem_shared>> -> memref<16xf32, #tpu.memory_space<vmem_shared>>
        %dma_wait3A_62 = arith.constant 0 : i32
        %dma_wait3A_63 = tpu.memref_slice %arg7[%dma_wait3A_62] : memref<1000xf32, #tpu.memory_space<vmem>> -> memref<16xf32, #tpu.memory_space<vmem>>
        tpu.wait_dma2 semaphore(%run_scoped3A : memref<!tpu.dma_semaphore, #tpu.memory_space<semaphore_mem>>) src(%dma_wait3A_63 : memref<16xf32, #tpu.memory_space<vmem>>) dst(%dma_wait3A_61 : memref<16xf32, #tpu.memory_space<vmem_shared>>)
        tpu.yield
      }) : () -> ()
    } else {
    }
    %mul3A_7 = arith.constant 80 : i32
    %mul3A_8 = arith.muli %add3A, %mul3A_7 : i32
    "tpu.region"() ({
      %run_scoped3A = tpu.sem_alloc : memref<!tpu.dma_semaphore, #tpu.memory_space<semaphore_mem>>
      %dma_start3A = arith.constant 0 : i32
      %dma_start3A_50 = tpu.memref_slice %arg2[%mul3A_8, %dma_start3A] : memref<2560x128xi32, #tpu.memory_space<hbm>> -> memref<80x128xi32, #tpu.memory_space<hbm>>
      %dma_start3A_51 = arith.constant 0 : i32
      %dma_start3A_52 = tpu.memref_slice %arg2[%mul3A_8, %dma_start3A_51] : memref<2560x128xi32, #tpu.memory_space<hbm>> -> memref<80x128xi32, #tpu.memory_space<hbm>>
      tpu.enqueue_dma source(%dma_start3A_52 : memref<80x128xi32, #tpu.memory_space<hbm>>) target(%arg5 : memref<80x128xi32, #tpu.memory_space<vmem>>) target_semaphore(%run_scoped3A : memref<!tpu.dma_semaphore, #tpu.memory_space<semaphore_mem>>)
      %dma_wait3A = arith.constant 0 : i32
      %dma_wait3A_53 = tpu.memref_slice %arg2[%mul3A_8, %dma_wait3A] : memref<2560x128xi32, #tpu.memory_space<hbm>> -> memref<80x128xi32, #tpu.memory_space<hbm>>
      %dma_wait3A_54 = arith.constant 0 : i32
      %dma_wait3A_55 = tpu.memref_slice %arg2[%mul3A_8, %dma_wait3A_54] : memref<2560x128xi32, #tpu.memory_space<hbm>> -> memref<80x128xi32, #tpu.memory_space<hbm>>
      tpu.wait_dma2 semaphore(%run_scoped3A : memref<!tpu.dma_semaphore, #tpu.memory_space<semaphore_mem>>) src(%dma_wait3A_55 : memref<80x128xi32, #tpu.memory_space<hbm>>) dst(%arg5 : memref<80x128xi32, #tpu.memory_space<vmem>>)
      tpu.yield
    }) : () -> ()
    %broadcast_in_dim3A = arith.constant 1.000000e+00 : f32
    %broadcast_in_dim3A_9 = vector.broadcast %broadcast_in_dim3A : f32 to vector<16xf32>
    %swap3A = arith.constant 0 : index
    %swap3A_10 = tpu.vector_load %arg6[%swap3A] {strides = array<i32>} : memref<128xf32, #tpu.memory_space<vmem>>, vector<16xf32>,
    tpu.vector_store %arg6[%swap3A], %broadcast_in_dim3A_9 {strides = array<i32>} : memref<128xf32, #tpu.memory_space<vmem>>, vector<16xf32>,
    %broadcast_in_dim3A_11 = arith.constant 1.000000e+00 : f32
    %broadcast_in_dim3A_12 = vector.broadcast %broadcast_in_dim3A_11 : f32 to vector<16xf32>
    %swap3A_13 = arith.constant 16 : index
    %swap3A_14 = tpu.vector_load %arg6[%swap3A_13] {strides = array<i32>} : memref<128xf32, #tpu.memory_space<vmem>>, vector<16xf32>,
    tpu.vector_store %arg6[%swap3A_13], %broadcast_in_dim3A_12 {strides = array<i32>} : memref<128xf32, #tpu.memory_space<vmem>>, vector<16xf32>,
    %broadcast_in_dim3A_15 = arith.constant 1.000000e+00 : f32
    %broadcast_in_dim3A_16 = vector.broadcast %broadcast_in_dim3A_15 : f32 to vector<16xf32>
    %swap3A_17 = arith.constant 32 : index
    %swap3A_18 = tpu.vector_load %arg6[%swap3A_17] {strides = array<i32>} : memref<128xf32, #tpu.memory_space<vmem>>, vector<16xf32>,
    tpu.vector_store %arg6[%swap3A_17], %broadcast_in_dim3A_16 {strides = array<i32>} : memref<128xf32, #tpu.memory_space<vmem>>, vector<16xf32>,
    %broadcast_in_dim3A_19 = arith.constant 1.000000e+00 : f32
    %broadcast_in_dim3A_20 = vector.broadcast %broadcast_in_dim3A_19 : f32 to vector<16xf32>
    %swap3A_21 = arith.constant 48 : index
    %swap3A_22 = tpu.vector_load %arg6[%swap3A_21] {strides = array<i32>} : memref<128xf32, #tpu.memory_space<vmem>>, vector<16xf32>,
    tpu.vector_store %arg6[%swap3A_21], %broadcast_in_dim3A_20 {strides = array<i32>} : memref<128xf32, #tpu.memory_space<vmem>>, vector<16xf32>,
    %broadcast_in_dim3A_23 = arith.constant 1.000000e+00 : f32
    %broadcast_in_dim3A_24 = vector.broadcast %broadcast_in_dim3A_23 : f32 to vector<16xf32>
    %swap3A_25 = arith.constant 64 : index
    %swap3A_26 = tpu.vector_load %arg6[%swap3A_25] {strides = array<i32>} : memref<128xf32, #tpu.memory_space<vmem>>, vector<16xf32>,
    tpu.vector_store %arg6[%swap3A_25], %broadcast_in_dim3A_24 {strides = array<i32>} : memref<128xf32, #tpu.memory_space<vmem>>, vector<16xf32>,
    %broadcast_in_dim3A_27 = arith.constant 1.000000e+00 : f32
    %broadcast_in_dim3A_28 = vector.broadcast %broadcast_in_dim3A_27 : f32 to vector<16xf32>
    %swap3A_29 = arith.constant 80 : index
    %swap3A_30 = tpu.vector_load %arg6[%swap3A_29] {strides = array<i32>} : memref<128xf32, #tpu.memory_space<vmem>>, vector<16xf32>,
    tpu.vector_store %arg6[%swap3A_29], %broadcast_in_dim3A_28 {strides = array<i32>} : memref<128xf32, #tpu.memory_space<vmem>>, vector<16xf32>,
    %broadcast_in_dim3A_31 = arith.constant 1.000000e+00 : f32
    %broadcast_in_dim3A_32 = vector.broadcast %broadcast_in_dim3A_31 : f32 to vector<16xf32>
    %swap3A_33 = arith.constant 96 : index
    %swap3A_34 = tpu.vector_load %arg6[%swap3A_33] {strides = array<i32>} : memref<128xf32, #tpu.memory_space<vmem>>, vector<16xf32>,
    tpu.vector_store %arg6[%swap3A_33], %broadcast_in_dim3A_32 {strides = array<i32>} : memref<128xf32, #tpu.memory_space<vmem>>, vector<16xf32>,
    %broadcast_in_dim3A_35 = arith.constant 1.000000e+00 : f32
    %broadcast_in_dim3A_36 = vector.broadcast %broadcast_in_dim3A_35 : f32 to vector<16xf32>
    %swap3A_37 = arith.constant 112 : index
    %swap3A_38 = tpu.vector_load %arg6[%swap3A_37] {strides = array<i32>} : memref<128xf32, #tpu.memory_space<vmem>>, vector<16xf32>,
    tpu.vector_store %arg6[%swap3A_37], %broadcast_in_dim3A_36 {strides = array<i32>} : memref<128xf32, #tpu.memory_space<vmem>>, vector<16xf32>,
    %barrier3A = arith.constant 0 : index
    tpu.barrier barrier_id(%barrier3A)
    %scan3A = arith.constant 0 : i32
    %scan3A_39 = arith.constant 0 : i32
    %scan3A_40 = arith.constant 10 : i32
    %scan3A_41 = arith.addi %scan3A_39, %scan3A_40 : i32
    %scan3A_42 = arith.constant 1 : i32
    scf.for %scan3A_50 = %scan3A_39 to %scan3A_41 step %scan3A_42  : i32 {
      %mul3A_51 = arith.constant 8 : i32
      %mul3A_52 = arith.muli %mul3A_51, %scan3A_50 : i32
      %add3A_53 = arith.constant 0 : i32
      %add3A_54 = arith.addi %mul3A_52, %add3A_53 : i32
      %dma_start3A = arith.constant 0 : i32
      %dma_start3A_55 = tpu.memref_slice %arg5[%add3A_54, %dma_start3A] : memref<80x128xi32, #tpu.memory_space<vmem>> -> memref<1x128xi32, #tpu.memory_space<vmem>>
      %dma_start3A_56 = tpu.memref_squeeze %dma_start3A_55 : memref<1x128xi32, #tpu.memory_space<vmem>> -> memref<128xi32, #tpu.memory_space<vmem>>
      %dma_start3A_57 = arith.constant 0 : i32
      %dma_start3A_58 = tpu.memref_slice %arg8[%dma_start3A_57] : memref<10016xf32, #tpu.memory_space<vmem_shared>> -> memref<10016xf32, #tpu.memory_space<vmem_shared>>
      tpu.enqueue_indirect_dma source(%arg6 : memref<128xf32, #tpu.memory_space<vmem>>) target(%dma_start3A_58 : memref<10016xf32, #tpu.memory_space<vmem_shared>>) offsets(%dma_start3A_56 : memref<128xi32, #tpu.memory_space<vmem>>) semaphore(%arg9 : memref<!tpu.dma_semaphore, #tpu.memory_space<semaphore_mem>>) {add = true}
      %add3A_59 = arith.constant 1 : i32
      %add3A_60 = arith.addi %mul3A_52, %add3A_59 : i32
      %dma_start3A_61 = arith.constant 0 : i32
      %dma_start3A_62 = tpu.memref_slice %arg5[%add3A_60, %dma_start3A_61] : memref<80x128xi32, #tpu.memory_space<vmem>> -> memref<1x128xi32, #tpu.memory_space<vmem>>
      %dma_start3A_63 = tpu.memref_squeeze %dma_start3A_62 : memref<1x128xi32, #tpu.memory_space<vmem>> -> memref<128xi32, #tpu.memory_space<vmem>>
      %dma_start3A_64 = arith.constant 0 : i32
      %dma_start3A_65 = tpu.memref_slice %arg8[%dma_start3A_64] : memref<10016xf32, #tpu.memory_space<vmem_shared>> -> memref<10016xf32, #tpu.memory_space<vmem_shared>>
      tpu.enqueue_indirect_dma source(%arg6 : memref<128xf32, #tpu.memory_space<vmem>>) target(%dma_start3A_65 : memref<10016xf32, #tpu.memory_space<vmem_shared>>) offsets(%dma_start3A_63 : memref<128xi32, #tpu.memory_space<vmem>>) semaphore(%arg10 : memref<!tpu.dma_semaphore, #tpu.memory_space<semaphore_mem>>) {add = true}
      %add3A_66 = arith.constant 2 : i32
      %add3A_67 = arith.addi %mul3A_52, %add3A_66 : i32
      %dma_start3A_68 = arith.constant 0 : i32
      %dma_start3A_69 = tpu.memref_slice %arg5[%add3A_67, %dma_start3A_68] : memref<80x128xi32, #tpu.memory_space<vmem>> -> memref<1x128xi32, #tpu.memory_space<vmem>>
      %dma_start3A_70 = tpu.memref_squeeze %dma_start3A_69 : memref<1x128xi32, #tpu.memory_space<vmem>> -> memref<128xi32, #tpu.memory_space<vmem>>
      %dma_start3A_71 = arith.constant 0 : i32
      %dma_start3A_72 = tpu.memref_slice %arg8[%dma_start3A_71] : memref<10016xf32, #tpu.memory_space<vmem_shared>> -> memref<10016xf32, #tpu.memory_space<vmem_shared>>
      tpu.enqueue_indirect_dma source(%arg6 : memref<128xf32, #tpu.memory_space<vmem>>) target(%dma_start3A_72 : memref<10016xf32, #tpu.memory_space<vmem_shared>>) offsets(%dma_start3A_70 : memref<128xi32, #tpu.memory_space<vmem>>) semaphore(%arg11 : memref<!tpu.dma_semaphore, #tpu.memory_space<semaphore_mem>>) {add = true}
      %add3A_73 = arith.constant 3 : i32
      %add3A_74 = arith.addi %mul3A_52, %add3A_73 : i32
      %dma_start3A_75 = arith.constant 0 : i32
      %dma_start3A_76 = tpu.memref_slice %arg5[%add3A_74, %dma_start3A_75] : memref<80x128xi32, #tpu.memory_space<vmem>> -> memref<1x128xi32, #tpu.memory_space<vmem>>
      %dma_start3A_77 = tpu.memref_squeeze %dma_start3A_76 : memref<1x128xi32, #tpu.memory_space<vmem>> -> memref<128xi32, #tpu.memory_space<vmem>>
      %dma_start3A_78 = arith.constant 0 : i32
      %dma_start3A_79 = tpu.memref_slice %arg8[%dma_start3A_78] : memref<10016xf32, #tpu.memory_space<vmem_shared>> -> memref<10016xf32, #tpu.memory_space<vmem_shared>>
      tpu.enqueue_indirect_dma source(%arg6 : memref<128xf32, #tpu.memory_space<vmem>>) target(%dma_start3A_79 : memref<10016xf32, #tpu.memory_space<vmem_shared>>) offsets(%dma_start3A_77 : memref<128xi32, #tpu.memory_space<vmem>>) semaphore(%arg12 : memref<!tpu.dma_semaphore, #tpu.memory_space<semaphore_mem>>) {add = true}
      %add3A_80 = arith.constant 4 : i32
      %add3A_81 = arith.addi %mul3A_52, %add3A_80 : i32
      %dma_start3A_82 = arith.constant 0 : i32
      %dma_start3A_83 = tpu.memref_slice %arg5[%add3A_81, %dma_start3A_82] : memref<80x128xi32, #tpu.memory_space<vmem>> -> memref<1x128xi32, #tpu.memory_space<vmem>>
      %dma_start3A_84 = tpu.memref_squeeze %dma_start3A_83 : memref<1x128xi32, #tpu.memory_space<vmem>> -> memref<128xi32, #tpu.memory_space<vmem>>
      %dma_start3A_85 = arith.constant 0 : i32
      %dma_start3A_86 = tpu.memref_slice %arg8[%dma_start3A_85] : memref<10016xf32, #tpu.memory_space<vmem_shared>> -> memref<10016xf32, #tpu.memory_space<vmem_shared>>
      tpu.enqueue_indirect_dma source(%arg6 : memref<128xf32, #tpu.memory_space<vmem>>) target(%dma_start3A_86 : memref<10016xf32, #tpu.memory_space<vmem_shared>>) offsets(%dma_start3A_84 : memref<128xi32, #tpu.memory_space<vmem>>) semaphore(%arg13 : memref<!tpu.dma_semaphore, #tpu.memory_space<semaphore_mem>>) {add = true}
      %add3A_87 = arith.constant 5 : i32
      %add3A_88 = arith.addi %mul3A_52, %add3A_87 : i32
      %dma_start3A_89 = arith.constant 0 : i32
      %dma_start3A_90 = tpu.memref_slice %arg5[%add3A_88, %dma_start3A_89] : memref<80x128xi32, #tpu.memory_space<vmem>> -> memref<1x128xi32, #tpu.memory_space<vmem>>
      %dma_start3A_91 = tpu.memref_squeeze %dma_start3A_90 : memref<1x128xi32, #tpu.memory_space<vmem>> -> memref<128xi32, #tpu.memory_space<vmem>>
      %dma_start3A_92 = arith.constant 0 : i32
      %dma_start3A_93 = tpu.memref_slice %arg8[%dma_start3A_92] : memref<10016xf32, #tpu.memory_space<vmem_shared>> -> memref<10016xf32, #tpu.memory_space<vmem_shared>>
      tpu.enqueue_indirect_dma source(%arg6 : memref<128xf32, #tpu.memory_space<vmem>>) target(%dma_start3A_93 : memref<10016xf32, #tpu.memory_space<vmem_shared>>) offsets(%dma_start3A_91 : memref<128xi32, #tpu.memory_space<vmem>>) semaphore(%arg14 : memref<!tpu.dma_semaphore, #tpu.memory_space<semaphore_mem>>) {add = true}
      %add3A_94 = arith.constant 6 : i32
      %add3A_95 = arith.addi %mul3A_52, %add3A_94 : i32
      %dma_start3A_96 = arith.constant 0 : i32
      %dma_start3A_97 = tpu.memref_slice %arg5[%add3A_95, %dma_start3A_96] : memref<80x128xi32, #tpu.memory_space<vmem>> -> memref<1x128xi32, #tpu.memory_space<vmem>>
      %dma_start3A_98 = tpu.memref_squeeze %dma_start3A_97 : memref<1x128xi32, #tpu.memory_space<vmem>> -> memref<128xi32, #tpu.memory_space<vmem>>
      %dma_start3A_99 = arith.constant 0 : i32
      %dma_start3A_100 = tpu.memref_slice %arg8[%dma_start3A_99] : memref<10016xf32, #tpu.memory_space<vmem_shared>> -> memref<10016xf32, #tpu.memory_space<vmem_shared>>
      tpu.enqueue_indirect_dma source(%arg6 : memref<128xf32, #tpu.memory_space<vmem>>) target(%dma_start3A_100 : memref<10016xf32, #tpu.memory_space<vmem_shared>>) offsets(%dma_start3A_98 : memref<128xi32, #tpu.memory_space<vmem>>) semaphore(%arg15 : memref<!tpu.dma_semaphore, #tpu.memory_space<semaphore_mem>>) {add = true}
      %add3A_101 = arith.constant 7 : i32
      %add3A_102 = arith.addi %mul3A_52, %add3A_101 : i32
      %dma_start3A_103 = arith.constant 0 : i32
      %dma_start3A_104 = tpu.memref_slice %arg5[%add3A_102, %dma_start3A_103] : memref<80x128xi32, #tpu.memory_space<vmem>> -> memref<1x128xi32, #tpu.memory_space<vmem>>
      %dma_start3A_105 = tpu.memref_squeeze %dma_start3A_104 : memref<1x128xi32, #tpu.memory_space<vmem>> -> memref<128xi32, #tpu.memory_space<vmem>>
      %dma_start3A_106 = arith.constant 0 : i32
      %dma_start3A_107 = tpu.memref_slice %arg8[%dma_start3A_106] : memref<10016xf32, #tpu.memory_space<vmem_shared>> -> memref<10016xf32, #tpu.memory_space<vmem_shared>>
      tpu.enqueue_indirect_dma source(%arg6 : memref<128xf32, #tpu.memory_space<vmem>>) target(%dma_start3A_107 : memref<10016xf32, #tpu.memory_space<vmem_shared>>) offsets(%dma_start3A_105 : memref<128xi32, #tpu.memory_space<vmem>>) semaphore(%arg16 : memref<!tpu.dma_semaphore, #tpu.memory_space<semaphore_mem>>) {add = true}
      %dma_wait3A = arith.constant 0 : i32
      %dma_wait3A_108 = tpu.memref_slice %arg5[%add3A_54, %dma_wait3A] : memref<80x128xi32, #tpu.memory_space<vmem>> -> memref<1x128xi32, #tpu.memory_space<vmem>>
      %dma_wait3A_109 = tpu.memref_squeeze %dma_wait3A_108 : memref<1x128xi32, #tpu.memory_space<vmem>> -> memref<128xi32, #tpu.memory_space<vmem>>
      %dma_wait3A_110 = arith.constant 0 : i32
      %dma_wait3A_111 = tpu.memref_slice %arg8[%dma_wait3A_110] : memref<10016xf32, #tpu.memory_space<vmem_shared>> -> memref<10016xf32, #tpu.memory_space<vmem_shared>>
      tpu.wait_indirect_dma semaphore(%arg9 : memref<!tpu.dma_semaphore, #tpu.memory_space<semaphore_mem>>) src(%arg6 : memref<128xf32, #tpu.memory_space<vmem>>) dst(%dma_wait3A_111 : memref<10016xf32, #tpu.memory_space<vmem_shared>>)
      %dma_wait3A_112 = arith.constant 0 : i32
      %dma_wait3A_113 = tpu.memref_slice %arg5[%add3A_60, %dma_wait3A_112] : memref<80x128xi32, #tpu.memory_space<vmem>> -> memref<1x128xi32, #tpu.memory_space<vmem>>
      %dma_wait3A_114 = tpu.memref_squeeze %dma_wait3A_113 : memref<1x128xi32, #tpu.memory_space<vmem>> -> memref<128xi32, #tpu.memory_space<vmem>>
      %dma_wait3A_115 = arith.constant 0 : i32
      %dma_wait3A_116 = tpu.memref_slice %arg8[%dma_wait3A_115] : memref<10016xf32, #tpu.memory_space<vmem_shared>> -> memref<10016xf32, #tpu.memory_space<vmem_shared>>
      tpu.wait_indirect_dma semaphore(%arg10 : memref<!tpu.dma_semaphore, #tpu.memory_space<semaphore_mem>>) src(%arg6 : memref<128xf32, #tpu.memory_space<vmem>>) dst(%dma_wait3A_116 : memref<10016xf32, #tpu.memory_space<vmem_shared>>)
      %dma_wait3A_117 = arith.constant 0 : i32
      %dma_wait3A_118 = tpu.memref_slice %arg5[%add3A_67, %dma_wait3A_117] : memref<80x128xi32, #tpu.memory_space<vmem>> -> memref<1x128xi32, #tpu.memory_space<vmem>>
      %dma_wait3A_119 = tpu.memref_squeeze %dma_wait3A_118 : memref<1x128xi32, #tpu.memory_space<vmem>> -> memref<128xi32, #tpu.memory_space<vmem>>
      %dma_wait3A_120 = arith.constant 0 : i32
      %dma_wait3A_121 = tpu.memref_slice %arg8[%dma_wait3A_120] : memref<10016xf32, #tpu.memory_space<vmem_shared>> -> memref<10016xf32, #tpu.memory_space<vmem_shared>>
      tpu.wait_indirect_dma semaphore(%arg11 : memref<!tpu.dma_semaphore, #tpu.memory_space<semaphore_mem>>) src(%arg6 : memref<128xf32, #tpu.memory_space<vmem>>) dst(%dma_wait3A_121 : memref<10016xf32, #tpu.memory_space<vmem_shared>>)
      %dma_wait3A_122 = arith.constant 0 : i32
      %dma_wait3A_123 = tpu.memref_slice %arg5[%add3A_74, %dma_wait3A_122] : memref<80x128xi32, #tpu.memory_space<vmem>> -> memref<1x128xi32, #tpu.memory_space<vmem>>
      %dma_wait3A_124 = tpu.memref_squeeze %dma_wait3A_123 : memref<1x128xi32, #tpu.memory_space<vmem>> -> memref<128xi32, #tpu.memory_space<vmem>>
      %dma_wait3A_125 = arith.constant 0 : i32
      %dma_wait3A_126 = tpu.memref_slice %arg8[%dma_wait3A_125] : memref<10016xf32, #tpu.memory_space<vmem_shared>> -> memref<10016xf32, #tpu.memory_space<vmem_shared>>
      tpu.wait_indirect_dma semaphore(%arg12 : memref<!tpu.dma_semaphore, #tpu.memory_space<semaphore_mem>>) src(%arg6 : memref<128xf32, #tpu.memory_space<vmem>>) dst(%dma_wait3A_126 : memref<10016xf32, #tpu.memory_space<vmem_shared>>)
      %dma_wait3A_127 = arith.constant 0 : i32
      %dma_wait3A_128 = tpu.memref_slice %arg5[%add3A_81, %dma_wait3A_127] : memref<80x128xi32, #tpu.memory_space<vmem>> -> memref<1x128xi32, #tpu.memory_space<vmem>>
      %dma_wait3A_129 = tpu.memref_squeeze %dma_wait3A_128 : memref<1x128xi32, #tpu.memory_space<vmem>> -> memref<128xi32, #tpu.memory_space<vmem>>
      %dma_wait3A_130 = arith.constant 0 : i32
      %dma_wait3A_131 = tpu.memref_slice %arg8[%dma_wait3A_130] : memref<10016xf32, #tpu.memory_space<vmem_shared>> -> memref<10016xf32, #tpu.memory_space<vmem_shared>>
      tpu.wait_indirect_dma semaphore(%arg13 : memref<!tpu.dma_semaphore, #tpu.memory_space<semaphore_mem>>) src(%arg6 : memref<128xf32, #tpu.memory_space<vmem>>) dst(%dma_wait3A_131 : memref<10016xf32, #tpu.memory_space<vmem_shared>>)
      %dma_wait3A_132 = arith.constant 0 : i32
      %dma_wait3A_133 = tpu.memref_slice %arg5[%add3A_88, %dma_wait3A_132] : memref<80x128xi32, #tpu.memory_space<vmem>> -> memref<1x128xi32, #tpu.memory_space<vmem>>
      %dma_wait3A_134 = tpu.memref_squeeze %dma_wait3A_133 : memref<1x128xi32, #tpu.memory_space<vmem>> -> memref<128xi32, #tpu.memory_space<vmem>>
      %dma_wait3A_135 = arith.constant 0 : i32
      %dma_wait3A_136 = tpu.memref_slice %arg8[%dma_wait3A_135] : memref<10016xf32, #tpu.memory_space<vmem_shared>> -> memref<10016xf32, #tpu.memory_space<vmem_shared>>
      tpu.wait_indirect_dma semaphore(%arg14 : memref<!tpu.dma_semaphore, #tpu.memory_space<semaphore_mem>>) src(%arg6 : memref<128xf32, #tpu.memory_space<vmem>>) dst(%dma_wait3A_136 : memref<10016xf32, #tpu.memory_space<vmem_shared>>)
      %dma_wait3A_137 = arith.constant 0 : i32
      %dma_wait3A_138 = tpu.memref_slice %arg5[%add3A_95, %dma_wait3A_137] : memref<80x128xi32, #tpu.memory_space<vmem>> -> memref<1x128xi32, #tpu.memory_space<vmem>>
      %dma_wait3A_139 = tpu.memref_squeeze %dma_wait3A_138 : memref<1x128xi32, #tpu.memory_space<vmem>> -> memref<128xi32, #tpu.memory_space<vmem>>
      %dma_wait3A_140 = arith.constant 0 : i32
      %dma_wait3A_141 = tpu.memref_slice %arg8[%dma_wait3A_140] : memref<10016xf32, #tpu.memory_space<vmem_shared>> -> memref<10016xf32, #tpu.memory_space<vmem_shared>>
      tpu.wait_indirect_dma semaphore(%arg15 : memref<!tpu.dma_semaphore, #tpu.memory_space<semaphore_mem>>) src(%arg6 : memref<128xf32, #tpu.memory_space<vmem>>) dst(%dma_wait3A_141 : memref<10016xf32, #tpu.memory_space<vmem_shared>>)
      %dma_wait3A_142 = arith.constant 0 : i32
      %dma_wait3A_143 = tpu.memref_slice %arg5[%add3A_102, %dma_wait3A_142] : memref<80x128xi32, #tpu.memory_space<vmem>> -> memref<1x128xi32, #tpu.memory_space<vmem>>
      %dma_wait3A_144 = tpu.memref_squeeze %dma_wait3A_143 : memref<1x128xi32, #tpu.memory_space<vmem>> -> memref<128xi32, #tpu.memory_space<vmem>>
      %dma_wait3A_145 = arith.constant 0 : i32
      %dma_wait3A_146 = tpu.memref_slice %arg8[%dma_wait3A_145] : memref<10016xf32, #tpu.memory_space<vmem_shared>> -> memref<10016xf32, #tpu.memory_space<vmem_shared>>
      tpu.wait_indirect_dma semaphore(%arg16 : memref<!tpu.dma_semaphore, #tpu.memory_space<semaphore_mem>>) src(%arg6 : memref<128xf32, #tpu.memory_space<vmem>>) dst(%dma_wait3A_146 : memref<10016xf32, #tpu.memory_space<vmem_shared>>)
    }
    %scan3A_43 = arith.constant 10 : i32
    %barrier3A_44 = arith.constant 0 : index
    tpu.barrier barrier_id(%barrier3A_44)
    %lt3A_45 = arith.constant 10 : i32
    %lt3A_46 = arith.cmpi slt, %arg1, %lt3A_45 : i32
    %convert_element_type3A_47 = arith.extui %lt3A_46 : i1 to i32
    %cond3A_48 = arith.constant 0 : i32
    %cond3A_49 = arith.cmpi ne, %convert_element_type3A_47, %cond3A_48 : i32
    scf.if %cond3A_49 {
      %mul3A_50 = arith.constant 1000 : i32
      %mul3A_51 = arith.muli %arg1, %mul3A_50 : i32
      "tpu.region"() ({
        %run_scoped3A = tpu.sem_alloc : memref<!tpu.dma_semaphore, #tpu.memory_space<semaphore_mem>>
        %dma_start3A = tpu.memref_slice %arg8[%mul3A_51] : memref<10016xf32, #tpu.memory_space<vmem_shared>> -> memref<1000xf32, #tpu.memory_space<vmem_shared>>
        %dma_start3A_52 = tpu.memref_slice %arg8[%mul3A_51] : memref<10016xf32, #tpu.memory_space<vmem_shared>> -> memref<1000xf32, #tpu.memory_space<vmem_shared>>
        tpu.enqueue_dma source(%dma_start3A_52 : memref<1000xf32, #tpu.memory_space<vmem_shared>>) target(%arg7 : memref<1000xf32, #tpu.memory_space<vmem>>) target_semaphore(%run_scoped3A : memref<!tpu.dma_semaphore, #tpu.memory_space<semaphore_mem>>)
        %dma_wait3A = tpu.memref_slice %arg8[%mul3A_51] : memref<10016xf32, #tpu.memory_space<vmem_shared>> -> memref<1000xf32, #tpu.memory_space<vmem_shared>>
        %dma_wait3A_53 = tpu.memref_slice %arg8[%mul3A_51] : memref<10016xf32, #tpu.memory_space<vmem_shared>> -> memref<1000xf32, #tpu.memory_space<vmem_shared>>
        tpu.wait_dma2 semaphore(%run_scoped3A : memref<!tpu.dma_semaphore, #tpu.memory_space<semaphore_mem>>) src(%dma_wait3A_53 : memref<1000xf32, #tpu.memory_space<vmem_shared>>) dst(%arg7 : memref<1000xf32, #tpu.memory_space<vmem>>)
        tpu.yield
      }) : () -> ()
      "tpu.region"() ({
        %run_scoped3A = tpu.sem_alloc : memref<!tpu.dma_semaphore, #tpu.memory_space<semaphore_mem>>
        %dma_start3A = arith.constant 0 : i32
        %dma_start3A_52 = arith.constant 0 : i32
        %dma_start3A_53 = tpu.memref_slice %arg4[%arg0, %dma_start3A, %dma_start3A_52] : memref<2x10x1000xf32, #tpu.memory_space<hbm>> -> memref<1x10x1000xf32, #tpu.memory_space<hbm>>
        %dma_start3A_54 = tpu.memref_squeeze %dma_start3A_53 : memref<1x10x1000xf32, #tpu.memory_space<hbm>> -> memref<10x1000xf32, #tpu.memory_space<hbm>>
        %dma_start3A_55 = arith.constant 0 : i32
        %dma_start3A_56 = tpu.memref_slice %dma_start3A_54[%arg1, %dma_start3A_55] : memref<10x1000xf32, #tpu.memory_space<hbm>> -> memref<1x1000xf32, #tpu.memory_space<hbm>>
        %dma_start3A_57 = tpu.memref_squeeze %dma_start3A_56 : memref<1x1000xf32, #tpu.memory_space<hbm>> -> memref<1000xf32, #tpu.memory_space<hbm>>
        %dma_start3A_58 = arith.constant 0 : i32
        %dma_start3A_59 = arith.constant 0 : i32
        %dma_start3A_60 = tpu.memref_slice %arg4[%arg0, %dma_start3A_58, %dma_start3A_59] : memref<2x10x1000xf32, #tpu.memory_space<hbm>> -> memref<1x10x1000xf32, #tpu.memory_space<hbm>>
        %dma_start3A_61 = tpu.memref_squeeze %dma_start3A_60 : memref<1x10x1000xf32, #tpu.memory_space<hbm>> -> memref<10x1000xf32, #tpu.memory_space<hbm>>
        %dma_start3A_62 = arith.constant 0 : i32
        %dma_start3A_63 = tpu.memref_slice %dma_start3A_61[%arg1, %dma_start3A_62] : memref<10x1000xf32, #tpu.memory_space<hbm>> -> memref<1x1000xf32, #tpu.memory_space<hbm>>
        %dma_start3A_64 = tpu.memref_squeeze %dma_start3A_63 : memref<1x1000xf32, #tpu.memory_space<hbm>> -> memref<1000xf32, #tpu.memory_space<hbm>>
        tpu.enqueue_dma source(%arg7 : memref<1000xf32, #tpu.memory_space<vmem>>) target(%dma_start3A_64 : memref<1000xf32, #tpu.memory_space<hbm>>) target_semaphore(%run_scoped3A : memref<!tpu.dma_semaphore, #tpu.memory_space<semaphore_mem>>)
        %dma_wait3A = arith.constant 0 : i32
        %dma_wait3A_65 = arith.constant 0 : i32
        %dma_wait3A_66 = tpu.memref_slice %arg4[%arg0, %dma_wait3A, %dma_wait3A_65] : memref<2x10x1000xf32, #tpu.memory_space<hbm>> -> memref<1x10x1000xf32, #tpu.memory_space<hbm>>
        %dma_wait3A_67 = tpu.memref_squeeze %dma_wait3A_66 : memref<1x10x1000xf32, #tpu.memory_space<hbm>> -> memref<10x1000xf32, #tpu.memory_space<hbm>>
        %dma_wait3A_68 = arith.constant 0 : i32
        %dma_wait3A_69 = tpu.memref_slice %dma_wait3A_67[%arg1, %dma_wait3A_68] : memref<10x1000xf32, #tpu.memory_space<hbm>> -> memref<1x1000xf32, #tpu.memory_space<hbm>>
        %dma_wait3A_70 = tpu.memref_squeeze %dma_wait3A_69 : memref<1x1000xf32, #tpu.memory_space<hbm>> -> memref<1000xf32, #tpu.memory_space<hbm>>
        %dma_wait3A_71 = arith.constant 0 : i32
        %dma_wait3A_72 = arith.constant 0 : i32
        %dma_wait3A_73 = tpu.memref_slice %arg4[%arg0, %dma_wait3A_71, %dma_wait3A_72] : memref<2x10x1000xf32, #tpu.memory_space<hbm>> -> memref<1x10x1000xf32, #tpu.memory_space<hbm>>
        %dma_wait3A_74 = tpu.memref_squeeze %dma_wait3A_73 : memref<1x10x1000xf32, #tpu.memory_space<hbm>> -> memref<10x1000xf32, #tpu.memory_space<hbm>>
        %dma_wait3A_75 = arith.constant 0 : i32
        %dma_wait3A_76 = tpu.memref_slice %dma_wait3A_74[%arg1, %dma_wait3A_75] : memref<10x1000xf32, #tpu.memory_space<hbm>> -> memref<1x1000xf32, #tpu.memory_space<hbm>>
        %dma_wait3A_77 = tpu.memref_squeeze %dma_wait3A_76 : memref<1x1000xf32, #tpu.memory_space<hbm>> -> memref<1000xf32, #tpu.memory_space<hbm>>
        tpu.wait_dma2 semaphore(%run_scoped3A : memref<!tpu.dma_semaphore, #tpu.memory_space<semaphore_mem>>) src(%arg7 : memref<1000xf32, #tpu.memory_space<vmem>>) dst(%dma_wait3A_77 : memref<1000xf32, #tpu.memory_space<hbm>>)
        tpu.yield
      }) : () -> ()
    } else {
    }
    return
  }
}

#map = affine_map<(d0, d1) -> (0, 0)>
#map1 = affine_map<(d0, d1) -> (0, 0, 0)>
module attributes {stable_mosaic.version = 14 : i64} {
  func.func @_sc_agg_body(%arg0: i32, %arg1: i32, %arg2: memref<2560x128xi32, #tpu.memory_space<hbm>>, %arg3: memref<2560x128xi32, #tpu.memory_space<hbm>>, %arg4: memref<2x10x1000xf32, #tpu.memory_space<hbm>>, %arg5: memref<10000x16xf32, #tpu.memory_space<hbm>>, %arg6: memref<1000x16xf32, #tpu.memory_space<hbm>>, %arg7: memref<2x10000x16xf32, #tpu.memory_space<hbm>>, %arg8: memref<10000x16xf32, #tpu.memory_space<hbm>>, %arg9: memref<80x128xi32, #tpu.memory_space<vmem>>, %arg10: memref<80x128xi32, #tpu.memory_space<vmem>>, %arg11: memref<1000x16xf32, #tpu.memory_space<vmem>>, %arg12: memref<10016x16xf32, #tpu.memory_space<vmem_shared>>, %arg13: memref<1008xf32, #tpu.memory_space<vmem>>, %arg14: memref<1008xf32, #tpu.memory_space<vmem>>, %arg15: memref<1008xf32, #tpu.memory_space<vmem>>, %arg16: memref<1000x16xf32, #tpu.memory_space<vmem>>, %arg17: memref<1000x16xf32, #tpu.memory_space<vmem>>, %arg18: memref<128x16xf32, #tpu.memory_space<vmem>>, %arg19: memref<128x16xf32, #tpu.memory_space<vmem>>, %arg20: memref<128x16xf32, #tpu.memory_space<vmem>>, %arg21: memref<128x16xf32, #tpu.memory_space<vmem>>, %arg22: memref<128x16xf32, #tpu.memory_space<vmem>>, %arg23: memref<128x16xf32, #tpu.memory_space<vmem>>, %arg24: memref<128x16xf32, #tpu.memory_space<vmem>>, %arg25: memref<128x16xf32, #tpu.memory_space<vmem>>, %arg26: memref<!tpu.dma_semaphore, #tpu.memory_space<semaphore_mem>>, %arg27: memref<!tpu.dma_semaphore, #tpu.memory_space<semaphore_mem>>, %arg28: memref<!tpu.dma_semaphore, #tpu.memory_space<semaphore_mem>>, %arg29: memref<!tpu.dma_semaphore, #tpu.memory_space<semaphore_mem>>, %arg30: memref<!tpu.dma_semaphore, #tpu.memory_space<semaphore_mem>>, %arg31: memref<!tpu.dma_semaphore, #tpu.memory_space<semaphore_mem>>, %arg32: memref<!tpu.dma_semaphore, #tpu.memory_space<semaphore_mem>>, %arg33: memref<!tpu.dma_semaphore, #tpu.memory_space<semaphore_mem>>, %arg34: memref<!tpu.dma_semaphore, #tpu.memory_space<semaphore_mem>>, %arg35: memref<!tpu.dma_semaphore, #tpu.memory_space<semaphore_mem>>, %arg36: memref<!tpu.dma_semaphore, #tpu.memory_space<semaphore_mem>>, %arg37: memref<!tpu.dma_semaphore, #tpu.memory_space<semaphore_mem>>, %arg38: memref<!tpu.dma_semaphore, #tpu.memory_space<semaphore_mem>>, %arg39: memref<!tpu.dma_semaphore, #tpu.memory_space<semaphore_mem>>, %arg40: memref<!tpu.dma_semaphore, #tpu.memory_space<semaphore_mem>>, %arg41: memref<!tpu.dma_semaphore, #tpu.memory_space<semaphore_mem>>) attributes {dimension_semantics = [#tpu.dimension_semantics<core_parallel>, #tpu.dimension_semantics<subcore_parallel>], iteration_bounds = array<i64: 2, 16>, scalar_prefetch = 0 : i64, scratch_operands = 33 : i64, tpu.core_type = #tpu.core_type<sc_vector_subcore>, window_params = [{transform_indices = #map}, {transform_indices = #map}, {transform_indices = #map1}, {transform_indices = #map}, {transform_indices = #map}, {transform_indices = #map1}, {transform_indices = #map}]} {
    %mul3A = arith.constant 2 : i32
    %mul3A_0 = arith.muli %arg1, %mul3A : i32
    %add3A = arith.addi %mul3A_0, %arg0 : i32
    %iota3A = tpu.iota {dimensions = array<i32: 0>} : vector<16xi32>
    %lt3A = arith.constant 10 : i32
    %lt3A_1 = arith.cmpi slt, %arg1, %lt3A : i32
    %convert_element_type3A = arith.extui %lt3A_1 : i1 to i32
    %cond3A = arith.constant 0 : i32
    %cond3A_2 = arith.cmpi ne, %convert_element_type3A, %cond3A : i32
    scf.if %cond3A_2 {
      "tpu.region"() ({
        %run_scoped3A = tpu.sem_alloc : memref<!tpu.dma_semaphore, #tpu.memory_space<semaphore_mem>>
        tpu.enqueue_dma source(%arg6 : memref<1000x16xf32, #tpu.memory_space<hbm>>) target(%arg11 : memref<1000x16xf32, #tpu.memory_space<vmem>>) target_semaphore(%run_scoped3A : memref<!tpu.dma_semaphore, #tpu.memory_space<semaphore_mem>>)
        tpu.wait_dma2 semaphore(%run_scoped3A : memref<!tpu.dma_semaphore, #tpu.memory_space<semaphore_mem>>) src(%arg6 : memref<1000x16xf32, #tpu.memory_space<hbm>>) dst(%arg11 : memref<1000x16xf32, #tpu.memory_space<vmem>>)
        tpu.yield
      }) : () -> ()
      %mul3A_27 = arith.constant 1000 : i32
      %mul3A_28 = arith.muli %arg1, %mul3A_27 : i32
      "tpu.region"() ({
        %run_scoped3A = tpu.sem_alloc : memref<!tpu.dma_semaphore, #tpu.memory_space<semaphore_mem>>
        %dma_start3A = arith.constant 0 : i32
        %dma_start3A_29 = tpu.memref_slice %arg12[%mul3A_28, %dma_start3A] : memref<10016x16xf32, #tpu.memory_space<vmem_shared>> -> memref<1000x16xf32, #tpu.memory_space<vmem_shared>>
        %dma_start3A_30 = arith.constant 0 : i32
        %dma_start3A_31 = tpu.memref_slice %arg12[%mul3A_28, %dma_start3A_30] : memref<10016x16xf32, #tpu.memory_space<vmem_shared>> -> memref<1000x16xf32, #tpu.memory_space<vmem_shared>>
        tpu.enqueue_dma source(%arg11 : memref<1000x16xf32, #tpu.memory_space<vmem>>) target(%dma_start3A_31 : memref<1000x16xf32, #tpu.memory_space<vmem_shared>>) target_semaphore(%run_scoped3A : memref<!tpu.dma_semaphore, #tpu.memory_space<semaphore_mem>>)
        %dma_wait3A = arith.constant 0 : i32
        %dma_wait3A_32 = tpu.memref_slice %arg12[%mul3A_28, %dma_wait3A] : memref<10016x16xf32, #tpu.memory_space<vmem_shared>> -> memref<1000x16xf32, #tpu.memory_space<vmem_shared>>
        %dma_wait3A_33 = arith.constant 0 : i32
        %dma_wait3A_34 = tpu.memref_slice %arg12[%mul3A_28, %dma_wait3A_33] : memref<10016x16xf32, #tpu.memory_space<vmem_shared>> -> memref<1000x16xf32, #tpu.memory_space<vmem_shared>>
        tpu.wait_dma2 semaphore(%run_scoped3A : memref<!tpu.dma_semaphore, #tpu.memory_space<semaphore_mem>>) src(%arg11 : memref<1000x16xf32, #tpu.memory_space<vmem>>) dst(%dma_wait3A_34 : memref<1000x16xf32, #tpu.memory_space<vmem_shared>>)
        tpu.yield
      }) : () -> ()
    } else {
    }
    %eq3A = arith.constant 10 : i32
    %eq3A_3 = arith.cmpi eq, %arg1, %eq3A : i32
    %convert_element_type3A_4 = arith.extui %eq3A_3 : i1 to i32
    %cond3A_5 = arith.constant 0 : i32
    %cond3A_6 = arith.cmpi ne, %convert_element_type3A_4, %cond3A_5 : i32
    scf.if %cond3A_6 {
      "tpu.region"() ({
        %run_scoped3A = tpu.sem_alloc : memref<!tpu.dma_semaphore, #tpu.memory_space<semaphore_mem>>
        tpu.enqueue_dma source(%arg6 : memref<1000x16xf32, #tpu.memory_space<hbm>>) target(%arg11 : memref<1000x16xf32, #tpu.memory_space<vmem>>) target_semaphore(%run_scoped3A : memref<!tpu.dma_semaphore, #tpu.memory_space<semaphore_mem>>)
        tpu.wait_dma2 semaphore(%run_scoped3A : memref<!tpu.dma_semaphore, #tpu.memory_space<semaphore_mem>>) src(%arg6 : memref<1000x16xf32, #tpu.memory_space<hbm>>) dst(%arg11 : memref<1000x16xf32, #tpu.memory_space<vmem>>)
        tpu.yield
      }) : () -> ()
      "tpu.region"() ({
        %run_scoped3A = tpu.sem_alloc : memref<!tpu.dma_semaphore, #tpu.memory_space<semaphore_mem>>
        %dma_start3A = arith.constant 0 : i32
        %dma_start3A_27 = arith.constant 0 : i32
        %dma_start3A_28 = tpu.memref_slice %arg11[%dma_start3A, %dma_start3A_27] : memref<1000x16xf32, #tpu.memory_space<vmem>> -> memref<16x16xf32, #tpu.memory_space<vmem>>
        %dma_start3A_29 = arith.constant 10000 : i32
        %dma_start3A_30 = arith.constant 0 : i32
        %dma_start3A_31 = tpu.memref_slice %arg12[%dma_start3A_29, %dma_start3A_30] : memref<10016x16xf32, #tpu.memory_space<vmem_shared>> -> memref<16x16xf32, #tpu.memory_space<vmem_shared>>
        %dma_start3A_32 = arith.constant 10000 : i32
        %dma_start3A_33 = arith.constant 0 : i32
        %dma_start3A_34 = tpu.memref_slice %arg12[%dma_start3A_32, %dma_start3A_33] : memref<10016x16xf32, #tpu.memory_space<vmem_shared>> -> memref<16x16xf32, #tpu.memory_space<vmem_shared>>
        %dma_start3A_35 = arith.constant 0 : i32
        %dma_start3A_36 = arith.constant 0 : i32
        %dma_start3A_37 = tpu.memref_slice %arg11[%dma_start3A_35, %dma_start3A_36] : memref<1000x16xf32, #tpu.memory_space<vmem>> -> memref<16x16xf32, #tpu.memory_space<vmem>>
        tpu.enqueue_dma source(%dma_start3A_37 : memref<16x16xf32, #tpu.memory_space<vmem>>) target(%dma_start3A_34 : memref<16x16xf32, #tpu.memory_space<vmem_shared>>) target_semaphore(%run_scoped3A : memref<!tpu.dma_semaphore, #tpu.memory_space<semaphore_mem>>)
        %dma_wait3A = arith.constant 0 : i32
        %dma_wait3A_38 = arith.constant 0 : i32
        %dma_wait3A_39 = tpu.memref_slice %arg11[%dma_wait3A, %dma_wait3A_38] : memref<1000x16xf32, #tpu.memory_space<vmem>> -> memref<16x16xf32, #tpu.memory_space<vmem>>
        %dma_wait3A_40 = arith.constant 10000 : i32
        %dma_wait3A_41 = arith.constant 0 : i32
        %dma_wait3A_42 = tpu.memref_slice %arg12[%dma_wait3A_40, %dma_wait3A_41] : memref<10016x16xf32, #tpu.memory_space<vmem_shared>> -> memref<16x16xf32, #tpu.memory_space<vmem_shared>>
        %dma_wait3A_43 = arith.constant 10000 : i32
        %dma_wait3A_44 = arith.constant 0 : i32
        %dma_wait3A_45 = tpu.memref_slice %arg12[%dma_wait3A_43, %dma_wait3A_44] : memref<10016x16xf32, #tpu.memory_space<vmem_shared>> -> memref<16x16xf32, #tpu.memory_space<vmem_shared>>
        %dma_wait3A_46 = arith.constant 0 : i32
        %dma_wait3A_47 = arith.constant 0 : i32
        %dma_wait3A_48 = tpu.memref_slice %arg11[%dma_wait3A_46, %dma_wait3A_47] : memref<1000x16xf32, #tpu.memory_space<vmem>> -> memref<16x16xf32, #tpu.memory_space<vmem>>
        tpu.wait_dma2 semaphore(%run_scoped3A : memref<!tpu.dma_semaphore, #tpu.memory_space<semaphore_mem>>) src(%dma_wait3A_48 : memref<16x16xf32, #tpu.memory_space<vmem>>) dst(%dma_wait3A_45 : memref<16x16xf32, #tpu.memory_space<vmem_shared>>)
        tpu.yield
      }) : () -> ()
    } else {
    }
    %mul3A_7 = arith.constant 80 : i32
    %mul3A_8 = arith.muli %add3A, %mul3A_7 : i32
    "tpu.region"() ({
      %run_scoped3A = tpu.sem_alloc : memref<!tpu.dma_semaphore, #tpu.memory_space<semaphore_mem>>
      %dma_start3A = arith.constant 0 : i32
      %dma_start3A_27 = tpu.memref_slice %arg2[%mul3A_8, %dma_start3A] : memref<2560x128xi32, #tpu.memory_space<hbm>> -> memref<80x128xi32, #tpu.memory_space<hbm>>
      %dma_start3A_28 = arith.constant 0 : i32
      %dma_start3A_29 = tpu.memref_slice %arg2[%mul3A_8, %dma_start3A_28] : memref<2560x128xi32, #tpu.memory_space<hbm>> -> memref<80x128xi32, #tpu.memory_space<hbm>>
      tpu.enqueue_dma source(%dma_start3A_29 : memref<80x128xi32, #tpu.memory_space<hbm>>) target(%arg9 : memref<80x128xi32, #tpu.memory_space<vmem>>) target_semaphore(%run_scoped3A : memref<!tpu.dma_semaphore, #tpu.memory_space<semaphore_mem>>)
      %dma_wait3A = arith.constant 0 : i32
      %dma_wait3A_30 = tpu.memref_slice %arg2[%mul3A_8, %dma_wait3A] : memref<2560x128xi32, #tpu.memory_space<hbm>> -> memref<80x128xi32, #tpu.memory_space<hbm>>
      %dma_wait3A_31 = arith.constant 0 : i32
      %dma_wait3A_32 = tpu.memref_slice %arg2[%mul3A_8, %dma_wait3A_31] : memref<2560x128xi32, #tpu.memory_space<hbm>> -> memref<80x128xi32, #tpu.memory_space<hbm>>
      tpu.wait_dma2 semaphore(%run_scoped3A : memref<!tpu.dma_semaphore, #tpu.memory_space<semaphore_mem>>) src(%dma_wait3A_32 : memref<80x128xi32, #tpu.memory_space<hbm>>) dst(%arg9 : memref<80x128xi32, #tpu.memory_space<vmem>>)
      tpu.yield
    }) : () -> ()
    %mul3A_9 = arith.constant 80 : i32
    %mul3A_10 = arith.muli %add3A, %mul3A_9 : i32
    "tpu.region"() ({
      %run_scoped3A = tpu.sem_alloc : memref<!tpu.dma_semaphore, #tpu.memory_space<semaphore_mem>>
      %dma_start3A = arith.constant 0 : i32
      %dma_start3A_27 = tpu.memref_slice %arg3[%mul3A_10, %dma_start3A] : memref<2560x128xi32, #tpu.memory_space<hbm>> -> memref<80x128xi32, #tpu.memory_space<hbm>>
      %dma_start3A_28 = arith.constant 0 : i32
      %dma_start3A_29 = tpu.memref_slice %arg3[%mul3A_10, %dma_start3A_28] : memref<2560x128xi32, #tpu.memory_space<hbm>> -> memref<80x128xi32, #tpu.memory_space<hbm>>
      tpu.enqueue_dma source(%dma_start3A_29 : memref<80x128xi32, #tpu.memory_space<hbm>>) target(%arg10 : memref<80x128xi32, #tpu.memory_space<vmem>>) target_semaphore(%run_scoped3A : memref<!tpu.dma_semaphore, #tpu.memory_space<semaphore_mem>>)
      %dma_wait3A = arith.constant 0 : i32
      %dma_wait3A_30 = tpu.memref_slice %arg3[%mul3A_10, %dma_wait3A] : memref<2560x128xi32, #tpu.memory_space<hbm>> -> memref<80x128xi32, #tpu.memory_space<hbm>>
      %dma_wait3A_31 = arith.constant 0 : i32
      %dma_wait3A_32 = tpu.memref_slice %arg3[%mul3A_10, %dma_wait3A_31] : memref<2560x128xi32, #tpu.memory_space<hbm>> -> memref<80x128xi32, #tpu.memory_space<hbm>>
      tpu.wait_dma2 semaphore(%run_scoped3A : memref<!tpu.dma_semaphore, #tpu.memory_space<semaphore_mem>>) src(%dma_wait3A_32 : memref<80x128xi32, #tpu.memory_space<hbm>>) dst(%arg10 : memref<80x128xi32, #tpu.memory_space<vmem>>)
      tpu.yield
    }) : () -> ()
    %lt3A_11 = arith.constant 10 : i32
    %lt3A_12 = arith.cmpi slt, %arg1, %lt3A_11 : i32
    %convert_element_type3A_13 = arith.extui %lt3A_12 : i1 to i32
    %cond3A_14 = arith.constant 0 : i32
    %cond3A_15 = arith.cmpi ne, %convert_element_type3A_13, %cond3A_14 : i32
    scf.if %cond3A_15 {
      %run_scoped3A = arith.constant 0 : i32
      "tpu.region"() ({
        %run_scoped3A_44 = tpu.sem_alloc : memref<!tpu.dma_semaphore, #tpu.memory_space<semaphore_mem>>
        %dma_start3A = arith.constant 0 : i32
        %dma_start3A_45 = tpu.memref_slice %arg13[%dma_start3A] : memref<1008xf32, #tpu.memory_space<vmem>> -> memref<1000xf32, #tpu.memory_space<vmem>>
        %dma_start3A_46 = arith.constant 0 : i32
        %dma_start3A_47 = arith.constant 0 : i32
        %dma_start3A_48 = tpu.memref_slice %arg4[%run_scoped3A, %dma_start3A_46, %dma_start3A_47] : memref<2x10x1000xf32, #tpu.memory_space<hbm>> -> memref<1x10x1000xf32, #tpu.memory_space<hbm>>
        %dma_start3A_49 = tpu.memref_squeeze %dma_start3A_48 : memref<1x10x1000xf32, #tpu.memory_space<hbm>> -> memref<10x1000xf32, #tpu.memory_space<hbm>>
        %dma_start3A_50 = arith.constant 0 : i32
        %dma_start3A_51 = tpu.memref_slice %dma_start3A_49[%arg1, %dma_start3A_50] : memref<10x1000xf32, #tpu.memory_space<hbm>> -> memref<1x1000xf32, #tpu.memory_space<hbm>>
        %dma_start3A_52 = tpu.memref_squeeze %dma_start3A_51 : memref<1x1000xf32, #tpu.memory_space<hbm>> -> memref<1000xf32, #tpu.memory_space<hbm>>
        %dma_start3A_53 = arith.constant 0 : i32
        %dma_start3A_54 = tpu.memref_slice %arg13[%dma_start3A_53] : memref<1008xf32, #tpu.memory_space<vmem>> -> memref<1000xf32, #tpu.memory_space<vmem>>
        %dma_start3A_55 = arith.constant 0 : i32
        %dma_start3A_56 = arith.constant 0 : i32
        %dma_start3A_57 = tpu.memref_slice %arg4[%run_scoped3A, %dma_start3A_55, %dma_start3A_56] : memref<2x10x1000xf32, #tpu.memory_space<hbm>> -> memref<1x10x1000xf32, #tpu.memory_space<hbm>>
        %dma_start3A_58 = tpu.memref_squeeze %dma_start3A_57 : memref<1x10x1000xf32, #tpu.memory_space<hbm>> -> memref<10x1000xf32, #tpu.memory_space<hbm>>
        %dma_start3A_59 = arith.constant 0 : i32
        %dma_start3A_60 = tpu.memref_slice %dma_start3A_58[%arg1, %dma_start3A_59] : memref<10x1000xf32, #tpu.memory_space<hbm>> -> memref<1x1000xf32, #tpu.memory_space<hbm>>
        %dma_start3A_61 = tpu.memref_squeeze %dma_start3A_60 : memref<1x1000xf32, #tpu.memory_space<hbm>> -> memref<1000xf32, #tpu.memory_space<hbm>>
        tpu.enqueue_dma source(%dma_start3A_61 : memref<1000xf32, #tpu.memory_space<hbm>>) target(%dma_start3A_54 : memref<1000xf32, #tpu.memory_space<vmem>>) target_semaphore(%run_scoped3A_44 : memref<!tpu.dma_semaphore, #tpu.memory_space<semaphore_mem>>)
        %dma_wait3A = arith.constant 0 : i32
        %dma_wait3A_62 = tpu.memref_slice %arg13[%dma_wait3A] : memref<1008xf32, #tpu.memory_space<vmem>> -> memref<1000xf32, #tpu.memory_space<vmem>>
        %dma_wait3A_63 = arith.constant 0 : i32
        %dma_wait3A_64 = arith.constant 0 : i32
        %dma_wait3A_65 = tpu.memref_slice %arg4[%run_scoped3A, %dma_wait3A_63, %dma_wait3A_64] : memref<2x10x1000xf32, #tpu.memory_space<hbm>> -> memref<1x10x1000xf32, #tpu.memory_space<hbm>>
        %dma_wait3A_66 = tpu.memref_squeeze %dma_wait3A_65 : memref<1x10x1000xf32, #tpu.memory_space<hbm>> -> memref<10x1000xf32, #tpu.memory_space<hbm>>
        %dma_wait3A_67 = arith.constant 0 : i32
        %dma_wait3A_68 = tpu.memref_slice %dma_wait3A_66[%arg1, %dma_wait3A_67] : memref<10x1000xf32, #tpu.memory_space<hbm>> -> memref<1x1000xf32, #tpu.memory_space<hbm>>
        %dma_wait3A_69 = tpu.memref_squeeze %dma_wait3A_68 : memref<1x1000xf32, #tpu.memory_space<hbm>> -> memref<1000xf32, #tpu.memory_space<hbm>>
        %dma_wait3A_70 = arith.constant 0 : i32
        %dma_wait3A_71 = tpu.memref_slice %arg13[%dma_wait3A_70] : memref<1008xf32, #tpu.memory_space<vmem>> -> memref<1000xf32, #tpu.memory_space<vmem>>
        %dma_wait3A_72 = arith.constant 0 : i32
        %dma_wait3A_73 = arith.constant 0 : i32
        %dma_wait3A_74 = tpu.memref_slice %arg4[%run_scoped3A, %dma_wait3A_72, %dma_wait3A_73] : memref<2x10x1000xf32, #tpu.memory_space<hbm>> -> memref<1x10x1000xf32, #tpu.memory_space<hbm>>
        %dma_wait3A_75 = tpu.memref_squeeze %dma_wait3A_74 : memref<1x10x1000xf32, #tpu.memory_space<hbm>> -> memref<10x1000xf32, #tpu.memory_space<hbm>>
        %dma_wait3A_76 = arith.constant 0 : i32
        %dma_wait3A_77 = tpu.memref_slice %dma_wait3A_75[%arg1, %dma_wait3A_76] : memref<10x1000xf32, #tpu.memory_space<hbm>> -> memref<1x1000xf32, #tpu.memory_space<hbm>>
        %dma_wait3A_78 = tpu.memref_squeeze %dma_wait3A_77 : memref<1x1000xf32, #tpu.memory_space<hbm>> -> memref<1000xf32, #tpu.memory_space<hbm>>
        tpu.wait_dma2 semaphore(%run_scoped3A_44 : memref<!tpu.dma_semaphore, #tpu.memory_space<semaphore_mem>>) src(%dma_wait3A_78 : memref<1000xf32, #tpu.memory_space<hbm>>) dst(%dma_wait3A_71 : memref<1000xf32, #tpu.memory_space<vmem>>)
        tpu.yield
      }) : () -> ()
      %run_scoped3A_27 = arith.constant 1 : i32
      "tpu.region"() ({
        %run_scoped3A_44 = tpu.sem_alloc : memref<!tpu.dma_semaphore, #tpu.memory_space<semaphore_mem>>
        %dma_start3A = arith.constant 0 : i32
        %dma_start3A_45 = tpu.memref_slice %arg14[%dma_start3A] : memref<1008xf32, #tpu.memory_space<vmem>> -> memref<1000xf32, #tpu.memory_space<vmem>>
        %dma_start3A_46 = arith.constant 0 : i32
        %dma_start3A_47 = arith.constant 0 : i32
        %dma_start3A_48 = tpu.memref_slice %arg4[%run_scoped3A_27, %dma_start3A_46, %dma_start3A_47] : memref<2x10x1000xf32, #tpu.memory_space<hbm>> -> memref<1x10x1000xf32, #tpu.memory_space<hbm>>
        %dma_start3A_49 = tpu.memref_squeeze %dma_start3A_48 : memref<1x10x1000xf32, #tpu.memory_space<hbm>> -> memref<10x1000xf32, #tpu.memory_space<hbm>>
        %dma_start3A_50 = arith.constant 0 : i32
        %dma_start3A_51 = tpu.memref_slice %dma_start3A_49[%arg1, %dma_start3A_50] : memref<10x1000xf32, #tpu.memory_space<hbm>> -> memref<1x1000xf32, #tpu.memory_space<hbm>>
        %dma_start3A_52 = tpu.memref_squeeze %dma_start3A_51 : memref<1x1000xf32, #tpu.memory_space<hbm>> -> memref<1000xf32, #tpu.memory_space<hbm>>
        %dma_start3A_53 = arith.constant 0 : i32
        %dma_start3A_54 = tpu.memref_slice %arg14[%dma_start3A_53] : memref<1008xf32, #tpu.memory_space<vmem>> -> memref<1000xf32, #tpu.memory_space<vmem>>
        %dma_start3A_55 = arith.constant 0 : i32
        %dma_start3A_56 = arith.constant 0 : i32
        %dma_start3A_57 = tpu.memref_slice %arg4[%run_scoped3A_27, %dma_start3A_55, %dma_start3A_56] : memref<2x10x1000xf32, #tpu.memory_space<hbm>> -> memref<1x10x1000xf32, #tpu.memory_space<hbm>>
        %dma_start3A_58 = tpu.memref_squeeze %dma_start3A_57 : memref<1x10x1000xf32, #tpu.memory_space<hbm>> -> memref<10x1000xf32, #tpu.memory_space<hbm>>
        %dma_start3A_59 = arith.constant 0 : i32
        %dma_start3A_60 = tpu.memref_slice %dma_start3A_58[%arg1, %dma_start3A_59] : memref<10x1000xf32, #tpu.memory_space<hbm>> -> memref<1x1000xf32, #tpu.memory_space<hbm>>
        %dma_start3A_61 = tpu.memref_squeeze %dma_start3A_60 : memref<1x1000xf32, #tpu.memory_space<hbm>> -> memref<1000xf32, #tpu.memory_space<hbm>>
        tpu.enqueue_dma source(%dma_start3A_61 : memref<1000xf32, #tpu.memory_space<hbm>>) target(%dma_start3A_54 : memref<1000xf32, #tpu.memory_space<vmem>>) target_semaphore(%run_scoped3A_44 : memref<!tpu.dma_semaphore, #tpu.memory_space<semaphore_mem>>)
        %dma_wait3A = arith.constant 0 : i32
        %dma_wait3A_62 = tpu.memref_slice %arg14[%dma_wait3A] : memref<1008xf32, #tpu.memory_space<vmem>> -> memref<1000xf32, #tpu.memory_space<vmem>>
        %dma_wait3A_63 = arith.constant 0 : i32
        %dma_wait3A_64 = arith.constant 0 : i32
        %dma_wait3A_65 = tpu.memref_slice %arg4[%run_scoped3A_27, %dma_wait3A_63, %dma_wait3A_64] : memref<2x10x1000xf32, #tpu.memory_space<hbm>> -> memref<1x10x1000xf32, #tpu.memory_space<hbm>>
        %dma_wait3A_66 = tpu.memref_squeeze %dma_wait3A_65 : memref<1x10x1000xf32, #tpu.memory_space<hbm>> -> memref<10x1000xf32, #tpu.memory_space<hbm>>
        %dma_wait3A_67 = arith.constant 0 : i32
        %dma_wait3A_68 = tpu.memref_slice %dma_wait3A_66[%arg1, %dma_wait3A_67] : memref<10x1000xf32, #tpu.memory_space<hbm>> -> memref<1x1000xf32, #tpu.memory_space<hbm>>
        %dma_wait3A_69 = tpu.memref_squeeze %dma_wait3A_68 : memref<1x1000xf32, #tpu.memory_space<hbm>> -> memref<1000xf32, #tpu.memory_space<hbm>>
        %dma_wait3A_70 = arith.constant 0 : i32
        %dma_wait3A_71 = tpu.memref_slice %arg14[%dma_wait3A_70] : memref<1008xf32, #tpu.memory_space<vmem>> -> memref<1000xf32, #tpu.memory_space<vmem>>
        %dma_wait3A_72 = arith.constant 0 : i32
        %dma_wait3A_73 = arith.constant 0 : i32
        %dma_wait3A_74 = tpu.memref_slice %arg4[%run_scoped3A_27, %dma_wait3A_72, %dma_wait3A_73] : memref<2x10x1000xf32, #tpu.memory_space<hbm>> -> memref<1x10x1000xf32, #tpu.memory_space<hbm>>
        %dma_wait3A_75 = tpu.memref_squeeze %dma_wait3A_74 : memref<1x10x1000xf32, #tpu.memory_space<hbm>> -> memref<10x1000xf32, #tpu.memory_space<hbm>>
        %dma_wait3A_76 = arith.constant 0 : i32
        %dma_wait3A_77 = tpu.memref_slice %dma_wait3A_75[%arg1, %dma_wait3A_76] : memref<10x1000xf32, #tpu.memory_space<hbm>> -> memref<1x1000xf32, #tpu.memory_space<hbm>>
        %dma_wait3A_78 = tpu.memref_squeeze %dma_wait3A_77 : memref<1x1000xf32, #tpu.memory_space<hbm>> -> memref<1000xf32, #tpu.memory_space<hbm>>
        tpu.wait_dma2 semaphore(%run_scoped3A_44 : memref<!tpu.dma_semaphore, #tpu.memory_space<semaphore_mem>>) src(%dma_wait3A_78 : memref<1000xf32, #tpu.memory_space<hbm>>) dst(%dma_wait3A_71 : memref<1000xf32, #tpu.memory_space<vmem>>)
        tpu.yield
      }) : () -> ()
      %mul3A_28 = arith.constant 1000 : i32
      %mul3A_29 = arith.muli %arg1, %mul3A_28 : i32
      "tpu.region"() ({
        %run_scoped3A_44 = tpu.sem_alloc : memref<!tpu.dma_semaphore, #tpu.memory_space<semaphore_mem>>
        %dma_start3A = arith.constant 0 : i32
        %dma_start3A_45 = tpu.memref_slice %arg5[%mul3A_29, %dma_start3A] : memref<10000x16xf32, #tpu.memory_space<hbm>> -> memref<1000x16xf32, #tpu.memory_space<hbm>>
        %dma_start3A_46 = arith.constant 0 : i32
        %dma_start3A_47 = tpu.memref_slice %arg5[%mul3A_29, %dma_start3A_46] : memref<10000x16xf32, #tpu.memory_space<hbm>> -> memref<1000x16xf32, #tpu.memory_space<hbm>>
        tpu.enqueue_dma source(%dma_start3A_47 : memref<1000x16xf32, #tpu.memory_space<hbm>>) target(%arg16 : memref<1000x16xf32, #tpu.memory_space<vmem>>) target_semaphore(%run_scoped3A_44 : memref<!tpu.dma_semaphore, #tpu.memory_space<semaphore_mem>>)
        %dma_wait3A = arith.constant 0 : i32
        %dma_wait3A_48 = tpu.memref_slice %arg5[%mul3A_29, %dma_wait3A] : memref<10000x16xf32, #tpu.memory_space<hbm>> -> memref<1000x16xf32, #tpu.memory_space<hbm>>
        %dma_wait3A_49 = arith.constant 0 : i32
        %dma_wait3A_50 = tpu.memref_slice %arg5[%mul3A_29, %dma_wait3A_49] : memref<10000x16xf32, #tpu.memory_space<hbm>> -> memref<1000x16xf32, #tpu.memory_space<hbm>>
        tpu.wait_dma2 semaphore(%run_scoped3A_44 : memref<!tpu.dma_semaphore, #tpu.memory_space<semaphore_mem>>) src(%dma_wait3A_50 : memref<1000x16xf32, #tpu.memory_space<hbm>>) dst(%arg16 : memref<1000x16xf32, #tpu.memory_space<vmem>>)
        tpu.yield
      }) : () -> ()
      %scan3A_30 = arith.constant 0 : i32
      %scan3A_31 = arith.constant 0 : i32
      %scan3A_32 = arith.constant 63 : i32
      %scan3A_33 = arith.addi %scan3A_31, %scan3A_32 : i32
      %scan3A_34 = arith.constant 1 : i32
      scf.for %scan3A_44 = %scan3A_31 to %scan3A_33 step %scan3A_34  : i32 {
        %mul3A_45 = arith.constant 16 : i32
        %mul3A_46 = arith.muli %scan3A_44, %mul3A_45 : i32
        %add3A_47 = vector.broadcast %mul3A_46 : i32 to vector<16xi32>
        %add3A_48 = arith.addi %add3A_47, %iota3A : vector<16xi32>
        %gather3A = tpu.vector_load_idx %arg13[%add3A_48] : memref<1008xf32, #tpu.memory_space<vmem>>[vector<16xi32>], vector<16xf32>,
        %gather3A_49 = tpu.vector_load_idx %arg14[%add3A_48] : memref<1008xf32, #tpu.memory_space<vmem>>[vector<16xi32>], vector<16xf32>,
        %add3A_50 = arith.addf %gather3A, %gather3A_49 : vector<16xf32>
        %add3A_51 = arith.constant 1.000000e+00 : f32
        %add3A_52 = vector.broadcast %add3A_51 : f32 to vector<16xf32>
        %add3A_53 = arith.addf %add3A_50, %add3A_52 : vector<16xf32>
        %bitcast3A = vector.bitcast %add3A_53 : vector<16xf32> to vector<16xi32>
        %shift_right_arithmetic3A = arith.constant 1 : i32
        %shift_right_arithmetic3A_54 = vector.broadcast %shift_right_arithmetic3A : i32 to vector<16xi32>
        %shift_right_arithmetic3A_55 = arith.shrsi %bitcast3A, %shift_right_arithmetic3A_54 : vector<16xi32>
        %sub3A = arith.constant 1597463007 : i32
        %sub3A_56 = vector.broadcast %sub3A : i32 to vector<16xi32>
        %sub3A_57 = arith.subi %sub3A_56, %shift_right_arithmetic3A_55 : vector<16xi32>
        %bitcast3A_58 = vector.bitcast %sub3A_57 : vector<16xi32> to vector<16xf32>
        %mul3A_59 = arith.constant 5.000000e-01 : f32
        %mul3A_60 = vector.broadcast %mul3A_59 : f32 to vector<16xf32>
        %mul3A_61 = arith.mulf %mul3A_60, %add3A_53 : vector<16xf32>
        %mul3A_62 = arith.mulf %mul3A_61, %bitcast3A_58 : vector<16xf32>
        %mul3A_63 = arith.mulf %mul3A_62, %bitcast3A_58 : vector<16xf32>
        %sub3A_64 = arith.constant 1.500000e+00 : f32
        %sub3A_65 = vector.broadcast %sub3A_64 : f32 to vector<16xf32>
        %sub3A_66 = arith.subf %sub3A_65, %mul3A_63 : vector<16xf32>
        %mul3A_67 = arith.mulf %bitcast3A_58, %sub3A_66 : vector<16xf32>
        %mul3A_68 = arith.constant 5.000000e-01 : f32
        %mul3A_69 = vector.broadcast %mul3A_68 : f32 to vector<16xf32>
        %mul3A_70 = arith.mulf %mul3A_69, %add3A_53 : vector<16xf32>
        %mul3A_71 = arith.mulf %mul3A_70, %mul3A_67 : vector<16xf32>
        %mul3A_72 = arith.mulf %mul3A_71, %mul3A_67 : vector<16xf32>
        %sub3A_73 = arith.constant 1.500000e+00 : f32
        %sub3A_74 = vector.broadcast %sub3A_73 : f32 to vector<16xf32>
        %sub3A_75 = arith.subf %sub3A_74, %mul3A_72 : vector<16xf32>
        %mul3A_76 = arith.mulf %mul3A_67, %sub3A_75 : vector<16xf32>
        %mul3A_77 = arith.constant 5.000000e-01 : f32
        %mul3A_78 = vector.broadcast %mul3A_77 : f32 to vector<16xf32>
        %mul3A_79 = arith.mulf %mul3A_78, %add3A_53 : vector<16xf32>
        %mul3A_80 = arith.mulf %mul3A_79, %mul3A_76 : vector<16xf32>
        %mul3A_81 = arith.mulf %mul3A_80, %mul3A_76 : vector<16xf32>
        %sub3A_82 = arith.constant 1.500000e+00 : f32
        %sub3A_83 = vector.broadcast %sub3A_82 : f32 to vector<16xf32>
        %sub3A_84 = arith.subf %sub3A_83, %mul3A_81 : vector<16xf32>
        %mul3A_85 = arith.mulf %mul3A_76, %sub3A_84 : vector<16xf32>
        %mul3A_86 = arith.constant 5.000000e-01 : f32
        %mul3A_87 = vector.broadcast %mul3A_86 : f32 to vector<16xf32>
        %mul3A_88 = arith.mulf %mul3A_87, %add3A_53 : vector<16xf32>
        %mul3A_89 = arith.mulf %mul3A_88, %mul3A_85 : vector<16xf32>
        %mul3A_90 = arith.mulf %mul3A_89, %mul3A_85 : vector<16xf32>
        %sub3A_91 = arith.constant 1.500000e+00 : f32
        %sub3A_92 = vector.broadcast %sub3A_91 : f32 to vector<16xf32>
        %sub3A_93 = arith.subf %sub3A_92, %mul3A_90 : vector<16xf32>
        %mul3A_94 = arith.mulf %mul3A_85, %sub3A_93 : vector<16xf32>
        tpu.vector_store_idx %arg15[%add3A_48], %mul3A_94 : memref<1008xf32, #tpu.memory_space<vmem>>[vector<16xi32>], vector<16xf32>,
      }
      %scan3A_35 = arith.constant 63 : i32
      %scan3A_36 = arith.constant 0 : i32
      %scan3A_37 = arith.constant 0 : i32
      %scan3A_38 = arith.constant 1000 : i32
      %scan3A_39 = arith.addi %scan3A_37, %scan3A_38 : i32
      %scan3A_40 = arith.constant 1 : i32
      scf.for %scan3A_44 = %scan3A_37 to %scan3A_39 step %scan3A_40  : i32 {
        %broadcast_in_dim3A = vector.broadcast %scan3A_44 : i32 to vector<16xi32>
        %gather3A = tpu.vector_load_idx %arg15[%broadcast_in_dim3A] : memref<1008xf32, #tpu.memory_space<vmem>>[vector<16xi32>], vector<16xf32>,
        %gather3A_45 = tpu.vector_load_idx %arg16[%broadcast_in_dim3A, %iota3A] : memref<1000x16xf32, #tpu.memory_space<vmem>>[vector<16xi32>, vector<16xi32>], vector<16xf32>,
        %mul3A_46 = arith.mulf %gather3A_45, %gather3A : vector<16xf32>
        tpu.vector_store_idx %arg17[%broadcast_in_dim3A, %iota3A], %mul3A_46 : memref<1000x16xf32, #tpu.memory_space<vmem>>[vector<16xi32>, vector<16xi32>], vector<16xf32>,
      }
      %scan3A_41 = arith.constant 1000 : i32
      %mul3A_42 = arith.constant 1000 : i32
      %mul3A_43 = arith.muli %arg1, %mul3A_42 : i32
      "tpu.region"() ({
        %run_scoped3A_44 = tpu.sem_alloc : memref<!tpu.dma_semaphore, #tpu.memory_space<semaphore_mem>>
        %dma_start3A = arith.constant 0 : i32
        %dma_start3A_45 = tpu.memref_slice %arg8[%mul3A_43, %dma_start3A] : memref<10000x16xf32, #tpu.memory_space<hbm>> -> memref<1000x16xf32, #tpu.memory_space<hbm>>
        %dma_start3A_46 = arith.constant 0 : i32
        %dma_start3A_47 = tpu.memref_slice %arg8[%mul3A_43, %dma_start3A_46] : memref<10000x16xf32, #tpu.memory_space<hbm>> -> memref<1000x16xf32, #tpu.memory_space<hbm>>
        tpu.enqueue_dma source(%arg17 : memref<1000x16xf32, #tpu.memory_space<vmem>>) target(%dma_start3A_47 : memref<1000x16xf32, #tpu.memory_space<hbm>>) target_semaphore(%run_scoped3A_44 : memref<!tpu.dma_semaphore, #tpu.memory_space<semaphore_mem>>)
        %dma_wait3A = arith.constant 0 : i32
        %dma_wait3A_48 = tpu.memref_slice %arg8[%mul3A_43, %dma_wait3A] : memref<10000x16xf32, #tpu.memory_space<hbm>> -> memref<1000x16xf32, #tpu.memory_space<hbm>>
        %dma_wait3A_49 = arith.constant 0 : i32
        %dma_wait3A_50 = tpu.memref_slice %arg8[%mul3A_43, %dma_wait3A_49] : memref<10000x16xf32, #tpu.memory_space<hbm>> -> memref<1000x16xf32, #tpu.memory_space<hbm>>
        tpu.wait_dma2 semaphore(%run_scoped3A_44 : memref<!tpu.dma_semaphore, #tpu.memory_space<semaphore_mem>>) src(%arg17 : memref<1000x16xf32, #tpu.memory_space<vmem>>) dst(%dma_wait3A_50 : memref<1000x16xf32, #tpu.memory_space<hbm>>)
        tpu.yield
      }) : () -> ()
    } else {
    }
    %barrier3A = arith.constant 0 : index
    tpu.barrier barrier_id(%barrier3A)
    %scan3A = arith.constant 0 : i32
    %scan3A_16 = arith.constant 0 : i32
    %scan3A_17 = arith.constant 10 : i32
    %scan3A_18 = arith.addi %scan3A_16, %scan3A_17 : i32
    %scan3A_19 = arith.constant 1 : i32
    scf.for %scan3A_27 = %scan3A_16 to %scan3A_18 step %scan3A_19  : i32 {
      %mul3A_28 = arith.constant 8 : i32
      %mul3A_29 = arith.muli %mul3A_28, %scan3A_27 : i32
      %add3A_30 = arith.constant 0 : i32
      %add3A_31 = arith.addi %mul3A_29, %add3A_30 : i32
      %dma_start3A = arith.constant 0 : i32
      %dma_start3A_32 = tpu.memref_slice %arg9[%add3A_31, %dma_start3A] : memref<80x128xi32, #tpu.memory_space<vmem>> -> memref<1x128xi32, #tpu.memory_space<vmem>>
      %dma_start3A_33 = tpu.memref_squeeze %dma_start3A_32 : memref<1x128xi32, #tpu.memory_space<vmem>> -> memref<128xi32, #tpu.memory_space<vmem>>
      %dma_start3A_34 = arith.constant 0 : i32
      %dma_start3A_35 = arith.constant 0 : i32
      %dma_start3A_36 = tpu.memref_slice %arg8[%dma_start3A_34, %dma_start3A_35] : memref<10000x16xf32, #tpu.memory_space<hbm>> -> memref<10000x16xf32, #tpu.memory_space<hbm>>
      tpu.enqueue_indirect_dma source(%dma_start3A_36 : memref<10000x16xf32, #tpu.memory_space<hbm>>) target(%arg18 : memref<128x16xf32, #tpu.memory_space<vmem>>) offsets(%dma_start3A_33 : memref<128xi32, #tpu.memory_space<vmem>>) semaphore(%arg26 : memref<!tpu.dma_semaphore, #tpu.memory_space<semaphore_mem>>)
      %add3A_37 = arith.constant 1 : i32
      %add3A_38 = arith.addi %mul3A_29, %add3A_37 : i32
      %dma_start3A_39 = arith.constant 0 : i32
      %dma_start3A_40 = tpu.memref_slice %arg9[%add3A_38, %dma_start3A_39] : memref<80x128xi32, #tpu.memory_space<vmem>> -> memref<1x128xi32, #tpu.memory_space<vmem>>
      %dma_start3A_41 = tpu.memref_squeeze %dma_start3A_40 : memref<1x128xi32, #tpu.memory_space<vmem>> -> memref<128xi32, #tpu.memory_space<vmem>>
      %dma_start3A_42 = arith.constant 0 : i32
      %dma_start3A_43 = arith.constant 0 : i32
      %dma_start3A_44 = tpu.memref_slice %arg8[%dma_start3A_42, %dma_start3A_43] : memref<10000x16xf32, #tpu.memory_space<hbm>> -> memref<10000x16xf32, #tpu.memory_space<hbm>>
      tpu.enqueue_indirect_dma source(%dma_start3A_44 : memref<10000x16xf32, #tpu.memory_space<hbm>>) target(%arg19 : memref<128x16xf32, #tpu.memory_space<vmem>>) offsets(%dma_start3A_41 : memref<128xi32, #tpu.memory_space<vmem>>) semaphore(%arg27 : memref<!tpu.dma_semaphore, #tpu.memory_space<semaphore_mem>>)
      %add3A_45 = arith.constant 2 : i32
      %add3A_46 = arith.addi %mul3A_29, %add3A_45 : i32
      %dma_start3A_47 = arith.constant 0 : i32
      %dma_start3A_48 = tpu.memref_slice %arg9[%add3A_46, %dma_start3A_47] : memref<80x128xi32, #tpu.memory_space<vmem>> -> memref<1x128xi32, #tpu.memory_space<vmem>>
      %dma_start3A_49 = tpu.memref_squeeze %dma_start3A_48 : memref<1x128xi32, #tpu.memory_space<vmem>> -> memref<128xi32, #tpu.memory_space<vmem>>
      %dma_start3A_50 = arith.constant 0 : i32
      %dma_start3A_51 = arith.constant 0 : i32
      %dma_start3A_52 = tpu.memref_slice %arg8[%dma_start3A_50, %dma_start3A_51] : memref<10000x16xf32, #tpu.memory_space<hbm>> -> memref<10000x16xf32, #tpu.memory_space<hbm>>
      tpu.enqueue_indirect_dma source(%dma_start3A_52 : memref<10000x16xf32, #tpu.memory_space<hbm>>) target(%arg20 : memref<128x16xf32, #tpu.memory_space<vmem>>) offsets(%dma_start3A_49 : memref<128xi32, #tpu.memory_space<vmem>>) semaphore(%arg28 : memref<!tpu.dma_semaphore, #tpu.memory_space<semaphore_mem>>)
      %add3A_53 = arith.constant 3 : i32
      %add3A_54 = arith.addi %mul3A_29, %add3A_53 : i32
      %dma_start3A_55 = arith.constant 0 : i32
      %dma_start3A_56 = tpu.memref_slice %arg9[%add3A_54, %dma_start3A_55] : memref<80x128xi32, #tpu.memory_space<vmem>> -> memref<1x128xi32, #tpu.memory_space<vmem>>
      %dma_start3A_57 = tpu.memref_squeeze %dma_start3A_56 : memref<1x128xi32, #tpu.memory_space<vmem>> -> memref<128xi32, #tpu.memory_space<vmem>>
      %dma_start3A_58 = arith.constant 0 : i32
      %dma_start3A_59 = arith.constant 0 : i32
      %dma_start3A_60 = tpu.memref_slice %arg8[%dma_start3A_58, %dma_start3A_59] : memref<10000x16xf32, #tpu.memory_space<hbm>> -> memref<10000x16xf32, #tpu.memory_space<hbm>>
      tpu.enqueue_indirect_dma source(%dma_start3A_60 : memref<10000x16xf32, #tpu.memory_space<hbm>>) target(%arg21 : memref<128x16xf32, #tpu.memory_space<vmem>>) offsets(%dma_start3A_57 : memref<128xi32, #tpu.memory_space<vmem>>) semaphore(%arg29 : memref<!tpu.dma_semaphore, #tpu.memory_space<semaphore_mem>>)
      %add3A_61 = arith.constant 4 : i32
      %add3A_62 = arith.addi %mul3A_29, %add3A_61 : i32
      %dma_start3A_63 = arith.constant 0 : i32
      %dma_start3A_64 = tpu.memref_slice %arg9[%add3A_62, %dma_start3A_63] : memref<80x128xi32, #tpu.memory_space<vmem>> -> memref<1x128xi32, #tpu.memory_space<vmem>>
      %dma_start3A_65 = tpu.memref_squeeze %dma_start3A_64 : memref<1x128xi32, #tpu.memory_space<vmem>> -> memref<128xi32, #tpu.memory_space<vmem>>
      %dma_start3A_66 = arith.constant 0 : i32
      %dma_start3A_67 = arith.constant 0 : i32
      %dma_start3A_68 = tpu.memref_slice %arg8[%dma_start3A_66, %dma_start3A_67] : memref<10000x16xf32, #tpu.memory_space<hbm>> -> memref<10000x16xf32, #tpu.memory_space<hbm>>
      tpu.enqueue_indirect_dma source(%dma_start3A_68 : memref<10000x16xf32, #tpu.memory_space<hbm>>) target(%arg22 : memref<128x16xf32, #tpu.memory_space<vmem>>) offsets(%dma_start3A_65 : memref<128xi32, #tpu.memory_space<vmem>>) semaphore(%arg30 : memref<!tpu.dma_semaphore, #tpu.memory_space<semaphore_mem>>)
      %add3A_69 = arith.constant 5 : i32
      %add3A_70 = arith.addi %mul3A_29, %add3A_69 : i32
      %dma_start3A_71 = arith.constant 0 : i32
      %dma_start3A_72 = tpu.memref_slice %arg9[%add3A_70, %dma_start3A_71] : memref<80x128xi32, #tpu.memory_space<vmem>> -> memref<1x128xi32, #tpu.memory_space<vmem>>
      %dma_start3A_73 = tpu.memref_squeeze %dma_start3A_72 : memref<1x128xi32, #tpu.memory_space<vmem>> -> memref<128xi32, #tpu.memory_space<vmem>>
      %dma_start3A_74 = arith.constant 0 : i32
      %dma_start3A_75 = arith.constant 0 : i32
      %dma_start3A_76 = tpu.memref_slice %arg8[%dma_start3A_74, %dma_start3A_75] : memref<10000x16xf32, #tpu.memory_space<hbm>> -> memref<10000x16xf32, #tpu.memory_space<hbm>>
      tpu.enqueue_indirect_dma source(%dma_start3A_76 : memref<10000x16xf32, #tpu.memory_space<hbm>>) target(%arg23 : memref<128x16xf32, #tpu.memory_space<vmem>>) offsets(%dma_start3A_73 : memref<128xi32, #tpu.memory_space<vmem>>) semaphore(%arg31 : memref<!tpu.dma_semaphore, #tpu.memory_space<semaphore_mem>>)
      %add3A_77 = arith.constant 6 : i32
      %add3A_78 = arith.addi %mul3A_29, %add3A_77 : i32
      %dma_start3A_79 = arith.constant 0 : i32
      %dma_start3A_80 = tpu.memref_slice %arg9[%add3A_78, %dma_start3A_79] : memref<80x128xi32, #tpu.memory_space<vmem>> -> memref<1x128xi32, #tpu.memory_space<vmem>>
      %dma_start3A_81 = tpu.memref_squeeze %dma_start3A_80 : memref<1x128xi32, #tpu.memory_space<vmem>> -> memref<128xi32, #tpu.memory_space<vmem>>
      %dma_start3A_82 = arith.constant 0 : i32
      %dma_start3A_83 = arith.constant 0 : i32
      %dma_start3A_84 = tpu.memref_slice %arg8[%dma_start3A_82, %dma_start3A_83] : memref<10000x16xf32, #tpu.memory_space<hbm>> -> memref<10000x16xf32, #tpu.memory_space<hbm>>
      tpu.enqueue_indirect_dma source(%dma_start3A_84 : memref<10000x16xf32, #tpu.memory_space<hbm>>) target(%arg24 : memref<128x16xf32, #tpu.memory_space<vmem>>) offsets(%dma_start3A_81 : memref<128xi32, #tpu.memory_space<vmem>>) semaphore(%arg32 : memref<!tpu.dma_semaphore, #tpu.memory_space<semaphore_mem>>)
      %add3A_85 = arith.constant 7 : i32
      %add3A_86 = arith.addi %mul3A_29, %add3A_85 : i32
      %dma_start3A_87 = arith.constant 0 : i32
      %dma_start3A_88 = tpu.memref_slice %arg9[%add3A_86, %dma_start3A_87] : memref<80x128xi32, #tpu.memory_space<vmem>> -> memref<1x128xi32, #tpu.memory_space<vmem>>
      %dma_start3A_89 = tpu.memref_squeeze %dma_start3A_88 : memref<1x128xi32, #tpu.memory_space<vmem>> -> memref<128xi32, #tpu.memory_space<vmem>>
      %dma_start3A_90 = arith.constant 0 : i32
      %dma_start3A_91 = arith.constant 0 : i32
      %dma_start3A_92 = tpu.memref_slice %arg8[%dma_start3A_90, %dma_start3A_91] : memref<10000x16xf32, #tpu.memory_space<hbm>> -> memref<10000x16xf32, #tpu.memory_space<hbm>>
      tpu.enqueue_indirect_dma source(%dma_start3A_92 : memref<10000x16xf32, #tpu.memory_space<hbm>>) target(%arg25 : memref<128x16xf32, #tpu.memory_space<vmem>>) offsets(%dma_start3A_89 : memref<128xi32, #tpu.memory_space<vmem>>) semaphore(%arg33 : memref<!tpu.dma_semaphore, #tpu.memory_space<semaphore_mem>>)
      %dma_wait3A = arith.constant 0 : i32
      %dma_wait3A_93 = tpu.memref_slice %arg9[%add3A_31, %dma_wait3A] : memref<80x128xi32, #tpu.memory_space<vmem>> -> memref<1x128xi32, #tpu.memory_space<vmem>>
      %dma_wait3A_94 = tpu.memref_squeeze %dma_wait3A_93 : memref<1x128xi32, #tpu.memory_space<vmem>> -> memref<128xi32, #tpu.memory_space<vmem>>
      %dma_wait3A_95 = arith.constant 0 : i32
      %dma_wait3A_96 = arith.constant 0 : i32
      %dma_wait3A_97 = tpu.memref_slice %arg8[%dma_wait3A_95, %dma_wait3A_96] : memref<10000x16xf32, #tpu.memory_space<hbm>> -> memref<10000x16xf32, #tpu.memory_space<hbm>>
      tpu.wait_indirect_dma semaphore(%arg26 : memref<!tpu.dma_semaphore, #tpu.memory_space<semaphore_mem>>) src(%dma_wait3A_97 : memref<10000x16xf32, #tpu.memory_space<hbm>>) dst(%arg18 : memref<128x16xf32, #tpu.memory_space<vmem>>)
      %add3A_98 = arith.constant 0 : i32
      %add3A_99 = arith.addi %mul3A_29, %add3A_98 : i32
      %dma_start3A_100 = arith.constant 0 : i32
      %dma_start3A_101 = tpu.memref_slice %arg10[%add3A_99, %dma_start3A_100] : memref<80x128xi32, #tpu.memory_space<vmem>> -> memref<1x128xi32, #tpu.memory_space<vmem>>
      %dma_start3A_102 = tpu.memref_squeeze %dma_start3A_101 : memref<1x128xi32, #tpu.memory_space<vmem>> -> memref<128xi32, #tpu.memory_space<vmem>>
      %dma_start3A_103 = arith.constant 0 : i32
      %dma_start3A_104 = arith.constant 0 : i32
      %dma_start3A_105 = tpu.memref_slice %arg12[%dma_start3A_103, %dma_start3A_104] : memref<10016x16xf32, #tpu.memory_space<vmem_shared>> -> memref<10016x16xf32, #tpu.memory_space<vmem_shared>>
      tpu.enqueue_indirect_dma source(%arg18 : memref<128x16xf32, #tpu.memory_space<vmem>>) target(%dma_start3A_105 : memref<10016x16xf32, #tpu.memory_space<vmem_shared>>) offsets(%dma_start3A_102 : memref<128xi32, #tpu.memory_space<vmem>>) semaphore(%arg34 : memref<!tpu.dma_semaphore, #tpu.memory_space<semaphore_mem>>) {add = true}
      %dma_wait3A_106 = arith.constant 0 : i32
      %dma_wait3A_107 = tpu.memref_slice %arg9[%add3A_38, %dma_wait3A_106] : memref<80x128xi32, #tpu.memory_space<vmem>> -> memref<1x128xi32, #tpu.memory_space<vmem>>
      %dma_wait3A_108 = tpu.memref_squeeze %dma_wait3A_107 : memref<1x128xi32, #tpu.memory_space<vmem>> -> memref<128xi32, #tpu.memory_space<vmem>>
      %dma_wait3A_109 = arith.constant 0 : i32
      %dma_wait3A_110 = arith.constant 0 : i32
      %dma_wait3A_111 = tpu.memref_slice %arg8[%dma_wait3A_109, %dma_wait3A_110] : memref<10000x16xf32, #tpu.memory_space<hbm>> -> memref<10000x16xf32, #tpu.memory_space<hbm>>
      tpu.wait_indirect_dma semaphore(%arg27 : memref<!tpu.dma_semaphore, #tpu.memory_space<semaphore_mem>>) src(%dma_wait3A_111 : memref<10000x16xf32, #tpu.memory_space<hbm>>) dst(%arg19 : memref<128x16xf32, #tpu.memory_space<vmem>>)
      %add3A_112 = arith.constant 1 : i32
      %add3A_113 = arith.addi %mul3A_29, %add3A_112 : i32
      %dma_start3A_114 = arith.constant 0 : i32
      %dma_start3A_115 = tpu.memref_slice %arg10[%add3A_113, %dma_start3A_114] : memref<80x128xi32, #tpu.memory_space<vmem>> -> memref<1x128xi32, #tpu.memory_space<vmem>>
      %dma_start3A_116 = tpu.memref_squeeze %dma_start3A_115 : memref<1x128xi32, #tpu.memory_space<vmem>> -> memref<128xi32, #tpu.memory_space<vmem>>
      %dma_start3A_117 = arith.constant 0 : i32
      %dma_start3A_118 = arith.constant 0 : i32
      %dma_start3A_119 = tpu.memref_slice %arg12[%dma_start3A_117, %dma_start3A_118] : memref<10016x16xf32, #tpu.memory_space<vmem_shared>> -> memref<10016x16xf32, #tpu.memory_space<vmem_shared>>
      tpu.enqueue_indirect_dma source(%arg19 : memref<128x16xf32, #tpu.memory_space<vmem>>) target(%dma_start3A_119 : memref<10016x16xf32, #tpu.memory_space<vmem_shared>>) offsets(%dma_start3A_116 : memref<128xi32, #tpu.memory_space<vmem>>) semaphore(%arg35 : memref<!tpu.dma_semaphore, #tpu.memory_space<semaphore_mem>>) {add = true}
      %dma_wait3A_120 = arith.constant 0 : i32
      %dma_wait3A_121 = tpu.memref_slice %arg9[%add3A_46, %dma_wait3A_120] : memref<80x128xi32, #tpu.memory_space<vmem>> -> memref<1x128xi32, #tpu.memory_space<vmem>>
      %dma_wait3A_122 = tpu.memref_squeeze %dma_wait3A_121 : memref<1x128xi32, #tpu.memory_space<vmem>> -> memref<128xi32, #tpu.memory_space<vmem>>
      %dma_wait3A_123 = arith.constant 0 : i32
      %dma_wait3A_124 = arith.constant 0 : i32
      %dma_wait3A_125 = tpu.memref_slice %arg8[%dma_wait3A_123, %dma_wait3A_124] : memref<10000x16xf32, #tpu.memory_space<hbm>> -> memref<10000x16xf32, #tpu.memory_space<hbm>>
      tpu.wait_indirect_dma semaphore(%arg28 : memref<!tpu.dma_semaphore, #tpu.memory_space<semaphore_mem>>) src(%dma_wait3A_125 : memref<10000x16xf32, #tpu.memory_space<hbm>>) dst(%arg20 : memref<128x16xf32, #tpu.memory_space<vmem>>)
      %add3A_126 = arith.constant 2 : i32
      %add3A_127 = arith.addi %mul3A_29, %add3A_126 : i32
      %dma_start3A_128 = arith.constant 0 : i32
      %dma_start3A_129 = tpu.memref_slice %arg10[%add3A_127, %dma_start3A_128] : memref<80x128xi32, #tpu.memory_space<vmem>> -> memref<1x128xi32, #tpu.memory_space<vmem>>
      %dma_start3A_130 = tpu.memref_squeeze %dma_start3A_129 : memref<1x128xi32, #tpu.memory_space<vmem>> -> memref<128xi32, #tpu.memory_space<vmem>>
      %dma_start3A_131 = arith.constant 0 : i32
      %dma_start3A_132 = arith.constant 0 : i32
      %dma_start3A_133 = tpu.memref_slice %arg12[%dma_start3A_131, %dma_start3A_132] : memref<10016x16xf32, #tpu.memory_space<vmem_shared>> -> memref<10016x16xf32, #tpu.memory_space<vmem_shared>>
      tpu.enqueue_indirect_dma source(%arg20 : memref<128x16xf32, #tpu.memory_space<vmem>>) target(%dma_start3A_133 : memref<10016x16xf32, #tpu.memory_space<vmem_shared>>) offsets(%dma_start3A_130 : memref<128xi32, #tpu.memory_space<vmem>>) semaphore(%arg36 : memref<!tpu.dma_semaphore, #tpu.memory_space<semaphore_mem>>) {add = true}
      %dma_wait3A_134 = arith.constant 0 : i32
      %dma_wait3A_135 = tpu.memref_slice %arg9[%add3A_54, %dma_wait3A_134] : memref<80x128xi32, #tpu.memory_space<vmem>> -> memref<1x128xi32, #tpu.memory_space<vmem>>
      %dma_wait3A_136 = tpu.memref_squeeze %dma_wait3A_135 : memref<1x128xi32, #tpu.memory_space<vmem>> -> memref<128xi32, #tpu.memory_space<vmem>>
      %dma_wait3A_137 = arith.constant 0 : i32
      %dma_wait3A_138 = arith.constant 0 : i32
      %dma_wait3A_139 = tpu.memref_slice %arg8[%dma_wait3A_137, %dma_wait3A_138] : memref<10000x16xf32, #tpu.memory_space<hbm>> -> memref<10000x16xf32, #tpu.memory_space<hbm>>
      tpu.wait_indirect_dma semaphore(%arg29 : memref<!tpu.dma_semaphore, #tpu.memory_space<semaphore_mem>>) src(%dma_wait3A_139 : memref<10000x16xf32, #tpu.memory_space<hbm>>) dst(%arg21 : memref<128x16xf32, #tpu.memory_space<vmem>>)
      %add3A_140 = arith.constant 3 : i32
      %add3A_141 = arith.addi %mul3A_29, %add3A_140 : i32
      %dma_start3A_142 = arith.constant 0 : i32
      %dma_start3A_143 = tpu.memref_slice %arg10[%add3A_141, %dma_start3A_142] : memref<80x128xi32, #tpu.memory_space<vmem>> -> memref<1x128xi32, #tpu.memory_space<vmem>>
      %dma_start3A_144 = tpu.memref_squeeze %dma_start3A_143 : memref<1x128xi32, #tpu.memory_space<vmem>> -> memref<128xi32, #tpu.memory_space<vmem>>
      %dma_start3A_145 = arith.constant 0 : i32
      %dma_start3A_146 = arith.constant 0 : i32
      %dma_start3A_147 = tpu.memref_slice %arg12[%dma_start3A_145, %dma_start3A_146] : memref<10016x16xf32, #tpu.memory_space<vmem_shared>> -> memref<10016x16xf32, #tpu.memory_space<vmem_shared>>
      tpu.enqueue_indirect_dma source(%arg21 : memref<128x16xf32, #tpu.memory_space<vmem>>) target(%dma_start3A_147 : memref<10016x16xf32, #tpu.memory_space<vmem_shared>>) offsets(%dma_start3A_144 : memref<128xi32, #tpu.memory_space<vmem>>) semaphore(%arg37 : memref<!tpu.dma_semaphore, #tpu.memory_space<semaphore_mem>>) {add = true}
      %dma_wait3A_148 = arith.constant 0 : i32
      %dma_wait3A_149 = tpu.memref_slice %arg9[%add3A_62, %dma_wait3A_148] : memref<80x128xi32, #tpu.memory_space<vmem>> -> memref<1x128xi32, #tpu.memory_space<vmem>>
      %dma_wait3A_150 = tpu.memref_squeeze %dma_wait3A_149 : memref<1x128xi32, #tpu.memory_space<vmem>> -> memref<128xi32, #tpu.memory_space<vmem>>
      %dma_wait3A_151 = arith.constant 0 : i32
      %dma_wait3A_152 = arith.constant 0 : i32
      %dma_wait3A_153 = tpu.memref_slice %arg8[%dma_wait3A_151, %dma_wait3A_152] : memref<10000x16xf32, #tpu.memory_space<hbm>> -> memref<10000x16xf32, #tpu.memory_space<hbm>>
      tpu.wait_indirect_dma semaphore(%arg30 : memref<!tpu.dma_semaphore, #tpu.memory_space<semaphore_mem>>) src(%dma_wait3A_153 : memref<10000x16xf32, #tpu.memory_space<hbm>>) dst(%arg22 : memref<128x16xf32, #tpu.memory_space<vmem>>)
      %add3A_154 = arith.constant 4 : i32
      %add3A_155 = arith.addi %mul3A_29, %add3A_154 : i32
      %dma_start3A_156 = arith.constant 0 : i32
      %dma_start3A_157 = tpu.memref_slice %arg10[%add3A_155, %dma_start3A_156] : memref<80x128xi32, #tpu.memory_space<vmem>> -> memref<1x128xi32, #tpu.memory_space<vmem>>
      %dma_start3A_158 = tpu.memref_squeeze %dma_start3A_157 : memref<1x128xi32, #tpu.memory_space<vmem>> -> memref<128xi32, #tpu.memory_space<vmem>>
      %dma_start3A_159 = arith.constant 0 : i32
      %dma_start3A_160 = arith.constant 0 : i32
      %dma_start3A_161 = tpu.memref_slice %arg12[%dma_start3A_159, %dma_start3A_160] : memref<10016x16xf32, #tpu.memory_space<vmem_shared>> -> memref<10016x16xf32, #tpu.memory_space<vmem_shared>>
      tpu.enqueue_indirect_dma source(%arg22 : memref<128x16xf32, #tpu.memory_space<vmem>>) target(%dma_start3A_161 : memref<10016x16xf32, #tpu.memory_space<vmem_shared>>) offsets(%dma_start3A_158 : memref<128xi32, #tpu.memory_space<vmem>>) semaphore(%arg38 : memref<!tpu.dma_semaphore, #tpu.memory_space<semaphore_mem>>) {add = true}
      %dma_wait3A_162 = arith.constant 0 : i32
      %dma_wait3A_163 = tpu.memref_slice %arg9[%add3A_70, %dma_wait3A_162] : memref<80x128xi32, #tpu.memory_space<vmem>> -> memref<1x128xi32, #tpu.memory_space<vmem>>
      %dma_wait3A_164 = tpu.memref_squeeze %dma_wait3A_163 : memref<1x128xi32, #tpu.memory_space<vmem>> -> memref<128xi32, #tpu.memory_space<vmem>>
      %dma_wait3A_165 = arith.constant 0 : i32
      %dma_wait3A_166 = arith.constant 0 : i32
      %dma_wait3A_167 = tpu.memref_slice %arg8[%dma_wait3A_165, %dma_wait3A_166] : memref<10000x16xf32, #tpu.memory_space<hbm>> -> memref<10000x16xf32, #tpu.memory_space<hbm>>
      tpu.wait_indirect_dma semaphore(%arg31 : memref<!tpu.dma_semaphore, #tpu.memory_space<semaphore_mem>>) src(%dma_wait3A_167 : memref<10000x16xf32, #tpu.memory_space<hbm>>) dst(%arg23 : memref<128x16xf32, #tpu.memory_space<vmem>>)
      %add3A_168 = arith.constant 5 : i32
      %add3A_169 = arith.addi %mul3A_29, %add3A_168 : i32
      %dma_start3A_170 = arith.constant 0 : i32
      %dma_start3A_171 = tpu.memref_slice %arg10[%add3A_169, %dma_start3A_170] : memref<80x128xi32, #tpu.memory_space<vmem>> -> memref<1x128xi32, #tpu.memory_space<vmem>>
      %dma_start3A_172 = tpu.memref_squeeze %dma_start3A_171 : memref<1x128xi32, #tpu.memory_space<vmem>> -> memref<128xi32, #tpu.memory_space<vmem>>
      %dma_start3A_173 = arith.constant 0 : i32
      %dma_start3A_174 = arith.constant 0 : i32
      %dma_start3A_175 = tpu.memref_slice %arg12[%dma_start3A_173, %dma_start3A_174] : memref<10016x16xf32, #tpu.memory_space<vmem_shared>> -> memref<10016x16xf32, #tpu.memory_space<vmem_shared>>
      tpu.enqueue_indirect_dma source(%arg23 : memref<128x16xf32, #tpu.memory_space<vmem>>) target(%dma_start3A_175 : memref<10016x16xf32, #tpu.memory_space<vmem_shared>>) offsets(%dma_start3A_172 : memref<128xi32, #tpu.memory_space<vmem>>) semaphore(%arg39 : memref<!tpu.dma_semaphore, #tpu.memory_space<semaphore_mem>>) {add = true}
      %dma_wait3A_176 = arith.constant 0 : i32
      %dma_wait3A_177 = tpu.memref_slice %arg9[%add3A_78, %dma_wait3A_176] : memref<80x128xi32, #tpu.memory_space<vmem>> -> memref<1x128xi32, #tpu.memory_space<vmem>>
      %dma_wait3A_178 = tpu.memref_squeeze %dma_wait3A_177 : memref<1x128xi32, #tpu.memory_space<vmem>> -> memref<128xi32, #tpu.memory_space<vmem>>
      %dma_wait3A_179 = arith.constant 0 : i32
      %dma_wait3A_180 = arith.constant 0 : i32
      %dma_wait3A_181 = tpu.memref_slice %arg8[%dma_wait3A_179, %dma_wait3A_180] : memref<10000x16xf32, #tpu.memory_space<hbm>> -> memref<10000x16xf32, #tpu.memory_space<hbm>>
      tpu.wait_indirect_dma semaphore(%arg32 : memref<!tpu.dma_semaphore, #tpu.memory_space<semaphore_mem>>) src(%dma_wait3A_181 : memref<10000x16xf32, #tpu.memory_space<hbm>>) dst(%arg24 : memref<128x16xf32, #tpu.memory_space<vmem>>)
      %add3A_182 = arith.constant 6 : i32
      %add3A_183 = arith.addi %mul3A_29, %add3A_182 : i32
      %dma_start3A_184 = arith.constant 0 : i32
      %dma_start3A_185 = tpu.memref_slice %arg10[%add3A_183, %dma_start3A_184] : memref<80x128xi32, #tpu.memory_space<vmem>> -> memref<1x128xi32, #tpu.memory_space<vmem>>
      %dma_start3A_186 = tpu.memref_squeeze %dma_start3A_185 : memref<1x128xi32, #tpu.memory_space<vmem>> -> memref<128xi32, #tpu.memory_space<vmem>>
      %dma_start3A_187 = arith.constant 0 : i32
      %dma_start3A_188 = arith.constant 0 : i32
      %dma_start3A_189 = tpu.memref_slice %arg12[%dma_start3A_187, %dma_start3A_188] : memref<10016x16xf32, #tpu.memory_space<vmem_shared>> -> memref<10016x16xf32, #tpu.memory_space<vmem_shared>>
      tpu.enqueue_indirect_dma source(%arg24 : memref<128x16xf32, #tpu.memory_space<vmem>>) target(%dma_start3A_189 : memref<10016x16xf32, #tpu.memory_space<vmem_shared>>) offsets(%dma_start3A_186 : memref<128xi32, #tpu.memory_space<vmem>>) semaphore(%arg40 : memref<!tpu.dma_semaphore, #tpu.memory_space<semaphore_mem>>) {add = true}
      %dma_wait3A_190 = arith.constant 0 : i32
      %dma_wait3A_191 = tpu.memref_slice %arg9[%add3A_86, %dma_wait3A_190] : memref<80x128xi32, #tpu.memory_space<vmem>> -> memref<1x128xi32, #tpu.memory_space<vmem>>
      %dma_wait3A_192 = tpu.memref_squeeze %dma_wait3A_191 : memref<1x128xi32, #tpu.memory_space<vmem>> -> memref<128xi32, #tpu.memory_space<vmem>>
      %dma_wait3A_193 = arith.constant 0 : i32
      %dma_wait3A_194 = arith.constant 0 : i32
      %dma_wait3A_195 = tpu.memref_slice %arg8[%dma_wait3A_193, %dma_wait3A_194] : memref<10000x16xf32, #tpu.memory_space<hbm>> -> memref<10000x16xf32, #tpu.memory_space<hbm>>
      tpu.wait_indirect_dma semaphore(%arg33 : memref<!tpu.dma_semaphore, #tpu.memory_space<semaphore_mem>>) src(%dma_wait3A_195 : memref<10000x16xf32, #tpu.memory_space<hbm>>) dst(%arg25 : memref<128x16xf32, #tpu.memory_space<vmem>>)
      %add3A_196 = arith.constant 7 : i32
      %add3A_197 = arith.addi %mul3A_29, %add3A_196 : i32
      %dma_start3A_198 = arith.constant 0 : i32
      %dma_start3A_199 = tpu.memref_slice %arg10[%add3A_197, %dma_start3A_198] : memref<80x128xi32, #tpu.memory_space<vmem>> -> memref<1x128xi32, #tpu.memory_space<vmem>>
      %dma_start3A_200 = tpu.memref_squeeze %dma_start3A_199 : memref<1x128xi32, #tpu.memory_space<vmem>> -> memref<128xi32, #tpu.memory_space<vmem>>
      %dma_start3A_201 = arith.constant 0 : i32
      %dma_start3A_202 = arith.constant 0 : i32
      %dma_start3A_203 = tpu.memref_slice %arg12[%dma_start3A_201, %dma_start3A_202] : memref<10016x16xf32, #tpu.memory_space<vmem_shared>> -> memref<10016x16xf32, #tpu.memory_space<vmem_shared>>
      tpu.enqueue_indirect_dma source(%arg25 : memref<128x16xf32, #tpu.memory_space<vmem>>) target(%dma_start3A_203 : memref<10016x16xf32, #tpu.memory_space<vmem_shared>>) offsets(%dma_start3A_200 : memref<128xi32, #tpu.memory_space<vmem>>) semaphore(%arg41 : memref<!tpu.dma_semaphore, #tpu.memory_space<semaphore_mem>>) {add = true}
      %dma_wait3A_204 = arith.constant 0 : i32
      %dma_wait3A_205 = tpu.memref_slice %arg10[%add3A_99, %dma_wait3A_204] : memref<80x128xi32, #tpu.memory_space<vmem>> -> memref<1x128xi32, #tpu.memory_space<vmem>>
      %dma_wait3A_206 = tpu.memref_squeeze %dma_wait3A_205 : memref<1x128xi32, #tpu.memory_space<vmem>> -> memref<128xi32, #tpu.memory_space<vmem>>
      %dma_wait3A_207 = arith.constant 0 : i32
      %dma_wait3A_208 = arith.constant 0 : i32
      %dma_wait3A_209 = tpu.memref_slice %arg12[%dma_wait3A_207, %dma_wait3A_208] : memref<10016x16xf32, #tpu.memory_space<vmem_shared>> -> memref<10016x16xf32, #tpu.memory_space<vmem_shared>>
      tpu.wait_indirect_dma semaphore(%arg34 : memref<!tpu.dma_semaphore, #tpu.memory_space<semaphore_mem>>) src(%arg18 : memref<128x16xf32, #tpu.memory_space<vmem>>) dst(%dma_wait3A_209 : memref<10016x16xf32, #tpu.memory_space<vmem_shared>>)
      %dma_wait3A_210 = arith.constant 0 : i32
      %dma_wait3A_211 = tpu.memref_slice %arg10[%add3A_113, %dma_wait3A_210] : memref<80x128xi32, #tpu.memory_space<vmem>> -> memref<1x128xi32, #tpu.memory_space<vmem>>
      %dma_wait3A_212 = tpu.memref_squeeze %dma_wait3A_211 : memref<1x128xi32, #tpu.memory_space<vmem>> -> memref<128xi32, #tpu.memory_space<vmem>>
      %dma_wait3A_213 = arith.constant 0 : i32
      %dma_wait3A_214 = arith.constant 0 : i32
      %dma_wait3A_215 = tpu.memref_slice %arg12[%dma_wait3A_213, %dma_wait3A_214] : memref<10016x16xf32, #tpu.memory_space<vmem_shared>> -> memref<10016x16xf32, #tpu.memory_space<vmem_shared>>
      tpu.wait_indirect_dma semaphore(%arg35 : memref<!tpu.dma_semaphore, #tpu.memory_space<semaphore_mem>>) src(%arg19 : memref<128x16xf32, #tpu.memory_space<vmem>>) dst(%dma_wait3A_215 : memref<10016x16xf32, #tpu.memory_space<vmem_shared>>)
      %dma_wait3A_216 = arith.constant 0 : i32
      %dma_wait3A_217 = tpu.memref_slice %arg10[%add3A_127, %dma_wait3A_216] : memref<80x128xi32, #tpu.memory_space<vmem>> -> memref<1x128xi32, #tpu.memory_space<vmem>>
      %dma_wait3A_218 = tpu.memref_squeeze %dma_wait3A_217 : memref<1x128xi32, #tpu.memory_space<vmem>> -> memref<128xi32, #tpu.memory_space<vmem>>
      %dma_wait3A_219 = arith.constant 0 : i32
      %dma_wait3A_220 = arith.constant 0 : i32
      %dma_wait3A_221 = tpu.memref_slice %arg12[%dma_wait3A_219, %dma_wait3A_220] : memref<10016x16xf32, #tpu.memory_space<vmem_shared>> -> memref<10016x16xf32, #tpu.memory_space<vmem_shared>>
      tpu.wait_indirect_dma semaphore(%arg36 : memref<!tpu.dma_semaphore, #tpu.memory_space<semaphore_mem>>) src(%arg20 : memref<128x16xf32, #tpu.memory_space<vmem>>) dst(%dma_wait3A_221 : memref<10016x16xf32, #tpu.memory_space<vmem_shared>>)
      %dma_wait3A_222 = arith.constant 0 : i32
      %dma_wait3A_223 = tpu.memref_slice %arg10[%add3A_141, %dma_wait3A_222] : memref<80x128xi32, #tpu.memory_space<vmem>> -> memref<1x128xi32, #tpu.memory_space<vmem>>
      %dma_wait3A_224 = tpu.memref_squeeze %dma_wait3A_223 : memref<1x128xi32, #tpu.memory_space<vmem>> -> memref<128xi32, #tpu.memory_space<vmem>>
      %dma_wait3A_225 = arith.constant 0 : i32
      %dma_wait3A_226 = arith.constant 0 : i32
      %dma_wait3A_227 = tpu.memref_slice %arg12[%dma_wait3A_225, %dma_wait3A_226] : memref<10016x16xf32, #tpu.memory_space<vmem_shared>> -> memref<10016x16xf32, #tpu.memory_space<vmem_shared>>
      tpu.wait_indirect_dma semaphore(%arg37 : memref<!tpu.dma_semaphore, #tpu.memory_space<semaphore_mem>>) src(%arg21 : memref<128x16xf32, #tpu.memory_space<vmem>>) dst(%dma_wait3A_227 : memref<10016x16xf32, #tpu.memory_space<vmem_shared>>)
      %dma_wait3A_228 = arith.constant 0 : i32
      %dma_wait3A_229 = tpu.memref_slice %arg10[%add3A_155, %dma_wait3A_228] : memref<80x128xi32, #tpu.memory_space<vmem>> -> memref<1x128xi32, #tpu.memory_space<vmem>>
      %dma_wait3A_230 = tpu.memref_squeeze %dma_wait3A_229 : memref<1x128xi32, #tpu.memory_space<vmem>> -> memref<128xi32, #tpu.memory_space<vmem>>
      %dma_wait3A_231 = arith.constant 0 : i32
      %dma_wait3A_232 = arith.constant 0 : i32
      %dma_wait3A_233 = tpu.memref_slice %arg12[%dma_wait3A_231, %dma_wait3A_232] : memref<10016x16xf32, #tpu.memory_space<vmem_shared>> -> memref<10016x16xf32, #tpu.memory_space<vmem_shared>>
      tpu.wait_indirect_dma semaphore(%arg38 : memref<!tpu.dma_semaphore, #tpu.memory_space<semaphore_mem>>) src(%arg22 : memref<128x16xf32, #tpu.memory_space<vmem>>) dst(%dma_wait3A_233 : memref<10016x16xf32, #tpu.memory_space<vmem_shared>>)
      %dma_wait3A_234 = arith.constant 0 : i32
      %dma_wait3A_235 = tpu.memref_slice %arg10[%add3A_169, %dma_wait3A_234] : memref<80x128xi32, #tpu.memory_space<vmem>> -> memref<1x128xi32, #tpu.memory_space<vmem>>
      %dma_wait3A_236 = tpu.memref_squeeze %dma_wait3A_235 : memref<1x128xi32, #tpu.memory_space<vmem>> -> memref<128xi32, #tpu.memory_space<vmem>>
      %dma_wait3A_237 = arith.constant 0 : i32
      %dma_wait3A_238 = arith.constant 0 : i32
      %dma_wait3A_239 = tpu.memref_slice %arg12[%dma_wait3A_237, %dma_wait3A_238] : memref<10016x16xf32, #tpu.memory_space<vmem_shared>> -> memref<10016x16xf32, #tpu.memory_space<vmem_shared>>
      tpu.wait_indirect_dma semaphore(%arg39 : memref<!tpu.dma_semaphore, #tpu.memory_space<semaphore_mem>>) src(%arg23 : memref<128x16xf32, #tpu.memory_space<vmem>>) dst(%dma_wait3A_239 : memref<10016x16xf32, #tpu.memory_space<vmem_shared>>)
      %dma_wait3A_240 = arith.constant 0 : i32
      %dma_wait3A_241 = tpu.memref_slice %arg10[%add3A_183, %dma_wait3A_240] : memref<80x128xi32, #tpu.memory_space<vmem>> -> memref<1x128xi32, #tpu.memory_space<vmem>>
      %dma_wait3A_242 = tpu.memref_squeeze %dma_wait3A_241 : memref<1x128xi32, #tpu.memory_space<vmem>> -> memref<128xi32, #tpu.memory_space<vmem>>
      %dma_wait3A_243 = arith.constant 0 : i32
      %dma_wait3A_244 = arith.constant 0 : i32
      %dma_wait3A_245 = tpu.memref_slice %arg12[%dma_wait3A_243, %dma_wait3A_244] : memref<10016x16xf32, #tpu.memory_space<vmem_shared>> -> memref<10016x16xf32, #tpu.memory_space<vmem_shared>>
      tpu.wait_indirect_dma semaphore(%arg40 : memref<!tpu.dma_semaphore, #tpu.memory_space<semaphore_mem>>) src(%arg24 : memref<128x16xf32, #tpu.memory_space<vmem>>) dst(%dma_wait3A_245 : memref<10016x16xf32, #tpu.memory_space<vmem_shared>>)
      %dma_wait3A_246 = arith.constant 0 : i32
      %dma_wait3A_247 = tpu.memref_slice %arg10[%add3A_197, %dma_wait3A_246] : memref<80x128xi32, #tpu.memory_space<vmem>> -> memref<1x128xi32, #tpu.memory_space<vmem>>
      %dma_wait3A_248 = tpu.memref_squeeze %dma_wait3A_247 : memref<1x128xi32, #tpu.memory_space<vmem>> -> memref<128xi32, #tpu.memory_space<vmem>>
      %dma_wait3A_249 = arith.constant 0 : i32
      %dma_wait3A_250 = arith.constant 0 : i32
      %dma_wait3A_251 = tpu.memref_slice %arg12[%dma_wait3A_249, %dma_wait3A_250] : memref<10016x16xf32, #tpu.memory_space<vmem_shared>> -> memref<10016x16xf32, #tpu.memory_space<vmem_shared>>
      tpu.wait_indirect_dma semaphore(%arg41 : memref<!tpu.dma_semaphore, #tpu.memory_space<semaphore_mem>>) src(%arg25 : memref<128x16xf32, #tpu.memory_space<vmem>>) dst(%dma_wait3A_251 : memref<10016x16xf32, #tpu.memory_space<vmem_shared>>)
    }
    %scan3A_20 = arith.constant 10 : i32
    %barrier3A_21 = arith.constant 0 : index
    tpu.barrier barrier_id(%barrier3A_21)
    %lt3A_22 = arith.constant 10 : i32
    %lt3A_23 = arith.cmpi slt, %arg1, %lt3A_22 : i32
    %convert_element_type3A_24 = arith.extui %lt3A_23 : i1 to i32
    %cond3A_25 = arith.constant 0 : i32
    %cond3A_26 = arith.cmpi ne, %convert_element_type3A_24, %cond3A_25 : i32
    scf.if %cond3A_26 {
      %mul3A_27 = arith.constant 1000 : i32
      %mul3A_28 = arith.muli %arg1, %mul3A_27 : i32
      "tpu.region"() ({
        %run_scoped3A = tpu.sem_alloc : memref<!tpu.dma_semaphore, #tpu.memory_space<semaphore_mem>>
        %dma_start3A = arith.constant 0 : i32
        %dma_start3A_41 = tpu.memref_slice %arg12[%mul3A_28, %dma_start3A] : memref<10016x16xf32, #tpu.memory_space<vmem_shared>> -> memref<1000x16xf32, #tpu.memory_space<vmem_shared>>
        %dma_start3A_42 = arith.constant 0 : i32
        %dma_start3A_43 = tpu.memref_slice %arg12[%mul3A_28, %dma_start3A_42] : memref<10016x16xf32, #tpu.memory_space<vmem_shared>> -> memref<1000x16xf32, #tpu.memory_space<vmem_shared>>
        tpu.enqueue_dma source(%dma_start3A_43 : memref<1000x16xf32, #tpu.memory_space<vmem_shared>>) target(%arg11 : memref<1000x16xf32, #tpu.memory_space<vmem>>) target_semaphore(%run_scoped3A : memref<!tpu.dma_semaphore, #tpu.memory_space<semaphore_mem>>)
        %dma_wait3A = arith.constant 0 : i32
        %dma_wait3A_44 = tpu.memref_slice %arg12[%mul3A_28, %dma_wait3A] : memref<10016x16xf32, #tpu.memory_space<vmem_shared>> -> memref<1000x16xf32, #tpu.memory_space<vmem_shared>>
        %dma_wait3A_45 = arith.constant 0 : i32
        %dma_wait3A_46 = tpu.memref_slice %arg12[%mul3A_28, %dma_wait3A_45] : memref<10016x16xf32, #tpu.memory_space<vmem_shared>> -> memref<1000x16xf32, #tpu.memory_space<vmem_shared>>
        tpu.wait_dma2 semaphore(%run_scoped3A : memref<!tpu.dma_semaphore, #tpu.memory_space<semaphore_mem>>) src(%dma_wait3A_46 : memref<1000x16xf32, #tpu.memory_space<vmem_shared>>) dst(%arg11 : memref<1000x16xf32, #tpu.memory_space<vmem>>)
        tpu.yield
      }) : () -> ()
      %eq3A_29 = arith.constant 0 : i32
      %eq3A_30 = arith.cmpi eq, %arg0, %eq3A_29 : i32
      %convert_element_type3A_31 = arith.extui %eq3A_30 : i1 to i32
      %convert_element_type3A_32 = arith.sitofp %convert_element_type3A_31 : i32 to f32
      %broadcast_in_dim3A = vector.broadcast %convert_element_type3A_32 : f32 to vector<16xf32>
      %scan3A_33 = arith.constant 0 : i32
      %scan3A_34 = arith.constant 0 : i32
      %scan3A_35 = arith.constant 1000 : i32
      %scan3A_36 = arith.addi %scan3A_34, %scan3A_35 : i32
      %scan3A_37 = arith.constant 1 : i32
      scf.for %scan3A_41 = %scan3A_34 to %scan3A_36 step %scan3A_37  : i32 {
        %broadcast_in_dim3A_42 = vector.broadcast %scan3A_41 : i32 to vector<16xi32>
        %gather3A = tpu.vector_load_idx %arg15[%broadcast_in_dim3A_42] : memref<1008xf32, #tpu.memory_space<vmem>>[vector<16xi32>], vector<16xf32>,
        %gather3A_43 = tpu.vector_load_idx %arg11[%broadcast_in_dim3A_42, %iota3A] : memref<1000x16xf32, #tpu.memory_space<vmem>>[vector<16xi32>, vector<16xi32>], vector<16xf32>,
        %gather3A_44 = tpu.vector_load_idx %arg17[%broadcast_in_dim3A_42, %iota3A] : memref<1000x16xf32, #tpu.memory_space<vmem>>[vector<16xi32>, vector<16xi32>], vector<16xf32>,
        %mul3A_45 = arith.mulf %gather3A_44, %broadcast_in_dim3A : vector<16xf32>
        %add3A_46 = arith.addf %gather3A_43, %mul3A_45 : vector<16xf32>
        %mul3A_47 = arith.mulf %add3A_46, %gather3A : vector<16xf32>
        tpu.vector_store_idx %arg11[%broadcast_in_dim3A_42, %iota3A], %mul3A_47 : memref<1000x16xf32, #tpu.memory_space<vmem>>[vector<16xi32>, vector<16xi32>], vector<16xf32>,
      }
      %scan3A_38 = arith.constant 1000 : i32
      %mul3A_39 = arith.constant 1000 : i32
      %mul3A_40 = arith.muli %arg1, %mul3A_39 : i32
      "tpu.region"() ({
        %run_scoped3A = tpu.sem_alloc : memref<!tpu.dma_semaphore, #tpu.memory_space<semaphore_mem>>
        %dma_start3A = arith.constant 0 : i32
        %dma_start3A_41 = arith.constant 0 : i32
        %dma_start3A_42 = tpu.memref_slice %arg7[%arg0, %dma_start3A, %dma_start3A_41] : memref<2x10000x16xf32, #tpu.memory_space<hbm>> -> memref<1x10000x16xf32, #tpu.memory_space<hbm>>
        %dma_start3A_43 = tpu.memref_squeeze %dma_start3A_42 : memref<1x10000x16xf32, #tpu.memory_space<hbm>> -> memref<10000x16xf32, #tpu.memory_space<hbm>>
        %dma_start3A_44 = arith.constant 0 : i32
        %dma_start3A_45 = tpu.memref_slice %dma_start3A_43[%mul3A_40, %dma_start3A_44] : memref<10000x16xf32, #tpu.memory_space<hbm>> -> memref<1000x16xf32, #tpu.memory_space<hbm>>
        %dma_start3A_46 = arith.constant 0 : i32
        %dma_start3A_47 = arith.constant 0 : i32
        %dma_start3A_48 = tpu.memref_slice %arg7[%arg0, %dma_start3A_46, %dma_start3A_47] : memref<2x10000x16xf32, #tpu.memory_space<hbm>> -> memref<1x10000x16xf32, #tpu.memory_space<hbm>>
        %dma_start3A_49 = tpu.memref_squeeze %dma_start3A_48 : memref<1x10000x16xf32, #tpu.memory_space<hbm>> -> memref<10000x16xf32, #tpu.memory_space<hbm>>
        %dma_start3A_50 = arith.constant 0 : i32
        %dma_start3A_51 = tpu.memref_slice %dma_start3A_49[%mul3A_40, %dma_start3A_50] : memref<10000x16xf32, #tpu.memory_space<hbm>> -> memref<1000x16xf32, #tpu.memory_space<hbm>>
        tpu.enqueue_dma source(%arg11 : memref<1000x16xf32, #tpu.memory_space<vmem>>) target(%dma_start3A_51 : memref<1000x16xf32, #tpu.memory_space<hbm>>) target_semaphore(%run_scoped3A : memref<!tpu.dma_semaphore, #tpu.memory_space<semaphore_mem>>)
        %dma_wait3A = arith.constant 0 : i32
        %dma_wait3A_52 = arith.constant 0 : i32
        %dma_wait3A_53 = tpu.memref_slice %arg7[%arg0, %dma_wait3A, %dma_wait3A_52] : memref<2x10000x16xf32, #tpu.memory_space<hbm>> -> memref<1x10000x16xf32, #tpu.memory_space<hbm>>
        %dma_wait3A_54 = tpu.memref_squeeze %dma_wait3A_53 : memref<1x10000x16xf32, #tpu.memory_space<hbm>> -> memref<10000x16xf32, #tpu.memory_space<hbm>>
        %dma_wait3A_55 = arith.constant 0 : i32
        %dma_wait3A_56 = tpu.memref_slice %dma_wait3A_54[%mul3A_40, %dma_wait3A_55] : memref<10000x16xf32, #tpu.memory_space<hbm>> -> memref<1000x16xf32, #tpu.memory_space<hbm>>
        %dma_wait3A_57 = arith.constant 0 : i32
        %dma_wait3A_58 = arith.constant 0 : i32
        %dma_wait3A_59 = tpu.memref_slice %arg7[%arg0, %dma_wait3A_57, %dma_wait3A_58] : memref<2x10000x16xf32, #tpu.memory_space<hbm>> -> memref<1x10000x16xf32, #tpu.memory_space<hbm>>
        %dma_wait3A_60 = tpu.memref_squeeze %dma_wait3A_59 : memref<1x10000x16xf32, #tpu.memory_space<hbm>> -> memref<10000x16xf32, #tpu.memory_space<hbm>>
        %dma_wait3A_61 = arith.constant 0 : i32
        %dma_wait3A_62 = tpu.memref_slice %dma_wait3A_60[%mul3A_40, %dma_wait3A_61] : memref<10000x16xf32, #tpu.memory_space<hbm>> -> memref<1000x16xf32, #tpu.memory_space<hbm>>
        tpu.wait_dma2 semaphore(%run_scoped3A : memref<!tpu.dma_semaphore, #tpu.memory_space<semaphore_mem>>) src(%arg11 : memref<1000x16xf32, #tpu.memory_space<vmem>>) dst(%dma_wait3A_62 : memref<1000x16xf32, #tpu.memory_space<hbm>>)
        tpu.yield
      }) : () -> ()
    } else {
    }
    return
  }
}

module attributes {stable_mosaic.version = 14 : i64} {
  func.func @_tc1_body(%arg0: i32, %arg1: memref<2000x128xf32, #tpu.memory_space<vmem>>, %arg2: memref<128x16xf32, #tpu.memory_space<vmem>>, %arg3: memref<2000x16xf32, #tpu.memory_space<vmem>>) attributes {dimension_semantics = [#tpu.dimension_semantics<arbitrary>], iteration_bounds = array<i64: 5>, scalar_prefetch = 0 : i64, scratch_operands = 0 : i64, tpu.core_type = #tpu.core_type<tc>, window_params = [{transform_indices = @transform_0, window_bounds = array<i64: 2000, 128>}, {pipeline_mode = #tpu.pipeline_mode<synchronous>, transform_indices = @transform_1, window_bounds = array<i64: 128, 16>}, {transform_indices = @transform_2, window_bounds = array<i64: 2000, 16>}]} {
    %get3A = arith.constant 0 : index
    %get3A_0 = arith.constant 0 : index
    %get3A_1 = vector.load %arg1[%get3A, %get3A_0] : memref<2000x128xf32, #tpu.memory_space<vmem>>, vector<2000x128xf32>
    %get3A_2 = arith.constant 0 : index
    %get3A_3 = arith.constant 0 : index
    %get3A_4 = vector.load %arg2[%get3A_2, %get3A_3] : memref<128x16xf32, #tpu.memory_space<vmem>>, vector<128x16xf32>
    %dot_general3A = arith.constant dense<0.000000e+00> : vector<2000x16xf32>
    %dot_general3A_5 = tpu.matmul %get3A_1, %get3A_4, %dot_general3A {dimension_numbers = #tpu.dot_dimension_numbers<[1], [0], [0], [1], [0, 0, 1, 1], [], []>, transpose_lhs_hint = false} : vector<2000x128xf32>, vector<128x16xf32>, vector<2000x16xf32> -> vector<2000x16xf32>
    %swap3A = arith.constant 0 : index
    %swap3A_6 = arith.constant 0 : index
    %swap3A_7 = vector.load %arg3[%swap3A, %swap3A_6] : memref<2000x16xf32, #tpu.memory_space<vmem>>, vector<2000x16xf32>
    tpu.vector_store %arg3[%swap3A, %swap3A_6], %dot_general3A_5 {strides = array<i32>} : memref<2000x16xf32, #tpu.memory_space<vmem>>, vector<2000x16xf32>,
    return
  }
  func.func @transform_0(%arg0: i32) -> (i32, i32) {
    %c0_i32 = arith.constant 0 : i32
    %c0_i32_0 = arith.constant 0 : i32
    return %arg0, %c0_i32 : i32, i32
  }
  func.func @transform_1(%arg0: i32) -> (i32, i32) {
    %c0_i32 = arith.constant 0 : i32
    %c0_i32_0 = arith.constant 0 : i32
    %c0_i32_1 = arith.constant 0 : i32
    return %c0_i32, %c0_i32_0 : i32, i32
  }
  func.func @transform_2(%arg0: i32) -> (i32, i32) {
    %c0_i32 = arith.constant 0 : i32
    %c0_i32_0 = arith.constant 0 : i32
    return %arg0, %c0_i32 : i32, i32
  }
}

module attributes {stable_mosaic.version = 14 : i64} {
  func.func @_tc23_body(%arg0: i32, %arg1: memref<2x10000x16xf32, #tpu.memory_space<vmem>>, %arg2: memref<1x16xf32, #tpu.memory_space<vmem>>, %arg3: memref<1x16xf32, #tpu.memory_space<vmem>>, %arg4: memref<1x16xf32, #tpu.memory_space<vmem>>, %arg5: memref<10000x16xf32, #tpu.memory_space<vmem>>) attributes {dimension_semantics = [#tpu.dimension_semantics<arbitrary>], iteration_bounds = array<i64: 1>, scalar_prefetch = 0 : i64, scratch_operands = 0 : i64, tpu.core_type = #tpu.core_type<tc>, window_params = [{pipeline_mode = #tpu.pipeline_mode<synchronous>, transform_indices = @transform_0, window_bounds = array<i64: 2, 10000, 16>}, {pipeline_mode = #tpu.pipeline_mode<synchronous>, transform_indices = @transform_1, window_bounds = array<i64: 1, 16>}, {pipeline_mode = #tpu.pipeline_mode<synchronous>, transform_indices = @transform_2, window_bounds = array<i64: 1, 16>}, {pipeline_mode = #tpu.pipeline_mode<synchronous>, transform_indices = @transform_3, window_bounds = array<i64: 1, 16>}, {pipeline_mode = #tpu.pipeline_mode<synchronous>, transform_indices = @transform_4, window_bounds = array<i64: 10000, 16>}]} {
    %get3A = arith.constant 0 : index
    %get3A_0 = arith.constant 0 : index
    %get3A_1 = arith.constant 0 : index
    %get3A_2 = vector.load %arg1[%get3A, %get3A_0, %get3A_1] : memref<2x10000x16xf32, #tpu.memory_space<vmem>>, vector<1x10000x16xf32>
    %get3A_3 = vector.shape_cast %get3A_2 : vector<1x10000x16xf32> to vector<10000x16xf32>
    %get3A_4 = arith.constant 1 : index
    %get3A_5 = arith.constant 0 : index
    %get3A_6 = arith.constant 0 : index
    %get3A_7 = vector.load %arg1[%get3A_4, %get3A_5, %get3A_6] : memref<2x10000x16xf32, #tpu.memory_space<vmem>>, vector<1x10000x16xf32>
    %get3A_8 = vector.shape_cast %get3A_7 : vector<1x10000x16xf32> to vector<10000x16xf32>
    %add3A = arith.addf %get3A_3, %get3A_8 : vector<10000x16xf32>
    %get3A_9 = arith.constant 0 : index
    %get3A_10 = arith.constant 0 : index
    %get3A_11 = vector.load %arg2[%get3A_9, %get3A_10] : memref<1x16xf32, #tpu.memory_space<vmem>>, vector<1x16xf32>
    %add3A_12 = vector.broadcast %get3A_11 : vector<1x16xf32> to vector<10000x16xf32>
    %add3A_13 = arith.addf %add3A, %add3A_12 : vector<10000x16xf32>
    %reduce_sum3A = arith.constant dense<0.000000e+00> : vector<16xf32>
    %reduce_sum3A_14 = vector.multi_reduction <add>, %add3A_13, %reduce_sum3A [0] : vector<10000x16xf32> to vector<16xf32>
    %broadcast_in_dim3A = vector.shape_cast %reduce_sum3A_14 : vector<16xf32> to vector<1x16xf32>
    %div3A = arith.constant 1.000000e+04 : f32
    %div3A_15 = vector.broadcast %div3A : f32 to vector<1x16xf32>
    %div3A_16 = arith.divf %broadcast_in_dim3A, %div3A_15 : vector<1x16xf32>
    %mul3A = arith.mulf %add3A_13, %add3A_13 : vector<10000x16xf32>
    %reduce_sum3A_17 = arith.constant dense<0.000000e+00> : vector<16xf32>
    %reduce_sum3A_18 = vector.multi_reduction <add>, %mul3A, %reduce_sum3A_17 [0] : vector<10000x16xf32> to vector<16xf32>
    %broadcast_in_dim3A_19 = vector.shape_cast %reduce_sum3A_18 : vector<16xf32> to vector<1x16xf32>
    %div3A_20 = arith.constant 1.000000e+04 : f32
    %div3A_21 = vector.broadcast %div3A_20 : f32 to vector<1x16xf32>
    %div3A_22 = arith.divf %broadcast_in_dim3A_19, %div3A_21 : vector<1x16xf32>
    %mul3A_23 = arith.mulf %div3A_16, %div3A_16 : vector<1x16xf32>
    %sub3A = arith.subf %div3A_22, %mul3A_23 : vector<1x16xf32>
    %sub3A_24 = vector.broadcast %div3A_16 : vector<1x16xf32> to vector<10000x16xf32>
    %sub3A_25 = arith.subf %add3A_13, %sub3A_24 : vector<10000x16xf32>
    %add3A_26 = arith.constant 9.99999974E-6 : f32
    %add3A_27 = vector.broadcast %add3A_26 : f32 to vector<1x16xf32>
    %add3A_28 = arith.addf %sub3A, %add3A_27 : vector<1x16xf32>
    %rsqrt3A = math.rsqrt %add3A_28 : vector<1x16xf32>
    %mul3A_29 = vector.broadcast %rsqrt3A : vector<1x16xf32> to vector<10000x16xf32>
    %mul3A_30 = arith.mulf %sub3A_25, %mul3A_29 : vector<10000x16xf32>
    %get3A_31 = arith.constant 0 : index
    %get3A_32 = arith.constant 0 : index
    %get3A_33 = vector.load %arg3[%get3A_31, %get3A_32] : memref<1x16xf32, #tpu.memory_space<vmem>>, vector<1x16xf32>
    %mul3A_34 = vector.broadcast %get3A_33 : vector<1x16xf32> to vector<10000x16xf32>
    %mul3A_35 = arith.mulf %mul3A_30, %mul3A_34 : vector<10000x16xf32>
    %get3A_36 = arith.constant 0 : index
    %get3A_37 = arith.constant 0 : index
    %get3A_38 = vector.load %arg4[%get3A_36, %get3A_37] : memref<1x16xf32, #tpu.memory_space<vmem>>, vector<1x16xf32>
    %add3A_39 = vector.broadcast %get3A_38 : vector<1x16xf32> to vector<10000x16xf32>
    %add3A_40 = arith.addf %mul3A_35, %add3A_39 : vector<10000x16xf32>
    %max3A = arith.constant 0.000000e+00 : f32
    %max3A_41 = vector.broadcast %max3A : f32 to vector<10000x16xf32>
    %max3A_42 = arith.maximumf %add3A_40, %max3A_41 : vector<10000x16xf32>
    %swap3A = arith.constant 0 : index
    %swap3A_43 = arith.constant 0 : index
    %swap3A_44 = vector.load %arg5[%swap3A, %swap3A_43] : memref<10000x16xf32, #tpu.memory_space<vmem>>, vector<10000x16xf32>
    tpu.vector_store %arg5[%swap3A, %swap3A_43], %max3A_42 {strides = array<i32>} : memref<10000x16xf32, #tpu.memory_space<vmem>>, vector<10000x16xf32>,
    return
  }
  func.func @transform_0(%arg0: i32) -> (i32, i32, i32) {
    %c0_i32 = arith.constant 0 : i32
    %c0_i32_0 = arith.constant 0 : i32
    %c0_i32_1 = arith.constant 0 : i32
    %c0_i32_2 = arith.constant 0 : i32
    return %c0_i32, %c0_i32_0, %c0_i32_1 : i32, i32, i32
  }
  func.func @transform_1(%arg0: i32) -> (i32, i32) {
    %c0_i32 = arith.constant 0 : i32
    %c0_i32_0 = arith.constant 0 : i32
    %c0_i32_1 = arith.constant 0 : i32
    return %c0_i32, %c0_i32_0 : i32, i32
  }
  func.func @transform_2(%arg0: i32) -> (i32, i32) {
    %c0_i32 = arith.constant 0 : i32
    %c0_i32_0 = arith.constant 0 : i32
    %c0_i32_1 = arith.constant 0 : i32
    return %c0_i32, %c0_i32_0 : i32, i32
  }
  func.func @transform_3(%arg0: i32) -> (i32, i32) {
    %c0_i32 = arith.constant 0 : i32
    %c0_i32_0 = arith.constant 0 : i32
    %c0_i32_1 = arith.constant 0 : i32
    return %c0_i32, %c0_i32_0 : i32, i32
  }
  func.func @transform_4(%arg0: i32) -> (i32, i32) {
    %c0_i32 = arith.constant 0 : i32
    %c0_i32_0 = arith.constant 0 : i32
    %c0_i32_1 = arith.constant 0 : i32
    return %c0_i32, %c0_i32_0 : i32, i32
  }
}

module attributes {stable_mosaic.version = 14 : i64} {
  func.func @_tc4_body(%arg0: i32, %arg1: memref<2x10000x16xf32, #tpu.memory_space<vmem>>, %arg2: memref<16x16xf32, #tpu.memory_space<vmem>>, %arg3: memref<1x16xf32, #tpu.memory_space<vmem>>, %arg4: memref<10000x2xf32, #tpu.memory_space<vmem>>) attributes {dimension_semantics = [#tpu.dimension_semantics<arbitrary>], iteration_bounds = array<i64: 1>, scalar_prefetch = 0 : i64, scratch_operands = 0 : i64, tpu.core_type = #tpu.core_type<tc>, window_params = [{pipeline_mode = #tpu.pipeline_mode<synchronous>, transform_indices = @transform_0, window_bounds = array<i64: 2, 10000, 16>}, {pipeline_mode = #tpu.pipeline_mode<synchronous>, transform_indices = @transform_1, window_bounds = array<i64: 16, 16>}, {pipeline_mode = #tpu.pipeline_mode<synchronous>, transform_indices = @transform_2, window_bounds = array<i64: 1, 16>}, {pipeline_mode = #tpu.pipeline_mode<synchronous>, transform_indices = @transform_3, window_bounds = array<i64: 10000, 2>}]} {
    %get3A = arith.constant 0 : index
    %get3A_0 = arith.constant 0 : index
    %get3A_1 = arith.constant 0 : index
    %get3A_2 = vector.load %arg1[%get3A, %get3A_0, %get3A_1] : memref<2x10000x16xf32, #tpu.memory_space<vmem>>, vector<1x10000x16xf32>
    %get3A_3 = vector.shape_cast %get3A_2 : vector<1x10000x16xf32> to vector<10000x16xf32>
    %get3A_4 = arith.constant 1 : index
    %get3A_5 = arith.constant 0 : index
    %get3A_6 = arith.constant 0 : index
    %get3A_7 = vector.load %arg1[%get3A_4, %get3A_5, %get3A_6] : memref<2x10000x16xf32, #tpu.memory_space<vmem>>, vector<1x10000x16xf32>
    %get3A_8 = vector.shape_cast %get3A_7 : vector<1x10000x16xf32> to vector<10000x16xf32>
    %add3A = arith.addf %get3A_3, %get3A_8 : vector<10000x16xf32>
    %get3A_9 = arith.constant 0 : index
    %get3A_10 = arith.constant 0 : index
    %get3A_11 = vector.load %arg2[%get3A_9, %get3A_10] : memref<16x16xf32, #tpu.memory_space<vmem>>, vector<16x16xf32>
    %dot_general3A = arith.constant dense<0.000000e+00> : vector<10000x16xf32>
    %dot_general3A_12 = tpu.matmul %add3A, %get3A_11, %dot_general3A {dimension_numbers = #tpu.dot_dimension_numbers<[1], [0], [0], [1], [0, 0, 1, 1], [], []>, transpose_lhs_hint = false} : vector<10000x16xf32>, vector<16x16xf32>, vector<10000x16xf32> -> vector<10000x16xf32>
    %get3A_13 = arith.constant 0 : index
    %get3A_14 = arith.constant 0 : index
    %get3A_15 = vector.load %arg3[%get3A_13, %get3A_14] : memref<1x16xf32, #tpu.memory_space<vmem>>, vector<1x16xf32>
    %add3A_16 = vector.broadcast %get3A_15 : vector<1x16xf32> to vector<10000x16xf32>
    %add3A_17 = arith.addf %dot_general3A_12, %add3A_16 : vector<10000x16xf32>
    %slice3A = vector.extract_strided_slice %add3A_17 {offsets = [0, 0], sizes = [10000, 1], strides = [1, 1]} : vector<10000x16xf32> to vector<10000x1xf32>
    %slice3A_18 = vector.extract_strided_slice %add3A_17 {offsets = [0, 1], sizes = [10000, 1], strides = [1, 1]} : vector<10000x16xf32> to vector<10000x1xf32>
    %max3A = arith.maximumf %slice3A, %slice3A_18 : vector<10000x1xf32>
    %sub3A = arith.subf %slice3A, %max3A : vector<10000x1xf32>
    %exp3A = math.exp %sub3A : vector<10000x1xf32>
    %sub3A_19 = arith.subf %slice3A_18, %max3A : vector<10000x1xf32>
    %exp3A_20 = math.exp %sub3A_19 : vector<10000x1xf32>
    %add3A_21 = arith.addf %exp3A, %exp3A_20 : vector<10000x1xf32>
    %log3A = math.log %add3A_21 : vector<10000x1xf32>
    %add3A_22 = arith.addf %max3A, %log3A : vector<10000x1xf32>
    %concatenate3A = tpu.concatenate %slice3A, %slice3A_18 in 1 : vector<10000x1xf32>, vector<10000x1xf32> -> vector<10000x2xf32>
    %sub3A_23 = vector.broadcast %add3A_22 : vector<10000x1xf32> to vector<10000x2xf32>
    %sub3A_24 = arith.subf %concatenate3A, %sub3A_23 : vector<10000x2xf32>
    %swap3A = arith.constant 0 : index
    %swap3A_25 = arith.constant 0 : index
    %swap3A_26 = vector.load %arg4[%swap3A, %swap3A_25] : memref<10000x2xf32, #tpu.memory_space<vmem>>, vector<10000x2xf32>
    tpu.vector_store %arg4[%swap3A, %swap3A_25], %sub3A_24 {strides = array<i32>} : memref<10000x2xf32, #tpu.memory_space<vmem>>, vector<10000x2xf32>,
    return
  }
  func.func @transform_0(%arg0: i32) -> (i32, i32, i32) {
    %c0_i32 = arith.constant 0 : i32
    %c0_i32_0 = arith.constant 0 : i32
    %c0_i32_1 = arith.constant 0 : i32
    %c0_i32_2 = arith.constant 0 : i32
    return %c0_i32, %c0_i32_0, %c0_i32_1 : i32, i32, i32
  }
  func.func @transform_1(%arg0: i32) -> (i32, i32) {
    %c0_i32 = arith.constant 0 : i32
    %c0_i32_0 = arith.constant 0 : i32
    %c0_i32_1 = arith.constant 0 : i32
    return %c0_i32, %c0_i32_0 : i32, i32
  }
  func.func @transform_2(%arg0: i32) -> (i32, i32) {
    %c0_i32 = arith.constant 0 : i32
    %c0_i32_0 = arith.constant 0 : i32
    %c0_i32_1 = arith.constant 0 : i32
    return %c0_i32, %c0_i32_0 : i32, i32
  }
  func.func @transform_3(%arg0: i32) -> (i32, i32) {
    %c0_i32 = arith.constant 0 : i32
    %c0_i32_0 = arith.constant 0 : i32
    %c0_i32_1 = arith.constant 0 : i32
    return %c0_i32, %c0_i32_0 : i32, i32
  }
}

</mosaic_0001>

<sc_bundles>
// kernel: kernel.11.cloned.1.call-start
scs
__scs_entry_jumppad:
0x0: {  	(pc) =	sbr.rel $0x88, $3  }
0x1: {  	(tag) =	ssettag $0x0;
	lr =	simm.s32 $0x1  }
0x2: {  	[smem:$0x3F99] =	sst lr;
	_ =	strace $0xD0000000  }
0x3: {  	_ = 	snop  }
0x4: {  	_ = 	snop  }
0x5: {  	_ = 	snop  }
0x6: {  	_ = 	snop  }
0x7: {  	_ = 	snop  }
__scs_overlays_trampoline_lowered:
0x8: {  	[smem:$0x3FA8] =	sst s0  }
0x9: {  	[smem:$0x3FA9] =	sst s1  }
0xa: {  	[smem:$0x3FAA] =	sst s2  }
0xb: {  	[smem:$0x3FAB] =	sst s3  }
0xc: {  	[smem:$0x3FAC] =	sst s4  }
0xd: {  	[smem:$0x3FAD] =	sst s5  }
0xe: {  	[smem:$0x3FAE] =	sst s6  }
0xf: {  	[smem:$0x3FAF] =	sst s7  }
0x10: {  	[smem:$0x3FB0] =	sst s8  }
0x11: {  	[smem:$0x3FB1] =	sst s9;
	s0 =	simm.s32 @!p0 $0x0  }
0x12: {  	s1 =	sld [smem:$0x3F97];
	s0 =	simm.s32 @p0 $0x1  }
0x13: {  	[smem:$0x3FB2] =	sst s0;
	s0 =	simm.s32 @!p1 $0x0  }
0x14: {  	s2 =	sld [smem:$0x3F96];
	s0 =	simm.s32 @p1 $0x1  }
0x15: {  	[smem:$0x3FB3] =	sst s0;
	s0 =	simm.s32 @!p2 $0x0  }
0x16: {  	s3 =	sld [smem:$0x3FDB];
	s0 =	simm.s32 @p2 $0x1  }
0x17: {  	s4 =	simm.s32 $0x1BF5;
	[smem:$0x3FB5] =	sst s0  }
0x18: {  	s0 =	sld [smem:$0x3F98];
	_ =	swait.ge [sflag:s4], $0x0  }
0x19: {  	s7 =	sld [smem:$0x3F99]  }
0x1a: {  	s8 =	sadd.s32 $0xFFFFE003, lr  }
0x1b: {  	s9 =	sadd.s32 $0xFFFFFEF7, lr;
	s5 =	simm.s32 $0xFFFFFFFF;
	p2 =	slt.u32 s8, $0xFFFFF086  }
0x1c: {  	p1 =	slt.u32 s9, $0xF7A;
	s5 =	simm.s32 @!p2 $0x0  }
0x1d: {  	s5 =	simm.s32 @p1 $0x1;
	p0 =	seq.s32 s7, s2  }
0x1e: {  	s7 =	smul.u32 @!p0 $0xF7A, s2;
	p2 =	seq.s32 @!p0 s5, $0x0  }
0x1f: {  	s9 =	smul.u32 $0xF7A, s1;
	s8 =	simm.s32 @!p0 $0x1BF5;
	p2 =	por !p2, p0  }
0x20: {  	[sflag:s8] =	ssyncset.s32 @!p0 $0xFFFFF086;
	s6 =	sadd.s32 @!p0 s3, s7;
	s7 =	simm.s32 @!p0 $0x108  }
0x21: {  	s3 =	sadd.s32 s3, s9;
	s6 =	sadd.s32 @!p0 $0x88, s6;
	s7 =	simm.s32 @p2 $0x1082  }
0x22: {  	[simem:s7], [sflag:s8] =	dma.local @!p0 [hbm:s6], $0xF7A  }
0x23: {  	s9 =	sor.u32 $0xD0000000, s2;
	s6 =	simm.s32 $0x108;
	_ =	swait.ge @!p0 [sflag:s8], $0x0  }
0x24: {  	s3 =	sadd.s32 $0x88, s3;
	s6 =	simm.s32 @!p1 $0x1082;
	[sflag:s4] =	ssyncset.s32 $0xFFFFF086  }
0x25: {  	[simem:s6], [sflag:s4] =	dma.local [hbm:s3], $0xF7A  }
0x26: {  	[smem:$0x3F99] =	sst s1;
	(tag) =	ssettag s2;
	_ =	strace s9  }
0x27: {  	s1 =	sld [smem:$0x3FA9]  }
0x28: {  	s2 =	sld [smem:$0x3FAA]  }
0x29: {  	s4 =	sld [smem:$0x3FAC]  }
0x2a: {  	p0 =	seq.s32 s5, $0x0;
	s5 =	sld [smem:$0x3FAD]  }
0x2b: {  	s6 =	sld [smem:$0x3FAE]  }
0x2c: {  	s7 =	sld [smem:$0x3FAF]  }
0x2d: {  	s3 =	simm.s32 $0x108;
	s8 =	sld [smem:$0x3FB0]  }
0x2e: {  	s3 =	simm.s32 @!p0 $0x1082;
	s9 =	sld [smem:$0x3FB1]  }
0x2f: {  	lr =	sadd.s32 s0, s3;
	s0 =	sld [smem:$0x3FA8]  }
0x30: {  	s3 =	sld [smem:$0x3FAB]  }
0x31: {  	[smem:$0x3FB4] =	sst s10  }
0x32: {  	s10 =	sld [smem:$0x3FB2];
	_ =	sdelay $0x3  }
0x33: {  	p0 =	seq.s32 s10, $0x1;
	s10 =	sld [smem:$0x3FB4];
	_ =	sdelay $0x3  }
0x34: {  	[smem:$0x3FB4] =	sst s10  }
0x35: {  	s10 =	sld [smem:$0x3FB3];
	_ =	sdelay $0x3  }
0x36: {  	p1 =	seq.s32 s10, $0x1;
	s10 =	sld [smem:$0x3FB4];
	_ =	sdelay $0x3  }
0x37: {  	[smem:$0x3FB4] =	sst s10  }
0x38: {  	s10 =	sld [smem:$0x3FB5]  }
0x39: {  	_ = 	snop;
	(pc) =	sbr.ind lr, $3  }
0x3a: {  	_ = 	snop  }
0x3b: {  	_ = 	snop  }
0x3c: {  	p2 =	seq.s32 s10, $0x1;
	s10 =	sld [smem:$0x3FB4]  }
0x3d: {  	_ =	shalt  }
0x3e: {  	_ =	shalt  }
0x3f: {  	_ =	shalt  }
0x40: {  	_ =	shalt  }
0x41: {  	_ =	shalt  }
0x42: {  	_ =	shalt  }
0x43: {  	_ =	shalt  }
0x44: {  	_ =	shalt  }
0x45: {  	_ =	shalt  }
0x46: {  	_ =	shalt  }
0x47: {  	_ =	shalt  }
0x48: {  	_ =	shalt  }
0x49: {  	_ =	shalt  }
0x4a: {  	_ =	shalt  }
0x4b: {  	_ =	shalt  }
0x4c: {  	_ =	shalt  }
0x4d: {  	_ =	shalt  }
0x4e: {  	_ =	shalt  }
0x4f: {  	_ =	shalt  }
0x50: {  	_ =	shalt  }
0x51: {  	_ =	shalt  }
0x52: {  	_ =	shalt  }
0x53: {  	_ =	shalt  }
0x54: {  	_ =	shalt  }
0x55: {  	_ =	shalt  }
0x56: {  	_ =	shalt  }
0x57: {  	_ =	shalt  }
0x58: {  	_ =	shalt  }
0x59: {  	_ =	shalt  }
0x5a: {  	_ =	shalt  }
0x5b: {  	_ =	shalt  }
0x5c: {  	_ =	shalt  }
0x5d: {  	_ =	shalt  }
0x5e: {  	_ =	shalt  }
0x5f: {  	_ =	shalt  }
0x60: {  	_ =	shalt  }
0x61: {  	_ =	shalt  }
0x62: {  	_ =	shalt  }
0x63: {  	_ =	shalt  }
0x64: {  	_ =	shalt  }
0x65: {  	_ =	shalt  }
0x66: {  	_ =	shalt  }
0x67: {  	_ =	shalt  }
0x68: {  	_ =	shalt  }
0x69: {  	_ =	shalt  }
0x6a: {  	_ =	shalt  }
0x6b: {  	_ =	shalt  }
0x6c: {  	_ =	shalt  }
0x6d: {  	_ =	shalt  }
0x6e: {  	_ =	shalt  }
0x6f: {  	_ =	shalt  }
0x70: {  	_ =	shalt  }
0x71: {  	_ =	shalt  }
0x72: {  	_ =	shalt  }
0x73: {  	_ =	shalt  }
0x74: {  	_ =	shalt  }
0x75: {  	_ =	shalt  }
0x76: {  	_ =	shalt  }
0x77: {  	_ =	shalt  }
0x78: {  	_ =	shalt  }
0x79: {  	_ =	shalt  }
0x7a: {  	_ =	shalt  }
0x7b: {  	_ =	shalt  }
0x7c: {  	_ =	shalt  }
0x7d: {  	_ =	shalt  }
0x7e: {  	_ =	shalt  }
0x7f: {  	_ =	shalt  }
0x80: {  	_ =	shalt  }
0x81: {  	_ =	shalt  }
0x82: {  	_ =	shalt  }
0x83: {  	_ =	shalt  }
0x84: {  	_ =	shalt  }
0x85: {  	_ =	shalt  }
0x86: {  	_ =	shalt  }
0x87: {  	_ =	shalt  }
.Lfunc_end0:
.L_simem_size_0:
called_computation.1_lowered:
.L_overlay_start_0:
0x88: {  	s2 =	sld [smem:$0x3FD9]  }
0x89: {  	s3 =	sld [smem:$0x3FFE];
	_ =	sdelay $0x1  }
0x8a: {  	s1 =	srdreg.scid  }
0x8b: {  	s0 =	sand.u32 $0x1, s1  }
0x8c: {  	s17 =	sshll.u32 s0, $0xA;
	s2 =	sadd.s32 s3, s2  }
0x8d: {  	s2 =	sadd.s32 s2, s17  }
0x8e: {  	[smem:$0x3FC0] =	sst s2  }
0x8f: {  	_ = 	snop  }
0x90: {  	s2 =	sld [smem:$0x3FD0];
	(tm) =	ssettm $0x1  }
0x91: {  	s18 =	sld [smem:$0x3FFB];
	_ =	sdelay $0x3  }
0x92: {  	_ =	strace s18  }
0x93: {  	s3 =	sld [smem:$0x3FFC];
	_ =	sdelay $0x3  }
0x94: {  	_ =	strace s3  }
0x95: {  	s3 =	sld [smem:$0x3FFD];
	_ =	sdelay $0x3  }
0x96: {  	_ =	strace s3  }
0x97: {  	_ =	strace $0x8FFFFFFF  }
0x98: {  	s19 =	sld [smem:$0x3FDB];
	_ =	sdelay $0x1  }
0x99: {  	s4 =	simm.s32 $_scs_section_size  }
0x9a: {  	s5 =	simm.s32 $_size__tile_overlayer_lowered;
	s6 =	simm.s32 $_tile_overlayer_lowered  }
0x9b: {  	s22 =	simm.s32 $0x1BFF;
	s21 =	sshll.u32 s6, $0x1;
	s3 =	sadd.s32 s4, s19  }
0x9c: {  	s7 =	simm.s32 $0x0;
	s20 =	sshll.u32 s5, $0x1;
	s5 =	sadd.s32 s21, s3  }
0x9d: {  	[timem:s7], [sflag:s22] =	dma.local [hbm:s5], s20  }
0x9e: {  	_ =	swait.ge [sflag:s22], s20  }
0x9f: {  	s4 =	ssub.s32 $0x0, s20;
	[sflag:s22] =	ssyncset.done $0x0  }
0xa0: {  	[sflag:s22] =	ssyncadd.s32 s4;
	_ =	sdelay $0x1  }
0xa1: {  	s23 =	simm.s32 $0x1B8B  }
0xa2: {  	_ =	swait.ge [sflag:s23], $0x1  }
0xa3: {  	[sflag:s23] =	ssyncset.done $0x0  }
0xa4: {  	s25 =	simm.s32 $0x1B8E;
	s24 =	sld [smem:$0x3FFE];
	[sflag:s23] =	ssyncadd.s32 $0xFFFFFFFF  }
0xa5: {  	s26 =	simm.s32 $execute0_lowered;
	[smem:$0x3FD2] =	sst s25  }
0xa6: {  	s5 =	sshll.u32 s26, $0x1;
	_ =	strace $0x80000049;
	[dreg:$0x1] =	wrdreg $0xFFFFFFFF  }
0xa7: {  	s28 =	simm.s32 $_size_execute0_lowered;
	s3 =	sadd.s32 s3, s5;
	[dreg:$0x0] =	wrdreg $0x0  }
0xa8: {  	s5 =	sshll.u32 s28, $0x1;
	[dreg:$0x2] =	wrdreg s3  }
0xa9: {  	[dreg:$0x3] =	wrdreg s5  }
0xaa: {  	[dreg:$0x4] =	wrdreg $0xC0  }
0xab: {  	_ =	task [dreg:s7], $0x5FFFF  }
0xac: {  	[dreg:$0x1] =	wrdreg $0xFFFFFFFF  }
0xad: {  	[dreg:$0x0] =	wrdreg $0x60  }
0xae: {  	[dreg:$0x2] =	wrdreg s24  }
0xaf: {  	[dreg:$0x3] =	wrdreg s2  }
0xb0: {  	[dreg:$0x4] =	wrdreg $0x8E800  }
0xb1: {  	[dreg:$0x5] =	wrdreg $0x9  }
0xb2: {  	_ =	task.clear_ibuf [dreg:s7], $0x6FFFF;
	_ =	strace $0x90000049  }
0xb3: {  	s29 =	simm.s32 $0x9;
	_ =	strace $0x8000004B  }
0xb4: {  	_ =	swait.ge [sflag:s29], $0x1  }
0xb5: {  	[sflag:s29] =	ssyncadd.s32 $0xFFFFFFFF  }
0xb6: {  	_ =	strace $0x9000004B  }
0xb7: {  	_ =	sfence  }
0xb8: {  	s30 =	sld [smem:$0x0];
	_ =	sdelay $0x2  }
0xb9: {  	s31 =	sshll.u32 s1, $0xD;
	s1 =	sshrl.u32 s1, $0x2  }
0xba: {  	s3 =	sand.u32 $0x4000, s31;
	s1 =	sadd.s32 s1, s30  }
0xbb: {  	s0 =	sor.u32 s3, s0;
	s1 =	sshll.u32 s1, $0x11  }
0xbc: {  	s0 =	sor.u32 s1, s0  }
0xbd: {  	s0 =	sadd.s32 $0x8F2B, s0  }
0xbe: {  	[sflag:s0] =	ssyncadd.remote.s32 $0x1  }
0xbf: {  	_ =	sfence.sel $0xFFFF  }
0xc0: {  	[dreg:$0x0] =	wrdreg $0xFFFFFFFF;
	(pc) =	sbr.abs _section_cstart, $3  }
0xc1: {  	[dreg:$0x1] =	wrdreg $0xFFFFFFFF  }
0xc2: {  	_ =	task.clear_ibuf [dreg:s7], $0x2FFFF;
	_ =	strace $0x9FFFFFFF  }
0xc3: {  	(tm) =	ssettm $0x7FFFFFFF  }
tec
execute0_lowered:
.L_overlay_start_1:
0x0: {  	(tag) =	ssettag $0x1  }
0x1: {  	s0 =	rddreg [dreg:$0x0];
	s1 =	srdreg.scid  }
0x2: {  	s13 =	stileid.u32;
	s3 =	rddreg [dreg:$0x2];
	s4 =	simm.s32 $0x0  }
0x3: {  	s28 =	simm.s32 $0x14E70;
	s29 =	simm.s32 $0x15670;
	s30 =	simm.s32 $0x15E70  }
0x4: {  	s31 =	simm.s32 $0x16670;
	s14 =	simm.s32 $0xD;
	s15 =	smul.u32 $0x7D, s13  }
0x5: {  	s1 =	sand.u32 $0x1, s1;
	s2 =	sshll.u32 s13, $0x1;
	s6 =	smul.u32 $0x7D0, s13  }
0x6: {  	[smem:$0x7FF] =	sst s4;
	s10 =	smul.u32 $0xFA00, s13;
	s16 =	sadd.s32 $0x27100, s3  }
0x7: {  	s18 =	smul.u32 $0x3E80, s13;
	p0 =	sgt.u32 s13, $0x9;
	s4 =	simm.s32 $0xE  }
0x8: {  	s2 =	sor.u32 s1, s2;
	_ =	strace $0x8000004A;
	s5 =	smul.u32 $0x4E20, s1  }
0x9: {  	s9 =	ssub.s32 $0x2, s1;
	[dreg:$0x4] =	wrdreg s16;
	p1 =	seq.s32 s1, $0x0  }
0xa: {  	s1 =	simm.s32 $0x16E70;
	s16 =	simm.s32 $0x1;
	s2 =	smul.u32 $0x500, s2  }
0xb: {  	s7 =	sadd.s32 s15, s0;
	s8 =	sadd.s32 s6, s0;
	s12 =	sshrl.u32 s9, $0x1  }
0xc: {  	s10 =	sshrl.u32 s10, $0x2;
	s22 =	sadd.s32 s18, s3;
	s24 =	sshrl.u32 s18, $0x3  }
0xd: {  	s18 =	simm.s32 $0x6;
	s11 =	sadd.s32 s5, s0;
	s5 =	sadd.s32 $0x1BC00, s0  }
0xe: {  	s9 =	ssub.s32 s9, s12;
	s10 =	sadd.s32 s10, s3;
	s19 =	sadd.s32 $0x16200, s7  }
0xf: {  	s20 =	sadd.s32 $0x16C00, s8;
	[dreg:$0xb] =	wrdreg s22;
	s12 =	simm.s32 $0x4  }
0x10: {  	s7 =	simm.s32 $0xA;
	s8 =	simm.s32 $0xB;
	[dreg:$0x5] =	wrdreg s10  }
0x11: {  	s2 =	sadd.s32 s2, s0;
	[dreg:$0x8] =	wrdreg s19;
	s0 =	sadd.s32 $0x166E2, s0  }
0x12: {  	[dreg:$0x9] =	wrdreg s20;
	s21 =	sadd.s32 s5, s6;
	s23 =	sadd.s32 $0x20C00, s11  }
0x13: {  	s25 =	smax.u32 s9, $0x1;
	s10 =	simm.s32 $0x2;
	s11 =	simm.s32 $0x3  }
0x14: {  	s6 =	simm.s32 $0x9;
	s9 =	simm.s32 $0xC;
	s19 =	simm.s32 $0x0  }
0x15: {  	s17 =	sadd.s32 $0x2200, s2;
	s2 =	sadd.s32 $0xC200, s2;
	[dreg:$0xa] =	wrdreg s21  }
0x16: {  	[dreg:$0xc] =	wrdreg s25;
	s0 =	sadd.s32 s15, s0;
	s26 =	sadd.s32 s24, s23  }
0x17: {  	s24 =	simm.s32 $0x80;
	s25 =	simm.s32 $0x13E70;
	[dreg:$0x6] =	wrdreg s17  }
.Ltmp0:
0x18: {  	s23 =	simm.s32 $0x7;
	[dreg:$0x7] =	wrdreg s2;
	(pc) =	sbr.rel .LBB2_1-.Ltmp0, $4  }
0x19: {  	s15 =	simm.s32 $0xF;
	s17 =	simm.f32 $1.000000000e+00;
	[dreg:$0xd] =	wrdreg s0  }
0x1a: {  	[dreg:$0xe] =	wrdreg s26;
	s26 =	simm.s32 $0x14670;
	s0 =	simm.s32 $0x17670  }
0x1b: {  	s2 =	simm.s32 $0x8;
	s17 =	simm.s32 @!p1 $0x0;
	p1 =	sne.s32 @p0 s13, $0xA  }
0x1c: {  	v1 =	vlaneseq.u32;
	s13 =	simm.s32 $0x5;
	p1 =	por p1, !p0;
	v0 =	vmov s17;
	s17 =	simm.s32 $0x10  }
.LBB2_12:
0x1d: {  	v7 =	vshll.u32 v3, $0x4  }
0x1e: {  	v4 =	vadd.f32 v6, v4;
	v7 =	vor.u32 v1, v7;
	_ =	sdelay $0x1  }
0x1f: {  	v4 =	vmul.f32 v4, v5;
	_ =	sdelay $0x1  }
0x20: {  	[tilespmem:v2+s22+$0x0] =	vst.idx.msk $0xffff, v4  }
0x21: {  	v2 =	vld.idx.msk [tilespmem:v7+s21+$0x0], $0xffff;
	_ =	sdelay $0x1  }
0x22: {  	v4 =	vld.idx.msk [tilespmem:v7+s22+$0x0], $0xffff;
	_ =	sdelay $0x1  }
0x23: {  	v3 =	vld.idx.msk [tilespmem:v3+s20+$0x0], $0xffff  }
0x24: {  	v2 =	vmul.f32 v2, v0;
	_ =	sdelay $0x1  }
0x25: {  	v2 =	vadd.f32 v2, v4;
	_ =	sdelay $0x1  }
0x26: {  	v2 =	vmul.f32 v2, v3;
	_ =	sdelay $0x1  }
0x27: {  	s19 =	rddreg [dreg:$0xe];
	s21 =	simm.s32 $0x0;
	[tilespmem:v7+s22+$0x0] =	vst.idx.msk $0xffff, v2  }
0x28: {  	[hbm4b:s19+s21] =	stream.linear.scatter [tilespmem:s22], [sflag:$0x11], $0x3E80, $0x38;
	[tilespmem:$0x17E70] =	vst v63  }
0x29: {  	s22 =	simm.s32 $0x11  }
0x2a: {  	_ =	swait.ge [sflag:s22], $0x3E80  }
0x2b: {  	[sflag:s22] =	ssyncset.done $0x0  }
0x2c: {  	s19 =	rddreg [dreg:$0xf];
	[sflag:s22] =	ssyncadd.s32 $0xFFFFC180  }
.LBB2_13:
0x2d: {  	s20 =	sadd.s32 $0x1, s19;
	s22 =	rddreg [dreg:$0xc]  }
0x2e: {  	p2 =	sne.s32 s20, s22  }
.Ltmp1:
0x2f: {  	_ = 	snop;
	(pc) =	sbr.rel @!p2 .LBB2_14-.Ltmp1, $2  }
0x30: {  	_ =	sdelay $0x2  }
0x31: {  	s19 =	smov.u32 s20  }
.LBB2_1:
0x32: {  	[dreg:$0xf] =	wrdreg s19  }
0x33: {  	s19 =	simm.s32 @!p1 $0x0;
	s20 =	simm.s32 @!p1 $0x5000;
	s21 =	rddreg [dreg:$0x1]  }
0x34: {  	[tilespmem:s20], [sflag:$0x11] =	stream.linear.gather @!p1 [hbm4b:s21+s19], $0x3E80, $0x38;
	[tilespmem:$0x17E70] =	vst v63  }
0x35: {  	s19 =	simm.s32 @!p1 $0x11  }
0x36: {  	_ =	swait.ge @!p1 [sflag:s19], $0x3E80  }
0x37: {  	[sflag:s19] =	ssyncset.done @!p1 $0x0  }
0x38: {  	s22 =	rddreg [dreg:$0x4];
	[sflag:s19] =	ssyncadd.s32 @!p1 $0xFFFFC180  }
0x39: {  	[spmem:s22] =	stream.linear.scatter @!p1 [tilespmem:s20], [sflag:$0x11], $0x100, $0x38;
	[tilespmem:$0x17E70] =	vst v63  }
0x3a: {  	_ =	swait.ge @!p1 [sflag:s19], $0x100  }
0x3b: {  	[sflag:s19] =	ssyncset.done @!p1 $0x0  }
0x3c: {  	s20 =	simm.s32 @!p0 $0x5000;
	[sflag:s19] =	ssyncadd.s32 @!p1 $0xFFFFFF00;
	s19 =	simm.s32 @!p0 $0x0  }
0x3d: {  	[tilespmem:s20], [sflag:$0x11] =	stream.linear.gather @!p0 [hbm4b:s21+s19], $0x3E80, $0x38;
	[tilespmem:$0x17E70] =	vst v63  }
0x3e: {  	s19 =	simm.s32 @!p0 $0x11  }
0x3f: {  	_ =	swait.ge @!p0 [sflag:s19], $0x3E80  }
0x40: {  	[sflag:s19] =	ssyncset.done @!p0 $0x0  }
0x41: {  	s21 =	rddreg [dreg:$0x5];
	[sflag:s19] =	ssyncadd.s32 @!p0 $0xFFFFC180  }
0x42: {  	[spmem:s21] =	stream.linear.scatter @!p0 [tilespmem:s20], [sflag:$0x11], $0x3E80, $0x38;
	[tilespmem:$0x17E70] =	vst v63  }
0x43: {  	_ =	swait.ge @!p0 [sflag:s19], $0x3E80  }
0x44: {  	s22 =	simm.s32 $0x0;
	[sflag:s19] =	ssyncset.done @!p0 $0x0  }
0x45: {  	s20 =	simm.s32 $0x11;
	s21 =	rddreg [dreg:$0x6];
	[sflag:s19] =	ssyncadd.s32 @!p0 $0xFFFFC180  }
0x46: {  	[tilespmem:s22], [sflag:$0x11] =	stream.linear.gather [hbm4b:s21+s22], $0x2800, $0x38;
	[tilespmem:$0x17E70] =	vst v63  }
0x47: {  	_ =	swait.ge [sflag:s20], $0x2800  }
0x48: {  	s21 =	simm.s32 $0x2800;
	[sflag:s20] =	ssyncset.done $0x0  }
.Ltmp2:
0x49: {  	s19 =	rddreg [dreg:$0x7];
	[sflag:s20] =	ssyncadd.s32 $0xFFFFD800;
	(pc) =	sbr.rel @p0 .LBB2_7-.Ltmp2, $4  }
0x4a: {  	[tilespmem:s21], [sflag:$0x11] =	stream.linear.gather [hbm4b:s19+s22], $0x2800, $0x38;
	[tilespmem:$0x17E70] =	vst v63  }
0x4b: {  	_ =	swait.ge [sflag:s20], $0x2800  }
0x4c: {  	[sflag:s20] =	ssyncset.done $0x0  }
0x4d: {  	[sflag:s20] =	ssyncadd.s32 $0xFFFFD800  }
0x4e: {  	s20 =	simm.s32 $0x0;
	s19 =	rddreg [dreg:$0x8];
	s22 =	simm.s32 $0xB5A0  }
0x4f: {  	[tilespmem:s22], [sflag:$0x11] =	stream.linear.gather [hbm4b:s19+s20], $0x3E8, $0x38;
	[tilespmem:$0x17E70] =	vst v63  }
0x50: {  	s20 =	simm.s32 $0x11  }
0x51: {  	_ =	swait.ge [sflag:s20], $0x3E8  }
0x52: {  	s21 =	simm.s32 $0x0;
	[sflag:s20] =	ssyncset.done $0x0  }
0x53: {  	s19 =	rddreg [dreg:$0xd];
	[sflag:s20] =	ssyncadd.s32 $0xFFFFFC18;
	s20 =	simm.s32 $0xB990  }
0x54: {  	[tilespmem:s20], [sflag:$0x11] =	stream.linear.gather [hbm4b:s19+s21], $0x3E8, $0x38;
	[tilespmem:$0x17E70] =	vst v63  }
0x55: {  	s21 =	simm.s32 $0x11  }
0x56: {  	s20 =	simm.s32 $0x0;
	_ =	swait.ge [sflag:s21], $0x3E8  }
0x57: {  	v2 =	vor.u32 s20, v1;
	s20 =	simm.s32 $0xC170;
	[sflag:s21] =	ssyncset.done $0x0  }
0x58: {  	s19 =	rddreg [dreg:$0x9];
	[sflag:s21] =	ssyncadd.s32 $0xFFFFFC18;
	s21 =	simm.s32 $0x0  }
0x59: {  	[tilespmem:s20], [sflag:$0x11] =	stream.linear.gather [hbm4b:s19+s21], $0x3E80, $0x38;
	[tilespmem:$0x17E70] =	vst v63  }
0x5a: {  	s21 =	simm.s32 $0x11  }
0x5b: {  	_ =	swait.ge [sflag:s21], $0x3E80  }
0x5c: {  	[sflag:s21] =	ssyncset.done $0x0  }
0x5d: {  	[sflag:s21] =	ssyncadd.s32 $0xFFFFC180;
	s21 =	simm.s32 $0xB990  }
0x5e: {  	v3 =	vld.idx.msk [tilespmem:v2+s21+$0x0], $0xffff  }
0x5f: {  	v4 =	vld.idx.msk [tilespmem:v2+s22+$0x0], $0xffff;
	_ =	sdelay $0x4  }
0x60: {  	v3 =	vadd.f32 v3, v4;
	_ =	sdelay $0x1  }
0x61: {  	v3 =	vadd.f32 $1.000000000e+00, v3;
	_ =	sdelay $0x1  }
0x62: {  	v4 =	vshra.s32 v3, $0x1;
	v3 =	vmul.f32 $5.000000000e-01, v3  }
0x63: {  	v4 =	vsub.s32 $0x5F3759DF, v4  }
0x64: {  	v5 =	vmul.f32 v4, v3;
	_ =	sdelay $0x1  }
0x65: {  	v5 =	vmul.f32 v4, v5;
	_ =	sdelay $0x1  }
0x66: {  	v5 =	vsub.f32 $1.500000000e+00, v5;
	_ =	sdelay $0x1  }
0x67: {  	v4 =	vmul.f32 v4, v5;
	_ =	sdelay $0x1  }
0x68: {  	v5 =	vmul.f32 v4, v3;
	_ =	sdelay $0x1  }
0x69: {  	v5 =	vmul.f32 v5, v4;
	_ =	sdelay $0x1  }
0x6a: {  	v5 =	vsub.f32 $1.500000000e+00, v5;
	_ =	sdelay $0x1  }
0x6b: {  	v4 =	vmul.f32 v5, v4;
	_ =	sdelay $0x1  }
0x6c: {  	v5 =	vmul.f32 v4, v3;
	_ =	sdelay $0x1  }
0x6d: {  	v5 =	vmul.f32 v5, v4;
	_ =	sdelay $0x1  }
0x6e: {  	v5 =	vsub.f32 $1.500000000e+00, v5;
	_ =	sdelay $0x1  }
0x6f: {  	v4 =	vmul.f32 v5, v4;
	_ =	sdelay $0x1  }
0x70: {  	v3 =	vmul.f32 v4, v3;
	_ =	sdelay $0x1  }
0x71: {  	v5 =	vmul.f32 v3, v4;
	_ =	sdelay $0x1  }
0x72: {  	s20 =	simm.s32 $0x10;
	v5 =	vsub.f32 $1.500000000e+00, v5  }
0x73: {  	s19 =	simm.s32 $0x20;
	v3 =	vor.u32 s20, v1;
	s20 =	simm.s32 $0xBD80  }
.LBB2_3:
0x74: {  	p2 =	sne.s32 s19, $0x3E0;
	v4 =	vmul.f32 v5, v4;
	_ =	sdelay $0x1  }
0x75: {  	[tilespmem:v2+s20+$0x0] =	vst.idx.msk $0xffff, v4;
	v2 =	vmov v3  }
0x76: {  	v4 =	vld.idx.msk [tilespmem:v3+s21+$0x0], $0xffff  }
0x77: {  	v3 =	vld.idx.msk [tilespmem:v3+s22+$0x0], $0xffff;
	_ =	sdelay $0x5  }
0x78: {  	v3 =	vadd.f32 v4, v3;
	_ =	sdelay $0x1  }
0x79: {  	v3 =	vadd.f32 $1.000000000e+00, v3;
	_ =	sdelay $0x1  }
0x7a: {  	v4 =	vshra.s32 v3, $0x1;
	v3 =	vmul.f32 $5.000000000e-01, v3  }
0x7b: {  	v4 =	vsub.s32 $0x5F3759DF, v4  }
0x7c: {  	v5 =	vmul.f32 v4, v3;
	_ =	sdelay $0x1  }
0x7d: {  	v5 =	vmul.f32 v4, v5;
	_ =	sdelay $0x1  }
0x7e: {  	v5 =	vsub.f32 $1.500000000e+00, v5;
	_ =	sdelay $0x1  }
0x7f: {  	v4 =	vmul.f32 v4, v5;
	_ =	sdelay $0x1  }
0x80: {  	v5 =	vmul.f32 v4, v3;
	_ =	sdelay $0x1  }
0x81: {  	v5 =	vmul.f32 v5, v4;
	_ =	sdelay $0x1  }
0x82: {  	v5 =	vsub.f32 $1.500000000e+00, v5;
	_ =	sdelay $0x1  }
0x83: {  	v4 =	vmul.f32 v5, v4;
	_ =	sdelay $0x1  }
0x84: {  	v5 =	vmul.f32 v4, v3;
	_ =	sdelay $0x1  }
0x85: {  	v5 =	vmul.f32 v5, v4;
	_ =	sdelay $0x1  }
0x86: {  	v5 =	vsub.f32 $1.500000000e+00, v5;
	_ =	sdelay $0x1  }
0x87: {  	v4 =	vmul.f32 v5, v4;
	_ =	sdelay $0x1  }
0x88: {  	v3 =	vmul.f32 v4, v3  }
.Ltmp3:
0x89: {  	(pc) =	sbr.rel @p2 .LBB2_3-.Ltmp3, $3  }
0x8a: {  	v5 =	vmul.f32 v3, v4;
	_ =	sdelay $0x1  }
0x8b: {  	v3 =	vor.u32 s19, v1;
	v5 =	vsub.f32 $1.500000000e+00, v5  }
0x8c: {  	s19 =	sadd.s32 $0x10, s19  }
0x8d: {  	_ =	sdelay $0x1  }
0x8e: {  	v4 =	vmul.f32 v5, v4;
	_ =	sdelay $0x1  }
0x8f: {  	[tilespmem:v2+s20+$0x0] =	vst.idx.msk $0xffff, v4  }
0x90: {  	v2 =	vld.idx.msk [tilespmem:v3+s21+$0x0], $0xffff  }
0x91: {  	v4 =	vld.idx.msk [tilespmem:v3+s22+$0x0], $0xffff;
	_ =	sdelay $0x4  }
0x92: {  	v2 =	vadd.f32 v2, v4;
	_ =	sdelay $0x1  }
0x93: {  	v2 =	vadd.f32 $1.000000000e+00, v2;
	_ =	sdelay $0x1  }
0x94: {  	v4 =	vshra.s32 v2, $0x1;
	v2 =	vmul.f32 $5.000000000e-01, v2  }
0x95: {  	v4 =	vsub.s32 $0x5F3759DF, v4  }
0x96: {  	v5 =	vmul.f32 v4, v2;
	_ =	sdelay $0x1  }
0x97: {  	v5 =	vmul.f32 v4, v5;
	_ =	sdelay $0x1  }
0x98: {  	v5 =	vsub.f32 $1.500000000e+00, v5;
	_ =	sdelay $0x1  }
0x99: {  	v4 =	vmul.f32 v4, v5;
	_ =	sdelay $0x1  }
0x9a: {  	v5 =	vmul.f32 v4, v2;
	_ =	sdelay $0x1  }
0x9b: {  	v5 =	vmul.f32 v5, v4;
	_ =	sdelay $0x1  }
0x9c: {  	v5 =	vsub.f32 $1.500000000e+00, v5;
	_ =	sdelay $0x1  }
0x9d: {  	v4 =	vmul.f32 v5, v4;
	_ =	sdelay $0x1  }
0x9e: {  	v5 =	vmul.f32 v4, v2;
	_ =	sdelay $0x1  }
0x9f: {  	v5 =	vmul.f32 v5, v4;
	_ =	sdelay $0x1  }
0xa0: {  	v5 =	vsub.f32 $1.500000000e+00, v5;
	_ =	sdelay $0x1  }
0xa1: {  	v4 =	vmul.f32 v5, v4;
	_ =	sdelay $0x1  }
0xa2: {  	v2 =	vmul.f32 v4, v2  }
0xa3: {  	s19 =	simm.s32 $0x0  }
0xa4: {  	v5 =	vmov s19;
	v2 =	vmul.f32 v2, v4  }
0xa5: {  	v6 =	vshll.u32 v5, $0x4  }
0xa6: {  	v7 =	vsub.f32 $1.500000000e+00, v2;
	v2 =	vor.u32 v1, v6;
	_ =	sdelay $0x1  }
0xa7: {  	v4 =	vmul.f32 v7, v4;
	_ =	sdelay $0x1  }
0xa8: {  	s22 =	simm.s32 $0xC170;
	[tilespmem:v3+s20+$0x0] =	vst.idx.msk $0xffff, v4  }
0xa9: {  	v4 =	vld.idx.msk [tilespmem:v2+s22+$0x0], $0xffff  }
0xaa: {  	s21 =	simm.s32 $0x1;
	v5 =	vld.idx.msk [tilespmem:v5+s20+$0x0], $0xffff  }
0xab: {  	v3 =	vmov s21  }
0xac: {  	s19 =	simm.s32 $0x2;
	s21 =	simm.s32 $0xFFF0;
	v6 =	vshll.u32 v3, $0x4;
	s20 =	simm.s32 $0xBD80  }
.LBB2_5:
0xad: {  	p2 =	sne.s32 s19, $0x3E7;
	v6 =	vor.u32 v1, v6;
	_ =	sdelay $0x1  }
0xae: {  	v4 =	vmul.f32 v4, v5;
	_ =	sdelay $0x1  }
0xaf: {  	[tilespmem:v2+s21+$0x0] =	vst.idx.msk $0xffff, v4;
	v2 =	vmov v6  }
.Ltmp4:
0xb0: {  	v4 =	vld.idx.msk [tilespmem:v6+s22+$0x0], $0xffff;
	(pc) =	sbr.rel @p2 .LBB2_5-.Ltmp4, $3  }
0xb1: {  	v5 =	vld.idx.msk [tilespmem:v3+s20+$0x0], $0xffff;
	_ =	sdelay $0x1  }
0xb2: {  	v3 =	vmov s19  }
0xb3: {  	s19 =	sadd.s32 $0x1, s19;
	v6 =	vshll.u32 v3, $0x4  }
0xb4: {  	_ = 	snop  }
0xb5: {  	v6 =	vor.u32 v1, v6  }
0xb6: {  	v4 =	vmul.f32 v4, v5;
	_ =	sdelay $0x1  }
0xb7: {  	[tilespmem:v2+s21+$0x0] =	vst.idx.msk $0xffff, v4  }
0xb8: {  	v3 =	vld.idx.msk [tilespmem:v3+s20+$0x0], $0xffff  }
0xb9: {  	v2 =	vld.idx.msk [tilespmem:v6+s22+$0x0], $0xffff;
	_ =	sdelay $0x4  }
0xba: {  	v2 =	vmul.f32 v2, v3;
	_ =	sdelay $0x1  }
0xbb: {  	s19 =	rddreg [dreg:$0xa];
	s22 =	simm.s32 $0x0;
	[tilespmem:v6+s21+$0x0] =	vst.idx.msk $0xffff, v2  }
0xbc: {  	[hbm4b:s19+s22] =	stream.linear.scatter [tilespmem:s21], [sflag:$0x11], $0x3E80, $0x38;
	[tilespmem:$0x17E70] =	vst v63  }
0xbd: {  	s22 =	simm.s32 $0x11  }
0xbe: {  	_ =	swait.ge [sflag:s22], $0x3E80  }
0xbf: {  	[sflag:s22] =	ssyncset.done $0x0  }
0xc0: {  	[sflag:s22] =	ssyncadd.s32 $0xFFFFC180  }
.LBB2_7:
0xc1: {  	[bflag:$0x0] =	sbarrier.arrive $0xFFFF;
	s19 =	simm.s32 $0x0  }
0xc2: {  	[tilespmem:s25], [sflag:$0x1] =	stream.indirect.gather [hbm4b:s5+s24], $0x10, s19, s24, $0xb8;
	[tilespmem:$0x17E70] =	vst v63  }
0xc3: {  	s20 =	simm.s32 $0x80  }
0xc4: {  	[tilespmem:s26], [sflag:$0x2] =	stream.indirect.gather [hbm4b:s5+s24], $0x10, s20, s24, $0xb8;
	[tilespmem:$0x17E70] =	vst v63  }
0xc5: {  	s21 =	simm.s32 $0x100  }
0xc6: {  	[tilespmem:s28], [sflag:$0x3] =	stream.indirect.gather [hbm4b:s5+s24], $0x10, s21, s24, $0xb8;
	[tilespmem:$0x17E70] =	vst v63  }
0xc7: {  	s22 =	simm.s32 $0x180  }
0xc8: {  	[tilespmem:s29], [sflag:$0x4] =	stream.indirect.gather [hbm4b:s5+s24], $0x10, s22, s24, $0xb8;
	[tilespmem:$0x17E70] =	vst v63  }
0xc9: {  	s20 =	simm.s32 $0x200  }
0xca: {  	[tilespmem:s30], [sflag:$0x5] =	stream.indirect.gather [hbm4b:s5+s24], $0x10, s20, s24, $0xb8;
	[tilespmem:$0x17E70] =	vst v63  }
0xcb: {  	s21 =	simm.s32 $0x280  }
0xcc: {  	[tilespmem:s31], [sflag:$0x6] =	stream.indirect.gather [hbm4b:s5+s24], $0x10, s21, s24, $0xb8;
	[tilespmem:$0x17E70] =	vst v63  }
0xcd: {  	s22 =	simm.s32 $0x300  }
0xce: {  	[tilespmem:s1], [sflag:$0x7] =	stream.indirect.gather [hbm4b:s5+s24], $0x10, s22, s24, $0xb8;
	[tilespmem:$0x17E70] =	vst v63  }
0xcf: {  	s20 =	simm.s32 $0x380  }
0xd0: {  	[tilespmem:s0], [sflag:$0x8] =	stream.indirect.gather [hbm4b:s5+s24], $0x10, s20, s24, $0xb8;
	[tilespmem:$0x17E70] =	vst v63  }
0xd1: {  	_ =	swait.ge [sflag:s16], $0x800  }
0xd2: {  	[sflag:s16] =	ssyncset.done $0x0  }
0xd3: {  	s21 =	simm.s32 $0x2800;
	[sflag:s16] =	ssyncadd.s32 $0xFFFFF800  }
0xd4: {  	[spmem:s3] =	stream.indirect.scatter.add.f32 [tilespmem:s25], [sflag:$0x9], $0x10, s21, s24, $0xb8;
	[tilespmem:$0x17E70] =	vst v63  }
0xd5: {  	_ =	swait.ge [sflag:s10], $0x800  }
0xd6: {  	[sflag:s10] =	ssyncset.done $0x0  }
0xd7: {  	s22 =	simm.s32 $0x2880;
	[sflag:s10] =	ssyncadd.s32 $0xFFFFF800  }
0xd8: {  	[spmem:s3] =	stream.indirect.scatter.add.f32 [tilespmem:s26], [sflag:$0xA], $0x10, s22, s24, $0xb8;
	[tilespmem:$0x17E70] =	vst v63  }
0xd9: {  	_ =	swait.ge [sflag:s11], $0x800  }
0xda: {  	[sflag:s11] =	ssyncset.done $0x0  }
0xdb: {  	s20 =	simm.s32 $0x2900;
	[sflag:s11] =	ssyncadd.s32 $0xFFFFF800  }
0xdc: {  	[spmem:s3] =	stream.indirect.scatter.add.f32 [tilespmem:s28], [sflag:$0xB], $0x10, s20, s24, $0xb8;
	[tilespmem:$0x17E70] =	vst v63  }
0xdd: {  	_ =	swait.ge [sflag:s12], $0x800  }
0xde: {  	[sflag:s12] =	ssyncset.done $0x0  }
0xdf: {  	s21 =	simm.s32 $0x2980;
	[sflag:s12] =	ssyncadd.s32 $0xFFFFF800  }
0xe0: {  	[spmem:s3] =	stream.indirect.scatter.add.f32 [tilespmem:s29], [sflag:$0xC], $0x10, s21, s24, $0xb8;
	[tilespmem:$0x17E70] =	vst v63  }
0xe1: {  	_ =	swait.ge [sflag:s13], $0x800  }
0xe2: {  	[sflag:s13] =	ssyncset.done $0x0  }
0xe3: {  	s22 =	simm.s32 $0x2A00;
	[sflag:s13] =	ssyncadd.s32 $0xFFFFF800  }
0xe4: {  	[spmem:s3] =	stream.indirect.scatter.add.f32 [tilespmem:s30], [sflag:$0xD], $0x10, s22, s24, $0xb8;
	[tilespmem:$0x17E70] =	vst v63  }
0xe5: {  	_ =	swait.ge [sflag:s18], $0x800  }
0xe6: {  	[sflag:s18] =	ssyncset.done $0x0  }
0xe7: {  	s20 =	simm.s32 $0x2A80;
	[sflag:s18] =	ssyncadd.s32 $0xFFFFF800  }
0xe8: {  	[spmem:s3] =	stream.indirect.scatter.add.f32 [tilespmem:s31], [sflag:$0xE], $0x10, s20, s24, $0xb8;
	[tilespmem:$0x17E70] =	vst v63  }
0xe9: {  	_ =	swait.ge [sflag:s23], $0x800  }
0xea: {  	[sflag:s23] =	ssyncset.done $0x0  }
0xeb: {  	s21 =	simm.s32 $0x2B00;
	[sflag:s23] =	ssyncadd.s32 $0xFFFFF800  }
0xec: {  	[spmem:s3] =	stream.indirect.scatter.add.f32 [tilespmem:s1], [sflag:$0xF], $0x10, s21, s24, $0xb8;
	[tilespmem:$0x17E70] =	vst v63  }
0xed: {  	_ =	swait.ge [sflag:s2], $0x800  }
0xee: {  	[sflag:s2] =	ssyncset.done $0x0  }
0xef: {  	s22 =	simm.s32 $0x2B80;
	[sflag:s2] =	ssyncadd.s32 $0xFFFFF800  }
0xf0: {  	[spmem:s3] =	stream.indirect.scatter.add.f32 [tilespmem:s0], [sflag:$0x10], $0x10, s22, s24, $0xb8;
	[tilespmem:$0x17E70] =	vst v63  }
0xf1: {  	_ =	swait.ge [sflag:s6], $0x800  }
0xf2: {  	[sflag:s6] =	ssyncset.done $0x0  }
0xf3: {  	[sflag:s6] =	ssyncadd.s32 $0xFFFFF800  }
0xf4: {  	_ =	swait.ge [sflag:s7], $0x800  }
0xf5: {  	[sflag:s7] =	ssyncset.done $0x0  }
0xf6: {  	[sflag:s7] =	ssyncadd.s32 $0xFFFFF800  }
0xf7: {  	_ =	swait.ge [sflag:s8], $0x800  }
0xf8: {  	[sflag:s8] =	ssyncset.done $0x0  }
0xf9: {  	[sflag:s8] =	ssyncadd.s32 $0xFFFFF800  }
0xfa: {  	_ =	swait.ge [sflag:s9], $0x800  }
0xfb: {  	[sflag:s9] =	ssyncset.done $0x0  }
0xfc: {  	[sflag:s9] =	ssyncadd.s32 $0xFFFFF800  }
0xfd: {  	_ =	swait.ge [sflag:s14], $0x800  }
0xfe: {  	[sflag:s14] =	ssyncset.done $0x0  }
0xff: {  	[sflag:s14] =	ssyncadd.s32 $0xFFFFF800  }
0x100: {  	_ =	swait.ge [sflag:s4], $0x800  }
0x101: {  	[sflag:s4] =	ssyncset.done $0x0  }
0x102: {  	[sflag:s4] =	ssyncadd.s32 $0xFFFFF800  }
0x103: {  	_ =	swait.ge [sflag:s15], $0x800  }
0x104: {  	[sflag:s15] =	ssyncset.done $0x0  }
0x105: {  	[sflag:s15] =	ssyncadd.s32 $0xFFFFF800  }
0x106: {  	_ =	swait.ge [sflag:s17], $0x800  }
0x107: {  	s20 =	simm.s32 $0x1000;
	s22 =	simm.s32 $0x2000;
	[sflag:s17] =	ssyncset.done $0x0  }
.LBB2_8:
0x108: {  	s19 =	sshra.s32 s20, $0x2  }
0x109: {  	[sflag:s17] =	ssyncadd.s32 $0xFFFFF800;
	s20 =	smov.u32 s22;
	s21 =	sadd.s32 $0x1000, s22  }
0x10a: {  	[tilespmem:s25], [sflag:$0x1] =	stream.indirect.gather [hbm4b:s5+s24], $0x10, s19, s24, $0xb8;
	[tilespmem:$0x17E70] =	vst v63  }
0x10b: {  	p2 =	sne.s32 s22, $0x9000;
	s22 =	sadd.s32 $0x80, s19  }
0x10c: {  	[tilespmem:s26], [sflag:$0x2] =	stream.indirect.gather [hbm4b:s5+s24], $0x10, s22, s24, $0xb8;
	[tilespmem:$0x17E70] =	vst v63  }
0x10d: {  	s22 =	sadd.s32 $0x100, s19  }
0x10e: {  	[tilespmem:s28], [sflag:$0x3] =	stream.indirect.gather [hbm4b:s5+s24], $0x10, s22, s24, $0xb8;
	[tilespmem:$0x17E70] =	vst v63  }
0x10f: {  	s22 =	sadd.s32 $0x180, s19  }
0x110: {  	[tilespmem:s29], [sflag:$0x4] =	stream.indirect.gather [hbm4b:s5+s24], $0x10, s22, s24, $0xb8;
	[tilespmem:$0x17E70] =	vst v63  }
0x111: {  	s22 =	sadd.s32 $0x200, s19  }
0x112: {  	[tilespmem:s30], [sflag:$0x5] =	stream.indirect.gather [hbm4b:s5+s24], $0x10, s22, s24, $0xb8;
	[tilespmem:$0x17E70] =	vst v63  }
0x113: {  	s22 =	sadd.s32 $0x280, s19  }
0x114: {  	[tilespmem:s31], [sflag:$0x6] =	stream.indirect.gather [hbm4b:s5+s24], $0x10, s22, s24, $0xb8;
	[tilespmem:$0x17E70] =	vst v63  }
0x115: {  	s22 =	sadd.s32 $0x300, s19  }
0x116: {  	[tilespmem:s1], [sflag:$0x7] =	stream.indirect.gather [hbm4b:s5+s24], $0x10, s22, s24, $0xb8;
	[tilespmem:$0x17E70] =	vst v63  }
0x117: {  	s22 =	sadd.s32 $0x380, s19  }
0x118: {  	[tilespmem:s0], [sflag:$0x8] =	stream.indirect.gather [hbm4b:s5+s24], $0x10, s22, s24, $0xb8;
	[tilespmem:$0x17E70] =	vst v63  }
0x119: {  	_ =	swait.ge [sflag:s16], $0x800  }
0x11a: {  	[sflag:s16] =	ssyncset.done $0x0  }
0x11b: {  	s22 =	sadd.s32 $0x2800, s19;
	[sflag:s16] =	ssyncadd.s32 $0xFFFFF800  }
0x11c: {  	[spmem:s3] =	stream.indirect.scatter.add.f32 [tilespmem:s25], [sflag:$0x9], $0x10, s22, s24, $0xb8;
	[tilespmem:$0x17E70] =	vst v63  }
0x11d: {  	_ =	swait.ge [sflag:s10], $0x800  }
0x11e: {  	[sflag:s10] =	ssyncset.done $0x0  }
0x11f: {  	s22 =	sadd.s32 $0x2880, s19;
	[sflag:s10] =	ssyncadd.s32 $0xFFFFF800  }
0x120: {  	[spmem:s3] =	stream.indirect.scatter.add.f32 [tilespmem:s26], [sflag:$0xA], $0x10, s22, s24, $0xb8;
	[tilespmem:$0x17E70] =	vst v63  }
0x121: {  	_ =	swait.ge [sflag:s11], $0x800  }
0x122: {  	[sflag:s11] =	ssyncset.done $0x0  }
0x123: {  	s22 =	sadd.s32 $0x2900, s19;
	[sflag:s11] =	ssyncadd.s32 $0xFFFFF800  }
0x124: {  	[spmem:s3] =	stream.indirect.scatter.add.f32 [tilespmem:s28], [sflag:$0xB], $0x10, s22, s24, $0xb8;
	[tilespmem:$0x17E70] =	vst v63  }
0x125: {  	_ =	swait.ge [sflag:s12], $0x800  }
0x126: {  	[sflag:s12] =	ssyncset.done $0x0  }
0x127: {  	s22 =	sadd.s32 $0x2980, s19;
	[sflag:s12] =	ssyncadd.s32 $0xFFFFF800  }
0x128: {  	[spmem:s3] =	stream.indirect.scatter.add.f32 [tilespmem:s29], [sflag:$0xC], $0x10, s22, s24, $0xb8;
	[tilespmem:$0x17E70] =	vst v63  }
0x129: {  	_ =	swait.ge [sflag:s13], $0x800  }
0x12a: {  	[sflag:s13] =	ssyncset.done $0x0  }
0x12b: {  	s22 =	sadd.s32 $0x2A00, s19;
	[sflag:s13] =	ssyncadd.s32 $0xFFFFF800  }
0x12c: {  	[spmem:s3] =	stream.indirect.scatter.add.f32 [tilespmem:s30], [sflag:$0xD], $0x10, s22, s24, $0xb8;
	[tilespmem:$0x17E70] =	vst v63  }
0x12d: {  	_ =	swait.ge [sflag:s18], $0x800  }
0x12e: {  	[sflag:s18] =	ssyncset.done $0x0  }
0x12f: {  	s22 =	sadd.s32 $0x2A80, s19;
	[sflag:s18] =	ssyncadd.s32 $0xFFFFF800  }
0x130: {  	[spmem:s3] =	stream.indirect.scatter.add.f32 [tilespmem:s31], [sflag:$0xE], $0x10, s22, s24, $0xb8;
	[tilespmem:$0x17E70] =	vst v63  }
0x131: {  	_ =	swait.ge [sflag:s23], $0x800  }
0x132: {  	[sflag:s23] =	ssyncset.done $0x0  }
0x133: {  	s22 =	sadd.s32 $0x2B00, s19;
	[sflag:s23] =	ssyncadd.s32 $0xFFFFF800  }
0x134: {  	[spmem:s3] =	stream.indirect.scatter.add.f32 [tilespmem:s1], [sflag:$0xF], $0x10, s22, s24, $0xb8;
	[tilespmem:$0x17E70] =	vst v63  }
0x135: {  	_ =	swait.ge [sflag:s2], $0x800  }
0x136: {  	[sflag:s2] =	ssyncset.done $0x0  }
0x137: {  	s19 =	sadd.s32 $0x2B80, s19;
	[sflag:s2] =	ssyncadd.s32 $0xFFFFF800  }
0x138: {  	[spmem:s3] =	stream.indirect.scatter.add.f32 [tilespmem:s0], [sflag:$0x10], $0x10, s19, s24, $0xb8;
	[tilespmem:$0x17E70] =	vst v63  }
0x139: {  	_ =	swait.ge [sflag:s6], $0x800  }
0x13a: {  	[sflag:s6] =	ssyncset.done $0x0  }
0x13b: {  	[sflag:s6] =	ssyncadd.s32 $0xFFFFF800  }
0x13c: {  	_ =	swait.ge [sflag:s7], $0x800  }
0x13d: {  	[sflag:s7] =	ssyncset.done $0x0  }
0x13e: {  	[sflag:s7] =	ssyncadd.s32 $0xFFFFF800  }
0x13f: {  	_ =	swait.ge [sflag:s8], $0x800  }
0x140: {  	[sflag:s8] =	ssyncset.done $0x0  }
0x141: {  	[sflag:s8] =	ssyncadd.s32 $0xFFFFF800  }
0x142: {  	_ =	swait.ge [sflag:s9], $0x800  }
0x143: {  	[sflag:s9] =	ssyncset.done $0x0  }
0x144: {  	[sflag:s9] =	ssyncadd.s32 $0xFFFFF800  }
0x145: {  	_ =	swait.ge [sflag:s14], $0x800  }
0x146: {  	[sflag:s14] =	ssyncset.done $0x0  }
0x147: {  	[sflag:s14] =	ssyncadd.s32 $0xFFFFF800  }
0x148: {  	_ =	swait.ge [sflag:s4], $0x800  }
0x149: {  	[sflag:s4] =	ssyncset.done $0x0  }
0x14a: {  	[sflag:s4] =	ssyncadd.s32 $0xFFFFF800  }
.Ltmp5:
0x14b: {  	_ =	swait.ge [sflag:s15], $0x800;
	(pc) =	sbr.rel @p2 .LBB2_8-.Ltmp5, $4  }
0x14c: {  	[sflag:s15] =	ssyncset.done $0x0  }
0x14d: {  	[sflag:s15] =	ssyncadd.s32 $0xFFFFF800  }
0x14e: {  	_ =	swait.ge [sflag:s17], $0x800  }
0x14f: {  	s22 =	smov.u32 s21;
	[sflag:s17] =	ssyncset.done $0x0  }
0x150: {  	s19 =	sshra.s32 s20, $0x2;
	[sflag:s17] =	ssyncadd.s32 $0xFFFFF800  }
0x151: {  	[tilespmem:s25], [sflag:$0x1] =	stream.indirect.gather [hbm4b:s5+s24], $0x10, s19, s24, $0xb8;
	[tilespmem:$0x17E70] =	vst v63  }
0x152: {  	s20 =	sadd.s32 $0x80, s19  }
0x153: {  	[tilespmem:s26], [sflag:$0x2] =	stream.indirect.gather [hbm4b:s5+s24], $0x10, s20, s24, $0xb8;
	[tilespmem:$0x17E70] =	vst v63  }
0x154: {  	s22 =	sadd.s32 $0x100, s19  }
0x155: {  	[tilespmem:s28], [sflag:$0x3] =	stream.indirect.gather [hbm4b:s5+s24], $0x10, s22, s24, $0xb8;
	[tilespmem:$0x17E70] =	vst v63  }
0x156: {  	s21 =	sadd.s32 $0x180, s19  }
0x157: {  	[tilespmem:s29], [sflag:$0x4] =	stream.indirect.gather [hbm4b:s5+s24], $0x10, s21, s24, $0xb8;
	[tilespmem:$0x17E70] =	vst v63  }
0x158: {  	s22 =	sadd.s32 $0x200, s19  }
0x159: {  	[tilespmem:s30], [sflag:$0x5] =	stream.indirect.gather [hbm4b:s5+s24], $0x10, s22, s24, $0xb8;
	[tilespmem:$0x17E70] =	vst v63  }
0x15a: {  	s21 =	sadd.s32 $0x280, s19  }
0x15b: {  	[tilespmem:s31], [sflag:$0x6] =	stream.indirect.gather [hbm4b:s5+s24], $0x10, s21, s24, $0xb8;
	[tilespmem:$0x17E70] =	vst v63  }
0x15c: {  	s22 =	sadd.s32 $0x300, s19  }
0x15d: {  	[tilespmem:s1], [sflag:$0x7] =	stream.indirect.gather [hbm4b:s5+s24], $0x10, s22, s24, $0xb8;
	[tilespmem:$0x17E70] =	vst v63  }
0x15e: {  	s21 =	sadd.s32 $0x380, s19  }
0x15f: {  	[tilespmem:s0], [sflag:$0x8] =	stream.indirect.gather [hbm4b:s5+s24], $0x10, s21, s24, $0xb8;
	[tilespmem:$0x17E70] =	vst v63  }
0x160: {  	_ =	swait.ge [sflag:s16], $0x800  }
0x161: {  	[sflag:s16] =	ssyncset.done $0x0  }
0x162: {  	s22 =	sadd.s32 $0x2800, s19;
	[sflag:s16] =	ssyncadd.s32 $0xFFFFF800  }
0x163: {  	[spmem:s3] =	stream.indirect.scatter.add.f32 [tilespmem:s25], [sflag:$0x9], $0x10, s22, s24, $0xb8;
	[tilespmem:$0x17E70] =	vst v63  }
0x164: {  	_ =	swait.ge [sflag:s10], $0x800  }
0x165: {  	[sflag:s10] =	ssyncset.done $0x0  }
0x166: {  	s21 =	sadd.s32 $0x2880, s19;
	[sflag:s10] =	ssyncadd.s32 $0xFFFFF800  }
0x167: {  	[spmem:s3] =	stream.indirect.scatter.add.f32 [tilespmem:s26], [sflag:$0xA], $0x10, s21, s24, $0xb8;
	[tilespmem:$0x17E70] =	vst v63  }
0x168: {  	_ =	swait.ge [sflag:s11], $0x800  }
0x169: {  	[sflag:s11] =	ssyncset.done $0x0  }
0x16a: {  	s22 =	sadd.s32 $0x2900, s19;
	[sflag:s11] =	ssyncadd.s32 $0xFFFFF800  }
0x16b: {  	[spmem:s3] =	stream.indirect.scatter.add.f32 [tilespmem:s28], [sflag:$0xB], $0x10, s22, s24, $0xb8;
	[tilespmem:$0x17E70] =	vst v63  }
0x16c: {  	_ =	swait.ge [sflag:s12], $0x800  }
0x16d: {  	[sflag:s12] =	ssyncset.done $0x0  }
0x16e: {  	s21 =	sadd.s32 $0x2980, s19;
	[sflag:s12] =	ssyncadd.s32 $0xFFFFF800  }
0x16f: {  	[spmem:s3] =	stream.indirect.scatter.add.f32 [tilespmem:s29], [sflag:$0xC], $0x10, s21, s24, $0xb8;
	[tilespmem:$0x17E70] =	vst v63  }
0x170: {  	_ =	swait.ge [sflag:s13], $0x800  }
0x171: {  	[sflag:s13] =	ssyncset.done $0x0  }
0x172: {  	s22 =	sadd.s32 $0x2A00, s19;
	[sflag:s13] =	ssyncadd.s32 $0xFFFFF800  }
0x173: {  	[spmem:s3] =	stream.indirect.scatter.add.f32 [tilespmem:s30], [sflag:$0xD], $0x10, s22, s24, $0xb8;
	[tilespmem:$0x17E70] =	vst v63  }
0x174: {  	_ =	swait.ge [sflag:s18], $0x800  }
0x175: {  	[sflag:s18] =	ssyncset.done $0x0  }
0x176: {  	s21 =	sadd.s32 $0x2A80, s19;
	[sflag:s18] =	ssyncadd.s32 $0xFFFFF800  }
0x177: {  	[spmem:s3] =	stream.indirect.scatter.add.f32 [tilespmem:s31], [sflag:$0xE], $0x10, s21, s24, $0xb8;
	[tilespmem:$0x17E70] =	vst v63  }
0x178: {  	_ =	swait.ge [sflag:s23], $0x800  }
0x179: {  	[sflag:s23] =	ssyncset.done $0x0  }
0x17a: {  	s22 =	sadd.s32 $0x2B00, s19;
	[sflag:s23] =	ssyncadd.s32 $0xFFFFF800  }
0x17b: {  	[spmem:s3] =	stream.indirect.scatter.add.f32 [tilespmem:s1], [sflag:$0xF], $0x10, s22, s24, $0xb8;
	[tilespmem:$0x17E70] =	vst v63  }
0x17c: {  	_ =	swait.ge [sflag:s2], $0x800  }
0x17d: {  	[sflag:s2] =	ssyncset.done $0x0  }
0x17e: {  	s19 =	sadd.s32 $0x2B80, s19;
	[sflag:s2] =	ssyncadd.s32 $0xFFFFF800  }
0x17f: {  	[spmem:s3] =	stream.indirect.scatter.add.f32 [tilespmem:s0], [sflag:$0x10], $0x10, s19, s24, $0xb8;
	[tilespmem:$0x17E70] =	vst v63  }
0x180: {  	_ =	swait.ge [sflag:s6], $0x800  }
0x181: {  	[sflag:s6] =	ssyncset.done $0x0  }
0x182: {  	[sflag:s6] =	ssyncadd.s32 $0xFFFFF800  }
0x183: {  	_ =	swait.ge [sflag:s7], $0x800  }
0x184: {  	[sflag:s7] =	ssyncset.done $0x0  }
0x185: {  	[sflag:s7] =	ssyncadd.s32 $0xFFFFF800  }
0x186: {  	_ =	swait.ge [sflag:s8], $0x800  }
0x187: {  	[sflag:s8] =	ssyncset.done $0x0  }
0x188: {  	[sflag:s8] =	ssyncadd.s32 $0xFFFFF800  }
0x189: {  	_ =	swait.ge [sflag:s9], $0x800  }
0x18a: {  	[sflag:s9] =	ssyncset.done $0x0  }
0x18b: {  	[sflag:s9] =	ssyncadd.s32 $0xFFFFF800  }
0x18c: {  	_ =	swait.ge [sflag:s14], $0x800  }
0x18d: {  	[sflag:s14] =	ssyncset.done $0x0  }
0x18e: {  	[sflag:s14] =	ssyncadd.s32 $0xFFFFF800  }
0x18f: {  	_ =	swait.ge [sflag:s4], $0x800  }
0x190: {  	[sflag:s4] =	ssyncset.done $0x0  }
0x191: {  	[sflag:s4] =	ssyncadd.s32 $0xFFFFF800  }
0x192: {  	_ =	swait.ge [sflag:s15], $0x800  }
0x193: {  	[sflag:s15] =	ssyncset.done $0x0  }
0x194: {  	[sflag:s15] =	ssyncadd.s32 $0xFFFFF800  }
.Ltmp6:
0x195: {  	_ =	swait.ge [sflag:s17], $0x800;
	(pc) =	sbr.rel @p0 .LBB2_13-.Ltmp6, $4  }
0x196: {  	[sflag:s17] =	ssyncset.done $0x0  }
0x197: {  	[sflag:s17] =	ssyncadd.s32 $0xFFFFF800  }
0x198: {  	s20 =	simm.s32 $0xBD80;
	[bflag:$0x0] =	sbarrier.arrive $0xFFFF  }
0x199: {  	s21 =	simm.s32 $0xFFF0;
	s22 =	simm.s32 $0x5000;
	s19 =	rddreg [dreg:$0xf]  }
0x19a: {  	s19 =	simm.s32 $0x0  }
0x19b: {  	v3 =	vmov s19  }
0x19c: {  	s19 =	rddreg [dreg:$0xb];
	v2 =	vshll.u32 v3, $0x4  }
0x19d: {  	[tilespmem:s22], [sflag:$0x11] =	stream.linear.gather [spmem:s19], $0x3E80, $0x38;
	v2 =	vor.u32 v1, v2;
	[tilespmem:$0x17E70] =	vst v63  }
0x19e: {  	s19 =	simm.s32 $0x11  }
0x19f: {  	_ =	swait.ge [sflag:s19], $0x3E80  }
0x1a0: {  	[sflag:s19] =	ssyncset.done $0x0  }
0x1a1: {  	[sflag:s19] =	ssyncadd.s32 $0xFFFFC180  }
0x1a2: {  	v6 =	vld.idx.msk [tilespmem:v2+s21+$0x0], $0xffff;
	_ =	sdelay $0x1  }
0x1a3: {  	v4 =	vld.idx.msk [tilespmem:v2+s22+$0x0], $0xffff;
	_ =	sdelay $0x1  }
0x1a4: {  	s19 =	simm.s32 $0x1;
	v5 =	vld.idx.msk [tilespmem:v3+s20+$0x0], $0xffff  }
0x1a5: {  	v3 =	vmov s19;
	s19 =	simm.s32 $0x2;
	v6 =	vmul.f32 v6, v0  }
.LBB2_11:
0x1a6: {  	p2 =	sne.s32 s19, $0x3E7;
	v7 =	vshll.u32 v3, $0x4  }
0x1a7: {  	v4 =	vadd.f32 v6, v4;
	v7 =	vor.u32 v1, v7;
	_ =	sdelay $0x1  }
0x1a8: {  	v4 =	vmul.f32 v4, v5;
	_ =	sdelay $0x1  }
0x1a9: {  	[tilespmem:v2+s22+$0x0] =	vst.idx.msk $0xffff, v4;
	v2 =	vmov v7  }
0x1aa: {  	v6 =	vld.idx.msk [tilespmem:v7+s21+$0x0], $0xffff;
	_ =	sdelay $0x1  }
.Ltmp7:
0x1ab: {  	v4 =	vld.idx.msk [tilespmem:v7+s22+$0x0], $0xffff;
	(pc) =	sbr.rel @p2 .LBB2_11-.Ltmp7, $3  }
0x1ac: {  	_ = 	snop  }
0x1ad: {  	v5 =	vld.idx.msk [tilespmem:v3+s20+$0x0], $0xffff;
	_ =	sdelay $0x1  }
0x1ae: {  	v3 =	vmov s19;
	s19 =	sadd.s32 $0x1, s19;
	v6 =	vmul.f32 v6, v0  }
.Ltmp8:
0x1af: {  	_ = 	snop;
	(pc) =	sbr.rel .LBB2_12-.Ltmp8, $1  }
0x1b0: {  	_ =	sdelay $0x3  }
.LBB2_14:
0x1b1: {  	_ =	sfence.sel $0x180000  }
0x1b2: {  	[bflag:$0x0] =	sbarrier.arrive $0xFFFF  }
0x1b3: {  	_ =	strace $0x9000004A  }
0x1b4: {  	s0 =	stileid.u32;
	[bflag:$0x2] =	sbarrier.arrive $0xFFFF  }
0x1b5: {  	p0 =	sne.s32 s0, $0x0;
	s0 =	rddreg [dreg:$0x3]  }
0x1b6: {  	s0 =	sadd.s32 @!p0 $0x100000, s0  }
0x1b7: {  	[sflag:s0] =	ssyncadd.tile.s32 @!p0 $0x1;
	_ =	shalt  }
.Lfunc_end2:
_tile_overlayer_lowered:
.L_overlay_start_2:
0x1b8: {  	(tag) =	ssettag $0x2  }
0x1b9: {  	s0 =	rddreg [dreg:$0x0];
	s2 =	stileid.u32  }
0x1ba: {  	s1 =	rddreg [dreg:$0x1];
	p0 =	sne.s32 s2, $0x0  }
0x1bb: {  	s3 =	rddreg [dreg:$0x2];
	[bflag:$0x3] =	sbarrier.arrive $0xFFFF;
	s2 =	simm.s32 @!p0 $0x1C11  }
0x1bc: {  	[timem:s3], [sflag:s2] =	dma.local @!p0 [hbm:s0], s1  }
0x1bd: {  	s0 =	simm.s32 @!p0 $0x11  }
0x1be: {  	_ =	swait.ge @!p0 [sflag:s0], s1  }
0x1bf: {  	s1 =	ssub.s32 @!p0 $0x0, s1;
	[sflag:s0] =	ssyncset.done @!p0 $0x0  }
0x1c0: {  	[sflag:s0] =	ssyncadd.s32 @!p0 s1  }
0x1c1: {  	[bflag:$0x3] =	sbarrier.arrive $0xFFFF  }
0x1c2: {  	_ =	shalt  }

// kernel: kernel.14.cloned.1.call-start
scs
__scs_entry_jumppad:
0x0: {  	(pc) =	sbr.rel $0x88, $3  }
0x1: {  	(tag) =	ssettag $0x0;
	lr =	simm.s32 $0x1  }
0x2: {  	[smem:$0x3F99] =	sst lr;
	_ =	strace $0xD0000000  }
0x3: {  	_ = 	snop  }
0x4: {  	_ = 	snop  }
0x5: {  	_ = 	snop  }
0x6: {  	_ = 	snop  }
0x7: {  	_ = 	snop  }
__scs_overlays_trampoline_lowered:
0x8: {  	[smem:$0x3FA8] =	sst s0  }
0x9: {  	[smem:$0x3FA9] =	sst s1  }
0xa: {  	[smem:$0x3FAA] =	sst s2  }
0xb: {  	[smem:$0x3FAB] =	sst s3  }
0xc: {  	[smem:$0x3FAC] =	sst s4  }
0xd: {  	[smem:$0x3FAD] =	sst s5  }
0xe: {  	[smem:$0x3FAE] =	sst s6  }
0xf: {  	[smem:$0x3FAF] =	sst s7  }
0x10: {  	[smem:$0x3FB0] =	sst s8  }
0x11: {  	[smem:$0x3FB1] =	sst s9;
	s0 =	simm.s32 @!p0 $0x0  }
0x12: {  	s1 =	sld [smem:$0x3F97];
	s0 =	simm.s32 @p0 $0x1  }
0x13: {  	[smem:$0x3FB2] =	sst s0;
	s0 =	simm.s32 @!p1 $0x0  }
0x14: {  	s2 =	sld [smem:$0x3F96];
	s0 =	simm.s32 @p1 $0x1  }
0x15: {  	[smem:$0x3FB3] =	sst s0;
	s0 =	simm.s32 @!p2 $0x0  }
0x16: {  	s3 =	sld [smem:$0x3FDB];
	s0 =	simm.s32 @p2 $0x1  }
0x17: {  	s4 =	simm.s32 $0x1BF5;
	[smem:$0x3FB5] =	sst s0  }
0x18: {  	s0 =	sld [smem:$0x3F98];
	_ =	swait.ge [sflag:s4], $0x0  }
0x19: {  	s7 =	sld [smem:$0x3F99]  }
0x1a: {  	s8 =	sadd.s32 $0xFFFFE003, lr  }
0x1b: {  	s9 =	sadd.s32 $0xFFFFFEF7, lr;
	s5 =	simm.s32 $0xFFFFFFFF;
	p2 =	slt.u32 s8, $0xFFFFF086  }
0x1c: {  	p1 =	slt.u32 s9, $0xF7A;
	s5 =	simm.s32 @!p2 $0x0  }
0x1d: {  	s5 =	simm.s32 @p1 $0x1;
	p0 =	seq.s32 s7, s2  }
0x1e: {  	s7 =	smul.u32 @!p0 $0xF7A, s2;
	p2 =	seq.s32 @!p0 s5, $0x0  }
0x1f: {  	s9 =	smul.u32 $0xF7A, s1;
	s8 =	simm.s32 @!p0 $0x1BF5;
	p2 =	por !p2, p0  }
0x20: {  	[sflag:s8] =	ssyncset.s32 @!p0 $0xFFFFF086;
	s6 =	sadd.s32 @!p0 s3, s7;
	s7 =	simm.s32 @!p0 $0x108  }
0x21: {  	s3 =	sadd.s32 s3, s9;
	s6 =	sadd.s32 @!p0 $0x88, s6;
	s7 =	simm.s32 @p2 $0x1082  }
0x22: {  	[simem:s7], [sflag:s8] =	dma.local @!p0 [hbm:s6], $0xF7A  }
0x23: {  	s9 =	sor.u32 $0xD0000000, s2;
	s6 =	simm.s32 $0x108;
	_ =	swait.ge @!p0 [sflag:s8], $0x0  }
0x24: {  	s3 =	sadd.s32 $0x88, s3;
	s6 =	simm.s32 @!p1 $0x1082;
	[sflag:s4] =	ssyncset.s32 $0xFFFFF086  }
0x25: {  	[simem:s6], [sflag:s4] =	dma.local [hbm:s3], $0xF7A  }
0x26: {  	[smem:$0x3F99] =	sst s1;
	(tag) =	ssettag s2;
	_ =	strace s9  }
0x27: {  	s1 =	sld [smem:$0x3FA9]  }
0x28: {  	s2 =	sld [smem:$0x3FAA]  }
0x29: {  	s4 =	sld [smem:$0x3FAC]  }
0x2a: {  	p0 =	seq.s32 s5, $0x0;
	s5 =	sld [smem:$0x3FAD]  }
0x2b: {  	s6 =	sld [smem:$0x3FAE]  }
0x2c: {  	s7 =	sld [smem:$0x3FAF]  }
0x2d: {  	s3 =	simm.s32 $0x108;
	s8 =	sld [smem:$0x3FB0]  }
0x2e: {  	s3 =	simm.s32 @!p0 $0x1082;
	s9 =	sld [smem:$0x3FB1]  }
0x2f: {  	lr =	sadd.s32 s0, s3;
	s0 =	sld [smem:$0x3FA8]  }
0x30: {  	s3 =	sld [smem:$0x3FAB]  }
0x31: {  	[smem:$0x3FB4] =	sst s10  }
0x32: {  	s10 =	sld [smem:$0x3FB2];
	_ =	sdelay $0x3  }
0x33: {  	p0 =	seq.s32 s10, $0x1;
	s10 =	sld [smem:$0x3FB4];
	_ =	sdelay $0x3  }
0x34: {  	[smem:$0x3FB4] =	sst s10  }
0x35: {  	s10 =	sld [smem:$0x3FB3];
	_ =	sdelay $0x3  }
0x36: {  	p1 =	seq.s32 s10, $0x1;
	s10 =	sld [smem:$0x3FB4];
	_ =	sdelay $0x3  }
0x37: {  	[smem:$0x3FB4] =	sst s10  }
0x38: {  	s10 =	sld [smem:$0x3FB5]  }
0x39: {  	_ = 	snop;
	(pc) =	sbr.ind lr, $3  }
0x3a: {  	_ = 	snop  }
0x3b: {  	_ = 	snop  }
0x3c: {  	p2 =	seq.s32 s10, $0x1;
	s10 =	sld [smem:$0x3FB4]  }
0x3d: {  	_ =	shalt  }
0x3e: {  	_ =	shalt  }
0x3f: {  	_ =	shalt  }
0x40: {  	_ =	shalt  }
0x41: {  	_ =	shalt  }
0x42: {  	_ =	shalt  }
0x43: {  	_ =	shalt  }
0x44: {  	_ =	shalt  }
0x45: {  	_ =	shalt  }
0x46: {  	_ =	shalt  }
0x47: {  	_ =	shalt  }
0x48: {  	_ =	shalt  }
0x49: {  	_ =	shalt  }
0x4a: {  	_ =	shalt  }
0x4b: {  	_ =	shalt  }
0x4c: {  	_ =	shalt  }
0x4d: {  	_ =	shalt  }
0x4e: {  	_ =	shalt  }
0x4f: {  	_ =	shalt  }
0x50: {  	_ =	shalt  }
0x51: {  	_ =	shalt  }
0x52: {  	_ =	shalt  }
0x53: {  	_ =	shalt  }
0x54: {  	_ =	shalt  }
0x55: {  	_ =	shalt  }
0x56: {  	_ =	shalt  }
0x57: {  	_ =	shalt  }
0x58: {  	_ =	shalt  }
0x59: {  	_ =	shalt  }
0x5a: {  	_ =	shalt  }
0x5b: {  	_ =	shalt  }
0x5c: {  	_ =	shalt  }
0x5d: {  	_ =	shalt  }
0x5e: {  	_ =	shalt  }
0x5f: {  	_ =	shalt  }
0x60: {  	_ =	shalt  }
0x61: {  	_ =	shalt  }
0x62: {  	_ =	shalt  }
0x63: {  	_ =	shalt  }
0x64: {  	_ =	shalt  }
0x65: {  	_ =	shalt  }
0x66: {  	_ =	shalt  }
0x67: {  	_ =	shalt  }
0x68: {  	_ =	shalt  }
0x69: {  	_ =	shalt  }
0x6a: {  	_ =	shalt  }
0x6b: {  	_ =	shalt  }
0x6c: {  	_ =	shalt  }
0x6d: {  	_ =	shalt  }
0x6e: {  	_ =	shalt  }
0x6f: {  	_ =	shalt  }
0x70: {  	_ =	shalt  }
0x71: {  	_ =	shalt  }
0x72: {  	_ =	shalt  }
0x73: {  	_ =	shalt  }
0x74: {  	_ =	shalt  }
0x75: {  	_ =	shalt  }
0x76: {  	_ =	shalt  }
0x77: {  	_ =	shalt  }
0x78: {  	_ =	shalt  }
0x79: {  	_ =	shalt  }
0x7a: {  	_ =	shalt  }
0x7b: {  	_ =	shalt  }
0x7c: {  	_ =	shalt  }
0x7d: {  	_ =	shalt  }
0x7e: {  	_ =	shalt  }
0x7f: {  	_ =	shalt  }
0x80: {  	_ =	shalt  }
0x81: {  	_ =	shalt  }
0x82: {  	_ =	shalt  }
0x83: {  	_ =	shalt  }
0x84: {  	_ =	shalt  }
0x85: {  	_ =	shalt  }
0x86: {  	_ =	shalt  }
0x87: {  	_ =	shalt  }
.Lfunc_end0:
.L_simem_size_0:
called_computation.2_lowered:
.L_overlay_start_0:
0x88: {  	s2 =	sld [smem:$0x3FD9]  }
0x89: {  	s3 =	sld [smem:$0x3FFE];
	_ =	sdelay $0x1  }
0x8a: {  	s1 =	srdreg.scid  }
0x8b: {  	s0 =	sand.u32 $0x1, s1  }
0x8c: {  	s17 =	sshll.u32 s0, $0xA;
	s2 =	sadd.s32 s3, s2  }
0x8d: {  	s2 =	sadd.s32 s2, s17  }
0x8e: {  	[smem:$0x3FC0] =	sst s2  }
0x8f: {  	_ = 	snop  }
0x90: {  	s2 =	sld [smem:$0x3FD0];
	(tm) =	ssettm $0x1  }
0x91: {  	s18 =	sld [smem:$0x3FFB];
	_ =	sdelay $0x3  }
0x92: {  	_ =	strace s18  }
0x93: {  	s3 =	sld [smem:$0x3FFC];
	_ =	sdelay $0x3  }
0x94: {  	_ =	strace s3  }
0x95: {  	s3 =	sld [smem:$0x3FFD];
	_ =	sdelay $0x3  }
0x96: {  	_ =	strace s3  }
0x97: {  	_ =	strace $0x8FFFFFFF  }
0x98: {  	s19 =	sld [smem:$0x3FDB];
	_ =	sdelay $0x1  }
0x99: {  	s4 =	simm.s32 $_scs_section_size  }
0x9a: {  	s5 =	simm.s32 $_size__tile_overlayer_lowered;
	s6 =	simm.s32 $_tile_overlayer_lowered  }
0x9b: {  	s22 =	simm.s32 $0x1BFF;
	s21 =	sshll.u32 s6, $0x1;
	s3 =	sadd.s32 s4, s19  }
0x9c: {  	s7 =	simm.s32 $0x0;
	s20 =	sshll.u32 s5, $0x1;
	s5 =	sadd.s32 s21, s3  }
0x9d: {  	[timem:s7], [sflag:s22] =	dma.local [hbm:s5], s20  }
0x9e: {  	_ =	swait.ge [sflag:s22], s20  }
0x9f: {  	s4 =	ssub.s32 $0x0, s20;
	[sflag:s22] =	ssyncset.done $0x0  }
0xa0: {  	[sflag:s22] =	ssyncadd.s32 s4;
	_ =	sdelay $0x1  }
0xa1: {  	s23 =	simm.s32 $0x1B8B  }
0xa2: {  	_ =	swait.ge [sflag:s23], $0x1  }
0xa3: {  	[sflag:s23] =	ssyncset.done $0x0  }
0xa4: {  	s25 =	simm.s32 $0x1B8E;
	s24 =	sld [smem:$0x3FFE];
	[sflag:s23] =	ssyncadd.s32 $0xFFFFFFFF  }
0xa5: {  	s26 =	simm.s32 $execute0_lowered;
	[smem:$0x3FD2] =	sst s25  }
0xa6: {  	s5 =	sshll.u32 s26, $0x1;
	_ =	strace $0x8000004C;
	[dreg:$0x1] =	wrdreg $0xFFFFFFFF  }
0xa7: {  	s28 =	simm.s32 $_size_execute0_lowered;
	s3 =	sadd.s32 s3, s5;
	[dreg:$0x0] =	wrdreg $0x0  }
0xa8: {  	s5 =	sshll.u32 s28, $0x1;
	[dreg:$0x2] =	wrdreg s3  }
0xa9: {  	[dreg:$0x3] =	wrdreg s5  }
0xaa: {  	[dreg:$0x4] =	wrdreg $0xC0  }
0xab: {  	_ =	task [dreg:s7], $0x5FFFF  }
0xac: {  	[dreg:$0x1] =	wrdreg $0xFFFFFFFF  }
0xad: {  	[dreg:$0x0] =	wrdreg $0x60  }
0xae: {  	[dreg:$0x2] =	wrdreg s24  }
0xaf: {  	[dreg:$0x3] =	wrdreg s2  }
0xb0: {  	[dreg:$0x4] =	wrdreg $0x8E800  }
0xb1: {  	[dreg:$0x5] =	wrdreg $0x9  }
0xb2: {  	_ =	task.clear_ibuf [dreg:s7], $0x6FFFF;
	_ =	strace $0x9000004C  }
0xb3: {  	s29 =	simm.s32 $0x9;
	_ =	strace $0x8000004E  }
0xb4: {  	_ =	swait.ge [sflag:s29], $0x1  }
0xb5: {  	[sflag:s29] =	ssyncadd.s32 $0xFFFFFFFF  }
0xb6: {  	_ =	strace $0x9000004E  }
0xb7: {  	_ =	sfence  }
0xb8: {  	s30 =	sld [smem:$0x0];
	_ =	sdelay $0x2  }
0xb9: {  	s31 =	sshll.u32 s1, $0xD;
	s1 =	sshrl.u32 s1, $0x2  }
0xba: {  	s3 =	sand.u32 $0x4000, s31;
	s1 =	sadd.s32 s1, s30  }
0xbb: {  	s0 =	sor.u32 s3, s0;
	s1 =	sshll.u32 s1, $0x11  }
0xbc: {  	s0 =	sor.u32 s1, s0  }
0xbd: {  	s0 =	sadd.s32 $0x8F2B, s0  }
0xbe: {  	[sflag:s0] =	ssyncadd.remote.s32 $0x1  }
0xbf: {  	_ =	sfence.sel $0xFFFF  }
0xc0: {  	[dreg:$0x0] =	wrdreg $0xFFFFFFFF;
	(pc) =	sbr.abs _section_cstart, $3  }
0xc1: {  	[dreg:$0x1] =	wrdreg $0xFFFFFFFF  }
0xc2: {  	_ =	task.clear_ibuf [dreg:s7], $0x2FFFF;
	_ =	strace $0x9FFFFFFF  }
0xc3: {  	(tm) =	ssettm $0x7FFFFFFF  }
tec
execute0_lowered:
.L_overlay_start_1:
0x0: {  	(tag) =	ssettag $0x1  }
0x1: {  	s0 =	rddreg [dreg:$0x0];
	s1 =	srdreg.scid  }
0x2: {  	s13 =	stileid.u32;
	s3 =	rddreg [dreg:$0x2];
	s4 =	simm.s32 $0x0  }
0x3: {  	s28 =	simm.s32 $0x14E70;
	s29 =	simm.s32 $0x15670;
	s30 =	simm.s32 $0x15E70  }
0x4: {  	s31 =	simm.s32 $0x16670;
	s14 =	simm.s32 $0xD;
	s15 =	smul.u32 $0x7D, s13  }
0x5: {  	s1 =	sand.u32 $0x1, s1;
	s2 =	sshll.u32 s13, $0x1;
	s6 =	smul.u32 $0x7D0, s13  }
0x6: {  	[smem:$0x7FF] =	sst s4;
	s10 =	smul.u32 $0xFA00, s13;
	s16 =	sadd.s32 $0x27100, s3  }
0x7: {  	s18 =	smul.u32 $0x3E80, s13;
	p0 =	sgt.u32 s13, $0x9;
	s4 =	simm.s32 $0xE  }
0x8: {  	s2 =	sor.u32 s1, s2;
	_ =	strace $0x8000004D;
	s5 =	smul.u32 $0x4E20, s1  }
0x9: {  	s9 =	ssub.s32 $0x2, s1;
	[dreg:$0x4] =	wrdreg s16;
	p1 =	seq.s32 s1, $0x0  }
0xa: {  	s1 =	simm.s32 $0x16E70;
	s16 =	simm.s32 $0x1;
	s2 =	smul.u32 $0x500, s2  }
0xb: {  	s7 =	sadd.s32 s15, s0;
	s8 =	sadd.s32 s6, s0;
	s12 =	sshrl.u32 s9, $0x1  }
0xc: {  	s10 =	sshrl.u32 s10, $0x2;
	s22 =	sadd.s32 s18, s3;
	s24 =	sshrl.u32 s18, $0x3  }
0xd: {  	s18 =	simm.s32 $0x6;
	s11 =	sadd.s32 s5, s0;
	s5 =	sadd.s32 $0x1BC00, s0  }
0xe: {  	s9 =	ssub.s32 s9, s12;
	s10 =	sadd.s32 s10, s3;
	s19 =	sadd.s32 $0x16200, s7  }
0xf: {  	s20 =	sadd.s32 $0x16C00, s8;
	[dreg:$0xb] =	wrdreg s22;
	s12 =	simm.s32 $0x4  }
0x10: {  	s7 =	simm.s32 $0xA;
	s8 =	simm.s32 $0xB;
	[dreg:$0x5] =	wrdreg s10  }
0x11: {  	s2 =	sadd.s32 s2, s0;
	[dreg:$0x8] =	wrdreg s19;
	s0 =	sadd.s32 $0x166E2, s0  }
0x12: {  	[dreg:$0x9] =	wrdreg s20;
	s21 =	sadd.s32 s5, s6;
	s23 =	sadd.s32 $0x20C00, s11  }
0x13: {  	s25 =	smax.u32 s9, $0x1;
	s10 =	simm.s32 $0x2;
	s11 =	simm.s32 $0x3  }
0x14: {  	s6 =	simm.s32 $0x9;
	s9 =	simm.s32 $0xC;
	s19 =	simm.s32 $0x0  }
0x15: {  	s17 =	sadd.s32 $0x2200, s2;
	s2 =	sadd.s32 $0xC200, s2;
	[dreg:$0xa] =	wrdreg s21  }
0x16: {  	[dreg:$0xc] =	wrdreg s25;
	s0 =	sadd.s32 s15, s0;
	s26 =	sadd.s32 s24, s23  }
0x17: {  	s24 =	simm.s32 $0x80;
	s25 =	simm.s32 $0x13E70;
	[dreg:$0x6] =	wrdreg s17  }
.Ltmp0:
0x18: {  	s23 =	simm.s32 $0x7;
	[dreg:$0x7] =	wrdreg s2;
	(pc) =	sbr.rel .LBB2_1-.Ltmp0, $4  }
0x19: {  	s15 =	simm.s32 $0xF;
	s17 =	simm.f32 $1.000000000e+00;
	[dreg:$0xd] =	wrdreg s0  }
0x1a: {  	[dreg:$0xe] =	wrdreg s26;
	s26 =	simm.s32 $0x14670;
	s0 =	simm.s32 $0x17670  }
0x1b: {  	s2 =	simm.s32 $0x8;
	s17 =	simm.s32 @!p1 $0x0;
	p1 =	sne.s32 @p0 s13, $0xA  }
0x1c: {  	v1 =	vlaneseq.u32;
	s13 =	simm.s32 $0x5;
	p1 =	por p1, !p0;
	v0 =	vmov s17;
	s17 =	simm.s32 $0x10  }
.LBB2_12:
0x1d: {  	v7 =	vshll.u32 v3, $0x4  }
0x1e: {  	v4 =	vadd.f32 v6, v4;
	v7 =	vor.u32 v1, v7;
	_ =	sdelay $0x1  }
0x1f: {  	v4 =	vmul.f32 v4, v5;
	_ =	sdelay $0x1  }
0x20: {  	[tilespmem:v2+s22+$0x0] =	vst.idx.msk $0xffff, v4  }
0x21: {  	v2 =	vld.idx.msk [tilespmem:v7+s21+$0x0], $0xffff;
	_ =	sdelay $0x1  }
0x22: {  	v4 =	vld.idx.msk [tilespmem:v7+s22+$0x0], $0xffff;
	_ =	sdelay $0x1  }
0x23: {  	v3 =	vld.idx.msk [tilespmem:v3+s20+$0x0], $0xffff  }
0x24: {  	v2 =	vmul.f32 v2, v0;
	_ =	sdelay $0x1  }
0x25: {  	v2 =	vadd.f32 v2, v4;
	_ =	sdelay $0x1  }
0x26: {  	v2 =	vmul.f32 v2, v3;
	_ =	sdelay $0x1  }
0x27: {  	s19 =	rddreg [dreg:$0xe];
	s21 =	simm.s32 $0x0;
	[tilespmem:v7+s22+$0x0] =	vst.idx.msk $0xffff, v2  }
0x28: {  	[hbm4b:s19+s21] =	stream.linear.scatter [tilespmem:s22], [sflag:$0x11], $0x3E80, $0x38;
	[tilespmem:$0x17E70] =	vst v63  }
0x29: {  	s22 =	simm.s32 $0x11  }
0x2a: {  	_ =	swait.ge [sflag:s22], $0x3E80  }
0x2b: {  	[sflag:s22] =	ssyncset.done $0x0  }
0x2c: {  	s19 =	rddreg [dreg:$0xf];
	[sflag:s22] =	ssyncadd.s32 $0xFFFFC180  }
.LBB2_13:
0x2d: {  	s20 =	sadd.s32 $0x1, s19;
	s22 =	rddreg [dreg:$0xc]  }
0x2e: {  	p2 =	sne.s32 s20, s22  }
.Ltmp1:
0x2f: {  	_ = 	snop;
	(pc) =	sbr.rel @!p2 .LBB2_14-.Ltmp1, $2  }
0x30: {  	_ =	sdelay $0x2  }
0x31: {  	s19 =	smov.u32 s20  }
.LBB2_1:
0x32: {  	[dreg:$0xf] =	wrdreg s19  }
0x33: {  	s19 =	simm.s32 @!p1 $0x0;
	s20 =	simm.s32 @!p1 $0x5000;
	s21 =	rddreg [dreg:$0x1]  }
0x34: {  	[tilespmem:s20], [sflag:$0x11] =	stream.linear.gather @!p1 [hbm4b:s21+s19], $0x3E80, $0x38;
	[tilespmem:$0x17E70] =	vst v63  }
0x35: {  	s19 =	simm.s32 @!p1 $0x11  }
0x36: {  	_ =	swait.ge @!p1 [sflag:s19], $0x3E80  }
0x37: {  	[sflag:s19] =	ssyncset.done @!p1 $0x0  }
0x38: {  	s22 =	rddreg [dreg:$0x4];
	[sflag:s19] =	ssyncadd.s32 @!p1 $0xFFFFC180  }
0x39: {  	[spmem:s22] =	stream.linear.scatter @!p1 [tilespmem:s20], [sflag:$0x11], $0x100, $0x38;
	[tilespmem:$0x17E70] =	vst v63  }
0x3a: {  	_ =	swait.ge @!p1 [sflag:s19], $0x100  }
0x3b: {  	[sflag:s19] =	ssyncset.done @!p1 $0x0  }
0x3c: {  	s20 =	simm.s32 @!p0 $0x5000;
	[sflag:s19] =	ssyncadd.s32 @!p1 $0xFFFFFF00;
	s19 =	simm.s32 @!p0 $0x0  }
0x3d: {  	[tilespmem:s20], [sflag:$0x11] =	stream.linear.gather @!p0 [hbm4b:s21+s19], $0x3E80, $0x38;
	[tilespmem:$0x17E70] =	vst v63  }
0x3e: {  	s19 =	simm.s32 @!p0 $0x11  }
0x3f: {  	_ =	swait.ge @!p0 [sflag:s19], $0x3E80  }
0x40: {  	[sflag:s19] =	ssyncset.done @!p0 $0x0  }
0x41: {  	s21 =	rddreg [dreg:$0x5];
	[sflag:s19] =	ssyncadd.s32 @!p0 $0xFFFFC180  }
0x42: {  	[spmem:s21] =	stream.linear.scatter @!p0 [tilespmem:s20], [sflag:$0x11], $0x3E80, $0x38;
	[tilespmem:$0x17E70] =	vst v63  }
0x43: {  	_ =	swait.ge @!p0 [sflag:s19], $0x3E80  }
0x44: {  	s22 =	simm.s32 $0x0;
	[sflag:s19] =	ssyncset.done @!p0 $0x0  }
0x45: {  	s20 =	simm.s32 $0x11;
	s21 =	rddreg [dreg:$0x6];
	[sflag:s19] =	ssyncadd.s32 @!p0 $0xFFFFC180  }
0x46: {  	[tilespmem:s22], [sflag:$0x11] =	stream.linear.gather [hbm4b:s21+s22], $0x2800, $0x38;
	[tilespmem:$0x17E70] =	vst v63  }
0x47: {  	_ =	swait.ge [sflag:s20], $0x2800  }
0x48: {  	s21 =	simm.s32 $0x2800;
	[sflag:s20] =	ssyncset.done $0x0  }
.Ltmp2:
0x49: {  	s19 =	rddreg [dreg:$0x7];
	[sflag:s20] =	ssyncadd.s32 $0xFFFFD800;
	(pc) =	sbr.rel @p0 .LBB2_7-.Ltmp2, $4  }
0x4a: {  	[tilespmem:s21], [sflag:$0x11] =	stream.linear.gather [hbm4b:s19+s22], $0x2800, $0x38;
	[tilespmem:$0x17E70] =	vst v63  }
0x4b: {  	_ =	swait.ge [sflag:s20], $0x2800  }
0x4c: {  	[sflag:s20] =	ssyncset.done $0x0  }
0x4d: {  	[sflag:s20] =	ssyncadd.s32 $0xFFFFD800  }
0x4e: {  	s20 =	simm.s32 $0x0;
	s19 =	rddreg [dreg:$0x8];
	s22 =	simm.s32 $0xB5A0  }
0x4f: {  	[tilespmem:s22], [sflag:$0x11] =	stream.linear.gather [hbm4b:s19+s20], $0x3E8, $0x38;
	[tilespmem:$0x17E70] =	vst v63  }
0x50: {  	s20 =	simm.s32 $0x11  }
0x51: {  	_ =	swait.ge [sflag:s20], $0x3E8  }
0x52: {  	s21 =	simm.s32 $0x0;
	[sflag:s20] =	ssyncset.done $0x0  }
0x53: {  	s19 =	rddreg [dreg:$0xd];
	[sflag:s20] =	ssyncadd.s32 $0xFFFFFC18;
	s20 =	simm.s32 $0xB990  }
0x54: {  	[tilespmem:s20], [sflag:$0x11] =	stream.linear.gather [hbm4b:s19+s21], $0x3E8, $0x38;
	[tilespmem:$0x17E70] =	vst v63  }
0x55: {  	s21 =	simm.s32 $0x11  }
0x56: {  	s20 =	simm.s32 $0x0;
	_ =	swait.ge [sflag:s21], $0x3E8  }
0x57: {  	v2 =	vor.u32 s20, v1;
	s20 =	simm.s32 $0xC170;
	[sflag:s21] =	ssyncset.done $0x0  }
0x58: {  	s19 =	rddreg [dreg:$0x9];
	[sflag:s21] =	ssyncadd.s32 $0xFFFFFC18;
	s21 =	simm.s32 $0x0  }
0x59: {  	[tilespmem:s20], [sflag:$0x11] =	stream.linear.gather [hbm4b:s19+s21], $0x3E80, $0x38;
	[tilespmem:$0x17E70] =	vst v63  }
0x5a: {  	s21 =	simm.s32 $0x11  }
0x5b: {  	_ =	swait.ge [sflag:s21], $0x3E80  }
0x5c: {  	[sflag:s21] =	ssyncset.done $0x0  }
0x5d: {  	[sflag:s21] =	ssyncadd.s32 $0xFFFFC180;
	s21 =	simm.s32 $0xB990  }
0x5e: {  	v3 =	vld.idx.msk [tilespmem:v2+s21+$0x0], $0xffff  }
0x5f: {  	v4 =	vld.idx.msk [tilespmem:v2+s22+$0x0], $0xffff;
	_ =	sdelay $0x4  }
0x60: {  	v3 =	vadd.f32 v3, v4;
	_ =	sdelay $0x1  }
0x61: {  	v3 =	vadd.f32 $1.000000000e+00, v3;
	_ =	sdelay $0x1  }
0x62: {  	v4 =	vshra.s32 v3, $0x1;
	v3 =	vmul.f32 $5.000000000e-01, v3  }
0x63: {  	v4 =	vsub.s32 $0x5F3759DF, v4  }
0x64: {  	v5 =	vmul.f32 v4, v3;
	_ =	sdelay $0x1  }
0x65: {  	v5 =	vmul.f32 v4, v5;
	_ =	sdelay $0x1  }
0x66: {  	v5 =	vsub.f32 $1.500000000e+00, v5;
	_ =	sdelay $0x1  }
0x67: {  	v4 =	vmul.f32 v4, v5;
	_ =	sdelay $0x1  }
0x68: {  	v5 =	vmul.f32 v4, v3;
	_ =	sdelay $0x1  }
0x69: {  	v5 =	vmul.f32 v5, v4;
	_ =	sdelay $0x1  }
0x6a: {  	v5 =	vsub.f32 $1.500000000e+00, v5;
	_ =	sdelay $0x1  }
0x6b: {  	v4 =	vmul.f32 v5, v4;
	_ =	sdelay $0x1  }
0x6c: {  	v5 =	vmul.f32 v4, v3;
	_ =	sdelay $0x1  }
0x6d: {  	v5 =	vmul.f32 v5, v4;
	_ =	sdelay $0x1  }
0x6e: {  	v5 =	vsub.f32 $1.500000000e+00, v5;
	_ =	sdelay $0x1  }
0x6f: {  	v4 =	vmul.f32 v5, v4;
	_ =	sdelay $0x1  }
0x70: {  	v3 =	vmul.f32 v4, v3;
	_ =	sdelay $0x1  }
0x71: {  	v5 =	vmul.f32 v3, v4;
	_ =	sdelay $0x1  }
0x72: {  	s20 =	simm.s32 $0x10;
	v5 =	vsub.f32 $1.500000000e+00, v5  }
0x73: {  	s19 =	simm.s32 $0x20;
	v3 =	vor.u32 s20, v1;
	s20 =	simm.s32 $0xBD80  }
.LBB2_3:
0x74: {  	p2 =	sne.s32 s19, $0x3E0;
	v4 =	vmul.f32 v5, v4;
	_ =	sdelay $0x1  }
0x75: {  	[tilespmem:v2+s20+$0x0] =	vst.idx.msk $0xffff, v4;
	v2 =	vmov v3  }
0x76: {  	v4 =	vld.idx.msk [tilespmem:v3+s21+$0x0], $0xffff  }
0x77: {  	v3 =	vld.idx.msk [tilespmem:v3+s22+$0x0], $0xffff;
	_ =	sdelay $0x5  }
0x78: {  	v3 =	vadd.f32 v4, v3;
	_ =	sdelay $0x1  }
0x79: {  	v3 =	vadd.f32 $1.000000000e+00, v3;
	_ =	sdelay $0x1  }
0x7a: {  	v4 =	vshra.s32 v3, $0x1;
	v3 =	vmul.f32 $5.000000000e-01, v3  }
0x7b: {  	v4 =	vsub.s32 $0x5F3759DF, v4  }
0x7c: {  	v5 =	vmul.f32 v4, v3;
	_ =	sdelay $0x1  }
0x7d: {  	v5 =	vmul.f32 v4, v5;
	_ =	sdelay $0x1  }
0x7e: {  	v5 =	vsub.f32 $1.500000000e+00, v5;
	_ =	sdelay $0x1  }
0x7f: {  	v4 =	vmul.f32 v4, v5;
	_ =	sdelay $0x1  }
0x80: {  	v5 =	vmul.f32 v4, v3;
	_ =	sdelay $0x1  }
0x81: {  	v5 =	vmul.f32 v5, v4;
	_ =	sdelay $0x1  }
0x82: {  	v5 =	vsub.f32 $1.500000000e+00, v5;
	_ =	sdelay $0x1  }
0x83: {  	v4 =	vmul.f32 v5, v4;
	_ =	sdelay $0x1  }
0x84: {  	v5 =	vmul.f32 v4, v3;
	_ =	sdelay $0x1  }
0x85: {  	v5 =	vmul.f32 v5, v4;
	_ =	sdelay $0x1  }
0x86: {  	v5 =	vsub.f32 $1.500000000e+00, v5;
	_ =	sdelay $0x1  }
0x87: {  	v4 =	vmul.f32 v5, v4;
	_ =	sdelay $0x1  }
0x88: {  	v3 =	vmul.f32 v4, v3  }
.Ltmp3:
0x89: {  	(pc) =	sbr.rel @p2 .LBB2_3-.Ltmp3, $3  }
0x8a: {  	v5 =	vmul.f32 v3, v4;
	_ =	sdelay $0x1  }
0x8b: {  	v3 =	vor.u32 s19, v1;
	v5 =	vsub.f32 $1.500000000e+00, v5  }
0x8c: {  	s19 =	sadd.s32 $0x10, s19  }
0x8d: {  	_ =	sdelay $0x1  }
0x8e: {  	v4 =	vmul.f32 v5, v4;
	_ =	sdelay $0x1  }
0x8f: {  	[tilespmem:v2+s20+$0x0] =	vst.idx.msk $0xffff, v4  }
0x90: {  	v2 =	vld.idx.msk [tilespmem:v3+s21+$0x0], $0xffff  }
0x91: {  	v4 =	vld.idx.msk [tilespmem:v3+s22+$0x0], $0xffff;
	_ =	sdelay $0x4  }
0x92: {  	v2 =	vadd.f32 v2, v4;
	_ =	sdelay $0x1  }
0x93: {  	v2 =	vadd.f32 $1.000000000e+00, v2;
	_ =	sdelay $0x1  }
0x94: {  	v4 =	vshra.s32 v2, $0x1;
	v2 =	vmul.f32 $5.000000000e-01, v2  }
0x95: {  	v4 =	vsub.s32 $0x5F3759DF, v4  }
0x96: {  	v5 =	vmul.f32 v4, v2;
	_ =	sdelay $0x1  }
0x97: {  	v5 =	vmul.f32 v4, v5;
	_ =	sdelay $0x1  }
0x98: {  	v5 =	vsub.f32 $1.500000000e+00, v5;
	_ =	sdelay $0x1  }
0x99: {  	v4 =	vmul.f32 v4, v5;
	_ =	sdelay $0x1  }
0x9a: {  	v5 =	vmul.f32 v4, v2;
	_ =	sdelay $0x1  }
0x9b: {  	v5 =	vmul.f32 v5, v4;
	_ =	sdelay $0x1  }
0x9c: {  	v5 =	vsub.f32 $1.500000000e+00, v5;
	_ =	sdelay $0x1  }
0x9d: {  	v4 =	vmul.f32 v5, v4;
	_ =	sdelay $0x1  }
0x9e: {  	v5 =	vmul.f32 v4, v2;
	_ =	sdelay $0x1  }
0x9f: {  	v5 =	vmul.f32 v5, v4;
	_ =	sdelay $0x1  }
0xa0: {  	v5 =	vsub.f32 $1.500000000e+00, v5;
	_ =	sdelay $0x1  }
0xa1: {  	v4 =	vmul.f32 v5, v4;
	_ =	sdelay $0x1  }
0xa2: {  	v2 =	vmul.f32 v4, v2  }
0xa3: {  	s19 =	simm.s32 $0x0  }
0xa4: {  	v5 =	vmov s19;
	v2 =	vmul.f32 v2, v4  }
0xa5: {  	v6 =	vshll.u32 v5, $0x4  }
0xa6: {  	v7 =	vsub.f32 $1.500000000e+00, v2;
	v2 =	vor.u32 v1, v6;
	_ =	sdelay $0x1  }
0xa7: {  	v4 =	vmul.f32 v7, v4;
	_ =	sdelay $0x1  }
0xa8: {  	s22 =	simm.s32 $0xC170;
	[tilespmem:v3+s20+$0x0] =	vst.idx.msk $0xffff, v4  }
0xa9: {  	v4 =	vld.idx.msk [tilespmem:v2+s22+$0x0], $0xffff  }
0xaa: {  	s21 =	simm.s32 $0x1;
	v5 =	vld.idx.msk [tilespmem:v5+s20+$0x0], $0xffff  }
0xab: {  	v3 =	vmov s21  }
0xac: {  	s19 =	simm.s32 $0x2;
	s21 =	simm.s32 $0xFFF0;
	v6 =	vshll.u32 v3, $0x4;
	s20 =	simm.s32 $0xBD80  }
.LBB2_5:
0xad: {  	p2 =	sne.s32 s19, $0x3E7;
	v6 =	vor.u32 v1, v6;
	_ =	sdelay $0x1  }
0xae: {  	v4 =	vmul.f32 v4, v5;
	_ =	sdelay $0x1  }
0xaf: {  	[tilespmem:v2+s21+$0x0] =	vst.idx.msk $0xffff, v4;
	v2 =	vmov v6  }
.Ltmp4:
0xb0: {  	v4 =	vld.idx.msk [tilespmem:v6+s22+$0x0], $0xffff;
	(pc) =	sbr.rel @p2 .LBB2_5-.Ltmp4, $3  }
0xb1: {  	v5 =	vld.idx.msk [tilespmem:v3+s20+$0x0], $0xffff;
	_ =	sdelay $0x1  }
0xb2: {  	v3 =	vmov s19  }
0xb3: {  	s19 =	sadd.s32 $0x1, s19;
	v6 =	vshll.u32 v3, $0x4  }
0xb4: {  	_ = 	snop  }
0xb5: {  	v6 =	vor.u32 v1, v6  }
0xb6: {  	v4 =	vmul.f32 v4, v5;
	_ =	sdelay $0x1  }
0xb7: {  	[tilespmem:v2+s21+$0x0] =	vst.idx.msk $0xffff, v4  }
0xb8: {  	v3 =	vld.idx.msk [tilespmem:v3+s20+$0x0], $0xffff  }
0xb9: {  	v2 =	vld.idx.msk [tilespmem:v6+s22+$0x0], $0xffff;
	_ =	sdelay $0x4  }
0xba: {  	v2 =	vmul.f32 v2, v3;
	_ =	sdelay $0x1  }
0xbb: {  	s19 =	rddreg [dreg:$0xa];
	s22 =	simm.s32 $0x0;
	[tilespmem:v6+s21+$0x0] =	vst.idx.msk $0xffff, v2  }
0xbc: {  	[hbm4b:s19+s22] =	stream.linear.scatter [tilespmem:s21], [sflag:$0x11], $0x3E80, $0x38;
	[tilespmem:$0x17E70] =	vst v63  }
0xbd: {  	s22 =	simm.s32 $0x11  }
0xbe: {  	_ =	swait.ge [sflag:s22], $0x3E80  }
0xbf: {  	[sflag:s22] =	ssyncset.done $0x0  }
0xc0: {  	[sflag:s22] =	ssyncadd.s32 $0xFFFFC180  }
.LBB2_7:
0xc1: {  	[bflag:$0x0] =	sbarrier.arrive $0xFFFF;
	s19 =	simm.s32 $0x0  }
0xc2: {  	[tilespmem:s25], [sflag:$0x1] =	stream.indirect.gather [hbm4b:s5+s24], $0x10, s19, s24, $0xb8;
	[tilespmem:$0x17E70] =	vst v63  }
0xc3: {  	s20 =	simm.s32 $0x80  }
0xc4: {  	[tilespmem:s26], [sflag:$0x2] =	stream.indirect.gather [hbm4b:s5+s24], $0x10, s20, s24, $0xb8;
	[tilespmem:$0x17E70] =	vst v63  }
0xc5: {  	s21 =	simm.s32 $0x100  }
0xc6: {  	[tilespmem:s28], [sflag:$0x3] =	stream.indirect.gather [hbm4b:s5+s24], $0x10, s21, s24, $0xb8;
	[tilespmem:$0x17E70] =	vst v63  }
0xc7: {  	s22 =	simm.s32 $0x180  }
0xc8: {  	[tilespmem:s29], [sflag:$0x4] =	stream.indirect.gather [hbm4b:s5+s24], $0x10, s22, s24, $0xb8;
	[tilespmem:$0x17E70] =	vst v63  }
0xc9: {  	s20 =	simm.s32 $0x200  }
0xca: {  	[tilespmem:s30], [sflag:$0x5] =	stream.indirect.gather [hbm4b:s5+s24], $0x10, s20, s24, $0xb8;
	[tilespmem:$0x17E70] =	vst v63  }
0xcb: {  	s21 =	simm.s32 $0x280  }
0xcc: {  	[tilespmem:s31], [sflag:$0x6] =	stream.indirect.gather [hbm4b:s5+s24], $0x10, s21, s24, $0xb8;
	[tilespmem:$0x17E70] =	vst v63  }
0xcd: {  	s22 =	simm.s32 $0x300  }
0xce: {  	[tilespmem:s1], [sflag:$0x7] =	stream.indirect.gather [hbm4b:s5+s24], $0x10, s22, s24, $0xb8;
	[tilespmem:$0x17E70] =	vst v63  }
0xcf: {  	s20 =	simm.s32 $0x380  }
0xd0: {  	[tilespmem:s0], [sflag:$0x8] =	stream.indirect.gather [hbm4b:s5+s24], $0x10, s20, s24, $0xb8;
	[tilespmem:$0x17E70] =	vst v63  }
0xd1: {  	_ =	swait.ge [sflag:s16], $0x800  }
0xd2: {  	[sflag:s16] =	ssyncset.done $0x0  }
0xd3: {  	s21 =	simm.s32 $0x2800;
	[sflag:s16] =	ssyncadd.s32 $0xFFFFF800  }
0xd4: {  	[spmem:s3] =	stream.indirect.scatter.add.f32 [tilespmem:s25], [sflag:$0x9], $0x10, s21, s24, $0xb8;
	[tilespmem:$0x17E70] =	vst v63  }
0xd5: {  	_ =	swait.ge [sflag:s10], $0x800  }
0xd6: {  	[sflag:s10] =	ssyncset.done $0x0  }
0xd7: {  	s22 =	simm.s32 $0x2880;
	[sflag:s10] =	ssyncadd.s32 $0xFFFFF800  }
0xd8: {  	[spmem:s3] =	stream.indirect.scatter.add.f32 [tilespmem:s26], [sflag:$0xA], $0x10, s22, s24, $0xb8;
	[tilespmem:$0x17E70] =	vst v63  }
0xd9: {  	_ =	swait.ge [sflag:s11], $0x800  }
0xda: {  	[sflag:s11] =	ssyncset.done $0x0  }
0xdb: {  	s20 =	simm.s32 $0x2900;
	[sflag:s11] =	ssyncadd.s32 $0xFFFFF800  }
0xdc: {  	[spmem:s3] =	stream.indirect.scatter.add.f32 [tilespmem:s28], [sflag:$0xB], $0x10, s20, s24, $0xb8;
	[tilespmem:$0x17E70] =	vst v63  }
0xdd: {  	_ =	swait.ge [sflag:s12], $0x800  }
0xde: {  	[sflag:s12] =	ssyncset.done $0x0  }
0xdf: {  	s21 =	simm.s32 $0x2980;
	[sflag:s12] =	ssyncadd.s32 $0xFFFFF800  }
0xe0: {  	[spmem:s3] =	stream.indirect.scatter.add.f32 [tilespmem:s29], [sflag:$0xC], $0x10, s21, s24, $0xb8;
	[tilespmem:$0x17E70] =	vst v63  }
0xe1: {  	_ =	swait.ge [sflag:s13], $0x800  }
0xe2: {  	[sflag:s13] =	ssyncset.done $0x0  }
0xe3: {  	s22 =	simm.s32 $0x2A00;
	[sflag:s13] =	ssyncadd.s32 $0xFFFFF800  }
0xe4: {  	[spmem:s3] =	stream.indirect.scatter.add.f32 [tilespmem:s30], [sflag:$0xD], $0x10, s22, s24, $0xb8;
	[tilespmem:$0x17E70] =	vst v63  }
0xe5: {  	_ =	swait.ge [sflag:s18], $0x800  }
0xe6: {  	[sflag:s18] =	ssyncset.done $0x0  }
0xe7: {  	s20 =	simm.s32 $0x2A80;
	[sflag:s18] =	ssyncadd.s32 $0xFFFFF800  }
0xe8: {  	[spmem:s3] =	stream.indirect.scatter.add.f32 [tilespmem:s31], [sflag:$0xE], $0x10, s20, s24, $0xb8;
	[tilespmem:$0x17E70] =	vst v63  }
0xe9: {  	_ =	swait.ge [sflag:s23], $0x800  }
0xea: {  	[sflag:s23] =	ssyncset.done $0x0  }
0xeb: {  	s21 =	simm.s32 $0x2B00;
	[sflag:s23] =	ssyncadd.s32 $0xFFFFF800  }
0xec: {  	[spmem:s3] =	stream.indirect.scatter.add.f32 [tilespmem:s1], [sflag:$0xF], $0x10, s21, s24, $0xb8;
	[tilespmem:$0x17E70] =	vst v63  }
0xed: {  	_ =	swait.ge [sflag:s2], $0x800  }
0xee: {  	[sflag:s2] =	ssyncset.done $0x0  }
0xef: {  	s22 =	simm.s32 $0x2B80;
	[sflag:s2] =	ssyncadd.s32 $0xFFFFF800  }
0xf0: {  	[spmem:s3] =	stream.indirect.scatter.add.f32 [tilespmem:s0], [sflag:$0x10], $0x10, s22, s24, $0xb8;
	[tilespmem:$0x17E70] =	vst v63  }
0xf1: {  	_ =	swait.ge [sflag:s6], $0x800  }
0xf2: {  	[sflag:s6] =	ssyncset.done $0x0  }
0xf3: {  	[sflag:s6] =	ssyncadd.s32 $0xFFFFF800  }
0xf4: {  	_ =	swait.ge [sflag:s7], $0x800  }
0xf5: {  	[sflag:s7] =	ssyncset.done $0x0  }
0xf6: {  	[sflag:s7] =	ssyncadd.s32 $0xFFFFF800  }
0xf7: {  	_ =	swait.ge [sflag:s8], $0x800  }
0xf8: {  	[sflag:s8] =	ssyncset.done $0x0  }
0xf9: {  	[sflag:s8] =	ssyncadd.s32 $0xFFFFF800  }
0xfa: {  	_ =	swait.ge [sflag:s9], $0x800  }
0xfb: {  	[sflag:s9] =	ssyncset.done $0x0  }
0xfc: {  	[sflag:s9] =	ssyncadd.s32 $0xFFFFF800  }
0xfd: {  	_ =	swait.ge [sflag:s14], $0x800  }
0xfe: {  	[sflag:s14] =	ssyncset.done $0x0  }
0xff: {  	[sflag:s14] =	ssyncadd.s32 $0xFFFFF800  }
0x100: {  	_ =	swait.ge [sflag:s4], $0x800  }
0x101: {  	[sflag:s4] =	ssyncset.done $0x0  }
0x102: {  	[sflag:s4] =	ssyncadd.s32 $0xFFFFF800  }
0x103: {  	_ =	swait.ge [sflag:s15], $0x800  }
0x104: {  	[sflag:s15] =	ssyncset.done $0x0  }
0x105: {  	[sflag:s15] =	ssyncadd.s32 $0xFFFFF800  }
0x106: {  	_ =	swait.ge [sflag:s17], $0x800  }
0x107: {  	s20 =	simm.s32 $0x1000;
	s22 =	simm.s32 $0x2000;
	[sflag:s17] =	ssyncset.done $0x0  }
.LBB2_8:
0x108: {  	s19 =	sshra.s32 s20, $0x2  }
0x109: {  	[sflag:s17] =	ssyncadd.s32 $0xFFFFF800;
	s20 =	smov.u32 s22;
	s21 =	sadd.s32 $0x1000, s22  }
0x10a: {  	[tilespmem:s25], [sflag:$0x1] =	stream.indirect.gather [hbm4b:s5+s24], $0x10, s19, s24, $0xb8;
	[tilespmem:$0x17E70] =	vst v63  }
0x10b: {  	p2 =	sne.s32 s22, $0x9000;
	s22 =	sadd.s32 $0x80, s19  }
0x10c: {  	[tilespmem:s26], [sflag:$0x2] =	stream.indirect.gather [hbm4b:s5+s24], $0x10, s22, s24, $0xb8;
	[tilespmem:$0x17E70] =	vst v63  }
0x10d: {  	s22 =	sadd.s32 $0x100, s19  }
0x10e: {  	[tilespmem:s28], [sflag:$0x3] =	stream.indirect.gather [hbm4b:s5+s24], $0x10, s22, s24, $0xb8;
	[tilespmem:$0x17E70] =	vst v63  }
0x10f: {  	s22 =	sadd.s32 $0x180, s19  }
0x110: {  	[tilespmem:s29], [sflag:$0x4] =	stream.indirect.gather [hbm4b:s5+s24], $0x10, s22, s24, $0xb8;
	[tilespmem:$0x17E70] =	vst v63  }
0x111: {  	s22 =	sadd.s32 $0x200, s19  }
0x112: {  	[tilespmem:s30], [sflag:$0x5] =	stream.indirect.gather [hbm4b:s5+s24], $0x10, s22, s24, $0xb8;
	[tilespmem:$0x17E70] =	vst v63  }
0x113: {  	s22 =	sadd.s32 $0x280, s19  }
0x114: {  	[tilespmem:s31], [sflag:$0x6] =	stream.indirect.gather [hbm4b:s5+s24], $0x10, s22, s24, $0xb8;
	[tilespmem:$0x17E70] =	vst v63  }
0x115: {  	s22 =	sadd.s32 $0x300, s19  }
0x116: {  	[tilespmem:s1], [sflag:$0x7] =	stream.indirect.gather [hbm4b:s5+s24], $0x10, s22, s24, $0xb8;
	[tilespmem:$0x17E70] =	vst v63  }
0x117: {  	s22 =	sadd.s32 $0x380, s19  }
0x118: {  	[tilespmem:s0], [sflag:$0x8] =	stream.indirect.gather [hbm4b:s5+s24], $0x10, s22, s24, $0xb8;
	[tilespmem:$0x17E70] =	vst v63  }
0x119: {  	_ =	swait.ge [sflag:s16], $0x800  }
0x11a: {  	[sflag:s16] =	ssyncset.done $0x0  }
0x11b: {  	s22 =	sadd.s32 $0x2800, s19;
	[sflag:s16] =	ssyncadd.s32 $0xFFFFF800  }
0x11c: {  	[spmem:s3] =	stream.indirect.scatter.add.f32 [tilespmem:s25], [sflag:$0x9], $0x10, s22, s24, $0xb8;
	[tilespmem:$0x17E70] =	vst v63  }
0x11d: {  	_ =	swait.ge [sflag:s10], $0x800  }
0x11e: {  	[sflag:s10] =	ssyncset.done $0x0  }
0x11f: {  	s22 =	sadd.s32 $0x2880, s19;
	[sflag:s10] =	ssyncadd.s32 $0xFFFFF800  }
0x120: {  	[spmem:s3] =	stream.indirect.scatter.add.f32 [tilespmem:s26], [sflag:$0xA], $0x10, s22, s24, $0xb8;
	[tilespmem:$0x17E70] =	vst v63  }
0x121: {  	_ =	swait.ge [sflag:s11], $0x800  }
0x122: {  	[sflag:s11] =	ssyncset.done $0x0  }
0x123: {  	s22 =	sadd.s32 $0x2900, s19;
	[sflag:s11] =	ssyncadd.s32 $0xFFFFF800  }
0x124: {  	[spmem:s3] =	stream.indirect.scatter.add.f32 [tilespmem:s28], [sflag:$0xB], $0x10, s22, s24, $0xb8;
	[tilespmem:$0x17E70] =	vst v63  }
0x125: {  	_ =	swait.ge [sflag:s12], $0x800  }
0x126: {  	[sflag:s12] =	ssyncset.done $0x0  }
0x127: {  	s22 =	sadd.s32 $0x2980, s19;
	[sflag:s12] =	ssyncadd.s32 $0xFFFFF800  }
0x128: {  	[spmem:s3] =	stream.indirect.scatter.add.f32 [tilespmem:s29], [sflag:$0xC], $0x10, s22, s24, $0xb8;
	[tilespmem:$0x17E70] =	vst v63  }
0x129: {  	_ =	swait.ge [sflag:s13], $0x800  }
0x12a: {  	[sflag:s13] =	ssyncset.done $0x0  }
0x12b: {  	s22 =	sadd.s32 $0x2A00, s19;
	[sflag:s13] =	ssyncadd.s32 $0xFFFFF800  }
0x12c: {  	[spmem:s3] =	stream.indirect.scatter.add.f32 [tilespmem:s30], [sflag:$0xD], $0x10, s22, s24, $0xb8;
	[tilespmem:$0x17E70] =	vst v63  }
0x12d: {  	_ =	swait.ge [sflag:s18], $0x800  }
0x12e: {  	[sflag:s18] =	ssyncset.done $0x0  }
0x12f: {  	s22 =	sadd.s32 $0x2A80, s19;
	[sflag:s18] =	ssyncadd.s32 $0xFFFFF800  }
0x130: {  	[spmem:s3] =	stream.indirect.scatter.add.f32 [tilespmem:s31], [sflag:$0xE], $0x10, s22, s24, $0xb8;
	[tilespmem:$0x17E70] =	vst v63  }
0x131: {  	_ =	swait.ge [sflag:s23], $0x800  }
0x132: {  	[sflag:s23] =	ssyncset.done $0x0  }
0x133: {  	s22 =	sadd.s32 $0x2B00, s19;
	[sflag:s23] =	ssyncadd.s32 $0xFFFFF800  }
0x134: {  	[spmem:s3] =	stream.indirect.scatter.add.f32 [tilespmem:s1], [sflag:$0xF], $0x10, s22, s24, $0xb8;
	[tilespmem:$0x17E70] =	vst v63  }
0x135: {  	_ =	swait.ge [sflag:s2], $0x800  }
0x136: {  	[sflag:s2] =	ssyncset.done $0x0  }
0x137: {  	s19 =	sadd.s32 $0x2B80, s19;
	[sflag:s2] =	ssyncadd.s32 $0xFFFFF800  }
0x138: {  	[spmem:s3] =	stream.indirect.scatter.add.f32 [tilespmem:s0], [sflag:$0x10], $0x10, s19, s24, $0xb8;
	[tilespmem:$0x17E70] =	vst v63  }
0x139: {  	_ =	swait.ge [sflag:s6], $0x800  }
0x13a: {  	[sflag:s6] =	ssyncset.done $0x0  }
0x13b: {  	[sflag:s6] =	ssyncadd.s32 $0xFFFFF800  }
0x13c: {  	_ =	swait.ge [sflag:s7], $0x800  }
0x13d: {  	[sflag:s7] =	ssyncset.done $0x0  }
0x13e: {  	[sflag:s7] =	ssyncadd.s32 $0xFFFFF800  }
0x13f: {  	_ =	swait.ge [sflag:s8], $0x800  }
0x140: {  	[sflag:s8] =	ssyncset.done $0x0  }
0x141: {  	[sflag:s8] =	ssyncadd.s32 $0xFFFFF800  }
0x142: {  	_ =	swait.ge [sflag:s9], $0x800  }
0x143: {  	[sflag:s9] =	ssyncset.done $0x0  }
0x144: {  	[sflag:s9] =	ssyncadd.s32 $0xFFFFF800  }
0x145: {  	_ =	swait.ge [sflag:s14], $0x800  }
0x146: {  	[sflag:s14] =	ssyncset.done $0x0  }
0x147: {  	[sflag:s14] =	ssyncadd.s32 $0xFFFFF800  }
0x148: {  	_ =	swait.ge [sflag:s4], $0x800  }
0x149: {  	[sflag:s4] =	ssyncset.done $0x0  }
0x14a: {  	[sflag:s4] =	ssyncadd.s32 $0xFFFFF800  }
.Ltmp5:
0x14b: {  	_ =	swait.ge [sflag:s15], $0x800;
	(pc) =	sbr.rel @p2 .LBB2_8-.Ltmp5, $4  }
0x14c: {  	[sflag:s15] =	ssyncset.done $0x0  }
0x14d: {  	[sflag:s15] =	ssyncadd.s32 $0xFFFFF800  }
0x14e: {  	_ =	swait.ge [sflag:s17], $0x800  }
0x14f: {  	s22 =	smov.u32 s21;
	[sflag:s17] =	ssyncset.done $0x0  }
0x150: {  	s19 =	sshra.s32 s20, $0x2;
	[sflag:s17] =	ssyncadd.s32 $0xFFFFF800  }
0x151: {  	[tilespmem:s25], [sflag:$0x1] =	stream.indirect.gather [hbm4b:s5+s24], $0x10, s19, s24, $0xb8;
	[tilespmem:$0x17E70] =	vst v63  }
0x152: {  	s20 =	sadd.s32 $0x80, s19  }
0x153: {  	[tilespmem:s26], [sflag:$0x2] =	stream.indirect.gather [hbm4b:s5+s24], $0x10, s20, s24, $0xb8;
	[tilespmem:$0x17E70] =	vst v63  }
0x154: {  	s22 =	sadd.s32 $0x100, s19  }
0x155: {  	[tilespmem:s28], [sflag:$0x3] =	stream.indirect.gather [hbm4b:s5+s24], $0x10, s22, s24, $0xb8;
	[tilespmem:$0x17E70] =	vst v63  }
0x156: {  	s21 =	sadd.s32 $0x180, s19  }
0x157: {  	[tilespmem:s29], [sflag:$0x4] =	stream.indirect.gather [hbm4b:s5+s24], $0x10, s21, s24, $0xb8;
	[tilespmem:$0x17E70] =	vst v63  }
0x158: {  	s22 =	sadd.s32 $0x200, s19  }
0x159: {  	[tilespmem:s30], [sflag:$0x5] =	stream.indirect.gather [hbm4b:s5+s24], $0x10, s22, s24, $0xb8;
	[tilespmem:$0x17E70] =	vst v63  }
0x15a: {  	s21 =	sadd.s32 $0x280, s19  }
0x15b: {  	[tilespmem:s31], [sflag:$0x6] =	stream.indirect.gather [hbm4b:s5+s24], $0x10, s21, s24, $0xb8;
	[tilespmem:$0x17E70] =	vst v63  }
0x15c: {  	s22 =	sadd.s32 $0x300, s19  }
0x15d: {  	[tilespmem:s1], [sflag:$0x7] =	stream.indirect.gather [hbm4b:s5+s24], $0x10, s22, s24, $0xb8;
	[tilespmem:$0x17E70] =	vst v63  }
0x15e: {  	s21 =	sadd.s32 $0x380, s19  }
0x15f: {  	[tilespmem:s0], [sflag:$0x8] =	stream.indirect.gather [hbm4b:s5+s24], $0x10, s21, s24, $0xb8;
	[tilespmem:$0x17E70] =	vst v63  }
0x160: {  	_ =	swait.ge [sflag:s16], $0x800  }
0x161: {  	[sflag:s16] =	ssyncset.done $0x0  }
0x162: {  	s22 =	sadd.s32 $0x2800, s19;
	[sflag:s16] =	ssyncadd.s32 $0xFFFFF800  }
0x163: {  	[spmem:s3] =	stream.indirect.scatter.add.f32 [tilespmem:s25], [sflag:$0x9], $0x10, s22, s24, $0xb8;
	[tilespmem:$0x17E70] =	vst v63  }
0x164: {  	_ =	swait.ge [sflag:s10], $0x800  }
0x165: {  	[sflag:s10] =	ssyncset.done $0x0  }
0x166: {  	s21 =	sadd.s32 $0x2880, s19;
	[sflag:s10] =	ssyncadd.s32 $0xFFFFF800  }
0x167: {  	[spmem:s3] =	stream.indirect.scatter.add.f32 [tilespmem:s26], [sflag:$0xA], $0x10, s21, s24, $0xb8;
	[tilespmem:$0x17E70] =	vst v63  }
0x168: {  	_ =	swait.ge [sflag:s11], $0x800  }
0x169: {  	[sflag:s11] =	ssyncset.done $0x0  }
0x16a: {  	s22 =	sadd.s32 $0x2900, s19;
	[sflag:s11] =	ssyncadd.s32 $0xFFFFF800  }
0x16b: {  	[spmem:s3] =	stream.indirect.scatter.add.f32 [tilespmem:s28], [sflag:$0xB], $0x10, s22, s24, $0xb8;
	[tilespmem:$0x17E70] =	vst v63  }
0x16c: {  	_ =	swait.ge [sflag:s12], $0x800  }
0x16d: {  	[sflag:s12] =	ssyncset.done $0x0  }
0x16e: {  	s21 =	sadd.s32 $0x2980, s19;
	[sflag:s12] =	ssyncadd.s32 $0xFFFFF800  }
0x16f: {  	[spmem:s3] =	stream.indirect.scatter.add.f32 [tilespmem:s29], [sflag:$0xC], $0x10, s21, s24, $0xb8;
	[tilespmem:$0x17E70] =	vst v63  }
0x170: {  	_ =	swait.ge [sflag:s13], $0x800  }
0x171: {  	[sflag:s13] =	ssyncset.done $0x0  }
0x172: {  	s22 =	sadd.s32 $0x2A00, s19;
	[sflag:s13] =	ssyncadd.s32 $0xFFFFF800  }
0x173: {  	[spmem:s3] =	stream.indirect.scatter.add.f32 [tilespmem:s30], [sflag:$0xD], $0x10, s22, s24, $0xb8;
	[tilespmem:$0x17E70] =	vst v63  }
0x174: {  	_ =	swait.ge [sflag:s18], $0x800  }
0x175: {  	[sflag:s18] =	ssyncset.done $0x0  }
0x176: {  	s21 =	sadd.s32 $0x2A80, s19;
	[sflag:s18] =	ssyncadd.s32 $0xFFFFF800  }
0x177: {  	[spmem:s3] =	stream.indirect.scatter.add.f32 [tilespmem:s31], [sflag:$0xE], $0x10, s21, s24, $0xb8;
	[tilespmem:$0x17E70] =	vst v63  }
0x178: {  	_ =	swait.ge [sflag:s23], $0x800  }
0x179: {  	[sflag:s23] =	ssyncset.done $0x0  }
0x17a: {  	s22 =	sadd.s32 $0x2B00, s19;
	[sflag:s23] =	ssyncadd.s32 $0xFFFFF800  }
0x17b: {  	[spmem:s3] =	stream.indirect.scatter.add.f32 [tilespmem:s1], [sflag:$0xF], $0x10, s22, s24, $0xb8;
	[tilespmem:$0x17E70] =	vst v63  }
0x17c: {  	_ =	swait.ge [sflag:s2], $0x800  }
0x17d: {  	[sflag:s2] =	ssyncset.done $0x0  }
0x17e: {  	s19 =	sadd.s32 $0x2B80, s19;
	[sflag:s2] =	ssyncadd.s32 $0xFFFFF800  }
0x17f: {  	[spmem:s3] =	stream.indirect.scatter.add.f32 [tilespmem:s0], [sflag:$0x10], $0x10, s19, s24, $0xb8;
	[tilespmem:$0x17E70] =	vst v63  }
0x180: {  	_ =	swait.ge [sflag:s6], $0x800  }
0x181: {  	[sflag:s6] =	ssyncset.done $0x0  }
0x182: {  	[sflag:s6] =	ssyncadd.s32 $0xFFFFF800  }
0x183: {  	_ =	swait.ge [sflag:s7], $0x800  }
0x184: {  	[sflag:s7] =	ssyncset.done $0x0  }
0x185: {  	[sflag:s7] =	ssyncadd.s32 $0xFFFFF800  }
0x186: {  	_ =	swait.ge [sflag:s8], $0x800  }
0x187: {  	[sflag:s8] =	ssyncset.done $0x0  }
0x188: {  	[sflag:s8] =	ssyncadd.s32 $0xFFFFF800  }
0x189: {  	_ =	swait.ge [sflag:s9], $0x800  }
0x18a: {  	[sflag:s9] =	ssyncset.done $0x0  }
0x18b: {  	[sflag:s9] =	ssyncadd.s32 $0xFFFFF800  }
0x18c: {  	_ =	swait.ge [sflag:s14], $0x800  }
0x18d: {  	[sflag:s14] =	ssyncset.done $0x0  }
0x18e: {  	[sflag:s14] =	ssyncadd.s32 $0xFFFFF800  }
0x18f: {  	_ =	swait.ge [sflag:s4], $0x800  }
0x190: {  	[sflag:s4] =	ssyncset.done $0x0  }
0x191: {  	[sflag:s4] =	ssyncadd.s32 $0xFFFFF800  }
0x192: {  	_ =	swait.ge [sflag:s15], $0x800  }
0x193: {  	[sflag:s15] =	ssyncset.done $0x0  }
0x194: {  	[sflag:s15] =	ssyncadd.s32 $0xFFFFF800  }
.Ltmp6:
0x195: {  	_ =	swait.ge [sflag:s17], $0x800;
	(pc) =	sbr.rel @p0 .LBB2_13-.Ltmp6, $4  }
0x196: {  	[sflag:s17] =	ssyncset.done $0x0  }
0x197: {  	[sflag:s17] =	ssyncadd.s32 $0xFFFFF800  }
0x198: {  	s20 =	simm.s32 $0xBD80;
	[bflag:$0x0] =	sbarrier.arrive $0xFFFF  }
0x199: {  	s21 =	simm.s32 $0xFFF0;
	s22 =	simm.s32 $0x5000;
	s19 =	rddreg [dreg:$0xf]  }
0x19a: {  	s19 =	simm.s32 $0x0  }
0x19b: {  	v3 =	vmov s19  }
0x19c: {  	s19 =	rddreg [dreg:$0xb];
	v2 =	vshll.u32 v3, $0x4  }
0x19d: {  	[tilespmem:s22], [sflag:$0x11] =	stream.linear.gather [spmem:s19], $0x3E80, $0x38;
	v2 =	vor.u32 v1, v2;
	[tilespmem:$0x17E70] =	vst v63  }
0x19e: {  	s19 =	simm.s32 $0x11  }
0x19f: {  	_ =	swait.ge [sflag:s19], $0x3E80  }
0x1a0: {  	[sflag:s19] =	ssyncset.done $0x0  }
0x1a1: {  	[sflag:s19] =	ssyncadd.s32 $0xFFFFC180  }
0x1a2: {  	v6 =	vld.idx.msk [tilespmem:v2+s21+$0x0], $0xffff;
	_ =	sdelay $0x1  }
0x1a3: {  	v4 =	vld.idx.msk [tilespmem:v2+s22+$0x0], $0xffff;
	_ =	sdelay $0x1  }
0x1a4: {  	s19 =	simm.s32 $0x1;
	v5 =	vld.idx.msk [tilespmem:v3+s20+$0x0], $0xffff  }
0x1a5: {  	v3 =	vmov s19;
	s19 =	simm.s32 $0x2;
	v6 =	vmul.f32 v6, v0  }
.LBB2_11:
0x1a6: {  	p2 =	sne.s32 s19, $0x3E7;
	v7 =	vshll.u32 v3, $0x4  }
0x1a7: {  	v4 =	vadd.f32 v6, v4;
	v7 =	vor.u32 v1, v7;
	_ =	sdelay $0x1  }
0x1a8: {  	v4 =	vmul.f32 v4, v5;
	_ =	sdelay $0x1  }
0x1a9: {  	[tilespmem:v2+s22+$0x0] =	vst.idx.msk $0xffff, v4;
	v2 =	vmov v7  }
0x1aa: {  	v6 =	vld.idx.msk [tilespmem:v7+s21+$0x0], $0xffff;
	_ =	sdelay $0x1  }
.Ltmp7:
0x1ab: {  	v4 =	vld.idx.msk [tilespmem:v7+s22+$0x0], $0xffff;
	(pc) =	sbr.rel @p2 .LBB2_11-.Ltmp7, $3  }
0x1ac: {  	_ = 	snop  }
0x1ad: {  	v5 =	vld.idx.msk [tilespmem:v3+s20+$0x0], $0xffff;
	_ =	sdelay $0x1  }
0x1ae: {  	v3 =	vmov s19;
	s19 =	sadd.s32 $0x1, s19;
	v6 =	vmul.f32 v6, v0  }
.Ltmp8:
0x1af: {  	_ = 	snop;
	(pc) =	sbr.rel .LBB2_12-.Ltmp8, $1  }
0x1b0: {  	_ =	sdelay $0x3  }
.LBB2_14:
0x1b1: {  	_ =	sfence.sel $0x180000  }
0x1b2: {  	[bflag:$0x0] =	sbarrier.arrive $0xFFFF  }
0x1b3: {  	_ =	strace $0x9000004D  }
0x1b4: {  	s0 =	stileid.u32;
	[bflag:$0x2] =	sbarrier.arrive $0xFFFF  }
0x1b5: {  	p0 =	sne.s32 s0, $0x0;
	s0 =	rddreg [dreg:$0x3]  }
0x1b6: {  	s0 =	sadd.s32 @!p0 $0x100000, s0  }
0x1b7: {  	[sflag:s0] =	ssyncadd.tile.s32 @!p0 $0x1;
	_ =	shalt  }
.Lfunc_end2:
_tile_overlayer_lowered:
.L_overlay_start_2:
0x1b8: {  	(tag) =	ssettag $0x2  }
0x1b9: {  	s0 =	rddreg [dreg:$0x0];
	s2 =	stileid.u32  }
0x1ba: {  	s1 =	rddreg [dreg:$0x1];
	p0 =	sne.s32 s2, $0x0  }
0x1bb: {  	s3 =	rddreg [dreg:$0x2];
	[bflag:$0x3] =	sbarrier.arrive $0xFFFF;
	s2 =	simm.s32 @!p0 $0x1C11  }
0x1bc: {  	[timem:s3], [sflag:s2] =	dma.local @!p0 [hbm:s0], s1  }
0x1bd: {  	s0 =	simm.s32 @!p0 $0x11  }
0x1be: {  	_ =	swait.ge @!p0 [sflag:s0], s1  }
0x1bf: {  	s1 =	ssub.s32 @!p0 $0x0, s1;
	[sflag:s0] =	ssyncset.done @!p0 $0x0  }
0x1c0: {  	[sflag:s0] =	ssyncadd.s32 @!p0 s1  }
0x1c1: {  	[bflag:$0x3] =	sbarrier.arrive $0xFFFF  }
0x1c2: {  	_ =	shalt  }

// kernel: kernel.8.cloned.1.call-start
scs
__scs_entry_jumppad:
0x0: {  	(pc) =	sbr.rel $0x88, $3  }
0x1: {  	(tag) =	ssettag $0x0;
	lr =	simm.s32 $0x1  }
0x2: {  	[smem:$0x3F99] =	sst lr;
	_ =	strace $0xD0000000  }
0x3: {  	_ = 	snop  }
0x4: {  	_ = 	snop  }
0x5: {  	_ = 	snop  }
0x6: {  	_ = 	snop  }
0x7: {  	_ = 	snop  }
__scs_overlays_trampoline_lowered:
0x8: {  	[smem:$0x3FA8] =	sst s0  }
0x9: {  	[smem:$0x3FA9] =	sst s1  }
0xa: {  	[smem:$0x3FAA] =	sst s2  }
0xb: {  	[smem:$0x3FAB] =	sst s3  }
0xc: {  	[smem:$0x3FAC] =	sst s4  }
0xd: {  	[smem:$0x3FAD] =	sst s5  }
0xe: {  	[smem:$0x3FAE] =	sst s6  }
0xf: {  	[smem:$0x3FAF] =	sst s7  }
0x10: {  	[smem:$0x3FB0] =	sst s8  }
0x11: {  	[smem:$0x3FB1] =	sst s9;
	s0 =	simm.s32 @!p0 $0x0  }
0x12: {  	s1 =	sld [smem:$0x3F97];
	s0 =	simm.s32 @p0 $0x1  }
0x13: {  	[smem:$0x3FB2] =	sst s0;
	s0 =	simm.s32 @!p1 $0x0  }
0x14: {  	s2 =	sld [smem:$0x3F96];
	s0 =	simm.s32 @p1 $0x1  }
0x15: {  	[smem:$0x3FB3] =	sst s0;
	s0 =	simm.s32 @!p2 $0x0  }
0x16: {  	s3 =	sld [smem:$0x3FDB];
	s0 =	simm.s32 @p2 $0x1  }
0x17: {  	s4 =	simm.s32 $0x1BF5;
	[smem:$0x3FB5] =	sst s0  }
0x18: {  	s0 =	sld [smem:$0x3F98];
	_ =	swait.ge [sflag:s4], $0x0  }
0x19: {  	s7 =	sld [smem:$0x3F99]  }
0x1a: {  	s8 =	sadd.s32 $0xFFFFE003, lr  }
0x1b: {  	s9 =	sadd.s32 $0xFFFFFEF7, lr;
	s5 =	simm.s32 $0xFFFFFFFF;
	p2 =	slt.u32 s8, $0xFFFFF086  }
0x1c: {  	p1 =	slt.u32 s9, $0xF7A;
	s5 =	simm.s32 @!p2 $0x0  }
0x1d: {  	s5 =	simm.s32 @p1 $0x1;
	p0 =	seq.s32 s7, s2  }
0x1e: {  	s7 =	smul.u32 @!p0 $0xF7A, s2;
	p2 =	seq.s32 @!p0 s5, $0x0  }
0x1f: {  	s9 =	smul.u32 $0xF7A, s1;
	s8 =	simm.s32 @!p0 $0x1BF5;
	p2 =	por !p2, p0  }
0x20: {  	[sflag:s8] =	ssyncset.s32 @!p0 $0xFFFFF086;
	s6 =	sadd.s32 @!p0 s3, s7;
	s7 =	simm.s32 @!p0 $0x108  }
0x21: {  	s3 =	sadd.s32 s3, s9;
	s6 =	sadd.s32 @!p0 $0x88, s6;
	s7 =	simm.s32 @p2 $0x1082  }
0x22: {  	[simem:s7], [sflag:s8] =	dma.local @!p0 [hbm:s6], $0xF7A  }
0x23: {  	s9 =	sor.u32 $0xD0000000, s2;
	s6 =	simm.s32 $0x108;
	_ =	swait.ge @!p0 [sflag:s8], $0x0  }
0x24: {  	s3 =	sadd.s32 $0x88, s3;
	s6 =	simm.s32 @!p1 $0x1082;
	[sflag:s4] =	ssyncset.s32 $0xFFFFF086  }
0x25: {  	[simem:s6], [sflag:s4] =	dma.local [hbm:s3], $0xF7A  }
0x26: {  	[smem:$0x3F99] =	sst s1;
	(tag) =	ssettag s2;
	_ =	strace s9  }
0x27: {  	s1 =	sld [smem:$0x3FA9]  }
0x28: {  	s2 =	sld [smem:$0x3FAA]  }
0x29: {  	s4 =	sld [smem:$0x3FAC]  }
0x2a: {  	p0 =	seq.s32 s5, $0x0;
	s5 =	sld [smem:$0x3FAD]  }
0x2b: {  	s6 =	sld [smem:$0x3FAE]  }
0x2c: {  	s7 =	sld [smem:$0x3FAF]  }
0x2d: {  	s3 =	simm.s32 $0x108;
	s8 =	sld [smem:$0x3FB0]  }
0x2e: {  	s3 =	simm.s32 @!p0 $0x1082;
	s9 =	sld [smem:$0x3FB1]  }
0x2f: {  	lr =	sadd.s32 s0, s3;
	s0 =	sld [smem:$0x3FA8]  }
0x30: {  	s3 =	sld [smem:$0x3FAB]  }
0x31: {  	[smem:$0x3FB4] =	sst s10  }
0x32: {  	s10 =	sld [smem:$0x3FB2];
	_ =	sdelay $0x3  }
0x33: {  	p0 =	seq.s32 s10, $0x1;
	s10 =	sld [smem:$0x3FB4];
	_ =	sdelay $0x3  }
0x34: {  	[smem:$0x3FB4] =	sst s10  }
0x35: {  	s10 =	sld [smem:$0x3FB3];
	_ =	sdelay $0x3  }
0x36: {  	p1 =	seq.s32 s10, $0x1;
	s10 =	sld [smem:$0x3FB4];
	_ =	sdelay $0x3  }
0x37: {  	[smem:$0x3FB4] =	sst s10  }
0x38: {  	s10 =	sld [smem:$0x3FB5]  }
0x39: {  	_ = 	snop;
	(pc) =	sbr.ind lr, $3  }
0x3a: {  	_ = 	snop  }
0x3b: {  	_ = 	snop  }
0x3c: {  	p2 =	seq.s32 s10, $0x1;
	s10 =	sld [smem:$0x3FB4]  }
0x3d: {  	_ =	shalt  }
0x3e: {  	_ =	shalt  }
0x3f: {  	_ =	shalt  }
0x40: {  	_ =	shalt  }
0x41: {  	_ =	shalt  }
0x42: {  	_ =	shalt  }
0x43: {  	_ =	shalt  }
0x44: {  	_ =	shalt  }
0x45: {  	_ =	shalt  }
0x46: {  	_ =	shalt  }
0x47: {  	_ =	shalt  }
0x48: {  	_ =	shalt  }
0x49: {  	_ =	shalt  }
0x4a: {  	_ =	shalt  }
0x4b: {  	_ =	shalt  }
0x4c: {  	_ =	shalt  }
0x4d: {  	_ =	shalt  }
0x4e: {  	_ =	shalt  }
0x4f: {  	_ =	shalt  }
0x50: {  	_ =	shalt  }
0x51: {  	_ =	shalt  }
0x52: {  	_ =	shalt  }
0x53: {  	_ =	shalt  }
0x54: {  	_ =	shalt  }
0x55: {  	_ =	shalt  }
0x56: {  	_ =	shalt  }
0x57: {  	_ =	shalt  }
0x58: {  	_ =	shalt  }
0x59: {  	_ =	shalt  }
0x5a: {  	_ =	shalt  }
0x5b: {  	_ =	shalt  }
0x5c: {  	_ =	shalt  }
0x5d: {  	_ =	shalt  }
0x5e: {  	_ =	shalt  }
0x5f: {  	_ =	shalt  }
0x60: {  	_ =	shalt  }
0x61: {  	_ =	shalt  }
0x62: {  	_ =	shalt  }
0x63: {  	_ =	shalt  }
0x64: {  	_ =	shalt  }
0x65: {  	_ =	shalt  }
0x66: {  	_ =	shalt  }
0x67: {  	_ =	shalt  }
0x68: {  	_ =	shalt  }
0x69: {  	_ =	shalt  }
0x6a: {  	_ =	shalt  }
0x6b: {  	_ =	shalt  }
0x6c: {  	_ =	shalt  }
0x6d: {  	_ =	shalt  }
0x6e: {  	_ =	shalt  }
0x6f: {  	_ =	shalt  }
0x70: {  	_ =	shalt  }
0x71: {  	_ =	shalt  }
0x72: {  	_ =	shalt  }
0x73: {  	_ =	shalt  }
0x74: {  	_ =	shalt  }
0x75: {  	_ =	shalt  }
0x76: {  	_ =	shalt  }
0x77: {  	_ =	shalt  }
0x78: {  	_ =	shalt  }
0x79: {  	_ =	shalt  }
0x7a: {  	_ =	shalt  }
0x7b: {  	_ =	shalt  }
0x7c: {  	_ =	shalt  }
0x7d: {  	_ =	shalt  }
0x7e: {  	_ =	shalt  }
0x7f: {  	_ =	shalt  }
0x80: {  	_ =	shalt  }
0x81: {  	_ =	shalt  }
0x82: {  	_ =	shalt  }
0x83: {  	_ =	shalt  }
0x84: {  	_ =	shalt  }
0x85: {  	_ =	shalt  }
0x86: {  	_ =	shalt  }
0x87: {  	_ =	shalt  }
.Lfunc_end0:
.L_simem_size_0:
called_computation_lowered:
.L_overlay_start_0:
0x88: {  	s2 =	sld [smem:$0x3FD9]  }
0x89: {  	s3 =	sld [smem:$0x3FFE];
	_ =	sdelay $0x1  }
0x8a: {  	s1 =	srdreg.scid  }
0x8b: {  	s0 =	sand.u32 $0x1, s1  }
0x8c: {  	s17 =	sshll.u32 s0, $0xA;
	s2 =	sadd.s32 s3, s2  }
0x8d: {  	s2 =	sadd.s32 s2, s17  }
0x8e: {  	[smem:$0x3FC0] =	sst s2  }
0x8f: {  	_ = 	snop  }
0x90: {  	s2 =	sld [smem:$0x3FD0];
	(tm) =	ssettm $0x1  }
0x91: {  	s18 =	sld [smem:$0x3FFB];
	_ =	sdelay $0x3  }
0x92: {  	_ =	strace s18  }
0x93: {  	s3 =	sld [smem:$0x3FFC];
	_ =	sdelay $0x3  }
0x94: {  	_ =	strace s3  }
0x95: {  	s3 =	sld [smem:$0x3FFD];
	_ =	sdelay $0x3  }
0x96: {  	_ =	strace s3  }
0x97: {  	_ =	strace $0x8FFFFFFF  }
0x98: {  	s19 =	sld [smem:$0x3FDB];
	_ =	sdelay $0x1  }
0x99: {  	s4 =	simm.s32 $_scs_section_size  }
0x9a: {  	s5 =	simm.s32 $_size__tile_overlayer_lowered;
	s6 =	simm.s32 $_tile_overlayer_lowered  }
0x9b: {  	s22 =	simm.s32 $0x1BFF;
	s21 =	sshll.u32 s6, $0x1;
	s3 =	sadd.s32 s4, s19  }
0x9c: {  	s7 =	simm.s32 $0x0;
	s20 =	sshll.u32 s5, $0x1;
	s5 =	sadd.s32 s21, s3  }
0x9d: {  	[timem:s7], [sflag:s22] =	dma.local [hbm:s5], s20  }
0x9e: {  	_ =	swait.ge [sflag:s22], s20  }
0x9f: {  	s4 =	ssub.s32 $0x0, s20;
	[sflag:s22] =	ssyncset.done $0x0  }
0xa0: {  	[sflag:s22] =	ssyncadd.s32 s4;
	_ =	sdelay $0x1  }
0xa1: {  	s23 =	simm.s32 $0x1B8B  }
0xa2: {  	_ =	swait.ge [sflag:s23], $0x1  }
0xa3: {  	[sflag:s23] =	ssyncset.done $0x0  }
0xa4: {  	s25 =	simm.s32 $0x1B8E;
	s24 =	sld [smem:$0x3FFE];
	[sflag:s23] =	ssyncadd.s32 $0xFFFFFFFF  }
0xa5: {  	s26 =	simm.s32 $execute0_lowered;
	[smem:$0x3FD2] =	sst s25  }
0xa6: {  	s5 =	sshll.u32 s26, $0x1;
	_ =	strace $0x80000046;
	[dreg:$0x1] =	wrdreg $0xFFFFFFFF  }
0xa7: {  	s28 =	simm.s32 $_size_execute0_lowered;
	s3 =	sadd.s32 s3, s5;
	[dreg:$0x0] =	wrdreg $0x0  }
0xa8: {  	s5 =	sshll.u32 s28, $0x1;
	[dreg:$0x2] =	wrdreg s3  }
0xa9: {  	[dreg:$0x3] =	wrdreg s5  }
0xaa: {  	[dreg:$0x4] =	wrdreg $0xC0  }
0xab: {  	_ =	task [dreg:s7], $0x5FFFF  }
0xac: {  	[dreg:$0x1] =	wrdreg $0xFFFFFFFF  }
0xad: {  	[dreg:$0x0] =	wrdreg $0x60  }
0xae: {  	[dreg:$0x2] =	wrdreg s24  }
0xaf: {  	[dreg:$0x3] =	wrdreg s2  }
0xb0: {  	[dreg:$0x4] =	wrdreg $0x2C680  }
0xb1: {  	[dreg:$0x5] =	wrdreg $0x9  }
0xb2: {  	_ =	task.clear_ibuf [dreg:s7], $0x6FFFF;
	_ =	strace $0x90000046  }
0xb3: {  	s29 =	simm.s32 $0x9;
	_ =	strace $0x80000048  }
0xb4: {  	_ =	swait.ge [sflag:s29], $0x1  }
0xb5: {  	[sflag:s29] =	ssyncadd.s32 $0xFFFFFFFF  }
0xb6: {  	_ =	strace $0x90000048  }
0xb7: {  	_ =	sfence  }
0xb8: {  	s30 =	sld [smem:$0x0];
	_ =	sdelay $0x2  }
0xb9: {  	s31 =	sshll.u32 s1, $0xD;
	s1 =	sshrl.u32 s1, $0x2  }
0xba: {  	s3 =	sand.u32 $0x4000, s31;
	s1 =	sadd.s32 s1, s30  }
0xbb: {  	s0 =	sor.u32 s3, s0;
	s1 =	sshll.u32 s1, $0x11  }
0xbc: {  	s0 =	sor.u32 s1, s0  }
0xbd: {  	s0 =	sadd.s32 $0x8F2B, s0  }
0xbe: {  	[sflag:s0] =	ssyncadd.remote.s32 $0x1  }
0xbf: {  	_ =	sfence.sel $0xFFFF  }
0xc0: {  	[dreg:$0x0] =	wrdreg $0xFFFFFFFF;
	(pc) =	sbr.abs _section_cstart, $3  }
0xc1: {  	[dreg:$0x1] =	wrdreg $0xFFFFFFFF  }
0xc2: {  	_ =	task.clear_ibuf [dreg:s7], $0x2FFFF;
	_ =	strace $0x9FFFFFFF  }
0xc3: {  	(tm) =	ssettm $0x7FFFFFFF  }
tec
execute0_lowered:
.L_overlay_start_1:
0x0: {  	(tag) =	ssettag $0x1  }
0x1: {  	s5 =	rddreg [dreg:$0x0]  }
0x2: {  	s1 =	srdreg.scid;
	s2 =	rddreg [dreg:$0x1]  }
0x3: {  	s0 =	stileid.u32;
	s3 =	rddreg [dreg:$0x2];
	s4 =	simm.s32 $0x0  }
0x4: {  	s12 =	simm.s32 $0x2800;
	s13 =	simm.s32 $0x1;
	s14 =	simm.s32 $0x2  }
0x5: {  	s15 =	simm.s32 $0x3;
	s16 =	simm.s32 $0x4;
	s17 =	simm.s32 $0x5  }
0x6: {  	s18 =	simm.s32 $0x6;
	s19 =	simm.s32 $0x7;
	s20 =	simm.s32 $0x8  }
0x7: {  	s6 =	sand.u32 $0x1, s1;
	s1 =	rddreg [dreg:$0x3];
	s9 =	smul.u32 $0xFA0, s0  }
0x8: {  	s28 =	sshll.u32 s0, $0x1;
	[smem:$0x7FF] =	sst s4;
	s31 =	smul.u32 $0x3E8, s0  }
0x9: {  	p0 =	sgt.u32 s0, $0x9;
	s7 =	sor.u32 s6, s28;
	s8 =	smul.u32 $0x4E2, s6  }
0xa: {  	_ =	strace $0x80000047;
	s29 =	ssub.s32 $0x2, s6;
	p1 =	sne.s32 @p0 s0, $0xA  }
0xb: {  	s7 =	smul.u32 $0x500, s7;
	s6 =	sshrl.u32 s29, $0x1;
	s30 =	sshrl.u32 s9, $0x2  }
0xc: {  	s22 =	sshrl.u32 s31, $0x3;
	p1 =	por p1, !p0;
	s10 =	sadd.s32 s8, s5  }
0xd: {  	s11 =	ssub.s32 s29, s6;
	s6 =	sadd.s32 s30, s3;
	s8 =	sadd.s32 s31, s3  }
0xe: {  	s7 =	sadd.s32 s7, s5;
	s5 =	sadd.s32 $0x2710, s3;
	s21 =	sadd.s32 $0x16200, s10  }
0xf: {  	s9 =	smax.u32 s11, $0x1;
	s10 =	simm.s32 $0x9;
	s11 =	simm.s32 $0x80  }
0x10: {  	v0 =	vimm.f32 $1.000000000e+00;
	s7 =	sadd.s32 $0xC200, s7;
	s21 =	sadd.s32 @!p0 s22, s21;
	s22 =	simm.s32 $0x0  }
.LBB2_1:
0x11: {  	s23 =	simm.s32 @!p1 $0x0;
	s24 =	simm.s32 @!p1 $0x2880  }
0x12: {  	[tilespmem:s24], [sflag:$0x9] =	stream.linear.gather @!p1 [hbm4b:s2+s23], $0x3E8, $0x38;
	[tilespmem:$0x2EE0] =	vst v63  }
0x13: {  	s23 =	simm.s32 @!p1 $0x9  }
0x14: {  	_ =	swait.ge @!p1 [sflag:s23], $0x3E8  }
0x15: {  	[sflag:s23] =	ssyncset.done @!p1 $0x0  }
0x16: {  	[sflag:s23] =	ssyncadd.s32 @!p1 $0xFFFFFC18  }
0x17: {  	[spmem:s5] =	stream.linear.scatter @!p1 [tilespmem:s24], [sflag:$0x9], $0x10, $0x38;
	[tilespmem:$0x2EE0] =	vst v63  }
0x18: {  	_ =	swait.ge @!p1 [sflag:s23], $0x10  }
0x19: {  	[sflag:s23] =	ssyncset.done @!p1 $0x0  }
0x1a: {  	s24 =	simm.s32 @!p0 $0x2880;
	[sflag:s23] =	ssyncadd.s32 @!p1 $0xFFFFFFF0;
	s23 =	simm.s32 @!p0 $0x0  }
0x1b: {  	[tilespmem:s24], [sflag:$0x9] =	stream.linear.gather @!p0 [hbm4b:s2+s23], $0x3E8, $0x38;
	[tilespmem:$0x2EE0] =	vst v63  }
0x1c: {  	s23 =	simm.s32 @!p0 $0x9  }
0x1d: {  	_ =	swait.ge @!p0 [sflag:s23], $0x3E8  }
0x1e: {  	[sflag:s23] =	ssyncset.done @!p0 $0x0  }
0x1f: {  	[sflag:s23] =	ssyncadd.s32 @!p0 $0xFFFFFC18  }
0x20: {  	[spmem:s6] =	stream.linear.scatter @!p0 [tilespmem:s24], [sflag:$0x9], $0x3E8, $0x38;
	[tilespmem:$0x2EE0] =	vst v63  }
0x21: {  	_ =	swait.ge @!p0 [sflag:s23], $0x3E8  }
0x22: {  	[sflag:s23] =	ssyncset.done @!p0 $0x0  }
0x23: {  	[sflag:s23] =	ssyncadd.s32 @!p0 $0xFFFFFC18  }
0x24: {  	[tilespmem:s4], [sflag:$0x9] =	stream.linear.gather [hbm4b:s7+s4], $0x2800, $0x38;
	[tilespmem:$0x2EE0] =	vst v63  }
0x25: {  	_ =	swait.ge [sflag:s10], $0x2800  }
0x26: {  	[sflag:s10] =	ssyncset.done $0x0  }
0x27: {  	[sflag:s10] =	ssyncadd.s32 $0xFFFFD800  }
0x28: {  	[tilespmem:$0x2800] =	vst v0  }
0x29: {  	[tilespmem:$0x2810] =	vst v0  }
0x2a: {  	[tilespmem:$0x2820] =	vst v0  }
0x2b: {  	[tilespmem:$0x2830] =	vst v0  }
0x2c: {  	[tilespmem:$0x2840] =	vst v0  }
0x2d: {  	[tilespmem:$0x2850] =	vst v0  }
0x2e: {  	[tilespmem:$0x2860] =	vst v0  }
0x2f: {  	[tilespmem:$0x2870] =	vst v0  }
0x30: {  	s31 =	simm.s32 $0x0;
	[bflag:$0x0] =	sbarrier.arrive $0xFFFF  }
0x31: {  	[spmem:s3] =	stream.indirect.scatter.add.f32 [tilespmem:s12], [sflag:$0x1], $0x1, s31, s11, $0xb8;
	[tilespmem:$0x2EE0] =	vst v63  }
0x32: {  	s24 =	simm.s32 $0x80  }
0x33: {  	[spmem:s3] =	stream.indirect.scatter.add.f32 [tilespmem:s12], [sflag:$0x2], $0x1, s24, s11, $0xb8;
	[tilespmem:$0x2EE0] =	vst v63  }
0x34: {  	s25 =	simm.s32 $0x100  }
0x35: {  	[spmem:s3] =	stream.indirect.scatter.add.f32 [tilespmem:s12], [sflag:$0x3], $0x1, s25, s11, $0xb8;
	[tilespmem:$0x2EE0] =	vst v63  }
0x36: {  	s26 =	simm.s32 $0x180  }
0x37: {  	[spmem:s3] =	stream.indirect.scatter.add.f32 [tilespmem:s12], [sflag:$0x4], $0x1, s26, s11, $0xb8;
	[tilespmem:$0x2EE0] =	vst v63  }
0x38: {  	s28 =	simm.s32 $0x200  }
0x39: {  	[spmem:s3] =	stream.indirect.scatter.add.f32 [tilespmem:s12], [sflag:$0x5], $0x1, s28, s11, $0xb8;
	[tilespmem:$0x2EE0] =	vst v63  }
0x3a: {  	s29 =	simm.s32 $0x280  }
0x3b: {  	[spmem:s3] =	stream.indirect.scatter.add.f32 [tilespmem:s12], [sflag:$0x6], $0x1, s29, s11, $0xb8;
	[tilespmem:$0x2EE0] =	vst v63  }
0x3c: {  	s30 =	simm.s32 $0x300  }
0x3d: {  	[spmem:s3] =	stream.indirect.scatter.add.f32 [tilespmem:s12], [sflag:$0x7], $0x1, s30, s11, $0xb8;
	[tilespmem:$0x2EE0] =	vst v63  }
0x3e: {  	s31 =	simm.s32 $0x380  }
0x3f: {  	[spmem:s3] =	stream.indirect.scatter.add.f32 [tilespmem:s12], [sflag:$0x8], $0x1, s31, s11, $0xb8;
	[tilespmem:$0x2EE0] =	vst v63  }
0x40: {  	_ =	swait.ge [sflag:s13], $0x80  }
0x41: {  	[sflag:s13] =	ssyncset.done $0x0  }
0x42: {  	[sflag:s13] =	ssyncadd.s32 $0xFFFFFF80  }
0x43: {  	_ =	swait.ge [sflag:s14], $0x80  }
0x44: {  	[sflag:s14] =	ssyncset.done $0x0  }
0x45: {  	[sflag:s14] =	ssyncadd.s32 $0xFFFFFF80  }
0x46: {  	_ =	swait.ge [sflag:s15], $0x80  }
0x47: {  	[sflag:s15] =	ssyncset.done $0x0  }
0x48: {  	[sflag:s15] =	ssyncadd.s32 $0xFFFFFF80  }
0x49: {  	_ =	swait.ge [sflag:s16], $0x80  }
0x4a: {  	[sflag:s16] =	ssyncset.done $0x0  }
0x4b: {  	[sflag:s16] =	ssyncadd.s32 $0xFFFFFF80  }
0x4c: {  	_ =	swait.ge [sflag:s17], $0x80  }
0x4d: {  	[sflag:s17] =	ssyncset.done $0x0  }
0x4e: {  	[sflag:s17] =	ssyncadd.s32 $0xFFFFFF80  }
0x4f: {  	_ =	swait.ge [sflag:s18], $0x80  }
0x50: {  	[sflag:s18] =	ssyncset.done $0x0  }
0x51: {  	[sflag:s18] =	ssyncadd.s32 $0xFFFFFF80  }
0x52: {  	_ =	swait.ge [sflag:s19], $0x80  }
0x53: {  	[sflag:s19] =	ssyncset.done $0x0  }
0x54: {  	[sflag:s19] =	ssyncadd.s32 $0xFFFFFF80  }
0x55: {  	_ =	swait.ge [sflag:s20], $0x80  }
0x56: {  	s23 =	simm.s32 $0x1000;
	s25 =	simm.s32 $0x2000;
	[sflag:s20] =	ssyncset.done $0x0  }
.LBB2_2:
0x57: {  	s26 =	sshra.s32 s23, $0x2  }
0x58: {  	[sflag:s20] =	ssyncadd.s32 $0xFFFFFF80;
	s23 =	smov.u32 s25;
	s24 =	sadd.s32 $0x1000, s25  }
0x59: {  	[spmem:s3] =	stream.indirect.scatter.add.f32 [tilespmem:s12], [sflag:$0x1], $0x1, s26, s11, $0xb8;
	[tilespmem:$0x2EE0] =	vst v63  }
0x5a: {  	p2 =	sne.s32 s25, $0x9000;
	s25 =	sadd.s32 $0x80, s26  }
0x5b: {  	[spmem:s3] =	stream.indirect.scatter.add.f32 [tilespmem:s12], [sflag:$0x2], $0x1, s25, s11, $0xb8;
	[tilespmem:$0x2EE0] =	vst v63  }
0x5c: {  	s25 =	sadd.s32 $0x100, s26  }
0x5d: {  	[spmem:s3] =	stream.indirect.scatter.add.f32 [tilespmem:s12], [sflag:$0x3], $0x1, s25, s11, $0xb8;
	[tilespmem:$0x2EE0] =	vst v63  }
0x5e: {  	s25 =	sadd.s32 $0x180, s26  }
0x5f: {  	[spmem:s3] =	stream.indirect.scatter.add.f32 [tilespmem:s12], [sflag:$0x4], $0x1, s25, s11, $0xb8;
	[tilespmem:$0x2EE0] =	vst v63  }
0x60: {  	s25 =	sadd.s32 $0x200, s26  }
0x61: {  	[spmem:s3] =	stream.indirect.scatter.add.f32 [tilespmem:s12], [sflag:$0x5], $0x1, s25, s11, $0xb8;
	[tilespmem:$0x2EE0] =	vst v63  }
0x62: {  	s25 =	sadd.s32 $0x280, s26  }
0x63: {  	[spmem:s3] =	stream.indirect.scatter.add.f32 [tilespmem:s12], [sflag:$0x6], $0x1, s25, s11, $0xb8;
	[tilespmem:$0x2EE0] =	vst v63  }
0x64: {  	s25 =	sadd.s32 $0x300, s26  }
0x65: {  	[spmem:s3] =	stream.indirect.scatter.add.f32 [tilespmem:s12], [sflag:$0x7], $0x1, s25, s11, $0xb8;
	[tilespmem:$0x2EE0] =	vst v63  }
0x66: {  	s25 =	sadd.s32 $0x380, s26  }
0x67: {  	[spmem:s3] =	stream.indirect.scatter.add.f32 [tilespmem:s12], [sflag:$0x8], $0x1, s25, s11, $0xb8;
	[tilespmem:$0x2EE0] =	vst v63  }
0x68: {  	_ =	swait.ge [sflag:s13], $0x80  }
0x69: {  	[sflag:s13] =	ssyncset.done $0x0  }
0x6a: {  	[sflag:s13] =	ssyncadd.s32 $0xFFFFFF80  }
0x6b: {  	_ =	swait.ge [sflag:s14], $0x80  }
0x6c: {  	[sflag:s14] =	ssyncset.done $0x0  }
0x6d: {  	[sflag:s14] =	ssyncadd.s32 $0xFFFFFF80  }
0x6e: {  	_ =	swait.ge [sflag:s15], $0x80  }
0x6f: {  	[sflag:s15] =	ssyncset.done $0x0  }
0x70: {  	[sflag:s15] =	ssyncadd.s32 $0xFFFFFF80  }
0x71: {  	_ =	swait.ge [sflag:s16], $0x80  }
0x72: {  	[sflag:s16] =	ssyncset.done $0x0  }
0x73: {  	[sflag:s16] =	ssyncadd.s32 $0xFFFFFF80  }
0x74: {  	_ =	swait.ge [sflag:s17], $0x80  }
0x75: {  	[sflag:s17] =	ssyncset.done $0x0  }
0x76: {  	[sflag:s17] =	ssyncadd.s32 $0xFFFFFF80  }
0x77: {  	_ =	swait.ge [sflag:s18], $0x80  }
0x78: {  	[sflag:s18] =	ssyncset.done $0x0  }
0x79: {  	[sflag:s18] =	ssyncadd.s32 $0xFFFFFF80  }
.Ltmp0:
0x7a: {  	_ =	swait.ge [sflag:s19], $0x80;
	(pc) =	sbr.rel @p2 .LBB2_2-.Ltmp0, $4  }
0x7b: {  	[sflag:s19] =	ssyncset.done $0x0  }
0x7c: {  	[sflag:s19] =	ssyncadd.s32 $0xFFFFFF80  }
0x7d: {  	_ =	swait.ge [sflag:s20], $0x80  }
0x7e: {  	s25 =	smov.u32 s24;
	[sflag:s20] =	ssyncset.done $0x0  }
0x7f: {  	s23 =	sshra.s32 s23, $0x2;
	[sflag:s20] =	ssyncadd.s32 $0xFFFFFF80  }
0x80: {  	[spmem:s3] =	stream.indirect.scatter.add.f32 [tilespmem:s12], [sflag:$0x1], $0x1, s23, s11, $0xb8;
	[tilespmem:$0x2EE0] =	vst v63  }
0x81: {  	s24 =	sadd.s32 $0x80, s23  }
0x82: {  	[spmem:s3] =	stream.indirect.scatter.add.f32 [tilespmem:s12], [sflag:$0x2], $0x1, s24, s11, $0xb8;
	[tilespmem:$0x2EE0] =	vst v63  }
0x83: {  	s26 =	sadd.s32 $0x100, s23  }
0x84: {  	[spmem:s3] =	stream.indirect.scatter.add.f32 [tilespmem:s12], [sflag:$0x3], $0x1, s26, s11, $0xb8;
	[tilespmem:$0x2EE0] =	vst v63  }
0x85: {  	s28 =	sadd.s32 $0x180, s23  }
0x86: {  	[spmem:s3] =	stream.indirect.scatter.add.f32 [tilespmem:s12], [sflag:$0x4], $0x1, s28, s11, $0xb8;
	[tilespmem:$0x2EE0] =	vst v63  }
0x87: {  	s29 =	sadd.s32 $0x200, s23  }
0x88: {  	[spmem:s3] =	stream.indirect.scatter.add.f32 [tilespmem:s12], [sflag:$0x5], $0x1, s29, s11, $0xb8;
	[tilespmem:$0x2EE0] =	vst v63  }
0x89: {  	s30 =	sadd.s32 $0x280, s23  }
0x8a: {  	[spmem:s3] =	stream.indirect.scatter.add.f32 [tilespmem:s12], [sflag:$0x6], $0x1, s30, s11, $0xb8;
	[tilespmem:$0x2EE0] =	vst v63  }
0x8b: {  	s31 =	sadd.s32 $0x300, s23  }
0x8c: {  	[spmem:s3] =	stream.indirect.scatter.add.f32 [tilespmem:s12], [sflag:$0x7], $0x1, s31, s11, $0xb8;
	[tilespmem:$0x2EE0] =	vst v63  }
0x8d: {  	s23 =	sadd.s32 $0x380, s23  }
0x8e: {  	[spmem:s3] =	stream.indirect.scatter.add.f32 [tilespmem:s12], [sflag:$0x8], $0x1, s23, s11, $0xb8;
	[tilespmem:$0x2EE0] =	vst v63  }
0x8f: {  	_ =	swait.ge [sflag:s13], $0x80  }
0x90: {  	[sflag:s13] =	ssyncset.done $0x0  }
0x91: {  	[sflag:s13] =	ssyncadd.s32 $0xFFFFFF80  }
0x92: {  	_ =	swait.ge [sflag:s14], $0x80  }
0x93: {  	[sflag:s14] =	ssyncset.done $0x0  }
0x94: {  	[sflag:s14] =	ssyncadd.s32 $0xFFFFFF80  }
0x95: {  	_ =	swait.ge [sflag:s15], $0x80  }
0x96: {  	[sflag:s15] =	ssyncset.done $0x0  }
0x97: {  	[sflag:s15] =	ssyncadd.s32 $0xFFFFFF80  }
0x98: {  	_ =	swait.ge [sflag:s16], $0x80  }
0x99: {  	[sflag:s16] =	ssyncset.done $0x0  }
0x9a: {  	[sflag:s16] =	ssyncadd.s32 $0xFFFFFF80  }
0x9b: {  	_ =	swait.ge [sflag:s17], $0x80  }
0x9c: {  	[sflag:s17] =	ssyncset.done $0x0  }
0x9d: {  	[sflag:s17] =	ssyncadd.s32 $0xFFFFFF80  }
0x9e: {  	_ =	swait.ge [sflag:s18], $0x80  }
0x9f: {  	[sflag:s18] =	ssyncset.done $0x0  }
0xa0: {  	[sflag:s18] =	ssyncadd.s32 $0xFFFFFF80  }
0xa1: {  	_ =	swait.ge [sflag:s19], $0x80  }
0xa2: {  	[sflag:s19] =	ssyncset.done $0x0  }
0xa3: {  	[sflag:s19] =	ssyncadd.s32 $0xFFFFFF80  }
0xa4: {  	_ =	swait.ge [sflag:s20], $0x80  }
0xa5: {  	[sflag:s20] =	ssyncset.done $0x0  }
0xa6: {  	[sflag:s20] =	ssyncadd.s32 $0xFFFFFF80  }
0xa7: {  	s24 =	simm.s32 @!p0 $0x9;
	s23 =	simm.s32 @!p0 $0x2880;
	[bflag:$0x0] =	sbarrier.arrive $0xFFFF  }
0xa8: {  	[tilespmem:s23], [sflag:$0x9] =	stream.linear.gather @!p0 [spmem:s8], $0x3E8, $0x38;
	[tilespmem:$0x2EE0] =	vst v63  }
0xa9: {  	s22 =	sadd.s32 $0x1, s22;
	_ =	swait.ge @!p0 [sflag:s24], $0x3E8  }
0xaa: {  	p2 =	sne.s32 s22, s9;
	[sflag:s24] =	ssyncset.done @!p0 $0x0  }
.Ltmp1:
0xab: {  	s25 =	simm.s32 @!p0 $0x0;
	[sflag:s24] =	ssyncadd.s32 @!p0 $0xFFFFFC18;
	(pc) =	sbr.rel @p2 .LBB2_1-.Ltmp1, $4  }
0xac: {  	[hbm4b:s21+s25] =	stream.linear.scatter @!p0 [tilespmem:s23], [sflag:$0x9], $0x3E8, $0x38;
	[tilespmem:$0x2EE0] =	vst v63  }
0xad: {  	_ =	swait.ge @!p0 [sflag:s24], $0x3E8  }
0xae: {  	[sflag:s24] =	ssyncset.done @!p0 $0x0  }
0xaf: {  	[sflag:s24] =	ssyncadd.s32 @!p0 $0xFFFFFC18  }
0xb0: {  	_ =	sfence.sel $0x180000  }
0xb1: {  	[bflag:$0x0] =	sbarrier.arrive $0xFFFF  }
0xb2: {  	p0 =	sne.s32 s0, $0x0;
	_ =	strace $0x90000047  }
0xb3: {  	s0 =	sadd.s32 @!p0 $0x100000, s1;
	[bflag:$0x2] =	sbarrier.arrive $0xFFFF  }
0xb4: {  	[sflag:s0] =	ssyncadd.tile.s32 @!p0 $0x1;
	_ =	shalt  }
.Lfunc_end2:
_tile_overlayer_lowered:
.L_overlay_start_2:
0xb5: {  	(tag) =	ssettag $0x2  }
0xb6: {  	s0 =	rddreg [dreg:$0x0];
	s2 =	stileid.u32  }
0xb7: {  	s1 =	rddreg [dreg:$0x1];
	p0 =	sne.s32 s2, $0x0  }
0xb8: {  	s3 =	rddreg [dreg:$0x2];
	[bflag:$0x3] =	sbarrier.arrive $0xFFFF;
	s2 =	simm.s32 @!p0 $0x1C09  }
0xb9: {  	[timem:s3], [sflag:s2] =	dma.local @!p0 [hbm:s0], s1  }
0xba: {  	s0 =	simm.s32 @!p0 $0x9  }
0xbb: {  	_ =	swait.ge @!p0 [sflag:s0], s1  }
0xbc: {  	s1 =	ssub.s32 @!p0 $0x0, s1;
	[sflag:s0] =	ssyncset.done @!p0 $0x0  }
0xbd: {  	[sflag:s0] =	ssyncadd.s32 @!p0 s1  }
0xbe: {  	[bflag:$0x3] =	sbarrier.arrive $0xFFFF  }
0xbf: {  	_ =	shalt  }

</sc_bundles>
